<compile_context>
chip_gen: v7x
topology: tpu7x:2x2x1
jax: 0.10.2.dev20260603
libtpu: 0.0.44.dev20260713+nightly
codegen_flags: <defaults>
</compile_context>

<pallas_src>
import jax
import jax.numpy as jnp
from jax import lax
from jax.experimental import pallas as pl
from jax.experimental.pallas import tpu as pltpu
from jax.experimental.pallas import tpu_sc as plsc

B = 16384
L = 50
E = 32

NC = 2
NS = 16
NW = NC * NS
PAIRS = B * L
PPW = PAIRS // NW
BPW = B // NW
SPAIRS = 512
NCHUNK = PPW // SPAIRS
NSUPER = NCHUNK


def _fm_body(item2d, ur, i_table, ub, ib, out,
             idx_v, u_rows, ub_v, i_rows, ib_v, out_v, semA, semB, semC):
    c = lax.axis_index("c")
    s = lax.axis_index("s")
    wid = s * NC + c
    pair0 = wid * PPW
    b0 = wid * BPW
    sems = (semA, semB, semC)

    pltpu.sync_copy(item2d.at[pl.ds(wid * NCHUNK, NCHUNK)], idx_v)
    pltpu.sync_copy(ur.at[pl.ds(b0, BPW)], u_rows)
    pltpu.sync_copy(ub.at[pl.ds(b0, BPW)], ub_v)

    iota = lax.iota(jnp.int32, 16)

    def issue(sc, buf, sem):
        idx = idx_v.at[sc]
        pltpu.async_copy(i_table.at[idx], i_rows.at[buf], sems[sem])
        pltpu.async_copy(ib.at[idx], ib_v.at[buf], sems[sem])

    def drain(buf, sem):
        idx0 = idx_v.at[0]
        pltpu.make_async_copy(i_table.at[idx0],
                              i_rows.at[buf], sems[sem]).wait()
        pltpu.make_async_copy(ib.at[idx0],
                              ib_v.at[buf], sems[sem]).wait()

    def compute(sc, buf):
        rows = i_rows.at[buf]
        biases = ib_v.at[buf]

        def group_body(g, carry):
            lg = g * 16 + iota
            p = pair0 + sc * SPAIRS + g * 16 + iota
            b_loc = lax.div(p, L) - b0
            acc = (plsc.load_gather(ub_v, [b_loc])
                   + plsc.load_gather(biases, [lg]))
            for e in range(E):
                ecol = jnp.full((16,), e, jnp.int32)
                acc = acc + (plsc.load_gather(rows, [lg, ecol])
                             * plsc.load_gather(u_rows, [b_loc, ecol]))
            plsc.store_scatter(out_v, [sc * SPAIRS + g * 16 + iota], acc)
            return carry

        lax.fori_loop(0, SPAIRS // 16, group_body, 0)

    issue(0, 0, 0)
    issue(1, 1, 1)

    def tri_body(k, carry):
        for i in range(3):
            sc = 3 * k + i
            drain(i, i)
            compute(sc, i)
            issue(sc + 2, (i + 2) % 3, (i + 2) % 3)
        return carry

    lax.fori_loop(0, (NSUPER - 2) // 3, tri_body, 0)
    drain(0, 0)
    compute(NSUPER - 2, 0)
    drain(1, 1)
    compute(NSUPER - 1, 1)
    pltpu.sync_copy(out_v, out.at[pl.ds(pair0, PPW)])


@jax.jit
def _fm(item2d, ur, i_table, ub, ib):
    mesh = plsc.VectorSubcoreMesh(core_axis_name="c", subcore_axis_name="s",
                                  num_cores=NC, num_subcores=NS)
    return pl.kernel(
        _fm_body,
        out_type=jax.ShapeDtypeStruct((PAIRS,), jnp.float32),
        mesh=mesh,
        compiler_params=pltpu.CompilerParams(needs_layout_passes=False,
                                             use_tc_tiling_on_sc=False),
        scratch_types=[
            pltpu.VMEM((NCHUNK, SPAIRS), jnp.int32),
            pltpu.VMEM((BPW, E), jnp.float32),
            pltpu.VMEM((BPW,), jnp.float32),
            pltpu.VMEM((3, SPAIRS, E), jnp.float32),
            pltpu.VMEM((3, SPAIRS), jnp.float32),
            pltpu.VMEM((PPW,), jnp.float32),
            pltpu.SemaphoreType.DMA,
            pltpu.SemaphoreType.DMA,
            pltpu.SemaphoreType.DMA,
        ],
    )(item2d, ur, i_table, ub, ib)


def kernel(user, item, u_table, i_table, u_bias, i_bias):
    uids = user.astype(jnp.int32)[:, 0]
    item2d = item.astype(jnp.int32).reshape(PAIRS // SPAIRS, SPAIRS)
    ur = jnp.take(u_table, uids, axis=0)
    ub = jnp.take(u_bias[:, 0], uids)
    out = _fm(item2d, ur, i_table, ub, i_bias.reshape(-1))
    return out.reshape(B, L)

# --- scband reference (transcript-rebuilt; emitter-appended) ---
"""Pipeline reference for scband-fm-74371653698254 (READ-ONLY COPY).

The authoritative reference and input builder live on the scoring server;
editing this copy changes nothing except your own understanding.
"""

import jax, jax.numpy as jnp
import numpy as np

NUM_USERS = 1000000
NUM_ITEMS = 1000000
EMBED = 32
PAD = 0
B = 16384
L = 50


def setup_inputs(seed: int = 0) -> dict:
    key = jax.random.key(seed)
    ks = jax.random.split(key, 6)
    user = jax.random.randint(ks[0], (B, 1), 0, NUM_USERS)
    item = jax.random.randint(ks[1], (B, L), 0, NUM_ITEMS)
    # xavier-uniform-ish init for embedding tables
    s_u = float(np.sqrt(6.0 / (NUM_USERS + EMBED)))
    s_i = float(np.sqrt(6.0 / (NUM_ITEMS + EMBED)))
    u_table = jax.random.uniform(ks[2], (NUM_USERS, EMBED), minval=-s_u, maxval=s_u, dtype=jnp.float32)
    i_table = jax.random.uniform(ks[3], (NUM_ITEMS, EMBED), minval=-s_i, maxval=s_i, dtype=jnp.float32)
    i_table = i_table.at[PAD].set(0.0)  # padding_idx row is zero
    u_bias = jax.random.normal(ks[4], (NUM_USERS, 1), dtype=jnp.float32) * 0.01
    i_bias = jax.random.normal(ks[5], (NUM_ITEMS, 1), dtype=jnp.float32) * 0.01
    i_bias = i_bias.at[PAD].set(0.0)
    return {"user": user, "item": item, "u_table": u_table, "i_table": i_table, "u_bias": u_bias, "i_bias": i_bias}


def reference(user, item, u_table, i_table, u_bias, i_bias):
    # u_ids = u_ids.repeat(1, i_ids.shape[1])
    u_ids = jnp.tile(user, (1, item.shape[1]))  # [B, L]
    u_id_vec = jnp.take(u_table, u_ids, axis=0)   # [B, L, E]
    i_id_vec = jnp.take(i_table, item, axis=0)    # [B, L, E]
    u_id_b = jnp.take(u_bias, u_ids, axis=0)      # [B, L, 1]
    i_id_b = jnp.take(i_bias, item, axis=0)       # [B, L, 1]
    res = jnp.zeros(u_ids.shape, dtype=jnp.float32)
    # a=0: pairwise dot with b=1, then add bias a=0; a=1: add bias a=1
    res = res + jnp.sum(u_id_vec * i_id_vec, axis=-1)
    res = res + jnp.squeeze(u_id_b, axis=-1)
    res = res + jnp.squeeze(i_id_b, axis=-1)
    return res

if __name__ == "__main__":
    import jax
    _d = setup_inputs()
    print(jax.jit(kernel)(*tuple(_d.values())))

</pallas_src>

<mosaic_0001>
#map = affine_map<(d0, d1) -> (0, 0)>
#map1 = affine_map<(d0, d1) -> (0)>
module attributes {stable_mosaic.version = 14 : i64} {
  func.func @_fm_body(%arg0: i32, %arg1: i32, %arg2: memref<1600x512xi32, #tpu.memory_space<hbm>>, %arg3: memref<16384x32xf32, #tpu.memory_space<hbm>>, %arg4: memref<1000000x32xf32, #tpu.memory_space<hbm>>, %arg5: memref<16384xf32, #tpu.memory_space<hbm>>, %arg6: memref<1000000xf32, #tpu.memory_space<hbm>>, %arg7: memref<819200xf32, #tpu.memory_space<hbm>>, %arg8: memref<50x512xi32, #tpu.memory_space<vmem>>, %arg9: memref<512x32xf32, #tpu.memory_space<vmem>>, %arg10: memref<512xf32, #tpu.memory_space<vmem>>, %arg11: memref<3x512x32xf32, #tpu.memory_space<vmem>>, %arg12: memref<3x512xf32, #tpu.memory_space<vmem>>, %arg13: memref<25600xf32, #tpu.memory_space<vmem>>, %arg14: memref<!tpu.dma_semaphore, #tpu.memory_space<semaphore_mem>>, %arg15: memref<!tpu.dma_semaphore, #tpu.memory_space<semaphore_mem>>, %arg16: memref<!tpu.dma_semaphore, #tpu.memory_space<semaphore_mem>>) attributes {dimension_semantics = [#tpu.dimension_semantics<core_parallel>, #tpu.dimension_semantics<subcore_parallel>], iteration_bounds = array<i64: 2, 16>, scalar_prefetch = 0 : i64, scratch_operands = 9 : i64, tpu.core_type = #tpu.core_type<sc_vector_subcore>, window_params = [{transform_indices = #map}, {transform_indices = #map}, {transform_indices = #map}, {transform_indices = #map1}, {transform_indices = #map1}, {transform_indices = #map1}]} {
    %mul3A = arith.constant 2 : i32
    %mul3A_0 = arith.muli %arg1, %mul3A : i32
    %add3A = arith.addi %mul3A_0, %arg0 : i32
    %mul3A_1 = arith.constant 25600 : i32
    %mul3A_2 = arith.muli %add3A, %mul3A_1 : i32
    %mul3A_3 = arith.constant 512 : i32
    %mul3A_4 = arith.muli %add3A, %mul3A_3 : i32
    %mul3A_5 = arith.constant 50 : i32
    %mul3A_6 = arith.muli %add3A, %mul3A_5 : i32
    "tpu.region"() ({
      %run_scoped3A = tpu.sem_alloc : memref<!tpu.dma_semaphore, #tpu.memory_space<semaphore_mem>>
      %dma_start3A_114 = arith.constant 0 : i32
      %dma_start3A_115 = tpu.memref_slice %arg2[%mul3A_6, %dma_start3A_114] : memref<1600x512xi32, #tpu.memory_space<hbm>> -> memref<50x512xi32, #tpu.memory_space<hbm>>
      %dma_start3A_116 = arith.constant 0 : i32
      %dma_start3A_117 = tpu.memref_slice %arg2[%mul3A_6, %dma_start3A_116] : memref<1600x512xi32, #tpu.memory_space<hbm>> -> memref<50x512xi32, #tpu.memory_space<hbm>>
      tpu.enqueue_dma source(%dma_start3A_117 : memref<50x512xi32, #tpu.memory_space<hbm>>) target(%arg8 : memref<50x512xi32, #tpu.memory_space<vmem>>) target_semaphore(%run_scoped3A : memref<!tpu.dma_semaphore, #tpu.memory_space<semaphore_mem>>)
      %dma_wait3A_118 = arith.constant 0 : i32
      %dma_wait3A_119 = tpu.memref_slice %arg2[%mul3A_6, %dma_wait3A_118] : memref<1600x512xi32, #tpu.memory_space<hbm>> -> memref<50x512xi32, #tpu.memory_space<hbm>>
      %dma_wait3A_120 = arith.constant 0 : i32
      %dma_wait3A_121 = tpu.memref_slice %arg2[%mul3A_6, %dma_wait3A_120] : memref<1600x512xi32, #tpu.memory_space<hbm>> -> memref<50x512xi32, #tpu.memory_space<hbm>>
      tpu.wait_dma2 semaphore(%run_scoped3A : memref<!tpu.dma_semaphore, #tpu.memory_space<semaphore_mem>>) src(%dma_wait3A_121 : memref<50x512xi32, #tpu.memory_space<hbm>>) dst(%arg8 : memref<50x512xi32, #tpu.memory_space<vmem>>)
      tpu.yield
    }) : () -> ()
    "tpu.region"() ({
      %run_scoped3A = tpu.sem_alloc : memref<!tpu.dma_semaphore, #tpu.memory_space<semaphore_mem>>
      %dma_start3A_114 = arith.constant 0 : i32
      %dma_start3A_115 = tpu.memref_slice %arg3[%mul3A_4, %dma_start3A_114] : memref<16384x32xf32, #tpu.memory_space<hbm>> -> memref<512x32xf32, #tpu.memory_space<hbm>>
      %dma_start3A_116 = arith.constant 0 : i32
      %dma_start3A_117 = tpu.memref_slice %arg3[%mul3A_4, %dma_start3A_116] : memref<16384x32xf32, #tpu.memory_space<hbm>> -> memref<512x32xf32, #tpu.memory_space<hbm>>
      tpu.enqueue_dma source(%dma_start3A_117 : memref<512x32xf32, #tpu.memory_space<hbm>>) target(%arg9 : memref<512x32xf32, #tpu.memory_space<vmem>>) target_semaphore(%run_scoped3A : memref<!tpu.dma_semaphore, #tpu.memory_space<semaphore_mem>>)
      %dma_wait3A_118 = arith.constant 0 : i32
      %dma_wait3A_119 = tpu.memref_slice %arg3[%mul3A_4, %dma_wait3A_118] : memref<16384x32xf32, #tpu.memory_space<hbm>> -> memref<512x32xf32, #tpu.memory_space<hbm>>
      %dma_wait3A_120 = arith.constant 0 : i32
      %dma_wait3A_121 = tpu.memref_slice %arg3[%mul3A_4, %dma_wait3A_120] : memref<16384x32xf32, #tpu.memory_space<hbm>> -> memref<512x32xf32, #tpu.memory_space<hbm>>
      tpu.wait_dma2 semaphore(%run_scoped3A : memref<!tpu.dma_semaphore, #tpu.memory_space<semaphore_mem>>) src(%dma_wait3A_121 : memref<512x32xf32, #tpu.memory_space<hbm>>) dst(%arg9 : memref<512x32xf32, #tpu.memory_space<vmem>>)
      tpu.yield
    }) : () -> ()
    "tpu.region"() ({
      %run_scoped3A = tpu.sem_alloc : memref<!tpu.dma_semaphore, #tpu.memory_space<semaphore_mem>>
      %dma_start3A_114 = tpu.memref_slice %arg5[%mul3A_4] : memref<16384xf32, #tpu.memory_space<hbm>> -> memref<512xf32, #tpu.memory_space<hbm>>
      %dma_start3A_115 = tpu.memref_slice %arg5[%mul3A_4] : memref<16384xf32, #tpu.memory_space<hbm>> -> memref<512xf32, #tpu.memory_space<hbm>>
      tpu.enqueue_dma source(%dma_start3A_115 : memref<512xf32, #tpu.memory_space<hbm>>) target(%arg10 : memref<512xf32, #tpu.memory_space<vmem>>) target_semaphore(%run_scoped3A : memref<!tpu.dma_semaphore, #tpu.memory_space<semaphore_mem>>)
      %dma_wait3A_116 = tpu.memref_slice %arg5[%mul3A_4] : memref<16384xf32, #tpu.memory_space<hbm>> -> memref<512xf32, #tpu.memory_space<hbm>>
      %dma_wait3A_117 = tpu.memref_slice %arg5[%mul3A_4] : memref<16384xf32, #tpu.memory_space<hbm>> -> memref<512xf32, #tpu.memory_space<hbm>>
      tpu.wait_dma2 semaphore(%run_scoped3A : memref<!tpu.dma_semaphore, #tpu.memory_space<semaphore_mem>>) src(%dma_wait3A_117 : memref<512xf32, #tpu.memory_space<hbm>>) dst(%arg10 : memref<512xf32, #tpu.memory_space<vmem>>)
      tpu.yield
    }) : () -> ()
    %iota3A = tpu.iota {dimensions = array<i32: 0>} : vector<16xi32>
    %dma_start3A = arith.constant 0 : i32
    %dma_start3A_7 = arith.constant 0 : i32
    %dma_start3A_8 = arith.constant 0 : i32
    %dma_start3A_9 = arith.constant 0 : i32
    %dma_start3A_10 = tpu.memref_slice %arg11[%dma_start3A_7, %dma_start3A_8, %dma_start3A_9] : memref<3x512x32xf32, #tpu.memory_space<vmem>> -> memref<1x512x32xf32, #tpu.memory_space<vmem>>
    %dma_start3A_11 = tpu.memref_squeeze %dma_start3A_10 : memref<1x512x32xf32, #tpu.memory_space<vmem>> -> memref<512x32xf32, #tpu.memory_space<vmem>>
    %dma_start3A_12 = arith.constant 0 : i32
    %dma_start3A_13 = tpu.memref_slice %arg8[%dma_start3A, %dma_start3A_12] : memref<50x512xi32, #tpu.memory_space<vmem>> -> memref<1x512xi32, #tpu.memory_space<vmem>>
    %dma_start3A_14 = tpu.memref_squeeze %dma_start3A_13 : memref<1x512xi32, #tpu.memory_space<vmem>> -> memref<512xi32, #tpu.memory_space<vmem>>
    %dma_start3A_15 = arith.constant 0 : i32
    %dma_start3A_16 = arith.constant 0 : i32
    %dma_start3A_17 = tpu.memref_slice %arg4[%dma_start3A_15, %dma_start3A_16] : memref<1000000x32xf32, #tpu.memory_space<hbm>> -> memref<1000000x32xf32, #tpu.memory_space<hbm>>
    tpu.enqueue_indirect_dma source(%dma_start3A_17 : memref<1000000x32xf32, #tpu.memory_space<hbm>>) target(%dma_start3A_11 : memref<512x32xf32, #tpu.memory_space<vmem>>) offsets(%dma_start3A_14 : memref<512xi32, #tpu.memory_space<vmem>>) semaphore(%arg14 : memref<!tpu.dma_semaphore, #tpu.memory_space<semaphore_mem>>)
    %dma_start3A_18 = arith.constant 0 : i32
    %dma_start3A_19 = arith.constant 0 : i32
    %dma_start3A_20 = arith.constant 0 : i32
    %dma_start3A_21 = tpu.memref_slice %arg12[%dma_start3A_19, %dma_start3A_20] : memref<3x512xf32, #tpu.memory_space<vmem>> -> memref<1x512xf32, #tpu.memory_space<vmem>>
    %dma_start3A_22 = tpu.memref_squeeze %dma_start3A_21 : memref<1x512xf32, #tpu.memory_space<vmem>> -> memref<512xf32, #tpu.memory_space<vmem>>
    %dma_start3A_23 = arith.constant 0 : i32
    %dma_start3A_24 = tpu.memref_slice %arg8[%dma_start3A_18, %dma_start3A_23] : memref<50x512xi32, #tpu.memory_space<vmem>> -> memref<1x512xi32, #tpu.memory_space<vmem>>
    %dma_start3A_25 = tpu.memref_squeeze %dma_start3A_24 : memref<1x512xi32, #tpu.memory_space<vmem>> -> memref<512xi32, #tpu.memory_space<vmem>>
    %dma_start3A_26 = arith.constant 0 : i32
    %dma_start3A_27 = tpu.memref_slice %arg6[%dma_start3A_26] : memref<1000000xf32, #tpu.memory_space<hbm>> -> memref<1000000xf32, #tpu.memory_space<hbm>>
    tpu.enqueue_indirect_dma source(%dma_start3A_27 : memref<1000000xf32, #tpu.memory_space<hbm>>) target(%dma_start3A_22 : memref<512xf32, #tpu.memory_space<vmem>>) offsets(%dma_start3A_25 : memref<512xi32, #tpu.memory_space<vmem>>) semaphore(%arg14 : memref<!tpu.dma_semaphore, #tpu.memory_space<semaphore_mem>>)
    %dma_start3A_28 = arith.constant 1 : i32
    %dma_start3A_29 = arith.constant 1 : i32
    %dma_start3A_30 = arith.constant 0 : i32
    %dma_start3A_31 = arith.constant 0 : i32
    %dma_start3A_32 = tpu.memref_slice %arg11[%dma_start3A_29, %dma_start3A_30, %dma_start3A_31] : memref<3x512x32xf32, #tpu.memory_space<vmem>> -> memref<1x512x32xf32, #tpu.memory_space<vmem>>
    %dma_start3A_33 = tpu.memref_squeeze %dma_start3A_32 : memref<1x512x32xf32, #tpu.memory_space<vmem>> -> memref<512x32xf32, #tpu.memory_space<vmem>>
    %dma_start3A_34 = arith.constant 0 : i32
    %dma_start3A_35 = tpu.memref_slice %arg8[%dma_start3A_28, %dma_start3A_34] : memref<50x512xi32, #tpu.memory_space<vmem>> -> memref<1x512xi32, #tpu.memory_space<vmem>>
    %dma_start3A_36 = tpu.memref_squeeze %dma_start3A_35 : memref<1x512xi32, #tpu.memory_space<vmem>> -> memref<512xi32, #tpu.memory_space<vmem>>
    %dma_start3A_37 = arith.constant 0 : i32
    %dma_start3A_38 = arith.constant 0 : i32
    %dma_start3A_39 = tpu.memref_slice %arg4[%dma_start3A_37, %dma_start3A_38] : memref<1000000x32xf32, #tpu.memory_space<hbm>> -> memref<1000000x32xf32, #tpu.memory_space<hbm>>
    tpu.enqueue_indirect_dma source(%dma_start3A_39 : memref<1000000x32xf32, #tpu.memory_space<hbm>>) target(%dma_start3A_33 : memref<512x32xf32, #tpu.memory_space<vmem>>) offsets(%dma_start3A_36 : memref<512xi32, #tpu.memory_space<vmem>>) semaphore(%arg15 : memref<!tpu.dma_semaphore, #tpu.memory_space<semaphore_mem>>)
    %dma_start3A_40 = arith.constant 1 : i32
    %dma_start3A_41 = arith.constant 1 : i32
    %dma_start3A_42 = arith.constant 0 : i32
    %dma_start3A_43 = tpu.memref_slice %arg12[%dma_start3A_41, %dma_start3A_42] : memref<3x512xf32, #tpu.memory_space<vmem>> -> memref<1x512xf32, #tpu.memory_space<vmem>>
    %dma_start3A_44 = tpu.memref_squeeze %dma_start3A_43 : memref<1x512xf32, #tpu.memory_space<vmem>> -> memref<512xf32, #tpu.memory_space<vmem>>
    %dma_start3A_45 = arith.constant 0 : i32
    %dma_start3A_46 = tpu.memref_slice %arg8[%dma_start3A_40, %dma_start3A_45] : memref<50x512xi32, #tpu.memory_space<vmem>> -> memref<1x512xi32, #tpu.memory_space<vmem>>
    %dma_start3A_47 = tpu.memref_squeeze %dma_start3A_46 : memref<1x512xi32, #tpu.memory_space<vmem>> -> memref<512xi32, #tpu.memory_space<vmem>>
    %dma_start3A_48 = arith.constant 0 : i32
    %dma_start3A_49 = tpu.memref_slice %arg6[%dma_start3A_48] : memref<1000000xf32, #tpu.memory_space<hbm>> -> memref<1000000xf32, #tpu.memory_space<hbm>>
    tpu.enqueue_indirect_dma source(%dma_start3A_49 : memref<1000000xf32, #tpu.memory_space<hbm>>) target(%dma_start3A_44 : memref<512xf32, #tpu.memory_space<vmem>>) offsets(%dma_start3A_47 : memref<512xi32, #tpu.memory_space<vmem>>) semaphore(%arg15 : memref<!tpu.dma_semaphore, #tpu.memory_space<semaphore_mem>>)
    %scan3A = arith.constant 0 : i32
    %scan3A_50 = arith.constant 0 : i32
    %scan3A_51 = arith.constant 16 : i32
    %scan3A_52 = arith.addi %scan3A_50, %scan3A_51 : i32
    %scan3A_53 = arith.constant 1 : i32
    scf.for %scan3A_114 = %scan3A_50 to %scan3A_52 step %scan3A_53  : i32 {
      %mul3A_115 = arith.constant 3 : i32
      %mul3A_116 = arith.muli %mul3A_115, %scan3A_114 : i32
      %add3A_117 = arith.constant 0 : i32
      %add3A_118 = arith.addi %mul3A_116, %add3A_117 : i32
      %dma_wait3A_119 = arith.constant 0 : i32
      %dma_wait3A_120 = arith.constant 0 : i32
      %dma_wait3A_121 = arith.constant 0 : i32
      %dma_wait3A_122 = arith.constant 0 : i32
      %dma_wait3A_123 = tpu.memref_slice %arg11[%dma_wait3A_120, %dma_wait3A_121, %dma_wait3A_122] : memref<3x512x32xf32, #tpu.memory_space<vmem>> -> memref<1x512x32xf32, #tpu.memory_space<vmem>>
      %dma_wait3A_124 = tpu.memref_squeeze %dma_wait3A_123 : memref<1x512x32xf32, #tpu.memory_space<vmem>> -> memref<512x32xf32, #tpu.memory_space<vmem>>
      %dma_wait3A_125 = arith.constant 0 : i32
      %dma_wait3A_126 = tpu.memref_slice %arg8[%dma_wait3A_119, %dma_wait3A_125] : memref<50x512xi32, #tpu.memory_space<vmem>> -> memref<1x512xi32, #tpu.memory_space<vmem>>
      %dma_wait3A_127 = tpu.memref_squeeze %dma_wait3A_126 : memref<1x512xi32, #tpu.memory_space<vmem>> -> memref<512xi32, #tpu.memory_space<vmem>>
      %dma_wait3A_128 = arith.constant 0 : i32
      %dma_wait3A_129 = arith.constant 0 : i32
      %dma_wait3A_130 = tpu.memref_slice %arg4[%dma_wait3A_128, %dma_wait3A_129] : memref<1000000x32xf32, #tpu.memory_space<hbm>> -> memref<1000000x32xf32, #tpu.memory_space<hbm>>
      tpu.wait_indirect_dma semaphore(%arg14 : memref<!tpu.dma_semaphore, #tpu.memory_space<semaphore_mem>>) src(%dma_wait3A_130 : memref<1000000x32xf32, #tpu.memory_space<hbm>>) dst(%dma_wait3A_124 : memref<512x32xf32, #tpu.memory_space<vmem>>)
      %dma_wait3A_131 = arith.constant 0 : i32
      %dma_wait3A_132 = arith.constant 0 : i32
      %dma_wait3A_133 = arith.constant 0 : i32
      %dma_wait3A_134 = tpu.memref_slice %arg12[%dma_wait3A_132, %dma_wait3A_133] : memref<3x512xf32, #tpu.memory_space<vmem>> -> memref<1x512xf32, #tpu.memory_space<vmem>>
      %dma_wait3A_135 = tpu.memref_squeeze %dma_wait3A_134 : memref<1x512xf32, #tpu.memory_space<vmem>> -> memref<512xf32, #tpu.memory_space<vmem>>
      %dma_wait3A_136 = arith.constant 0 : i32
      %dma_wait3A_137 = tpu.memref_slice %arg8[%dma_wait3A_131, %dma_wait3A_136] : memref<50x512xi32, #tpu.memory_space<vmem>> -> memref<1x512xi32, #tpu.memory_space<vmem>>
      %dma_wait3A_138 = tpu.memref_squeeze %dma_wait3A_137 : memref<1x512xi32, #tpu.memory_space<vmem>> -> memref<512xi32, #tpu.memory_space<vmem>>
      %dma_wait3A_139 = arith.constant 0 : i32
      %dma_wait3A_140 = tpu.memref_slice %arg6[%dma_wait3A_139] : memref<1000000xf32, #tpu.memory_space<hbm>> -> memref<1000000xf32, #tpu.memory_space<hbm>>
      tpu.wait_indirect_dma semaphore(%arg14 : memref<!tpu.dma_semaphore, #tpu.memory_space<semaphore_mem>>) src(%dma_wait3A_140 : memref<1000000xf32, #tpu.memory_space<hbm>>) dst(%dma_wait3A_135 : memref<512xf32, #tpu.memory_space<vmem>>)
      %scan3A_141 = arith.constant 0 : i32
      %scan3A_142 = arith.constant 0 : i32
      %scan3A_143 = arith.constant 0 : i32
      %scan3A_144 = arith.constant 0 : i32
      %scan3A_145 = arith.constant 32 : i32
      %scan3A_146 = arith.addi %scan3A_144, %scan3A_145 : i32
      %scan3A_147 = arith.constant 1 : i32
      scf.for %scan3A_283 = %scan3A_144 to %scan3A_146 step %scan3A_147  : i32 {
        %mul3A_284 = arith.constant 16 : i32
        %mul3A_285 = arith.muli %scan3A_283, %mul3A_284 : i32
        %add3A_286 = vector.broadcast %mul3A_285 : i32 to vector<16xi32>
        %add3A_287 = arith.addi %add3A_286, %iota3A : vector<16xi32>
        %mul3A_288 = arith.constant 512 : i32
        %mul3A_289 = arith.muli %add3A_118, %mul3A_288 : i32
        %add3A_290 = arith.addi %mul3A_2, %mul3A_289 : i32
        %mul3A_291 = arith.constant 16 : i32
        %mul3A_292 = arith.muli %scan3A_283, %mul3A_291 : i32
        %add3A_293 = arith.addi %add3A_290, %mul3A_292 : i32
        %add3A_294 = vector.broadcast %add3A_293 : i32 to vector<16xi32>
        %add3A_295 = arith.addi %add3A_294, %iota3A : vector<16xi32>
        %div3A = arith.constant 50 : i32
        %div3A_296 = vector.broadcast %div3A : i32 to vector<16xi32>
        %div3A_297 = arith.divsi %add3A_295, %div3A_296 : vector<16xi32>
        %sub3A = vector.broadcast %mul3A_4 : i32 to vector<16xi32>
        %sub3A_298 = arith.subi %div3A_297, %sub3A : vector<16xi32>
        %gather3A = tpu.vector_load_idx %arg10[%sub3A_298] : memref<512xf32, #tpu.memory_space<vmem>>[vector<16xi32>], vector<16xf32>,
        %gather3A_299 = arith.constant 0 : i32
        %gather3A_300 = tpu.memref_slice %arg12[%scan3A_142, %gather3A_299] : memref<3x512xf32, #tpu.memory_space<vmem>> -> memref<1x512xf32, #tpu.memory_space<vmem>>
        %gather3A_301 = tpu.memref_squeeze %gather3A_300 : memref<1x512xf32, #tpu.memory_space<vmem>> -> memref<512xf32, #tpu.memory_space<vmem>>
        %gather3A_302 = tpu.vector_load_idx %gather3A_301[%add3A_287] : memref<512xf32, #tpu.memory_space<vmem>>[vector<16xi32>], vector<16xf32>,
        %add3A_303 = arith.addf %gather3A, %gather3A_302 : vector<16xf32>
        %broadcast_in_dim3A = arith.constant 0 : i32
        %broadcast_in_dim3A_304 = vector.broadcast %broadcast_in_dim3A : i32 to vector<16xi32>
        %gather3A_305 = arith.constant 0 : i32
        %gather3A_306 = arith.constant 0 : i32
        %gather3A_307 = tpu.memref_slice %arg11[%scan3A_143, %gather3A_305, %gather3A_306] : memref<3x512x32xf32, #tpu.memory_space<vmem>> -> memref<1x512x32xf32, #tpu.memory_space<vmem>>
        %gather3A_308 = tpu.memref_squeeze %gather3A_307 : memref<1x512x32xf32, #tpu.memory_space<vmem>> -> memref<512x32xf32, #tpu.memory_space<vmem>>
        %gather3A_309 = tpu.vector_load_idx %gather3A_308[%add3A_287, %broadcast_in_dim3A_304] : memref<512x32xf32, #tpu.memory_space<vmem>>[vector<16xi32>, vector<16xi32>], vector<16xf32>,
        %gather3A_310 = tpu.vector_load_idx %arg9[%sub3A_298, %broadcast_in_dim3A_304] : memref<512x32xf32, #tpu.memory_space<vmem>>[vector<16xi32>, vector<16xi32>], vector<16xf32>,
        %mul3A_311 = arith.mulf %gather3A_309, %gather3A_310 : vector<16xf32>
        %add3A_312 = arith.addf %add3A_303, %mul3A_311 : vector<16xf32>
        %broadcast_in_dim3A_313 = arith.constant 1 : i32
        %broadcast_in_dim3A_314 = vector.broadcast %broadcast_in_dim3A_313 : i32 to vector<16xi32>
        %gather3A_315 = arith.constant 0 : i32
        %gather3A_316 = arith.constant 0 : i32
        %gather3A_317 = tpu.memref_slice %arg11[%scan3A_143, %gather3A_315, %gather3A_316] : memref<3x512x32xf32, #tpu.memory_space<vmem>> -> memref<1x512x32xf32, #tpu.memory_space<vmem>>
        %gather3A_318 = tpu.memref_squeeze %gather3A_317 : memref<1x512x32xf32, #tpu.memory_space<vmem>> -> memref<512x32xf32, #tpu.memory_space<vmem>>
        %gather3A_319 = tpu.vector_load_idx %gather3A_318[%add3A_287, %broadcast_in_dim3A_314] : memref<512x32xf32, #tpu.memory_space<vmem>>[vector<16xi32>, vector<16xi32>], vector<16xf32>,
        %gather3A_320 = tpu.vector_load_idx %arg9[%sub3A_298, %broadcast_in_dim3A_314] : memref<512x32xf32, #tpu.memory_space<vmem>>[vector<16xi32>, vector<16xi32>], vector<16xf32>,
        %mul3A_321 = arith.mulf %gather3A_319, %gather3A_320 : vector<16xf32>
        %add3A_322 = arith.addf %add3A_312, %mul3A_321 : vector<16xf32>
        %broadcast_in_dim3A_323 = arith.constant 2 : i32
        %broadcast_in_dim3A_324 = vector.broadcast %broadcast_in_dim3A_323 : i32 to vector<16xi32>
        %gather3A_325 = arith.constant 0 : i32
        %gather3A_326 = arith.constant 0 : i32
        %gather3A_327 = tpu.memref_slice %arg11[%scan3A_143, %gather3A_325, %gather3A_326] : memref<3x512x32xf32, #tpu.memory_space<vmem>> -> memref<1x512x32xf32, #tpu.memory_space<vmem>>
        %gather3A_328 = tpu.memref_squeeze %gather3A_327 : memref<1x512x32xf32, #tpu.memory_space<vmem>> -> memref<512x32xf32, #tpu.memory_space<vmem>>
        %gather3A_329 = tpu.vector_load_idx %gather3A_328[%add3A_287, %broadcast_in_dim3A_324] : memref<512x32xf32, #tpu.memory_space<vmem>>[vector<16xi32>, vector<16xi32>], vector<16xf32>,
        %gather3A_330 = tpu.vector_load_idx %arg9[%sub3A_298, %broadcast_in_dim3A_324] : memref<512x32xf32, #tpu.memory_space<vmem>>[vector<16xi32>, vector<16xi32>], vector<16xf32>,
        %mul3A_331 = arith.mulf %gather3A_329, %gather3A_330 : vector<16xf32>
        %add3A_332 = arith.addf %add3A_322, %mul3A_331 : vector<16xf32>
        %broadcast_in_dim3A_333 = arith.constant 3 : i32
        %broadcast_in_dim3A_334 = vector.broadcast %broadcast_in_dim3A_333 : i32 to vector<16xi32>
        %gather3A_335 = arith.constant 0 : i32
        %gather3A_336 = arith.constant 0 : i32
        %gather3A_337 = tpu.memref_slice %arg11[%scan3A_143, %gather3A_335, %gather3A_336] : memref<3x512x32xf32, #tpu.memory_space<vmem>> -> memref<1x512x32xf32, #tpu.memory_space<vmem>>
        %gather3A_338 = tpu.memref_squeeze %gather3A_337 : memref<1x512x32xf32, #tpu.memory_space<vmem>> -> memref<512x32xf32, #tpu.memory_space<vmem>>
        %gather3A_339 = tpu.vector_load_idx %gather3A_338[%add3A_287, %broadcast_in_dim3A_334] : memref<512x32xf32, #tpu.memory_space<vmem>>[vector<16xi32>, vector<16xi32>], vector<16xf32>,
        %gather3A_340 = tpu.vector_load_idx %arg9[%sub3A_298, %broadcast_in_dim3A_334] : memref<512x32xf32, #tpu.memory_space<vmem>>[vector<16xi32>, vector<16xi32>], vector<16xf32>,
        %mul3A_341 = arith.mulf %gather3A_339, %gather3A_340 : vector<16xf32>
        %add3A_342 = arith.addf %add3A_332, %mul3A_341 : vector<16xf32>
        %broadcast_in_dim3A_343 = arith.constant 4 : i32
        %broadcast_in_dim3A_344 = vector.broadcast %broadcast_in_dim3A_343 : i32 to vector<16xi32>
        %gather3A_345 = arith.constant 0 : i32
        %gather3A_346 = arith.constant 0 : i32
        %gather3A_347 = tpu.memref_slice %arg11[%scan3A_143, %gather3A_345, %gather3A_346] : memref<3x512x32xf32, #tpu.memory_space<vmem>> -> memref<1x512x32xf32, #tpu.memory_space<vmem>>
        %gather3A_348 = tpu.memref_squeeze %gather3A_347 : memref<1x512x32xf32, #tpu.memory_space<vmem>> -> memref<512x32xf32, #tpu.memory_space<vmem>>
        %gather3A_349 = tpu.vector_load_idx %gather3A_348[%add3A_287, %broadcast_in_dim3A_344] : memref<512x32xf32, #tpu.memory_space<vmem>>[vector<16xi32>, vector<16xi32>], vector<16xf32>,
        %gather3A_350 = tpu.vector_load_idx %arg9[%sub3A_298, %broadcast_in_dim3A_344] : memref<512x32xf32, #tpu.memory_space<vmem>>[vector<16xi32>, vector<16xi32>], vector<16xf32>,
        %mul3A_351 = arith.mulf %gather3A_349, %gather3A_350 : vector<16xf32>
        %add3A_352 = arith.addf %add3A_342, %mul3A_351 : vector<16xf32>
        %broadcast_in_dim3A_353 = arith.constant 5 : i32
        %broadcast_in_dim3A_354 = vector.broadcast %broadcast_in_dim3A_353 : i32 to vector<16xi32>
        %gather3A_355 = arith.constant 0 : i32
        %gather3A_356 = arith.constant 0 : i32
        %gather3A_357 = tpu.memref_slice %arg11[%scan3A_143, %gather3A_355, %gather3A_356] : memref<3x512x32xf32, #tpu.memory_space<vmem>> -> memref<1x512x32xf32, #tpu.memory_space<vmem>>
        %gather3A_358 = tpu.memref_squeeze %gather3A_357 : memref<1x512x32xf32, #tpu.memory_space<vmem>> -> memref<512x32xf32, #tpu.memory_space<vmem>>
        %gather3A_359 = tpu.vector_load_idx %gather3A_358[%add3A_287, %broadcast_in_dim3A_354] : memref<512x32xf32, #tpu.memory_space<vmem>>[vector<16xi32>, vector<16xi32>], vector<16xf32>,
        %gather3A_360 = tpu.vector_load_idx %arg9[%sub3A_298, %broadcast_in_dim3A_354] : memref<512x32xf32, #tpu.memory_space<vmem>>[vector<16xi32>, vector<16xi32>], vector<16xf32>,
        %mul3A_361 = arith.mulf %gather3A_359, %gather3A_360 : vector<16xf32>
        %add3A_362 = arith.addf %add3A_352, %mul3A_361 : vector<16xf32>
        %broadcast_in_dim3A_363 = arith.constant 6 : i32
        %broadcast_in_dim3A_364 = vector.broadcast %broadcast_in_dim3A_363 : i32 to vector<16xi32>
        %gather3A_365 = arith.constant 0 : i32
        %gather3A_366 = arith.constant 0 : i32
        %gather3A_367 = tpu.memref_slice %arg11[%scan3A_143, %gather3A_365, %gather3A_366] : memref<3x512x32xf32, #tpu.memory_space<vmem>> -> memref<1x512x32xf32, #tpu.memory_space<vmem>>
        %gather3A_368 = tpu.memref_squeeze %gather3A_367 : memref<1x512x32xf32, #tpu.memory_space<vmem>> -> memref<512x32xf32, #tpu.memory_space<vmem>>
        %gather3A_369 = tpu.vector_load_idx %gather3A_368[%add3A_287, %broadcast_in_dim3A_364] : memref<512x32xf32, #tpu.memory_space<vmem>>[vector<16xi32>, vector<16xi32>], vector<16xf32>,
        %gather3A_370 = tpu.vector_load_idx %arg9[%sub3A_298, %broadcast_in_dim3A_364] : memref<512x32xf32, #tpu.memory_space<vmem>>[vector<16xi32>, vector<16xi32>], vector<16xf32>,
        %mul3A_371 = arith.mulf %gather3A_369, %gather3A_370 : vector<16xf32>
        %add3A_372 = arith.addf %add3A_362, %mul3A_371 : vector<16xf32>
        %broadcast_in_dim3A_373 = arith.constant 7 : i32
        %broadcast_in_dim3A_374 = vector.broadcast %broadcast_in_dim3A_373 : i32 to vector<16xi32>
        %gather3A_375 = arith.constant 0 : i32
        %gather3A_376 = arith.constant 0 : i32
        %gather3A_377 = tpu.memref_slice %arg11[%scan3A_143, %gather3A_375, %gather3A_376] : memref<3x512x32xf32, #tpu.memory_space<vmem>> -> memref<1x512x32xf32, #tpu.memory_space<vmem>>
        %gather3A_378 = tpu.memref_squeeze %gather3A_377 : memref<1x512x32xf32, #tpu.memory_space<vmem>> -> memref<512x32xf32, #tpu.memory_space<vmem>>
        %gather3A_379 = tpu.vector_load_idx %gather3A_378[%add3A_287, %broadcast_in_dim3A_374] : memref<512x32xf32, #tpu.memory_space<vmem>>[vector<16xi32>, vector<16xi32>], vector<16xf32>,
        %gather3A_380 = tpu.vector_load_idx %arg9[%sub3A_298, %broadcast_in_dim3A_374] : memref<512x32xf32, #tpu.memory_space<vmem>>[vector<16xi32>, vector<16xi32>], vector<16xf32>,
        %mul3A_381 = arith.mulf %gather3A_379, %gather3A_380 : vector<16xf32>
        %add3A_382 = arith.addf %add3A_372, %mul3A_381 : vector<16xf32>
        %broadcast_in_dim3A_383 = arith.constant 8 : i32
        %broadcast_in_dim3A_384 = vector.broadcast %broadcast_in_dim3A_383 : i32 to vector<16xi32>
        %gather3A_385 = arith.constant 0 : i32
        %gather3A_386 = arith.constant 0 : i32
        %gather3A_387 = tpu.memref_slice %arg11[%scan3A_143, %gather3A_385, %gather3A_386] : memref<3x512x32xf32, #tpu.memory_space<vmem>> -> memref<1x512x32xf32, #tpu.memory_space<vmem>>
        %gather3A_388 = tpu.memref_squeeze %gather3A_387 : memref<1x512x32xf32, #tpu.memory_space<vmem>> -> memref<512x32xf32, #tpu.memory_space<vmem>>
        %gather3A_389 = tpu.vector_load_idx %gather3A_388[%add3A_287, %broadcast_in_dim3A_384] : memref<512x32xf32, #tpu.memory_space<vmem>>[vector<16xi32>, vector<16xi32>], vector<16xf32>,
        %gather3A_390 = tpu.vector_load_idx %arg9[%sub3A_298, %broadcast_in_dim3A_384] : memref<512x32xf32, #tpu.memory_space<vmem>>[vector<16xi32>, vector<16xi32>], vector<16xf32>,
        %mul3A_391 = arith.mulf %gather3A_389, %gather3A_390 : vector<16xf32>
        %add3A_392 = arith.addf %add3A_382, %mul3A_391 : vector<16xf32>
        %broadcast_in_dim3A_393 = arith.constant 9 : i32
        %broadcast_in_dim3A_394 = vector.broadcast %broadcast_in_dim3A_393 : i32 to vector<16xi32>
        %gather3A_395 = arith.constant 0 : i32
        %gather3A_396 = arith.constant 0 : i32
        %gather3A_397 = tpu.memref_slice %arg11[%scan3A_143, %gather3A_395, %gather3A_396] : memref<3x512x32xf32, #tpu.memory_space<vmem>> -> memref<1x512x32xf32, #tpu.memory_space<vmem>>
        %gather3A_398 = tpu.memref_squeeze %gather3A_397 : memref<1x512x32xf32, #tpu.memory_space<vmem>> -> memref<512x32xf32, #tpu.memory_space<vmem>>
        %gather3A_399 = tpu.vector_load_idx %gather3A_398[%add3A_287, %broadcast_in_dim3A_394] : memref<512x32xf32, #tpu.memory_space<vmem>>[vector<16xi32>, vector<16xi32>], vector<16xf32>,
        %gather3A_400 = tpu.vector_load_idx %arg9[%sub3A_298, %broadcast_in_dim3A_394] : memref<512x32xf32, #tpu.memory_space<vmem>>[vector<16xi32>, vector<16xi32>], vector<16xf32>,
        %mul3A_401 = arith.mulf %gather3A_399, %gather3A_400 : vector<16xf32>
        %add3A_402 = arith.addf %add3A_392, %mul3A_401 : vector<16xf32>
        %broadcast_in_dim3A_403 = arith.constant 10 : i32
        %broadcast_in_dim3A_404 = vector.broadcast %broadcast_in_dim3A_403 : i32 to vector<16xi32>
        %gather3A_405 = arith.constant 0 : i32
        %gather3A_406 = arith.constant 0 : i32
        %gather3A_407 = tpu.memref_slice %arg11[%scan3A_143, %gather3A_405, %gather3A_406] : memref<3x512x32xf32, #tpu.memory_space<vmem>> -> memref<1x512x32xf32, #tpu.memory_space<vmem>>
        %gather3A_408 = tpu.memref_squeeze %gather3A_407 : memref<1x512x32xf32, #tpu.memory_space<vmem>> -> memref<512x32xf32, #tpu.memory_space<vmem>>
        %gather3A_409 = tpu.vector_load_idx %gather3A_408[%add3A_287, %broadcast_in_dim3A_404] : memref<512x32xf32, #tpu.memory_space<vmem>>[vector<16xi32>, vector<16xi32>], vector<16xf32>,
        %gather3A_410 = tpu.vector_load_idx %arg9[%sub3A_298, %broadcast_in_dim3A_404] : memref<512x32xf32, #tpu.memory_space<vmem>>[vector<16xi32>, vector<16xi32>], vector<16xf32>,
        %mul3A_411 = arith.mulf %gather3A_409, %gather3A_410 : vector<16xf32>
        %add3A_412 = arith.addf %add3A_402, %mul3A_411 : vector<16xf32>
        %broadcast_in_dim3A_413 = arith.constant 11 : i32
        %broadcast_in_dim3A_414 = vector.broadcast %broadcast_in_dim3A_413 : i32 to vector<16xi32>
        %gather3A_415 = arith.constant 0 : i32
        %gather3A_416 = arith.constant 0 : i32
        %gather3A_417 = tpu.memref_slice %arg11[%scan3A_143, %gather3A_415, %gather3A_416] : memref<3x512x32xf32, #tpu.memory_space<vmem>> -> memref<1x512x32xf32, #tpu.memory_space<vmem>>
        %gather3A_418 = tpu.memref_squeeze %gather3A_417 : memref<1x512x32xf32, #tpu.memory_space<vmem>> -> memref<512x32xf32, #tpu.memory_space<vmem>>
        %gather3A_419 = tpu.vector_load_idx %gather3A_418[%add3A_287, %broadcast_in_dim3A_414] : memref<512x32xf32, #tpu.memory_space<vmem>>[vector<16xi32>, vector<16xi32>], vector<16xf32>,
        %gather3A_420 = tpu.vector_load_idx %arg9[%sub3A_298, %broadcast_in_dim3A_414] : memref<512x32xf32, #tpu.memory_space<vmem>>[vector<16xi32>, vector<16xi32>], vector<16xf32>,
        %mul3A_421 = arith.mulf %gather3A_419, %gather3A_420 : vector<16xf32>
        %add3A_422 = arith.addf %add3A_412, %mul3A_421 : vector<16xf32>
        %broadcast_in_dim3A_423 = arith.constant 12 : i32
        %broadcast_in_dim3A_424 = vector.broadcast %broadcast_in_dim3A_423 : i32 to vector<16xi32>
        %gather3A_425 = arith.constant 0 : i32
        %gather3A_426 = arith.constant 0 : i32
        %gather3A_427 = tpu.memref_slice %arg11[%scan3A_143, %gather3A_425, %gather3A_426] : memref<3x512x32xf32, #tpu.memory_space<vmem>> -> memref<1x512x32xf32, #tpu.memory_space<vmem>>
        %gather3A_428 = tpu.memref_squeeze %gather3A_427 : memref<1x512x32xf32, #tpu.memory_space<vmem>> -> memref<512x32xf32, #tpu.memory_space<vmem>>
        %gather3A_429 = tpu.vector_load_idx %gather3A_428[%add3A_287, %broadcast_in_dim3A_424] : memref<512x32xf32, #tpu.memory_space<vmem>>[vector<16xi32>, vector<16xi32>], vector<16xf32>,
        %gather3A_430 = tpu.vector_load_idx %arg9[%sub3A_298, %broadcast_in_dim3A_424] : memref<512x32xf32, #tpu.memory_space<vmem>>[vector<16xi32>, vector<16xi32>], vector<16xf32>,
        %mul3A_431 = arith.mulf %gather3A_429, %gather3A_430 : vector<16xf32>
        %add3A_432 = arith.addf %add3A_422, %mul3A_431 : vector<16xf32>
        %broadcast_in_dim3A_433 = arith.constant 13 : i32
        %broadcast_in_dim3A_434 = vector.broadcast %broadcast_in_dim3A_433 : i32 to vector<16xi32>
        %gather3A_435 = arith.constant 0 : i32
        %gather3A_436 = arith.constant 0 : i32
        %gather3A_437 = tpu.memref_slice %arg11[%scan3A_143, %gather3A_435, %gather3A_436] : memref<3x512x32xf32, #tpu.memory_space<vmem>> -> memref<1x512x32xf32, #tpu.memory_space<vmem>>
        %gather3A_438 = tpu.memref_squeeze %gather3A_437 : memref<1x512x32xf32, #tpu.memory_space<vmem>> -> memref<512x32xf32, #tpu.memory_space<vmem>>
        %gather3A_439 = tpu.vector_load_idx %gather3A_438[%add3A_287, %broadcast_in_dim3A_434] : memref<512x32xf32, #tpu.memory_space<vmem>>[vector<16xi32>, vector<16xi32>], vector<16xf32>,
        %gather3A_440 = tpu.vector_load_idx %arg9[%sub3A_298, %broadcast_in_dim3A_434] : memref<512x32xf32, #tpu.memory_space<vmem>>[vector<16xi32>, vector<16xi32>], vector<16xf32>,
        %mul3A_441 = arith.mulf %gather3A_439, %gather3A_440 : vector<16xf32>
        %add3A_442 = arith.addf %add3A_432, %mul3A_441 : vector<16xf32>
        %broadcast_in_dim3A_443 = arith.constant 14 : i32
        %broadcast_in_dim3A_444 = vector.broadcast %broadcast_in_dim3A_443 : i32 to vector<16xi32>
        %gather3A_445 = arith.constant 0 : i32
        %gather3A_446 = arith.constant 0 : i32
        %gather3A_447 = tpu.memref_slice %arg11[%scan3A_143, %gather3A_445, %gather3A_446] : memref<3x512x32xf32, #tpu.memory_space<vmem>> -> memref<1x512x32xf32, #tpu.memory_space<vmem>>
        %gather3A_448 = tpu.memref_squeeze %gather3A_447 : memref<1x512x32xf32, #tpu.memory_space<vmem>> -> memref<512x32xf32, #tpu.memory_space<vmem>>
        %gather3A_449 = tpu.vector_load_idx %gather3A_448[%add3A_287, %broadcast_in_dim3A_444] : memref<512x32xf32, #tpu.memory_space<vmem>>[vector<16xi32>, vector<16xi32>], vector<16xf32>,
        %gather3A_450 = tpu.vector_load_idx %arg9[%sub3A_298, %broadcast_in_dim3A_444] : memref<512x32xf32, #tpu.memory_space<vmem>>[vector<16xi32>, vector<16xi32>], vector<16xf32>,
        %mul3A_451 = arith.mulf %gather3A_449, %gather3A_450 : vector<16xf32>
        %add3A_452 = arith.addf %add3A_442, %mul3A_451 : vector<16xf32>
        %broadcast_in_dim3A_453 = arith.constant 15 : i32
        %broadcast_in_dim3A_454 = vector.broadcast %broadcast_in_dim3A_453 : i32 to vector<16xi32>
        %gather3A_455 = arith.constant 0 : i32
        %gather3A_456 = arith.constant 0 : i32
        %gather3A_457 = tpu.memref_slice %arg11[%scan3A_143, %gather3A_455, %gather3A_456] : memref<3x512x32xf32, #tpu.memory_space<vmem>> -> memref<1x512x32xf32, #tpu.memory_space<vmem>>
        %gather3A_458 = tpu.memref_squeeze %gather3A_457 : memref<1x512x32xf32, #tpu.memory_space<vmem>> -> memref<512x32xf32, #tpu.memory_space<vmem>>
        %gather3A_459 = tpu.vector_load_idx %gather3A_458[%add3A_287, %broadcast_in_dim3A_454] : memref<512x32xf32, #tpu.memory_space<vmem>>[vector<16xi32>, vector<16xi32>], vector<16xf32>,
        %gather3A_460 = tpu.vector_load_idx %arg9[%sub3A_298, %broadcast_in_dim3A_454] : memref<512x32xf32, #tpu.memory_space<vmem>>[vector<16xi32>, vector<16xi32>], vector<16xf32>,
        %mul3A_461 = arith.mulf %gather3A_459, %gather3A_460 : vector<16xf32>
        %add3A_462 = arith.addf %add3A_452, %mul3A_461 : vector<16xf32>
        %broadcast_in_dim3A_463 = arith.constant 16 : i32
        %broadcast_in_dim3A_464 = vector.broadcast %broadcast_in_dim3A_463 : i32 to vector<16xi32>
        %gather3A_465 = arith.constant 0 : i32
        %gather3A_466 = arith.constant 0 : i32
        %gather3A_467 = tpu.memref_slice %arg11[%scan3A_143, %gather3A_465, %gather3A_466] : memref<3x512x32xf32, #tpu.memory_space<vmem>> -> memref<1x512x32xf32, #tpu.memory_space<vmem>>
        %gather3A_468 = tpu.memref_squeeze %gather3A_467 : memref<1x512x32xf32, #tpu.memory_space<vmem>> -> memref<512x32xf32, #tpu.memory_space<vmem>>
        %gather3A_469 = tpu.vector_load_idx %gather3A_468[%add3A_287, %broadcast_in_dim3A_464] : memref<512x32xf32, #tpu.memory_space<vmem>>[vector<16xi32>, vector<16xi32>], vector<16xf32>,
        %gather3A_470 = tpu.vector_load_idx %arg9[%sub3A_298, %broadcast_in_dim3A_464] : memref<512x32xf32, #tpu.memory_space<vmem>>[vector<16xi32>, vector<16xi32>], vector<16xf32>,
        %mul3A_471 = arith.mulf %gather3A_469, %gather3A_470 : vector<16xf32>
        %add3A_472 = arith.addf %add3A_462, %mul3A_471 : vector<16xf32>
        %broadcast_in_dim3A_473 = arith.constant 17 : i32
        %broadcast_in_dim3A_474 = vector.broadcast %broadcast_in_dim3A_473 : i32 to vector<16xi32>
        %gather3A_475 = arith.constant 0 : i32
        %gather3A_476 = arith.constant 0 : i32
        %gather3A_477 = tpu.memref_slice %arg11[%scan3A_143, %gather3A_475, %gather3A_476] : memref<3x512x32xf32, #tpu.memory_space<vmem>> -> memref<1x512x32xf32, #tpu.memory_space<vmem>>
        %gather3A_478 = tpu.memref_squeeze %gather3A_477 : memref<1x512x32xf32, #tpu.memory_space<vmem>> -> memref<512x32xf32, #tpu.memory_space<vmem>>
        %gather3A_479 = tpu.vector_load_idx %gather3A_478[%add3A_287, %broadcast_in_dim3A_474] : memref<512x32xf32, #tpu.memory_space<vmem>>[vector<16xi32>, vector<16xi32>], vector<16xf32>,
        %gather3A_480 = tpu.vector_load_idx %arg9[%sub3A_298, %broadcast_in_dim3A_474] : memref<512x32xf32, #tpu.memory_space<vmem>>[vector<16xi32>, vector<16xi32>], vector<16xf32>,
        %mul3A_481 = arith.mulf %gather3A_479, %gather3A_480 : vector<16xf32>
        %add3A_482 = arith.addf %add3A_472, %mul3A_481 : vector<16xf32>
        %broadcast_in_dim3A_483 = arith.constant 18 : i32
        %broadcast_in_dim3A_484 = vector.broadcast %broadcast_in_dim3A_483 : i32 to vector<16xi32>
        %gather3A_485 = arith.constant 0 : i32
        %gather3A_486 = arith.constant 0 : i32
        %gather3A_487 = tpu.memref_slice %arg11[%scan3A_143, %gather3A_485, %gather3A_486] : memref<3x512x32xf32, #tpu.memory_space<vmem>> -> memref<1x512x32xf32, #tpu.memory_space<vmem>>
        %gather3A_488 = tpu.memref_squeeze %gather3A_487 : memref<1x512x32xf32, #tpu.memory_space<vmem>> -> memref<512x32xf32, #tpu.memory_space<vmem>>
        %gather3A_489 = tpu.vector_load_idx %gather3A_488[%add3A_287, %broadcast_in_dim3A_484] : memref<512x32xf32, #tpu.memory_space<vmem>>[vector<16xi32>, vector<16xi32>], vector<16xf32>,
        %gather3A_490 = tpu.vector_load_idx %arg9[%sub3A_298, %broadcast_in_dim3A_484] : memref<512x32xf32, #tpu.memory_space<vmem>>[vector<16xi32>, vector<16xi32>], vector<16xf32>,
        %mul3A_491 = arith.mulf %gather3A_489, %gather3A_490 : vector<16xf32>
        %add3A_492 = arith.addf %add3A_482, %mul3A_491 : vector<16xf32>
        %broadcast_in_dim3A_493 = arith.constant 19 : i32
        %broadcast_in_dim3A_494 = vector.broadcast %broadcast_in_dim3A_493 : i32 to vector<16xi32>
        %gather3A_495 = arith.constant 0 : i32
        %gather3A_496 = arith.constant 0 : i32
        %gather3A_497 = tpu.memref_slice %arg11[%scan3A_143, %gather3A_495, %gather3A_496] : memref<3x512x32xf32, #tpu.memory_space<vmem>> -> memref<1x512x32xf32, #tpu.memory_space<vmem>>
        %gather3A_498 = tpu.memref_squeeze %gather3A_497 : memref<1x512x32xf32, #tpu.memory_space<vmem>> -> memref<512x32xf32, #tpu.memory_space<vmem>>
        %gather3A_499 = tpu.vector_load_idx %gather3A_498[%add3A_287, %broadcast_in_dim3A_494] : memref<512x32xf32, #tpu.memory_space<vmem>>[vector<16xi32>, vector<16xi32>], vector<16xf32>,
        %gather3A_500 = tpu.vector_load_idx %arg9[%sub3A_298, %broadcast_in_dim3A_494] : memref<512x32xf32, #tpu.memory_space<vmem>>[vector<16xi32>, vector<16xi32>], vector<16xf32>,
        %mul3A_501 = arith.mulf %gather3A_499, %gather3A_500 : vector<16xf32>
        %add3A_502 = arith.addf %add3A_492, %mul3A_501 : vector<16xf32>
        %broadcast_in_dim3A_503 = arith.constant 20 : i32
        %broadcast_in_dim3A_504 = vector.broadcast %broadcast_in_dim3A_503 : i32 to vector<16xi32>
        %gather3A_505 = arith.constant 0 : i32
        %gather3A_506 = arith.constant 0 : i32
        %gather3A_507 = tpu.memref_slice %arg11[%scan3A_143, %gather3A_505, %gather3A_506] : memref<3x512x32xf32, #tpu.memory_space<vmem>> -> memref<1x512x32xf32, #tpu.memory_space<vmem>>
        %gather3A_508 = tpu.memref_squeeze %gather3A_507 : memref<1x512x32xf32, #tpu.memory_space<vmem>> -> memref<512x32xf32, #tpu.memory_space<vmem>>
        %gather3A_509 = tpu.vector_load_idx %gather3A_508[%add3A_287, %broadcast_in_dim3A_504] : memref<512x32xf32, #tpu.memory_space<vmem>>[vector<16xi32>, vector<16xi32>], vector<16xf32>,
        %gather3A_510 = tpu.vector_load_idx %arg9[%sub3A_298, %broadcast_in_dim3A_504] : memref<512x32xf32, #tpu.memory_space<vmem>>[vector<16xi32>, vector<16xi32>], vector<16xf32>,
        %mul3A_511 = arith.mulf %gather3A_509, %gather3A_510 : vector<16xf32>
        %add3A_512 = arith.addf %add3A_502, %mul3A_511 : vector<16xf32>
        %broadcast_in_dim3A_513 = arith.constant 21 : i32
        %broadcast_in_dim3A_514 = vector.broadcast %broadcast_in_dim3A_513 : i32 to vector<16xi32>
        %gather3A_515 = arith.constant 0 : i32
        %gather3A_516 = arith.constant 0 : i32
        %gather3A_517 = tpu.memref_slice %arg11[%scan3A_143, %gather3A_515, %gather3A_516] : memref<3x512x32xf32, #tpu.memory_space<vmem>> -> memref<1x512x32xf32, #tpu.memory_space<vmem>>
        %gather3A_518 = tpu.memref_squeeze %gather3A_517 : memref<1x512x32xf32, #tpu.memory_space<vmem>> -> memref<512x32xf32, #tpu.memory_space<vmem>>
        %gather3A_519 = tpu.vector_load_idx %gather3A_518[%add3A_287, %broadcast_in_dim3A_514] : memref<512x32xf32, #tpu.memory_space<vmem>>[vector<16xi32>, vector<16xi32>], vector<16xf32>,
        %gather3A_520 = tpu.vector_load_idx %arg9[%sub3A_298, %broadcast_in_dim3A_514] : memref<512x32xf32, #tpu.memory_space<vmem>>[vector<16xi32>, vector<16xi32>], vector<16xf32>,
        %mul3A_521 = arith.mulf %gather3A_519, %gather3A_520 : vector<16xf32>
        %add3A_522 = arith.addf %add3A_512, %mul3A_521 : vector<16xf32>
        %broadcast_in_dim3A_523 = arith.constant 22 : i32
        %broadcast_in_dim3A_524 = vector.broadcast %broadcast_in_dim3A_523 : i32 to vector<16xi32>
        %gather3A_525 = arith.constant 0 : i32
        %gather3A_526 = arith.constant 0 : i32
        %gather3A_527 = tpu.memref_slice %arg11[%scan3A_143, %gather3A_525, %gather3A_526] : memref<3x512x32xf32, #tpu.memory_space<vmem>> -> memref<1x512x32xf32, #tpu.memory_space<vmem>>
        %gather3A_528 = tpu.memref_squeeze %gather3A_527 : memref<1x512x32xf32, #tpu.memory_space<vmem>> -> memref<512x32xf32, #tpu.memory_space<vmem>>
        %gather3A_529 = tpu.vector_load_idx %gather3A_528[%add3A_287, %broadcast_in_dim3A_524] : memref<512x32xf32, #tpu.memory_space<vmem>>[vector<16xi32>, vector<16xi32>], vector<16xf32>,
        %gather3A_530 = tpu.vector_load_idx %arg9[%sub3A_298, %broadcast_in_dim3A_524] : memref<512x32xf32, #tpu.memory_space<vmem>>[vector<16xi32>, vector<16xi32>], vector<16xf32>,
        %mul3A_531 = arith.mulf %gather3A_529, %gather3A_530 : vector<16xf32>
        %add3A_532 = arith.addf %add3A_522, %mul3A_531 : vector<16xf32>
        %broadcast_in_dim3A_533 = arith.constant 23 : i32
        %broadcast_in_dim3A_534 = vector.broadcast %broadcast_in_dim3A_533 : i32 to vector<16xi32>
        %gather3A_535 = arith.constant 0 : i32
        %gather3A_536 = arith.constant 0 : i32
        %gather3A_537 = tpu.memref_slice %arg11[%scan3A_143, %gather3A_535, %gather3A_536] : memref<3x512x32xf32, #tpu.memory_space<vmem>> -> memref<1x512x32xf32, #tpu.memory_space<vmem>>
        %gather3A_538 = tpu.memref_squeeze %gather3A_537 : memref<1x512x32xf32, #tpu.memory_space<vmem>> -> memref<512x32xf32, #tpu.memory_space<vmem>>
        %gather3A_539 = tpu.vector_load_idx %gather3A_538[%add3A_287, %broadcast_in_dim3A_534] : memref<512x32xf32, #tpu.memory_space<vmem>>[vector<16xi32>, vector<16xi32>], vector<16xf32>,
        %gather3A_540 = tpu.vector_load_idx %arg9[%sub3A_298, %broadcast_in_dim3A_534] : memref<512x32xf32, #tpu.memory_space<vmem>>[vector<16xi32>, vector<16xi32>], vector<16xf32>,
        %mul3A_541 = arith.mulf %gather3A_539, %gather3A_540 : vector<16xf32>
        %add3A_542 = arith.addf %add3A_532, %mul3A_541 : vector<16xf32>
        %broadcast_in_dim3A_543 = arith.constant 24 : i32
        %broadcast_in_dim3A_544 = vector.broadcast %broadcast_in_dim3A_543 : i32 to vector<16xi32>
        %gather3A_545 = arith.constant 0 : i32
        %gather3A_546 = arith.constant 0 : i32
        %gather3A_547 = tpu.memref_slice %arg11[%scan3A_143, %gather3A_545, %gather3A_546] : memref<3x512x32xf32, #tpu.memory_space<vmem>> -> memref<1x512x32xf32, #tpu.memory_space<vmem>>
        %gather3A_548 = tpu.memref_squeeze %gather3A_547 : memref<1x512x32xf32, #tpu.memory_space<vmem>> -> memref<512x32xf32, #tpu.memory_space<vmem>>
        %gather3A_549 = tpu.vector_load_idx %gather3A_548[%add3A_287, %broadcast_in_dim3A_544] : memref<512x32xf32, #tpu.memory_space<vmem>>[vector<16xi32>, vector<16xi32>], vector<16xf32>,
        %gather3A_550 = tpu.vector_load_idx %arg9[%sub3A_298, %broadcast_in_dim3A_544] : memref<512x32xf32, #tpu.memory_space<vmem>>[vector<16xi32>, vector<16xi32>], vector<16xf32>,
        %mul3A_551 = arith.mulf %gather3A_549, %gather3A_550 : vector<16xf32>
        %add3A_552 = arith.addf %add3A_542, %mul3A_551 : vector<16xf32>
        %broadcast_in_dim3A_553 = arith.constant 25 : i32
        %broadcast_in_dim3A_554 = vector.broadcast %broadcast_in_dim3A_553 : i32 to vector<16xi32>
        %gather3A_555 = arith.constant 0 : i32
        %gather3A_556 = arith.constant 0 : i32
        %gather3A_557 = tpu.memref_slice %arg11[%scan3A_143, %gather3A_555, %gather3A_556] : memref<3x512x32xf32, #tpu.memory_space<vmem>> -> memref<1x512x32xf32, #tpu.memory_space<vmem>>
        %gather3A_558 = tpu.memref_squeeze %gather3A_557 : memref<1x512x32xf32, #tpu.memory_space<vmem>> -> memref<512x32xf32, #tpu.memory_space<vmem>>
        %gather3A_559 = tpu.vector_load_idx %gather3A_558[%add3A_287, %broadcast_in_dim3A_554] : memref<512x32xf32, #tpu.memory_space<vmem>>[vector<16xi32>, vector<16xi32>], vector<16xf32>,
        %gather3A_560 = tpu.vector_load_idx %arg9[%sub3A_298, %broadcast_in_dim3A_554] : memref<512x32xf32, #tpu.memory_space<vmem>>[vector<16xi32>, vector<16xi32>], vector<16xf32>,
        %mul3A_561 = arith.mulf %gather3A_559, %gather3A_560 : vector<16xf32>
        %add3A_562 = arith.addf %add3A_552, %mul3A_561 : vector<16xf32>
        %broadcast_in_dim3A_563 = arith.constant 26 : i32
        %broadcast_in_dim3A_564 = vector.broadcast %broadcast_in_dim3A_563 : i32 to vector<16xi32>
        %gather3A_565 = arith.constant 0 : i32
        %gather3A_566 = arith.constant 0 : i32
        %gather3A_567 = tpu.memref_slice %arg11[%scan3A_143, %gather3A_565, %gather3A_566] : memref<3x512x32xf32, #tpu.memory_space<vmem>> -> memref<1x512x32xf32, #tpu.memory_space<vmem>>
        %gather3A_568 = tpu.memref_squeeze %gather3A_567 : memref<1x512x32xf32, #tpu.memory_space<vmem>> -> memref<512x32xf32, #tpu.memory_space<vmem>>
        %gather3A_569 = tpu.vector_load_idx %gather3A_568[%add3A_287, %broadcast_in_dim3A_564] : memref<512x32xf32, #tpu.memory_space<vmem>>[vector<16xi32>, vector<16xi32>], vector<16xf32>,
        %gather3A_570 = tpu.vector_load_idx %arg9[%sub3A_298, %broadcast_in_dim3A_564] : memref<512x32xf32, #tpu.memory_space<vmem>>[vector<16xi32>, vector<16xi32>], vector<16xf32>,
        %mul3A_571 = arith.mulf %gather3A_569, %gather3A_570 : vector<16xf32>
        %add3A_572 = arith.addf %add3A_562, %mul3A_571 : vector<16xf32>
        %broadcast_in_dim3A_573 = arith.constant 27 : i32
        %broadcast_in_dim3A_574 = vector.broadcast %broadcast_in_dim3A_573 : i32 to vector<16xi32>
        %gather3A_575 = arith.constant 0 : i32
        %gather3A_576 = arith.constant 0 : i32
        %gather3A_577 = tpu.memref_slice %arg11[%scan3A_143, %gather3A_575, %gather3A_576] : memref<3x512x32xf32, #tpu.memory_space<vmem>> -> memref<1x512x32xf32, #tpu.memory_space<vmem>>
        %gather3A_578 = tpu.memref_squeeze %gather3A_577 : memref<1x512x32xf32, #tpu.memory_space<vmem>> -> memref<512x32xf32, #tpu.memory_space<vmem>>
        %gather3A_579 = tpu.vector_load_idx %gather3A_578[%add3A_287, %broadcast_in_dim3A_574] : memref<512x32xf32, #tpu.memory_space<vmem>>[vector<16xi32>, vector<16xi32>], vector<16xf32>,
        %gather3A_580 = tpu.vector_load_idx %arg9[%sub3A_298, %broadcast_in_dim3A_574] : memref<512x32xf32, #tpu.memory_space<vmem>>[vector<16xi32>, vector<16xi32>], vector<16xf32>,
        %mul3A_581 = arith.mulf %gather3A_579, %gather3A_580 : vector<16xf32>
        %add3A_582 = arith.addf %add3A_572, %mul3A_581 : vector<16xf32>
        %broadcast_in_dim3A_583 = arith.constant 28 : i32
        %broadcast_in_dim3A_584 = vector.broadcast %broadcast_in_dim3A_583 : i32 to vector<16xi32>
        %gather3A_585 = arith.constant 0 : i32
        %gather3A_586 = arith.constant 0 : i32
        %gather3A_587 = tpu.memref_slice %arg11[%scan3A_143, %gather3A_585, %gather3A_586] : memref<3x512x32xf32, #tpu.memory_space<vmem>> -> memref<1x512x32xf32, #tpu.memory_space<vmem>>
        %gather3A_588 = tpu.memref_squeeze %gather3A_587 : memref<1x512x32xf32, #tpu.memory_space<vmem>> -> memref<512x32xf32, #tpu.memory_space<vmem>>
        %gather3A_589 = tpu.vector_load_idx %gather3A_588[%add3A_287, %broadcast_in_dim3A_584] : memref<512x32xf32, #tpu.memory_space<vmem>>[vector<16xi32>, vector<16xi32>], vector<16xf32>,
        %gather3A_590 = tpu.vector_load_idx %arg9[%sub3A_298, %broadcast_in_dim3A_584] : memref<512x32xf32, #tpu.memory_space<vmem>>[vector<16xi32>, vector<16xi32>], vector<16xf32>,
        %mul3A_591 = arith.mulf %gather3A_589, %gather3A_590 : vector<16xf32>
        %add3A_592 = arith.addf %add3A_582, %mul3A_591 : vector<16xf32>
        %broadcast_in_dim3A_593 = arith.constant 29 : i32
        %broadcast_in_dim3A_594 = vector.broadcast %broadcast_in_dim3A_593 : i32 to vector<16xi32>
        %gather3A_595 = arith.constant 0 : i32
        %gather3A_596 = arith.constant 0 : i32
        %gather3A_597 = tpu.memref_slice %arg11[%scan3A_143, %gather3A_595, %gather3A_596] : memref<3x512x32xf32, #tpu.memory_space<vmem>> -> memref<1x512x32xf32, #tpu.memory_space<vmem>>
        %gather3A_598 = tpu.memref_squeeze %gather3A_597 : memref<1x512x32xf32, #tpu.memory_space<vmem>> -> memref<512x32xf32, #tpu.memory_space<vmem>>
        %gather3A_599 = tpu.vector_load_idx %gather3A_598[%add3A_287, %broadcast_in_dim3A_594] : memref<512x32xf32, #tpu.memory_space<vmem>>[vector<16xi32>, vector<16xi32>], vector<16xf32>,
        %gather3A_600 = tpu.vector_load_idx %arg9[%sub3A_298, %broadcast_in_dim3A_594] : memref<512x32xf32, #tpu.memory_space<vmem>>[vector<16xi32>, vector<16xi32>], vector<16xf32>,
        %mul3A_601 = arith.mulf %gather3A_599, %gather3A_600 : vector<16xf32>
        %add3A_602 = arith.addf %add3A_592, %mul3A_601 : vector<16xf32>
        %broadcast_in_dim3A_603 = arith.constant 30 : i32
        %broadcast_in_dim3A_604 = vector.broadcast %broadcast_in_dim3A_603 : i32 to vector<16xi32>
        %gather3A_605 = arith.constant 0 : i32
        %gather3A_606 = arith.constant 0 : i32
        %gather3A_607 = tpu.memref_slice %arg11[%scan3A_143, %gather3A_605, %gather3A_606] : memref<3x512x32xf32, #tpu.memory_space<vmem>> -> memref<1x512x32xf32, #tpu.memory_space<vmem>>
        %gather3A_608 = tpu.memref_squeeze %gather3A_607 : memref<1x512x32xf32, #tpu.memory_space<vmem>> -> memref<512x32xf32, #tpu.memory_space<vmem>>
        %gather3A_609 = tpu.vector_load_idx %gather3A_608[%add3A_287, %broadcast_in_dim3A_604] : memref<512x32xf32, #tpu.memory_space<vmem>>[vector<16xi32>, vector<16xi32>], vector<16xf32>,
        %gather3A_610 = tpu.vector_load_idx %arg9[%sub3A_298, %broadcast_in_dim3A_604] : memref<512x32xf32, #tpu.memory_space<vmem>>[vector<16xi32>, vector<16xi32>], vector<16xf32>,
        %mul3A_611 = arith.mulf %gather3A_609, %gather3A_610 : vector<16xf32>
        %add3A_612 = arith.addf %add3A_602, %mul3A_611 : vector<16xf32>
        %broadcast_in_dim3A_613 = arith.constant 31 : i32
        %broadcast_in_dim3A_614 = vector.broadcast %broadcast_in_dim3A_613 : i32 to vector<16xi32>
        %gather3A_615 = arith.constant 0 : i32
        %gather3A_616 = arith.constant 0 : i32
        %gather3A_617 = tpu.memref_slice %arg11[%scan3A_143, %gather3A_615, %gather3A_616] : memref<3x512x32xf32, #tpu.memory_space<vmem>> -> memref<1x512x32xf32, #tpu.memory_space<vmem>>
        %gather3A_618 = tpu.memref_squeeze %gather3A_617 : memref<1x512x32xf32, #tpu.memory_space<vmem>> -> memref<512x32xf32, #tpu.memory_space<vmem>>
        %gather3A_619 = tpu.vector_load_idx %gather3A_618[%add3A_287, %broadcast_in_dim3A_614] : memref<512x32xf32, #tpu.memory_space<vmem>>[vector<16xi32>, vector<16xi32>], vector<16xf32>,
        %gather3A_620 = tpu.vector_load_idx %arg9[%sub3A_298, %broadcast_in_dim3A_614] : memref<512x32xf32, #tpu.memory_space<vmem>>[vector<16xi32>, vector<16xi32>], vector<16xf32>,
        %mul3A_621 = arith.mulf %gather3A_619, %gather3A_620 : vector<16xf32>
        %add3A_622 = arith.addf %add3A_612, %mul3A_621 : vector<16xf32>
        %mul3A_623 = arith.constant 512 : i32
        %mul3A_624 = arith.muli %add3A_118, %mul3A_623 : i32
        %mul3A_625 = arith.constant 16 : i32
        %mul3A_626 = arith.muli %scan3A_283, %mul3A_625 : i32
        %add3A_627 = arith.addi %mul3A_624, %mul3A_626 : i32
        %add3A_628 = vector.broadcast %add3A_627 : i32 to vector<16xi32>
        %add3A_629 = arith.addi %add3A_628, %iota3A : vector<16xi32>
        tpu.vector_store_idx %arg13[%add3A_629], %add3A_622 : memref<25600xf32, #tpu.memory_space<vmem>>[vector<16xi32>], vector<16xf32>,
      }
      %scan3A_148 = arith.constant 32 : i32
      %add3A_149 = arith.constant 2 : i32
      %add3A_150 = arith.addi %add3A_118, %add3A_149 : i32
      %dma_start3A_151 = arith.constant 2 : i32
      %dma_start3A_152 = arith.constant 0 : i32
      %dma_start3A_153 = arith.constant 0 : i32
      %dma_start3A_154 = tpu.memref_slice %arg11[%dma_start3A_151, %dma_start3A_152, %dma_start3A_153] : memref<3x512x32xf32, #tpu.memory_space<vmem>> -> memref<1x512x32xf32, #tpu.memory_space<vmem>>
      %dma_start3A_155 = tpu.memref_squeeze %dma_start3A_154 : memref<1x512x32xf32, #tpu.memory_space<vmem>> -> memref<512x32xf32, #tpu.memory_space<vmem>>
      %dma_start3A_156 = arith.constant 0 : i32
      %dma_start3A_157 = tpu.memref_slice %arg8[%add3A_150, %dma_start3A_156] : memref<50x512xi32, #tpu.memory_space<vmem>> -> memref<1x512xi32, #tpu.memory_space<vmem>>
      %dma_start3A_158 = tpu.memref_squeeze %dma_start3A_157 : memref<1x512xi32, #tpu.memory_space<vmem>> -> memref<512xi32, #tpu.memory_space<vmem>>
      %dma_start3A_159 = arith.constant 0 : i32
      %dma_start3A_160 = arith.constant 0 : i32
      %dma_start3A_161 = tpu.memref_slice %arg4[%dma_start3A_159, %dma_start3A_160] : memref<1000000x32xf32, #tpu.memory_space<hbm>> -> memref<1000000x32xf32, #tpu.memory_space<hbm>>
      tpu.enqueue_indirect_dma source(%dma_start3A_161 : memref<1000000x32xf32, #tpu.memory_space<hbm>>) target(%dma_start3A_155 : memref<512x32xf32, #tpu.memory_space<vmem>>) offsets(%dma_start3A_158 : memref<512xi32, #tpu.memory_space<vmem>>) semaphore(%arg16 : memref<!tpu.dma_semaphore, #tpu.memory_space<semaphore_mem>>)
      %dma_start3A_162 = arith.constant 2 : i32
      %dma_start3A_163 = arith.constant 0 : i32
      %dma_start3A_164 = tpu.memref_slice %arg12[%dma_start3A_162, %dma_start3A_163] : memref<3x512xf32, #tpu.memory_space<vmem>> -> memref<1x512xf32, #tpu.memory_space<vmem>>
      %dma_start3A_165 = tpu.memref_squeeze %dma_start3A_164 : memref<1x512xf32, #tpu.memory_space<vmem>> -> memref<512xf32, #tpu.memory_space<vmem>>
      %dma_start3A_166 = arith.constant 0 : i32
      %dma_start3A_167 = tpu.memref_slice %arg8[%add3A_150, %dma_start3A_166] : memref<50x512xi32, #tpu.memory_space<vmem>> -> memref<1x512xi32, #tpu.memory_space<vmem>>
      %dma_start3A_168 = tpu.memref_squeeze %dma_start3A_167 : memref<1x512xi32, #tpu.memory_space<vmem>> -> memref<512xi32, #tpu.memory_space<vmem>>
      %dma_start3A_169 = arith.constant 0 : i32
      %dma_start3A_170 = tpu.memref_slice %arg6[%dma_start3A_169] : memref<1000000xf32, #tpu.memory_space<hbm>> -> memref<1000000xf32, #tpu.memory_space<hbm>>
      tpu.enqueue_indirect_dma source(%dma_start3A_170 : memref<1000000xf32, #tpu.memory_space<hbm>>) target(%dma_start3A_165 : memref<512xf32, #tpu.memory_space<vmem>>) offsets(%dma_start3A_168 : memref<512xi32, #tpu.memory_space<vmem>>) semaphore(%arg16 : memref<!tpu.dma_semaphore, #tpu.memory_space<semaphore_mem>>)
      %mul3A_171 = arith.constant 3 : i32
      %mul3A_172 = arith.muli %mul3A_171, %scan3A_114 : i32
      %add3A_173 = arith.constant 1 : i32
      %add3A_174 = arith.addi %mul3A_172, %add3A_173 : i32
      %dma_wait3A_175 = arith.constant 0 : i32
      %dma_wait3A_176 = arith.constant 1 : i32
      %dma_wait3A_177 = arith.constant 0 : i32
      %dma_wait3A_178 = arith.constant 0 : i32
      %dma_wait3A_179 = tpu.memref_slice %arg11[%dma_wait3A_176, %dma_wait3A_177, %dma_wait3A_178] : memref<3x512x32xf32, #tpu.memory_space<vmem>> -> memref<1x512x32xf32, #tpu.memory_space<vmem>>
      %dma_wait3A_180 = tpu.memref_squeeze %dma_wait3A_179 : memref<1x512x32xf32, #tpu.memory_space<vmem>> -> memref<512x32xf32, #tpu.memory_space<vmem>>
      %dma_wait3A_181 = arith.constant 0 : i32
      %dma_wait3A_182 = tpu.memref_slice %arg8[%dma_wait3A_175, %dma_wait3A_181] : memref<50x512xi32, #tpu.memory_space<vmem>> -> memref<1x512xi32, #tpu.memory_space<vmem>>
      %dma_wait3A_183 = tpu.memref_squeeze %dma_wait3A_182 : memref<1x512xi32, #tpu.memory_space<vmem>> -> memref<512xi32, #tpu.memory_space<vmem>>
      %dma_wait3A_184 = arith.constant 0 : i32
      %dma_wait3A_185 = arith.constant 0 : i32
      %dma_wait3A_186 = tpu.memref_slice %arg4[%dma_wait3A_184, %dma_wait3A_185] : memref<1000000x32xf32, #tpu.memory_space<hbm>> -> memref<1000000x32xf32, #tpu.memory_space<hbm>>
      tpu.wait_indirect_dma semaphore(%arg15 : memref<!tpu.dma_semaphore, #tpu.memory_space<semaphore_mem>>) src(%dma_wait3A_186 : memref<1000000x32xf32, #tpu.memory_space<hbm>>) dst(%dma_wait3A_180 : memref<512x32xf32, #tpu.memory_space<vmem>>)
      %dma_wait3A_187 = arith.constant 0 : i32
      %dma_wait3A_188 = arith.constant 1 : i32
      %dma_wait3A_189 = arith.constant 0 : i32
      %dma_wait3A_190 = tpu.memref_slice %arg12[%dma_wait3A_188, %dma_wait3A_189] : memref<3x512xf32, #tpu.memory_space<vmem>> -> memref<1x512xf32, #tpu.memory_space<vmem>>
      %dma_wait3A_191 = tpu.memref_squeeze %dma_wait3A_190 : memref<1x512xf32, #tpu.memory_space<vmem>> -> memref<512xf32, #tpu.memory_space<vmem>>
      %dma_wait3A_192 = arith.constant 0 : i32
      %dma_wait3A_193 = tpu.memref_slice %arg8[%dma_wait3A_187, %dma_wait3A_192] : memref<50x512xi32, #tpu.memory_space<vmem>> -> memref<1x512xi32, #tpu.memory_space<vmem>>
      %dma_wait3A_194 = tpu.memref_squeeze %dma_wait3A_193 : memref<1x512xi32, #tpu.memory_space<vmem>> -> memref<512xi32, #tpu.memory_space<vmem>>
      %dma_wait3A_195 = arith.constant 0 : i32
      %dma_wait3A_196 = tpu.memref_slice %arg6[%dma_wait3A_195] : memref<1000000xf32, #tpu.memory_space<hbm>> -> memref<1000000xf32, #tpu.memory_space<hbm>>
      tpu.wait_indirect_dma semaphore(%arg15 : memref<!tpu.dma_semaphore, #tpu.memory_space<semaphore_mem>>) src(%dma_wait3A_196 : memref<1000000xf32, #tpu.memory_space<hbm>>) dst(%dma_wait3A_191 : memref<512xf32, #tpu.memory_space<vmem>>)
      %scan3A_197 = arith.constant 0 : i32
      %scan3A_198 = arith.constant 1 : i32
      %scan3A_199 = arith.constant 1 : i32
      %scan3A_200 = arith.constant 0 : i32
      %scan3A_201 = arith.constant 32 : i32
      %scan3A_202 = arith.addi %scan3A_200, %scan3A_201 : i32
      %scan3A_203 = arith.constant 1 : i32
      scf.for %scan3A_283 = %scan3A_200 to %scan3A_202 step %scan3A_203  : i32 {
        %mul3A_284 = arith.constant 16 : i32
        %mul3A_285 = arith.muli %scan3A_283, %mul3A_284 : i32
        %add3A_286 = vector.broadcast %mul3A_285 : i32 to vector<16xi32>
        %add3A_287 = arith.addi %add3A_286, %iota3A : vector<16xi32>
        %mul3A_288 = arith.constant 512 : i32
        %mul3A_289 = arith.muli %add3A_174, %mul3A_288 : i32
        %add3A_290 = arith.addi %mul3A_2, %mul3A_289 : i32
        %mul3A_291 = arith.constant 16 : i32
        %mul3A_292 = arith.muli %scan3A_283, %mul3A_291 : i32
        %add3A_293 = arith.addi %add3A_290, %mul3A_292 : i32
        %add3A_294 = vector.broadcast %add3A_293 : i32 to vector<16xi32>
        %add3A_295 = arith.addi %add3A_294, %iota3A : vector<16xi32>
        %div3A = arith.constant 50 : i32
        %div3A_296 = vector.broadcast %div3A : i32 to vector<16xi32>
        %div3A_297 = arith.divsi %add3A_295, %div3A_296 : vector<16xi32>
        %sub3A = vector.broadcast %mul3A_4 : i32 to vector<16xi32>
        %sub3A_298 = arith.subi %div3A_297, %sub3A : vector<16xi32>
        %gather3A = tpu.vector_load_idx %arg10[%sub3A_298] : memref<512xf32, #tpu.memory_space<vmem>>[vector<16xi32>], vector<16xf32>,
        %gather3A_299 = arith.constant 0 : i32
        %gather3A_300 = tpu.memref_slice %arg12[%scan3A_198, %gather3A_299] : memref<3x512xf32, #tpu.memory_space<vmem>> -> memref<1x512xf32, #tpu.memory_space<vmem>>
        %gather3A_301 = tpu.memref_squeeze %gather3A_300 : memref<1x512xf32, #tpu.memory_space<vmem>> -> memref<512xf32, #tpu.memory_space<vmem>>
        %gather3A_302 = tpu.vector_load_idx %gather3A_301[%add3A_287] : memref<512xf32, #tpu.memory_space<vmem>>[vector<16xi32>], vector<16xf32>,
        %add3A_303 = arith.addf %gather3A, %gather3A_302 : vector<16xf32>
        %broadcast_in_dim3A = arith.constant 0 : i32
        %broadcast_in_dim3A_304 = vector.broadcast %broadcast_in_dim3A : i32 to vector<16xi32>
        %gather3A_305 = arith.constant 0 : i32
        %gather3A_306 = arith.constant 0 : i32
        %gather3A_307 = tpu.memref_slice %arg11[%scan3A_199, %gather3A_305, %gather3A_306] : memref<3x512x32xf32, #tpu.memory_space<vmem>> -> memref<1x512x32xf32, #tpu.memory_space<vmem>>
        %gather3A_308 = tpu.memref_squeeze %gather3A_307 : memref<1x512x32xf32, #tpu.memory_space<vmem>> -> memref<512x32xf32, #tpu.memory_space<vmem>>
        %gather3A_309 = tpu.vector_load_idx %gather3A_308[%add3A_287, %broadcast_in_dim3A_304] : memref<512x32xf32, #tpu.memory_space<vmem>>[vector<16xi32>, vector<16xi32>], vector<16xf32>,
        %gather3A_310 = tpu.vector_load_idx %arg9[%sub3A_298, %broadcast_in_dim3A_304] : memref<512x32xf32, #tpu.memory_space<vmem>>[vector<16xi32>, vector<16xi32>], vector<16xf32>,
        %mul3A_311 = arith.mulf %gather3A_309, %gather3A_310 : vector<16xf32>
        %add3A_312 = arith.addf %add3A_303, %mul3A_311 : vector<16xf32>
        %broadcast_in_dim3A_313 = arith.constant 1 : i32
        %broadcast_in_dim3A_314 = vector.broadcast %broadcast_in_dim3A_313 : i32 to vector<16xi32>
        %gather3A_315 = arith.constant 0 : i32
        %gather3A_316 = arith.constant 0 : i32
        %gather3A_317 = tpu.memref_slice %arg11[%scan3A_199, %gather3A_315, %gather3A_316] : memref<3x512x32xf32, #tpu.memory_space<vmem>> -> memref<1x512x32xf32, #tpu.memory_space<vmem>>
        %gather3A_318 = tpu.memref_squeeze %gather3A_317 : memref<1x512x32xf32, #tpu.memory_space<vmem>> -> memref<512x32xf32, #tpu.memory_space<vmem>>
        %gather3A_319 = tpu.vector_load_idx %gather3A_318[%add3A_287, %broadcast_in_dim3A_314] : memref<512x32xf32, #tpu.memory_space<vmem>>[vector<16xi32>, vector<16xi32>], vector<16xf32>,
        %gather3A_320 = tpu.vector_load_idx %arg9[%sub3A_298, %broadcast_in_dim3A_314] : memref<512x32xf32, #tpu.memory_space<vmem>>[vector<16xi32>, vector<16xi32>], vector<16xf32>,
        %mul3A_321 = arith.mulf %gather3A_319, %gather3A_320 : vector<16xf32>
        %add3A_322 = arith.addf %add3A_312, %mul3A_321 : vector<16xf32>
        %broadcast_in_dim3A_323 = arith.constant 2 : i32
        %broadcast_in_dim3A_324 = vector.broadcast %broadcast_in_dim3A_323 : i32 to vector<16xi32>
        %gather3A_325 = arith.constant 0 : i32
        %gather3A_326 = arith.constant 0 : i32
        %gather3A_327 = tpu.memref_slice %arg11[%scan3A_199, %gather3A_325, %gather3A_326] : memref<3x512x32xf32, #tpu.memory_space<vmem>> -> memref<1x512x32xf32, #tpu.memory_space<vmem>>
        %gather3A_328 = tpu.memref_squeeze %gather3A_327 : memref<1x512x32xf32, #tpu.memory_space<vmem>> -> memref<512x32xf32, #tpu.memory_space<vmem>>
        %gather3A_329 = tpu.vector_load_idx %gather3A_328[%add3A_287, %broadcast_in_dim3A_324] : memref<512x32xf32, #tpu.memory_space<vmem>>[vector<16xi32>, vector<16xi32>], vector<16xf32>,
        %gather3A_330 = tpu.vector_load_idx %arg9[%sub3A_298, %broadcast_in_dim3A_324] : memref<512x32xf32, #tpu.memory_space<vmem>>[vector<16xi32>, vector<16xi32>], vector<16xf32>,
        %mul3A_331 = arith.mulf %gather3A_329, %gather3A_330 : vector<16xf32>
        %add3A_332 = arith.addf %add3A_322, %mul3A_331 : vector<16xf32>
        %broadcast_in_dim3A_333 = arith.constant 3 : i32
        %broadcast_in_dim3A_334 = vector.broadcast %broadcast_in_dim3A_333 : i32 to vector<16xi32>
        %gather3A_335 = arith.constant 0 : i32
        %gather3A_336 = arith.constant 0 : i32
        %gather3A_337 = tpu.memref_slice %arg11[%scan3A_199, %gather3A_335, %gather3A_336] : memref<3x512x32xf32, #tpu.memory_space<vmem>> -> memref<1x512x32xf32, #tpu.memory_space<vmem>>
        %gather3A_338 = tpu.memref_squeeze %gather3A_337 : memref<1x512x32xf32, #tpu.memory_space<vmem>> -> memref<512x32xf32, #tpu.memory_space<vmem>>
        %gather3A_339 = tpu.vector_load_idx %gather3A_338[%add3A_287, %broadcast_in_dim3A_334] : memref<512x32xf32, #tpu.memory_space<vmem>>[vector<16xi32>, vector<16xi32>], vector<16xf32>,
        %gather3A_340 = tpu.vector_load_idx %arg9[%sub3A_298, %broadcast_in_dim3A_334] : memref<512x32xf32, #tpu.memory_space<vmem>>[vector<16xi32>, vector<16xi32>], vector<16xf32>,
        %mul3A_341 = arith.mulf %gather3A_339, %gather3A_340 : vector<16xf32>
        %add3A_342 = arith.addf %add3A_332, %mul3A_341 : vector<16xf32>
        %broadcast_in_dim3A_343 = arith.constant 4 : i32
        %broadcast_in_dim3A_344 = vector.broadcast %broadcast_in_dim3A_343 : i32 to vector<16xi32>
        %gather3A_345 = arith.constant 0 : i32
        %gather3A_346 = arith.constant 0 : i32
        %gather3A_347 = tpu.memref_slice %arg11[%scan3A_199, %gather3A_345, %gather3A_346] : memref<3x512x32xf32, #tpu.memory_space<vmem>> -> memref<1x512x32xf32, #tpu.memory_space<vmem>>
        %gather3A_348 = tpu.memref_squeeze %gather3A_347 : memref<1x512x32xf32, #tpu.memory_space<vmem>> -> memref<512x32xf32, #tpu.memory_space<vmem>>
        %gather3A_349 = tpu.vector_load_idx %gather3A_348[%add3A_287, %broadcast_in_dim3A_344] : memref<512x32xf32, #tpu.memory_space<vmem>>[vector<16xi32>, vector<16xi32>], vector<16xf32>,
        %gather3A_350 = tpu.vector_load_idx %arg9[%sub3A_298, %broadcast_in_dim3A_344] : memref<512x32xf32, #tpu.memory_space<vmem>>[vector<16xi32>, vector<16xi32>], vector<16xf32>,
        %mul3A_351 = arith.mulf %gather3A_349, %gather3A_350 : vector<16xf32>
        %add3A_352 = arith.addf %add3A_342, %mul3A_351 : vector<16xf32>
        %broadcast_in_dim3A_353 = arith.constant 5 : i32
        %broadcast_in_dim3A_354 = vector.broadcast %broadcast_in_dim3A_353 : i32 to vector<16xi32>
        %gather3A_355 = arith.constant 0 : i32
        %gather3A_356 = arith.constant 0 : i32
        %gather3A_357 = tpu.memref_slice %arg11[%scan3A_199, %gather3A_355, %gather3A_356] : memref<3x512x32xf32, #tpu.memory_space<vmem>> -> memref<1x512x32xf32, #tpu.memory_space<vmem>>
        %gather3A_358 = tpu.memref_squeeze %gather3A_357 : memref<1x512x32xf32, #tpu.memory_space<vmem>> -> memref<512x32xf32, #tpu.memory_space<vmem>>
        %gather3A_359 = tpu.vector_load_idx %gather3A_358[%add3A_287, %broadcast_in_dim3A_354] : memref<512x32xf32, #tpu.memory_space<vmem>>[vector<16xi32>, vector<16xi32>], vector<16xf32>,
        %gather3A_360 = tpu.vector_load_idx %arg9[%sub3A_298, %broadcast_in_dim3A_354] : memref<512x32xf32, #tpu.memory_space<vmem>>[vector<16xi32>, vector<16xi32>], vector<16xf32>,
        %mul3A_361 = arith.mulf %gather3A_359, %gather3A_360 : vector<16xf32>
        %add3A_362 = arith.addf %add3A_352, %mul3A_361 : vector<16xf32>
        %broadcast_in_dim3A_363 = arith.constant 6 : i32
        %broadcast_in_dim3A_364 = vector.broadcast %broadcast_in_dim3A_363 : i32 to vector<16xi32>
        %gather3A_365 = arith.constant 0 : i32
        %gather3A_366 = arith.constant 0 : i32
        %gather3A_367 = tpu.memref_slice %arg11[%scan3A_199, %gather3A_365, %gather3A_366] : memref<3x512x32xf32, #tpu.memory_space<vmem>> -> memref<1x512x32xf32, #tpu.memory_space<vmem>>
        %gather3A_368 = tpu.memref_squeeze %gather3A_367 : memref<1x512x32xf32, #tpu.memory_space<vmem>> -> memref<512x32xf32, #tpu.memory_space<vmem>>
        %gather3A_369 = tpu.vector_load_idx %gather3A_368[%add3A_287, %broadcast_in_dim3A_364] : memref<512x32xf32, #tpu.memory_space<vmem>>[vector<16xi32>, vector<16xi32>], vector<16xf32>,
        %gather3A_370 = tpu.vector_load_idx %arg9[%sub3A_298, %broadcast_in_dim3A_364] : memref<512x32xf32, #tpu.memory_space<vmem>>[vector<16xi32>, vector<16xi32>], vector<16xf32>,
        %mul3A_371 = arith.mulf %gather3A_369, %gather3A_370 : vector<16xf32>
        %add3A_372 = arith.addf %add3A_362, %mul3A_371 : vector<16xf32>
        %broadcast_in_dim3A_373 = arith.constant 7 : i32
        %broadcast_in_dim3A_374 = vector.broadcast %broadcast_in_dim3A_373 : i32 to vector<16xi32>
        %gather3A_375 = arith.constant 0 : i32
        %gather3A_376 = arith.constant 0 : i32
        %gather3A_377 = tpu.memref_slice %arg11[%scan3A_199, %gather3A_375, %gather3A_376] : memref<3x512x32xf32, #tpu.memory_space<vmem>> -> memref<1x512x32xf32, #tpu.memory_space<vmem>>
        %gather3A_378 = tpu.memref_squeeze %gather3A_377 : memref<1x512x32xf32, #tpu.memory_space<vmem>> -> memref<512x32xf32, #tpu.memory_space<vmem>>
        %gather3A_379 = tpu.vector_load_idx %gather3A_378[%add3A_287, %broadcast_in_dim3A_374] : memref<512x32xf32, #tpu.memory_space<vmem>>[vector<16xi32>, vector<16xi32>], vector<16xf32>,
        %gather3A_380 = tpu.vector_load_idx %arg9[%sub3A_298, %broadcast_in_dim3A_374] : memref<512x32xf32, #tpu.memory_space<vmem>>[vector<16xi32>, vector<16xi32>], vector<16xf32>,
        %mul3A_381 = arith.mulf %gather3A_379, %gather3A_380 : vector<16xf32>
        %add3A_382 = arith.addf %add3A_372, %mul3A_381 : vector<16xf32>
        %broadcast_in_dim3A_383 = arith.constant 8 : i32
        %broadcast_in_dim3A_384 = vector.broadcast %broadcast_in_dim3A_383 : i32 to vector<16xi32>
        %gather3A_385 = arith.constant 0 : i32
        %gather3A_386 = arith.constant 0 : i32
        %gather3A_387 = tpu.memref_slice %arg11[%scan3A_199, %gather3A_385, %gather3A_386] : memref<3x512x32xf32, #tpu.memory_space<vmem>> -> memref<1x512x32xf32, #tpu.memory_space<vmem>>
        %gather3A_388 = tpu.memref_squeeze %gather3A_387 : memref<1x512x32xf32, #tpu.memory_space<vmem>> -> memref<512x32xf32, #tpu.memory_space<vmem>>
        %gather3A_389 = tpu.vector_load_idx %gather3A_388[%add3A_287, %broadcast_in_dim3A_384] : memref<512x32xf32, #tpu.memory_space<vmem>>[vector<16xi32>, vector<16xi32>], vector<16xf32>,
        %gather3A_390 = tpu.vector_load_idx %arg9[%sub3A_298, %broadcast_in_dim3A_384] : memref<512x32xf32, #tpu.memory_space<vmem>>[vector<16xi32>, vector<16xi32>], vector<16xf32>,
        %mul3A_391 = arith.mulf %gather3A_389, %gather3A_390 : vector<16xf32>
        %add3A_392 = arith.addf %add3A_382, %mul3A_391 : vector<16xf32>
        %broadcast_in_dim3A_393 = arith.constant 9 : i32
        %broadcast_in_dim3A_394 = vector.broadcast %broadcast_in_dim3A_393 : i32 to vector<16xi32>
        %gather3A_395 = arith.constant 0 : i32
        %gather3A_396 = arith.constant 0 : i32
        %gather3A_397 = tpu.memref_slice %arg11[%scan3A_199, %gather3A_395, %gather3A_396] : memref<3x512x32xf32, #tpu.memory_space<vmem>> -> memref<1x512x32xf32, #tpu.memory_space<vmem>>
        %gather3A_398 = tpu.memref_squeeze %gather3A_397 : memref<1x512x32xf32, #tpu.memory_space<vmem>> -> memref<512x32xf32, #tpu.memory_space<vmem>>
        %gather3A_399 = tpu.vector_load_idx %gather3A_398[%add3A_287, %broadcast_in_dim3A_394] : memref<512x32xf32, #tpu.memory_space<vmem>>[vector<16xi32>, vector<16xi32>], vector<16xf32>,
        %gather3A_400 = tpu.vector_load_idx %arg9[%sub3A_298, %broadcast_in_dim3A_394] : memref<512x32xf32, #tpu.memory_space<vmem>>[vector<16xi32>, vector<16xi32>], vector<16xf32>,
        %mul3A_401 = arith.mulf %gather3A_399, %gather3A_400 : vector<16xf32>
        %add3A_402 = arith.addf %add3A_392, %mul3A_401 : vector<16xf32>
        %broadcast_in_dim3A_403 = arith.constant 10 : i32
        %broadcast_in_dim3A_404 = vector.broadcast %broadcast_in_dim3A_403 : i32 to vector<16xi32>
        %gather3A_405 = arith.constant 0 : i32
        %gather3A_406 = arith.constant 0 : i32
        %gather3A_407 = tpu.memref_slice %arg11[%scan3A_199, %gather3A_405, %gather3A_406] : memref<3x512x32xf32, #tpu.memory_space<vmem>> -> memref<1x512x32xf32, #tpu.memory_space<vmem>>
        %gather3A_408 = tpu.memref_squeeze %gather3A_407 : memref<1x512x32xf32, #tpu.memory_space<vmem>> -> memref<512x32xf32, #tpu.memory_space<vmem>>
        %gather3A_409 = tpu.vector_load_idx %gather3A_408[%add3A_287, %broadcast_in_dim3A_404] : memref<512x32xf32, #tpu.memory_space<vmem>>[vector<16xi32>, vector<16xi32>], vector<16xf32>,
        %gather3A_410 = tpu.vector_load_idx %arg9[%sub3A_298, %broadcast_in_dim3A_404] : memref<512x32xf32, #tpu.memory_space<vmem>>[vector<16xi32>, vector<16xi32>], vector<16xf32>,
        %mul3A_411 = arith.mulf %gather3A_409, %gather3A_410 : vector<16xf32>
        %add3A_412 = arith.addf %add3A_402, %mul3A_411 : vector<16xf32>
        %broadcast_in_dim3A_413 = arith.constant 11 : i32
        %broadcast_in_dim3A_414 = vector.broadcast %broadcast_in_dim3A_413 : i32 to vector<16xi32>
        %gather3A_415 = arith.constant 0 : i32
        %gather3A_416 = arith.constant 0 : i32
        %gather3A_417 = tpu.memref_slice %arg11[%scan3A_199, %gather3A_415, %gather3A_416] : memref<3x512x32xf32, #tpu.memory_space<vmem>> -> memref<1x512x32xf32, #tpu.memory_space<vmem>>
        %gather3A_418 = tpu.memref_squeeze %gather3A_417 : memref<1x512x32xf32, #tpu.memory_space<vmem>> -> memref<512x32xf32, #tpu.memory_space<vmem>>
        %gather3A_419 = tpu.vector_load_idx %gather3A_418[%add3A_287, %broadcast_in_dim3A_414] : memref<512x32xf32, #tpu.memory_space<vmem>>[vector<16xi32>, vector<16xi32>], vector<16xf32>,
        %gather3A_420 = tpu.vector_load_idx %arg9[%sub3A_298, %broadcast_in_dim3A_414] : memref<512x32xf32, #tpu.memory_space<vmem>>[vector<16xi32>, vector<16xi32>], vector<16xf32>,
        %mul3A_421 = arith.mulf %gather3A_419, %gather3A_420 : vector<16xf32>
        %add3A_422 = arith.addf %add3A_412, %mul3A_421 : vector<16xf32>
        %broadcast_in_dim3A_423 = arith.constant 12 : i32
        %broadcast_in_dim3A_424 = vector.broadcast %broadcast_in_dim3A_423 : i32 to vector<16xi32>
        %gather3A_425 = arith.constant 0 : i32
        %gather3A_426 = arith.constant 0 : i32
        %gather3A_427 = tpu.memref_slice %arg11[%scan3A_199, %gather3A_425, %gather3A_426] : memref<3x512x32xf32, #tpu.memory_space<vmem>> -> memref<1x512x32xf32, #tpu.memory_space<vmem>>
        %gather3A_428 = tpu.memref_squeeze %gather3A_427 : memref<1x512x32xf32, #tpu.memory_space<vmem>> -> memref<512x32xf32, #tpu.memory_space<vmem>>
        %gather3A_429 = tpu.vector_load_idx %gather3A_428[%add3A_287, %broadcast_in_dim3A_424] : memref<512x32xf32, #tpu.memory_space<vmem>>[vector<16xi32>, vector<16xi32>], vector<16xf32>,
        %gather3A_430 = tpu.vector_load_idx %arg9[%sub3A_298, %broadcast_in_dim3A_424] : memref<512x32xf32, #tpu.memory_space<vmem>>[vector<16xi32>, vector<16xi32>], vector<16xf32>,
        %mul3A_431 = arith.mulf %gather3A_429, %gather3A_430 : vector<16xf32>
        %add3A_432 = arith.addf %add3A_422, %mul3A_431 : vector<16xf32>
        %broadcast_in_dim3A_433 = arith.constant 13 : i32
        %broadcast_in_dim3A_434 = vector.broadcast %broadcast_in_dim3A_433 : i32 to vector<16xi32>
        %gather3A_435 = arith.constant 0 : i32
        %gather3A_436 = arith.constant 0 : i32
        %gather3A_437 = tpu.memref_slice %arg11[%scan3A_199, %gather3A_435, %gather3A_436] : memref<3x512x32xf32, #tpu.memory_space<vmem>> -> memref<1x512x32xf32, #tpu.memory_space<vmem>>
        %gather3A_438 = tpu.memref_squeeze %gather3A_437 : memref<1x512x32xf32, #tpu.memory_space<vmem>> -> memref<512x32xf32, #tpu.memory_space<vmem>>
        %gather3A_439 = tpu.vector_load_idx %gather3A_438[%add3A_287, %broadcast_in_dim3A_434] : memref<512x32xf32, #tpu.memory_space<vmem>>[vector<16xi32>, vector<16xi32>], vector<16xf32>,
        %gather3A_440 = tpu.vector_load_idx %arg9[%sub3A_298, %broadcast_in_dim3A_434] : memref<512x32xf32, #tpu.memory_space<vmem>>[vector<16xi32>, vector<16xi32>], vector<16xf32>,
        %mul3A_441 = arith.mulf %gather3A_439, %gather3A_440 : vector<16xf32>
        %add3A_442 = arith.addf %add3A_432, %mul3A_441 : vector<16xf32>
        %broadcast_in_dim3A_443 = arith.constant 14 : i32
        %broadcast_in_dim3A_444 = vector.broadcast %broadcast_in_dim3A_443 : i32 to vector<16xi32>
        %gather3A_445 = arith.constant 0 : i32
        %gather3A_446 = arith.constant 0 : i32
        %gather3A_447 = tpu.memref_slice %arg11[%scan3A_199, %gather3A_445, %gather3A_446] : memref<3x512x32xf32, #tpu.memory_space<vmem>> -> memref<1x512x32xf32, #tpu.memory_space<vmem>>
        %gather3A_448 = tpu.memref_squeeze %gather3A_447 : memref<1x512x32xf32, #tpu.memory_space<vmem>> -> memref<512x32xf32, #tpu.memory_space<vmem>>
        %gather3A_449 = tpu.vector_load_idx %gather3A_448[%add3A_287, %broadcast_in_dim3A_444] : memref<512x32xf32, #tpu.memory_space<vmem>>[vector<16xi32>, vector<16xi32>], vector<16xf32>,
        %gather3A_450 = tpu.vector_load_idx %arg9[%sub3A_298, %broadcast_in_dim3A_444] : memref<512x32xf32, #tpu.memory_space<vmem>>[vector<16xi32>, vector<16xi32>], vector<16xf32>,
        %mul3A_451 = arith.mulf %gather3A_449, %gather3A_450 : vector<16xf32>
        %add3A_452 = arith.addf %add3A_442, %mul3A_451 : vector<16xf32>
        %broadcast_in_dim3A_453 = arith.constant 15 : i32
        %broadcast_in_dim3A_454 = vector.broadcast %broadcast_in_dim3A_453 : i32 to vector<16xi32>
        %gather3A_455 = arith.constant 0 : i32
        %gather3A_456 = arith.constant 0 : i32
        %gather3A_457 = tpu.memref_slice %arg11[%scan3A_199, %gather3A_455, %gather3A_456] : memref<3x512x32xf32, #tpu.memory_space<vmem>> -> memref<1x512x32xf32, #tpu.memory_space<vmem>>
        %gather3A_458 = tpu.memref_squeeze %gather3A_457 : memref<1x512x32xf32, #tpu.memory_space<vmem>> -> memref<512x32xf32, #tpu.memory_space<vmem>>
        %gather3A_459 = tpu.vector_load_idx %gather3A_458[%add3A_287, %broadcast_in_dim3A_454] : memref<512x32xf32, #tpu.memory_space<vmem>>[vector<16xi32>, vector<16xi32>], vector<16xf32>,
        %gather3A_460 = tpu.vector_load_idx %arg9[%sub3A_298, %broadcast_in_dim3A_454] : memref<512x32xf32, #tpu.memory_space<vmem>>[vector<16xi32>, vector<16xi32>], vector<16xf32>,
        %mul3A_461 = arith.mulf %gather3A_459, %gather3A_460 : vector<16xf32>
        %add3A_462 = arith.addf %add3A_452, %mul3A_461 : vector<16xf32>
        %broadcast_in_dim3A_463 = arith.constant 16 : i32
        %broadcast_in_dim3A_464 = vector.broadcast %broadcast_in_dim3A_463 : i32 to vector<16xi32>
        %gather3A_465 = arith.constant 0 : i32
        %gather3A_466 = arith.constant 0 : i32
        %gather3A_467 = tpu.memref_slice %arg11[%scan3A_199, %gather3A_465, %gather3A_466] : memref<3x512x32xf32, #tpu.memory_space<vmem>> -> memref<1x512x32xf32, #tpu.memory_space<vmem>>
        %gather3A_468 = tpu.memref_squeeze %gather3A_467 : memref<1x512x32xf32, #tpu.memory_space<vmem>> -> memref<512x32xf32, #tpu.memory_space<vmem>>
        %gather3A_469 = tpu.vector_load_idx %gather3A_468[%add3A_287, %broadcast_in_dim3A_464] : memref<512x32xf32, #tpu.memory_space<vmem>>[vector<16xi32>, vector<16xi32>], vector<16xf32>,
        %gather3A_470 = tpu.vector_load_idx %arg9[%sub3A_298, %broadcast_in_dim3A_464] : memref<512x32xf32, #tpu.memory_space<vmem>>[vector<16xi32>, vector<16xi32>], vector<16xf32>,
        %mul3A_471 = arith.mulf %gather3A_469, %gather3A_470 : vector<16xf32>
        %add3A_472 = arith.addf %add3A_462, %mul3A_471 : vector<16xf32>
        %broadcast_in_dim3A_473 = arith.constant 17 : i32
        %broadcast_in_dim3A_474 = vector.broadcast %broadcast_in_dim3A_473 : i32 to vector<16xi32>
        %gather3A_475 = arith.constant 0 : i32
        %gather3A_476 = arith.constant 0 : i32
        %gather3A_477 = tpu.memref_slice %arg11[%scan3A_199, %gather3A_475, %gather3A_476] : memref<3x512x32xf32, #tpu.memory_space<vmem>> -> memref<1x512x32xf32, #tpu.memory_space<vmem>>
        %gather3A_478 = tpu.memref_squeeze %gather3A_477 : memref<1x512x32xf32, #tpu.memory_space<vmem>> -> memref<512x32xf32, #tpu.memory_space<vmem>>
        %gather3A_479 = tpu.vector_load_idx %gather3A_478[%add3A_287, %broadcast_in_dim3A_474] : memref<512x32xf32, #tpu.memory_space<vmem>>[vector<16xi32>, vector<16xi32>], vector<16xf32>,
        %gather3A_480 = tpu.vector_load_idx %arg9[%sub3A_298, %broadcast_in_dim3A_474] : memref<512x32xf32, #tpu.memory_space<vmem>>[vector<16xi32>, vector<16xi32>], vector<16xf32>,
        %mul3A_481 = arith.mulf %gather3A_479, %gather3A_480 : vector<16xf32>
        %add3A_482 = arith.addf %add3A_472, %mul3A_481 : vector<16xf32>
        %broadcast_in_dim3A_483 = arith.constant 18 : i32
        %broadcast_in_dim3A_484 = vector.broadcast %broadcast_in_dim3A_483 : i32 to vector<16xi32>
        %gather3A_485 = arith.constant 0 : i32
        %gather3A_486 = arith.constant 0 : i32
        %gather3A_487 = tpu.memref_slice %arg11[%scan3A_199, %gather3A_485, %gather3A_486] : memref<3x512x32xf32, #tpu.memory_space<vmem>> -> memref<1x512x32xf32, #tpu.memory_space<vmem>>
        %gather3A_488 = tpu.memref_squeeze %gather3A_487 : memref<1x512x32xf32, #tpu.memory_space<vmem>> -> memref<512x32xf32, #tpu.memory_space<vmem>>
        %gather3A_489 = tpu.vector_load_idx %gather3A_488[%add3A_287, %broadcast_in_dim3A_484] : memref<512x32xf32, #tpu.memory_space<vmem>>[vector<16xi32>, vector<16xi32>], vector<16xf32>,
        %gather3A_490 = tpu.vector_load_idx %arg9[%sub3A_298, %broadcast_in_dim3A_484] : memref<512x32xf32, #tpu.memory_space<vmem>>[vector<16xi32>, vector<16xi32>], vector<16xf32>,
        %mul3A_491 = arith.mulf %gather3A_489, %gather3A_490 : vector<16xf32>
        %add3A_492 = arith.addf %add3A_482, %mul3A_491 : vector<16xf32>
        %broadcast_in_dim3A_493 = arith.constant 19 : i32
        %broadcast_in_dim3A_494 = vector.broadcast %broadcast_in_dim3A_493 : i32 to vector<16xi32>
        %gather3A_495 = arith.constant 0 : i32
        %gather3A_496 = arith.constant 0 : i32
        %gather3A_497 = tpu.memref_slice %arg11[%scan3A_199, %gather3A_495, %gather3A_496] : memref<3x512x32xf32, #tpu.memory_space<vmem>> -> memref<1x512x32xf32, #tpu.memory_space<vmem>>
        %gather3A_498 = tpu.memref_squeeze %gather3A_497 : memref<1x512x32xf32, #tpu.memory_space<vmem>> -> memref<512x32xf32, #tpu.memory_space<vmem>>
        %gather3A_499 = tpu.vector_load_idx %gather3A_498[%add3A_287, %broadcast_in_dim3A_494] : memref<512x32xf32, #tpu.memory_space<vmem>>[vector<16xi32>, vector<16xi32>], vector<16xf32>,
        %gather3A_500 = tpu.vector_load_idx %arg9[%sub3A_298, %broadcast_in_dim3A_494] : memref<512x32xf32, #tpu.memory_space<vmem>>[vector<16xi32>, vector<16xi32>], vector<16xf32>,
        %mul3A_501 = arith.mulf %gather3A_499, %gather3A_500 : vector<16xf32>
        %add3A_502 = arith.addf %add3A_492, %mul3A_501 : vector<16xf32>
        %broadcast_in_dim3A_503 = arith.constant 20 : i32
        %broadcast_in_dim3A_504 = vector.broadcast %broadcast_in_dim3A_503 : i32 to vector<16xi32>
        %gather3A_505 = arith.constant 0 : i32
        %gather3A_506 = arith.constant 0 : i32
        %gather3A_507 = tpu.memref_slice %arg11[%scan3A_199, %gather3A_505, %gather3A_506] : memref<3x512x32xf32, #tpu.memory_space<vmem>> -> memref<1x512x32xf32, #tpu.memory_space<vmem>>
        %gather3A_508 = tpu.memref_squeeze %gather3A_507 : memref<1x512x32xf32, #tpu.memory_space<vmem>> -> memref<512x32xf32, #tpu.memory_space<vmem>>
        %gather3A_509 = tpu.vector_load_idx %gather3A_508[%add3A_287, %broadcast_in_dim3A_504] : memref<512x32xf32, #tpu.memory_space<vmem>>[vector<16xi32>, vector<16xi32>], vector<16xf32>,
        %gather3A_510 = tpu.vector_load_idx %arg9[%sub3A_298, %broadcast_in_dim3A_504] : memref<512x32xf32, #tpu.memory_space<vmem>>[vector<16xi32>, vector<16xi32>], vector<16xf32>,
        %mul3A_511 = arith.mulf %gather3A_509, %gather3A_510 : vector<16xf32>
        %add3A_512 = arith.addf %add3A_502, %mul3A_511 : vector<16xf32>
        %broadcast_in_dim3A_513 = arith.constant 21 : i32
        %broadcast_in_dim3A_514 = vector.broadcast %broadcast_in_dim3A_513 : i32 to vector<16xi32>
        %gather3A_515 = arith.constant 0 : i32
        %gather3A_516 = arith.constant 0 : i32
        %gather3A_517 = tpu.memref_slice %arg11[%scan3A_199, %gather3A_515, %gather3A_516] : memref<3x512x32xf32, #tpu.memory_space<vmem>> -> memref<1x512x32xf32, #tpu.memory_space<vmem>>
        %gather3A_518 = tpu.memref_squeeze %gather3A_517 : memref<1x512x32xf32, #tpu.memory_space<vmem>> -> memref<512x32xf32, #tpu.memory_space<vmem>>
        %gather3A_519 = tpu.vector_load_idx %gather3A_518[%add3A_287, %broadcast_in_dim3A_514] : memref<512x32xf32, #tpu.memory_space<vmem>>[vector<16xi32>, vector<16xi32>], vector<16xf32>,
        %gather3A_520 = tpu.vector_load_idx %arg9[%sub3A_298, %broadcast_in_dim3A_514] : memref<512x32xf32, #tpu.memory_space<vmem>>[vector<16xi32>, vector<16xi32>], vector<16xf32>,
        %mul3A_521 = arith.mulf %gather3A_519, %gather3A_520 : vector<16xf32>
        %add3A_522 = arith.addf %add3A_512, %mul3A_521 : vector<16xf32>
        %broadcast_in_dim3A_523 = arith.constant 22 : i32
        %broadcast_in_dim3A_524 = vector.broadcast %broadcast_in_dim3A_523 : i32 to vector<16xi32>
        %gather3A_525 = arith.constant 0 : i32
        %gather3A_526 = arith.constant 0 : i32
        %gather3A_527 = tpu.memref_slice %arg11[%scan3A_199, %gather3A_525, %gather3A_526] : memref<3x512x32xf32, #tpu.memory_space<vmem>> -> memref<1x512x32xf32, #tpu.memory_space<vmem>>
        %gather3A_528 = tpu.memref_squeeze %gather3A_527 : memref<1x512x32xf32, #tpu.memory_space<vmem>> -> memref<512x32xf32, #tpu.memory_space<vmem>>
        %gather3A_529 = tpu.vector_load_idx %gather3A_528[%add3A_287, %broadcast_in_dim3A_524] : memref<512x32xf32, #tpu.memory_space<vmem>>[vector<16xi32>, vector<16xi32>], vector<16xf32>,
        %gather3A_530 = tpu.vector_load_idx %arg9[%sub3A_298, %broadcast_in_dim3A_524] : memref<512x32xf32, #tpu.memory_space<vmem>>[vector<16xi32>, vector<16xi32>], vector<16xf32>,
        %mul3A_531 = arith.mulf %gather3A_529, %gather3A_530 : vector<16xf32>
        %add3A_532 = arith.addf %add3A_522, %mul3A_531 : vector<16xf32>
        %broadcast_in_dim3A_533 = arith.constant 23 : i32
        %broadcast_in_dim3A_534 = vector.broadcast %broadcast_in_dim3A_533 : i32 to vector<16xi32>
        %gather3A_535 = arith.constant 0 : i32
        %gather3A_536 = arith.constant 0 : i32
        %gather3A_537 = tpu.memref_slice %arg11[%scan3A_199, %gather3A_535, %gather3A_536] : memref<3x512x32xf32, #tpu.memory_space<vmem>> -> memref<1x512x32xf32, #tpu.memory_space<vmem>>
        %gather3A_538 = tpu.memref_squeeze %gather3A_537 : memref<1x512x32xf32, #tpu.memory_space<vmem>> -> memref<512x32xf32, #tpu.memory_space<vmem>>
        %gather3A_539 = tpu.vector_load_idx %gather3A_538[%add3A_287, %broadcast_in_dim3A_534] : memref<512x32xf32, #tpu.memory_space<vmem>>[vector<16xi32>, vector<16xi32>], vector<16xf32>,
        %gather3A_540 = tpu.vector_load_idx %arg9[%sub3A_298, %broadcast_in_dim3A_534] : memref<512x32xf32, #tpu.memory_space<vmem>>[vector<16xi32>, vector<16xi32>], vector<16xf32>,
        %mul3A_541 = arith.mulf %gather3A_539, %gather3A_540 : vector<16xf32>
        %add3A_542 = arith.addf %add3A_532, %mul3A_541 : vector<16xf32>
        %broadcast_in_dim3A_543 = arith.constant 24 : i32
        %broadcast_in_dim3A_544 = vector.broadcast %broadcast_in_dim3A_543 : i32 to vector<16xi32>
        %gather3A_545 = arith.constant 0 : i32
        %gather3A_546 = arith.constant 0 : i32
        %gather3A_547 = tpu.memref_slice %arg11[%scan3A_199, %gather3A_545, %gather3A_546] : memref<3x512x32xf32, #tpu.memory_space<vmem>> -> memref<1x512x32xf32, #tpu.memory_space<vmem>>
        %gather3A_548 = tpu.memref_squeeze %gather3A_547 : memref<1x512x32xf32, #tpu.memory_space<vmem>> -> memref<512x32xf32, #tpu.memory_space<vmem>>
        %gather3A_549 = tpu.vector_load_idx %gather3A_548[%add3A_287, %broadcast_in_dim3A_544] : memref<512x32xf32, #tpu.memory_space<vmem>>[vector<16xi32>, vector<16xi32>], vector<16xf32>,
        %gather3A_550 = tpu.vector_load_idx %arg9[%sub3A_298, %broadcast_in_dim3A_544] : memref<512x32xf32, #tpu.memory_space<vmem>>[vector<16xi32>, vector<16xi32>], vector<16xf32>,
        %mul3A_551 = arith.mulf %gather3A_549, %gather3A_550 : vector<16xf32>
        %add3A_552 = arith.addf %add3A_542, %mul3A_551 : vector<16xf32>
        %broadcast_in_dim3A_553 = arith.constant 25 : i32
        %broadcast_in_dim3A_554 = vector.broadcast %broadcast_in_dim3A_553 : i32 to vector<16xi32>
        %gather3A_555 = arith.constant 0 : i32
        %gather3A_556 = arith.constant 0 : i32
        %gather3A_557 = tpu.memref_slice %arg11[%scan3A_199, %gather3A_555, %gather3A_556] : memref<3x512x32xf32, #tpu.memory_space<vmem>> -> memref<1x512x32xf32, #tpu.memory_space<vmem>>
        %gather3A_558 = tpu.memref_squeeze %gather3A_557 : memref<1x512x32xf32, #tpu.memory_space<vmem>> -> memref<512x32xf32, #tpu.memory_space<vmem>>
        %gather3A_559 = tpu.vector_load_idx %gather3A_558[%add3A_287, %broadcast_in_dim3A_554] : memref<512x32xf32, #tpu.memory_space<vmem>>[vector<16xi32>, vector<16xi32>], vector<16xf32>,
        %gather3A_560 = tpu.vector_load_idx %arg9[%sub3A_298, %broadcast_in_dim3A_554] : memref<512x32xf32, #tpu.memory_space<vmem>>[vector<16xi32>, vector<16xi32>], vector<16xf32>,
        %mul3A_561 = arith.mulf %gather3A_559, %gather3A_560 : vector<16xf32>
        %add3A_562 = arith.addf %add3A_552, %mul3A_561 : vector<16xf32>
        %broadcast_in_dim3A_563 = arith.constant 26 : i32
        %broadcast_in_dim3A_564 = vector.broadcast %broadcast_in_dim3A_563 : i32 to vector<16xi32>
        %gather3A_565 = arith.constant 0 : i32
        %gather3A_566 = arith.constant 0 : i32
        %gather3A_567 = tpu.memref_slice %arg11[%scan3A_199, %gather3A_565, %gather3A_566] : memref<3x512x32xf32, #tpu.memory_space<vmem>> -> memref<1x512x32xf32, #tpu.memory_space<vmem>>
        %gather3A_568 = tpu.memref_squeeze %gather3A_567 : memref<1x512x32xf32, #tpu.memory_space<vmem>> -> memref<512x32xf32, #tpu.memory_space<vmem>>
        %gather3A_569 = tpu.vector_load_idx %gather3A_568[%add3A_287, %broadcast_in_dim3A_564] : memref<512x32xf32, #tpu.memory_space<vmem>>[vector<16xi32>, vector<16xi32>], vector<16xf32>,
        %gather3A_570 = tpu.vector_load_idx %arg9[%sub3A_298, %broadcast_in_dim3A_564] : memref<512x32xf32, #tpu.memory_space<vmem>>[vector<16xi32>, vector<16xi32>], vector<16xf32>,
        %mul3A_571 = arith.mulf %gather3A_569, %gather3A_570 : vector<16xf32>
        %add3A_572 = arith.addf %add3A_562, %mul3A_571 : vector<16xf32>
        %broadcast_in_dim3A_573 = arith.constant 27 : i32
        %broadcast_in_dim3A_574 = vector.broadcast %broadcast_in_dim3A_573 : i32 to vector<16xi32>
        %gather3A_575 = arith.constant 0 : i32
        %gather3A_576 = arith.constant 0 : i32
        %gather3A_577 = tpu.memref_slice %arg11[%scan3A_199, %gather3A_575, %gather3A_576] : memref<3x512x32xf32, #tpu.memory_space<vmem>> -> memref<1x512x32xf32, #tpu.memory_space<vmem>>
        %gather3A_578 = tpu.memref_squeeze %gather3A_577 : memref<1x512x32xf32, #tpu.memory_space<vmem>> -> memref<512x32xf32, #tpu.memory_space<vmem>>
        %gather3A_579 = tpu.vector_load_idx %gather3A_578[%add3A_287, %broadcast_in_dim3A_574] : memref<512x32xf32, #tpu.memory_space<vmem>>[vector<16xi32>, vector<16xi32>], vector<16xf32>,
        %gather3A_580 = tpu.vector_load_idx %arg9[%sub3A_298, %broadcast_in_dim3A_574] : memref<512x32xf32, #tpu.memory_space<vmem>>[vector<16xi32>, vector<16xi32>], vector<16xf32>,
        %mul3A_581 = arith.mulf %gather3A_579, %gather3A_580 : vector<16xf32>
        %add3A_582 = arith.addf %add3A_572, %mul3A_581 : vector<16xf32>
        %broadcast_in_dim3A_583 = arith.constant 28 : i32
        %broadcast_in_dim3A_584 = vector.broadcast %broadcast_in_dim3A_583 : i32 to vector<16xi32>
        %gather3A_585 = arith.constant 0 : i32
        %gather3A_586 = arith.constant 0 : i32
        %gather3A_587 = tpu.memref_slice %arg11[%scan3A_199, %gather3A_585, %gather3A_586] : memref<3x512x32xf32, #tpu.memory_space<vmem>> -> memref<1x512x32xf32, #tpu.memory_space<vmem>>
        %gather3A_588 = tpu.memref_squeeze %gather3A_587 : memref<1x512x32xf32, #tpu.memory_space<vmem>> -> memref<512x32xf32, #tpu.memory_space<vmem>>
        %gather3A_589 = tpu.vector_load_idx %gather3A_588[%add3A_287, %broadcast_in_dim3A_584] : memref<512x32xf32, #tpu.memory_space<vmem>>[vector<16xi32>, vector<16xi32>], vector<16xf32>,
        %gather3A_590 = tpu.vector_load_idx %arg9[%sub3A_298, %broadcast_in_dim3A_584] : memref<512x32xf32, #tpu.memory_space<vmem>>[vector<16xi32>, vector<16xi32>], vector<16xf32>,
        %mul3A_591 = arith.mulf %gather3A_589, %gather3A_590 : vector<16xf32>
        %add3A_592 = arith.addf %add3A_582, %mul3A_591 : vector<16xf32>
        %broadcast_in_dim3A_593 = arith.constant 29 : i32
        %broadcast_in_dim3A_594 = vector.broadcast %broadcast_in_dim3A_593 : i32 to vector<16xi32>
        %gather3A_595 = arith.constant 0 : i32
        %gather3A_596 = arith.constant 0 : i32
        %gather3A_597 = tpu.memref_slice %arg11[%scan3A_199, %gather3A_595, %gather3A_596] : memref<3x512x32xf32, #tpu.memory_space<vmem>> -> memref<1x512x32xf32, #tpu.memory_space<vmem>>
        %gather3A_598 = tpu.memref_squeeze %gather3A_597 : memref<1x512x32xf32, #tpu.memory_space<vmem>> -> memref<512x32xf32, #tpu.memory_space<vmem>>
        %gather3A_599 = tpu.vector_load_idx %gather3A_598[%add3A_287, %broadcast_in_dim3A_594] : memref<512x32xf32, #tpu.memory_space<vmem>>[vector<16xi32>, vector<16xi32>], vector<16xf32>,
        %gather3A_600 = tpu.vector_load_idx %arg9[%sub3A_298, %broadcast_in_dim3A_594] : memref<512x32xf32, #tpu.memory_space<vmem>>[vector<16xi32>, vector<16xi32>], vector<16xf32>,
        %mul3A_601 = arith.mulf %gather3A_599, %gather3A_600 : vector<16xf32>
        %add3A_602 = arith.addf %add3A_592, %mul3A_601 : vector<16xf32>
        %broadcast_in_dim3A_603 = arith.constant 30 : i32
        %broadcast_in_dim3A_604 = vector.broadcast %broadcast_in_dim3A_603 : i32 to vector<16xi32>
        %gather3A_605 = arith.constant 0 : i32
        %gather3A_606 = arith.constant 0 : i32
        %gather3A_607 = tpu.memref_slice %arg11[%scan3A_199, %gather3A_605, %gather3A_606] : memref<3x512x32xf32, #tpu.memory_space<vmem>> -> memref<1x512x32xf32, #tpu.memory_space<vmem>>
        %gather3A_608 = tpu.memref_squeeze %gather3A_607 : memref<1x512x32xf32, #tpu.memory_space<vmem>> -> memref<512x32xf32, #tpu.memory_space<vmem>>
        %gather3A_609 = tpu.vector_load_idx %gather3A_608[%add3A_287, %broadcast_in_dim3A_604] : memref<512x32xf32, #tpu.memory_space<vmem>>[vector<16xi32>, vector<16xi32>], vector<16xf32>,
        %gather3A_610 = tpu.vector_load_idx %arg9[%sub3A_298, %broadcast_in_dim3A_604] : memref<512x32xf32, #tpu.memory_space<vmem>>[vector<16xi32>, vector<16xi32>], vector<16xf32>,
        %mul3A_611 = arith.mulf %gather3A_609, %gather3A_610 : vector<16xf32>
        %add3A_612 = arith.addf %add3A_602, %mul3A_611 : vector<16xf32>
        %broadcast_in_dim3A_613 = arith.constant 31 : i32
        %broadcast_in_dim3A_614 = vector.broadcast %broadcast_in_dim3A_613 : i32 to vector<16xi32>
        %gather3A_615 = arith.constant 0 : i32
        %gather3A_616 = arith.constant 0 : i32
        %gather3A_617 = tpu.memref_slice %arg11[%scan3A_199, %gather3A_615, %gather3A_616] : memref<3x512x32xf32, #tpu.memory_space<vmem>> -> memref<1x512x32xf32, #tpu.memory_space<vmem>>
        %gather3A_618 = tpu.memref_squeeze %gather3A_617 : memref<1x512x32xf32, #tpu.memory_space<vmem>> -> memref<512x32xf32, #tpu.memory_space<vmem>>
        %gather3A_619 = tpu.vector_load_idx %gather3A_618[%add3A_287, %broadcast_in_dim3A_614] : memref<512x32xf32, #tpu.memory_space<vmem>>[vector<16xi32>, vector<16xi32>], vector<16xf32>,
        %gather3A_620 = tpu.vector_load_idx %arg9[%sub3A_298, %broadcast_in_dim3A_614] : memref<512x32xf32, #tpu.memory_space<vmem>>[vector<16xi32>, vector<16xi32>], vector<16xf32>,
        %mul3A_621 = arith.mulf %gather3A_619, %gather3A_620 : vector<16xf32>
        %add3A_622 = arith.addf %add3A_612, %mul3A_621 : vector<16xf32>
        %mul3A_623 = arith.constant 512 : i32
        %mul3A_624 = arith.muli %add3A_174, %mul3A_623 : i32
        %mul3A_625 = arith.constant 16 : i32
        %mul3A_626 = arith.muli %scan3A_283, %mul3A_625 : i32
        %add3A_627 = arith.addi %mul3A_624, %mul3A_626 : i32
        %add3A_628 = vector.broadcast %add3A_627 : i32 to vector<16xi32>
        %add3A_629 = arith.addi %add3A_628, %iota3A : vector<16xi32>
        tpu.vector_store_idx %arg13[%add3A_629], %add3A_622 : memref<25600xf32, #tpu.memory_space<vmem>>[vector<16xi32>], vector<16xf32>,
      }
      %scan3A_204 = arith.constant 32 : i32
      %add3A_205 = arith.constant 2 : i32
      %add3A_206 = arith.addi %add3A_174, %add3A_205 : i32
      %dma_start3A_207 = arith.constant 0 : i32
      %dma_start3A_208 = arith.constant 0 : i32
      %dma_start3A_209 = arith.constant 0 : i32
      %dma_start3A_210 = tpu.memref_slice %arg11[%dma_start3A_207, %dma_start3A_208, %dma_start3A_209] : memref<3x512x32xf32, #tpu.memory_space<vmem>> -> memref<1x512x32xf32, #tpu.memory_space<vmem>>
      %dma_start3A_211 = tpu.memref_squeeze %dma_start3A_210 : memref<1x512x32xf32, #tpu.memory_space<vmem>> -> memref<512x32xf32, #tpu.memory_space<vmem>>
      %dma_start3A_212 = arith.constant 0 : i32
      %dma_start3A_213 = tpu.memref_slice %arg8[%add3A_206, %dma_start3A_212] : memref<50x512xi32, #tpu.memory_space<vmem>> -> memref<1x512xi32, #tpu.memory_space<vmem>>
      %dma_start3A_214 = tpu.memref_squeeze %dma_start3A_213 : memref<1x512xi32, #tpu.memory_space<vmem>> -> memref<512xi32, #tpu.memory_space<vmem>>
      %dma_start3A_215 = arith.constant 0 : i32
      %dma_start3A_216 = arith.constant 0 : i32
      %dma_start3A_217 = tpu.memref_slice %arg4[%dma_start3A_215, %dma_start3A_216] : memref<1000000x32xf32, #tpu.memory_space<hbm>> -> memref<1000000x32xf32, #tpu.memory_space<hbm>>
      tpu.enqueue_indirect_dma source(%dma_start3A_217 : memref<1000000x32xf32, #tpu.memory_space<hbm>>) target(%dma_start3A_211 : memref<512x32xf32, #tpu.memory_space<vmem>>) offsets(%dma_start3A_214 : memref<512xi32, #tpu.memory_space<vmem>>) semaphore(%arg14 : memref<!tpu.dma_semaphore, #tpu.memory_space<semaphore_mem>>)
      %dma_start3A_218 = arith.constant 0 : i32
      %dma_start3A_219 = arith.constant 0 : i32
      %dma_start3A_220 = tpu.memref_slice %arg12[%dma_start3A_218, %dma_start3A_219] : memref<3x512xf32, #tpu.memory_space<vmem>> -> memref<1x512xf32, #tpu.memory_space<vmem>>
      %dma_start3A_221 = tpu.memref_squeeze %dma_start3A_220 : memref<1x512xf32, #tpu.memory_space<vmem>> -> memref<512xf32, #tpu.memory_space<vmem>>
      %dma_start3A_222 = arith.constant 0 : i32
      %dma_start3A_223 = tpu.memref_slice %arg8[%add3A_206, %dma_start3A_222] : memref<50x512xi32, #tpu.memory_space<vmem>> -> memref<1x512xi32, #tpu.memory_space<vmem>>
      %dma_start3A_224 = tpu.memref_squeeze %dma_start3A_223 : memref<1x512xi32, #tpu.memory_space<vmem>> -> memref<512xi32, #tpu.memory_space<vmem>>
      %dma_start3A_225 = arith.constant 0 : i32
      %dma_start3A_226 = tpu.memref_slice %arg6[%dma_start3A_225] : memref<1000000xf32, #tpu.memory_space<hbm>> -> memref<1000000xf32, #tpu.memory_space<hbm>>
      tpu.enqueue_indirect_dma source(%dma_start3A_226 : memref<1000000xf32, #tpu.memory_space<hbm>>) target(%dma_start3A_221 : memref<512xf32, #tpu.memory_space<vmem>>) offsets(%dma_start3A_224 : memref<512xi32, #tpu.memory_space<vmem>>) semaphore(%arg14 : memref<!tpu.dma_semaphore, #tpu.memory_space<semaphore_mem>>)
      %mul3A_227 = arith.constant 3 : i32
      %mul3A_228 = arith.muli %mul3A_227, %scan3A_114 : i32
      %add3A_229 = arith.constant 2 : i32
      %add3A_230 = arith.addi %mul3A_228, %add3A_229 : i32
      %dma_wait3A_231 = arith.constant 0 : i32
      %dma_wait3A_232 = arith.constant 2 : i32
      %dma_wait3A_233 = arith.constant 0 : i32
      %dma_wait3A_234 = arith.constant 0 : i32
      %dma_wait3A_235 = tpu.memref_slice %arg11[%dma_wait3A_232, %dma_wait3A_233, %dma_wait3A_234] : memref<3x512x32xf32, #tpu.memory_space<vmem>> -> memref<1x512x32xf32, #tpu.memory_space<vmem>>
      %dma_wait3A_236 = tpu.memref_squeeze %dma_wait3A_235 : memref<1x512x32xf32, #tpu.memory_space<vmem>> -> memref<512x32xf32, #tpu.memory_space<vmem>>
      %dma_wait3A_237 = arith.constant 0 : i32
      %dma_wait3A_238 = tpu.memref_slice %arg8[%dma_wait3A_231, %dma_wait3A_237] : memref<50x512xi32, #tpu.memory_space<vmem>> -> memref<1x512xi32, #tpu.memory_space<vmem>>
      %dma_wait3A_239 = tpu.memref_squeeze %dma_wait3A_238 : memref<1x512xi32, #tpu.memory_space<vmem>> -> memref<512xi32, #tpu.memory_space<vmem>>
      %dma_wait3A_240 = arith.constant 0 : i32
      %dma_wait3A_241 = arith.constant 0 : i32
      %dma_wait3A_242 = tpu.memref_slice %arg4[%dma_wait3A_240, %dma_wait3A_241] : memref<1000000x32xf32, #tpu.memory_space<hbm>> -> memref<1000000x32xf32, #tpu.memory_space<hbm>>
      tpu.wait_indirect_dma semaphore(%arg16 : memref<!tpu.dma_semaphore, #tpu.memory_space<semaphore_mem>>) src(%dma_wait3A_242 : memref<1000000x32xf32, #tpu.memory_space<hbm>>) dst(%dma_wait3A_236 : memref<512x32xf32, #tpu.memory_space<vmem>>)
      %dma_wait3A_243 = arith.constant 0 : i32
      %dma_wait3A_244 = arith.constant 2 : i32
      %dma_wait3A_245 = arith.constant 0 : i32
      %dma_wait3A_246 = tpu.memref_slice %arg12[%dma_wait3A_244, %dma_wait3A_245] : memref<3x512xf32, #tpu.memory_space<vmem>> -> memref<1x512xf32, #tpu.memory_space<vmem>>
      %dma_wait3A_247 = tpu.memref_squeeze %dma_wait3A_246 : memref<1x512xf32, #tpu.memory_space<vmem>> -> memref<512xf32, #tpu.memory_space<vmem>>
      %dma_wait3A_248 = arith.constant 0 : i32
      %dma_wait3A_249 = tpu.memref_slice %arg8[%dma_wait3A_243, %dma_wait3A_248] : memref<50x512xi32, #tpu.memory_space<vmem>> -> memref<1x512xi32, #tpu.memory_space<vmem>>
      %dma_wait3A_250 = tpu.memref_squeeze %dma_wait3A_249 : memref<1x512xi32, #tpu.memory_space<vmem>> -> memref<512xi32, #tpu.memory_space<vmem>>
      %dma_wait3A_251 = arith.constant 0 : i32
      %dma_wait3A_252 = tpu.memref_slice %arg6[%dma_wait3A_251] : memref<1000000xf32, #tpu.memory_space<hbm>> -> memref<1000000xf32, #tpu.memory_space<hbm>>
      tpu.wait_indirect_dma semaphore(%arg16 : memref<!tpu.dma_semaphore, #tpu.memory_space<semaphore_mem>>) src(%dma_wait3A_252 : memref<1000000xf32, #tpu.memory_space<hbm>>) dst(%dma_wait3A_247 : memref<512xf32, #tpu.memory_space<vmem>>)
      %scan3A_253 = arith.constant 0 : i32
      %scan3A_254 = arith.constant 2 : i32
      %scan3A_255 = arith.constant 2 : i32
      %scan3A_256 = arith.constant 0 : i32
      %scan3A_257 = arith.constant 32 : i32
      %scan3A_258 = arith.addi %scan3A_256, %scan3A_257 : i32
      %scan3A_259 = arith.constant 1 : i32
      scf.for %scan3A_283 = %scan3A_256 to %scan3A_258 step %scan3A_259  : i32 {
        %mul3A_284 = arith.constant 16 : i32
        %mul3A_285 = arith.muli %scan3A_283, %mul3A_284 : i32
        %add3A_286 = vector.broadcast %mul3A_285 : i32 to vector<16xi32>
        %add3A_287 = arith.addi %add3A_286, %iota3A : vector<16xi32>
        %mul3A_288 = arith.constant 512 : i32
        %mul3A_289 = arith.muli %add3A_230, %mul3A_288 : i32
        %add3A_290 = arith.addi %mul3A_2, %mul3A_289 : i32
        %mul3A_291 = arith.constant 16 : i32
        %mul3A_292 = arith.muli %scan3A_283, %mul3A_291 : i32
        %add3A_293 = arith.addi %add3A_290, %mul3A_292 : i32
        %add3A_294 = vector.broadcast %add3A_293 : i32 to vector<16xi32>
        %add3A_295 = arith.addi %add3A_294, %iota3A : vector<16xi32>
        %div3A = arith.constant 50 : i32
        %div3A_296 = vector.broadcast %div3A : i32 to vector<16xi32>
        %div3A_297 = arith.divsi %add3A_295, %div3A_296 : vector<16xi32>
        %sub3A = vector.broadcast %mul3A_4 : i32 to vector<16xi32>
        %sub3A_298 = arith.subi %div3A_297, %sub3A : vector<16xi32>
        %gather3A = tpu.vector_load_idx %arg10[%sub3A_298] : memref<512xf32, #tpu.memory_space<vmem>>[vector<16xi32>], vector<16xf32>,
        %gather3A_299 = arith.constant 0 : i32
        %gather3A_300 = tpu.memref_slice %arg12[%scan3A_254, %gather3A_299] : memref<3x512xf32, #tpu.memory_space<vmem>> -> memref<1x512xf32, #tpu.memory_space<vmem>>
        %gather3A_301 = tpu.memref_squeeze %gather3A_300 : memref<1x512xf32, #tpu.memory_space<vmem>> -> memref<512xf32, #tpu.memory_space<vmem>>
        %gather3A_302 = tpu.vector_load_idx %gather3A_301[%add3A_287] : memref<512xf32, #tpu.memory_space<vmem>>[vector<16xi32>], vector<16xf32>,
        %add3A_303 = arith.addf %gather3A, %gather3A_302 : vector<16xf32>
        %broadcast_in_dim3A = arith.constant 0 : i32
        %broadcast_in_dim3A_304 = vector.broadcast %broadcast_in_dim3A : i32 to vector<16xi32>
        %gather3A_305 = arith.constant 0 : i32
        %gather3A_306 = arith.constant 0 : i32
        %gather3A_307 = tpu.memref_slice %arg11[%scan3A_255, %gather3A_305, %gather3A_306] : memref<3x512x32xf32, #tpu.memory_space<vmem>> -> memref<1x512x32xf32, #tpu.memory_space<vmem>>
        %gather3A_308 = tpu.memref_squeeze %gather3A_307 : memref<1x512x32xf32, #tpu.memory_space<vmem>> -> memref<512x32xf32, #tpu.memory_space<vmem>>
        %gather3A_309 = tpu.vector_load_idx %gather3A_308[%add3A_287, %broadcast_in_dim3A_304] : memref<512x32xf32, #tpu.memory_space<vmem>>[vector<16xi32>, vector<16xi32>], vector<16xf32>,
        %gather3A_310 = tpu.vector_load_idx %arg9[%sub3A_298, %broadcast_in_dim3A_304] : memref<512x32xf32, #tpu.memory_space<vmem>>[vector<16xi32>, vector<16xi32>], vector<16xf32>,
        %mul3A_311 = arith.mulf %gather3A_309, %gather3A_310 : vector<16xf32>
        %add3A_312 = arith.addf %add3A_303, %mul3A_311 : vector<16xf32>
        %broadcast_in_dim3A_313 = arith.constant 1 : i32
        %broadcast_in_dim3A_314 = vector.broadcast %broadcast_in_dim3A_313 : i32 to vector<16xi32>
        %gather3A_315 = arith.constant 0 : i32
        %gather3A_316 = arith.constant 0 : i32
        %gather3A_317 = tpu.memref_slice %arg11[%scan3A_255, %gather3A_315, %gather3A_316] : memref<3x512x32xf32, #tpu.memory_space<vmem>> -> memref<1x512x32xf32, #tpu.memory_space<vmem>>
        %gather3A_318 = tpu.memref_squeeze %gather3A_317 : memref<1x512x32xf32, #tpu.memory_space<vmem>> -> memref<512x32xf32, #tpu.memory_space<vmem>>
        %gather3A_319 = tpu.vector_load_idx %gather3A_318[%add3A_287, %broadcast_in_dim3A_314] : memref<512x32xf32, #tpu.memory_space<vmem>>[vector<16xi32>, vector<16xi32>], vector<16xf32>,
        %gather3A_320 = tpu.vector_load_idx %arg9[%sub3A_298, %broadcast_in_dim3A_314] : memref<512x32xf32, #tpu.memory_space<vmem>>[vector<16xi32>, vector<16xi32>], vector<16xf32>,
        %mul3A_321 = arith.mulf %gather3A_319, %gather3A_320 : vector<16xf32>
        %add3A_322 = arith.addf %add3A_312, %mul3A_321 : vector<16xf32>
        %broadcast_in_dim3A_323 = arith.constant 2 : i32
        %broadcast_in_dim3A_324 = vector.broadcast %broadcast_in_dim3A_323 : i32 to vector<16xi32>
        %gather3A_325 = arith.constant 0 : i32
        %gather3A_326 = arith.constant 0 : i32
        %gather3A_327 = tpu.memref_slice %arg11[%scan3A_255, %gather3A_325, %gather3A_326] : memref<3x512x32xf32, #tpu.memory_space<vmem>> -> memref<1x512x32xf32, #tpu.memory_space<vmem>>
        %gather3A_328 = tpu.memref_squeeze %gather3A_327 : memref<1x512x32xf32, #tpu.memory_space<vmem>> -> memref<512x32xf32, #tpu.memory_space<vmem>>
        %gather3A_329 = tpu.vector_load_idx %gather3A_328[%add3A_287, %broadcast_in_dim3A_324] : memref<512x32xf32, #tpu.memory_space<vmem>>[vector<16xi32>, vector<16xi32>], vector<16xf32>,
        %gather3A_330 = tpu.vector_load_idx %arg9[%sub3A_298, %broadcast_in_dim3A_324] : memref<512x32xf32, #tpu.memory_space<vmem>>[vector<16xi32>, vector<16xi32>], vector<16xf32>,
        %mul3A_331 = arith.mulf %gather3A_329, %gather3A_330 : vector<16xf32>
        %add3A_332 = arith.addf %add3A_322, %mul3A_331 : vector<16xf32>
        %broadcast_in_dim3A_333 = arith.constant 3 : i32
        %broadcast_in_dim3A_334 = vector.broadcast %broadcast_in_dim3A_333 : i32 to vector<16xi32>
        %gather3A_335 = arith.constant 0 : i32
        %gather3A_336 = arith.constant 0 : i32
        %gather3A_337 = tpu.memref_slice %arg11[%scan3A_255, %gather3A_335, %gather3A_336] : memref<3x512x32xf32, #tpu.memory_space<vmem>> -> memref<1x512x32xf32, #tpu.memory_space<vmem>>
        %gather3A_338 = tpu.memref_squeeze %gather3A_337 : memref<1x512x32xf32, #tpu.memory_space<vmem>> -> memref<512x32xf32, #tpu.memory_space<vmem>>
        %gather3A_339 = tpu.vector_load_idx %gather3A_338[%add3A_287, %broadcast_in_dim3A_334] : memref<512x32xf32, #tpu.memory_space<vmem>>[vector<16xi32>, vector<16xi32>], vector<16xf32>,
        %gather3A_340 = tpu.vector_load_idx %arg9[%sub3A_298, %broadcast_in_dim3A_334] : memref<512x32xf32, #tpu.memory_space<vmem>>[vector<16xi32>, vector<16xi32>], vector<16xf32>,
        %mul3A_341 = arith.mulf %gather3A_339, %gather3A_340 : vector<16xf32>
        %add3A_342 = arith.addf %add3A_332, %mul3A_341 : vector<16xf32>
        %broadcast_in_dim3A_343 = arith.constant 4 : i32
        %broadcast_in_dim3A_344 = vector.broadcast %broadcast_in_dim3A_343 : i32 to vector<16xi32>
        %gather3A_345 = arith.constant 0 : i32
        %gather3A_346 = arith.constant 0 : i32
        %gather3A_347 = tpu.memref_slice %arg11[%scan3A_255, %gather3A_345, %gather3A_346] : memref<3x512x32xf32, #tpu.memory_space<vmem>> -> memref<1x512x32xf32, #tpu.memory_space<vmem>>
        %gather3A_348 = tpu.memref_squeeze %gather3A_347 : memref<1x512x32xf32, #tpu.memory_space<vmem>> -> memref<512x32xf32, #tpu.memory_space<vmem>>
        %gather3A_349 = tpu.vector_load_idx %gather3A_348[%add3A_287, %broadcast_in_dim3A_344] : memref<512x32xf32, #tpu.memory_space<vmem>>[vector<16xi32>, vector<16xi32>], vector<16xf32>,
        %gather3A_350 = tpu.vector_load_idx %arg9[%sub3A_298, %broadcast_in_dim3A_344] : memref<512x32xf32, #tpu.memory_space<vmem>>[vector<16xi32>, vector<16xi32>], vector<16xf32>,
        %mul3A_351 = arith.mulf %gather3A_349, %gather3A_350 : vector<16xf32>
        %add3A_352 = arith.addf %add3A_342, %mul3A_351 : vector<16xf32>
        %broadcast_in_dim3A_353 = arith.constant 5 : i32
        %broadcast_in_dim3A_354 = vector.broadcast %broadcast_in_dim3A_353 : i32 to vector<16xi32>
        %gather3A_355 = arith.constant 0 : i32
        %gather3A_356 = arith.constant 0 : i32
        %gather3A_357 = tpu.memref_slice %arg11[%scan3A_255, %gather3A_355, %gather3A_356] : memref<3x512x32xf32, #tpu.memory_space<vmem>> -> memref<1x512x32xf32, #tpu.memory_space<vmem>>
        %gather3A_358 = tpu.memref_squeeze %gather3A_357 : memref<1x512x32xf32, #tpu.memory_space<vmem>> -> memref<512x32xf32, #tpu.memory_space<vmem>>
        %gather3A_359 = tpu.vector_load_idx %gather3A_358[%add3A_287, %broadcast_in_dim3A_354] : memref<512x32xf32, #tpu.memory_space<vmem>>[vector<16xi32>, vector<16xi32>], vector<16xf32>,
        %gather3A_360 = tpu.vector_load_idx %arg9[%sub3A_298, %broadcast_in_dim3A_354] : memref<512x32xf32, #tpu.memory_space<vmem>>[vector<16xi32>, vector<16xi32>], vector<16xf32>,
        %mul3A_361 = arith.mulf %gather3A_359, %gather3A_360 : vector<16xf32>
        %add3A_362 = arith.addf %add3A_352, %mul3A_361 : vector<16xf32>
        %broadcast_in_dim3A_363 = arith.constant 6 : i32
        %broadcast_in_dim3A_364 = vector.broadcast %broadcast_in_dim3A_363 : i32 to vector<16xi32>
        %gather3A_365 = arith.constant 0 : i32
        %gather3A_366 = arith.constant 0 : i32
        %gather3A_367 = tpu.memref_slice %arg11[%scan3A_255, %gather3A_365, %gather3A_366] : memref<3x512x32xf32, #tpu.memory_space<vmem>> -> memref<1x512x32xf32, #tpu.memory_space<vmem>>
        %gather3A_368 = tpu.memref_squeeze %gather3A_367 : memref<1x512x32xf32, #tpu.memory_space<vmem>> -> memref<512x32xf32, #tpu.memory_space<vmem>>
        %gather3A_369 = tpu.vector_load_idx %gather3A_368[%add3A_287, %broadcast_in_dim3A_364] : memref<512x32xf32, #tpu.memory_space<vmem>>[vector<16xi32>, vector<16xi32>], vector<16xf32>,
        %gather3A_370 = tpu.vector_load_idx %arg9[%sub3A_298, %broadcast_in_dim3A_364] : memref<512x32xf32, #tpu.memory_space<vmem>>[vector<16xi32>, vector<16xi32>], vector<16xf32>,
        %mul3A_371 = arith.mulf %gather3A_369, %gather3A_370 : vector<16xf32>
        %add3A_372 = arith.addf %add3A_362, %mul3A_371 : vector<16xf32>
        %broadcast_in_dim3A_373 = arith.constant 7 : i32
        %broadcast_in_dim3A_374 = vector.broadcast %broadcast_in_dim3A_373 : i32 to vector<16xi32>
        %gather3A_375 = arith.constant 0 : i32
        %gather3A_376 = arith.constant 0 : i32
        %gather3A_377 = tpu.memref_slice %arg11[%scan3A_255, %gather3A_375, %gather3A_376] : memref<3x512x32xf32, #tpu.memory_space<vmem>> -> memref<1x512x32xf32, #tpu.memory_space<vmem>>
        %gather3A_378 = tpu.memref_squeeze %gather3A_377 : memref<1x512x32xf32, #tpu.memory_space<vmem>> -> memref<512x32xf32, #tpu.memory_space<vmem>>
        %gather3A_379 = tpu.vector_load_idx %gather3A_378[%add3A_287, %broadcast_in_dim3A_374] : memref<512x32xf32, #tpu.memory_space<vmem>>[vector<16xi32>, vector<16xi32>], vector<16xf32>,
        %gather3A_380 = tpu.vector_load_idx %arg9[%sub3A_298, %broadcast_in_dim3A_374] : memref<512x32xf32, #tpu.memory_space<vmem>>[vector<16xi32>, vector<16xi32>], vector<16xf32>,
        %mul3A_381 = arith.mulf %gather3A_379, %gather3A_380 : vector<16xf32>
        %add3A_382 = arith.addf %add3A_372, %mul3A_381 : vector<16xf32>
        %broadcast_in_dim3A_383 = arith.constant 8 : i32
        %broadcast_in_dim3A_384 = vector.broadcast %broadcast_in_dim3A_383 : i32 to vector<16xi32>
        %gather3A_385 = arith.constant 0 : i32
        %gather3A_386 = arith.constant 0 : i32
        %gather3A_387 = tpu.memref_slice %arg11[%scan3A_255, %gather3A_385, %gather3A_386] : memref<3x512x32xf32, #tpu.memory_space<vmem>> -> memref<1x512x32xf32, #tpu.memory_space<vmem>>
        %gather3A_388 = tpu.memref_squeeze %gather3A_387 : memref<1x512x32xf32, #tpu.memory_space<vmem>> -> memref<512x32xf32, #tpu.memory_space<vmem>>
        %gather3A_389 = tpu.vector_load_idx %gather3A_388[%add3A_287, %broadcast_in_dim3A_384] : memref<512x32xf32, #tpu.memory_space<vmem>>[vector<16xi32>, vector<16xi32>], vector<16xf32>,
        %gather3A_390 = tpu.vector_load_idx %arg9[%sub3A_298, %broadcast_in_dim3A_384] : memref<512x32xf32, #tpu.memory_space<vmem>>[vector<16xi32>, vector<16xi32>], vector<16xf32>,
        %mul3A_391 = arith.mulf %gather3A_389, %gather3A_390 : vector<16xf32>
        %add3A_392 = arith.addf %add3A_382, %mul3A_391 : vector<16xf32>
        %broadcast_in_dim3A_393 = arith.constant 9 : i32
        %broadcast_in_dim3A_394 = vector.broadcast %broadcast_in_dim3A_393 : i32 to vector<16xi32>
        %gather3A_395 = arith.constant 0 : i32
        %gather3A_396 = arith.constant 0 : i32
        %gather3A_397 = tpu.memref_slice %arg11[%scan3A_255, %gather3A_395, %gather3A_396] : memref<3x512x32xf32, #tpu.memory_space<vmem>> -> memref<1x512x32xf32, #tpu.memory_space<vmem>>
        %gather3A_398 = tpu.memref_squeeze %gather3A_397 : memref<1x512x32xf32, #tpu.memory_space<vmem>> -> memref<512x32xf32, #tpu.memory_space<vmem>>
        %gather3A_399 = tpu.vector_load_idx %gather3A_398[%add3A_287, %broadcast_in_dim3A_394] : memref<512x32xf32, #tpu.memory_space<vmem>>[vector<16xi32>, vector<16xi32>], vector<16xf32>,
        %gather3A_400 = tpu.vector_load_idx %arg9[%sub3A_298, %broadcast_in_dim3A_394] : memref<512x32xf32, #tpu.memory_space<vmem>>[vector<16xi32>, vector<16xi32>], vector<16xf32>,
        %mul3A_401 = arith.mulf %gather3A_399, %gather3A_400 : vector<16xf32>
        %add3A_402 = arith.addf %add3A_392, %mul3A_401 : vector<16xf32>
        %broadcast_in_dim3A_403 = arith.constant 10 : i32
        %broadcast_in_dim3A_404 = vector.broadcast %broadcast_in_dim3A_403 : i32 to vector<16xi32>
        %gather3A_405 = arith.constant 0 : i32
        %gather3A_406 = arith.constant 0 : i32
        %gather3A_407 = tpu.memref_slice %arg11[%scan3A_255, %gather3A_405, %gather3A_406] : memref<3x512x32xf32, #tpu.memory_space<vmem>> -> memref<1x512x32xf32, #tpu.memory_space<vmem>>
        %gather3A_408 = tpu.memref_squeeze %gather3A_407 : memref<1x512x32xf32, #tpu.memory_space<vmem>> -> memref<512x32xf32, #tpu.memory_space<vmem>>
        %gather3A_409 = tpu.vector_load_idx %gather3A_408[%add3A_287, %broadcast_in_dim3A_404] : memref<512x32xf32, #tpu.memory_space<vmem>>[vector<16xi32>, vector<16xi32>], vector<16xf32>,
        %gather3A_410 = tpu.vector_load_idx %arg9[%sub3A_298, %broadcast_in_dim3A_404] : memref<512x32xf32, #tpu.memory_space<vmem>>[vector<16xi32>, vector<16xi32>], vector<16xf32>,
        %mul3A_411 = arith.mulf %gather3A_409, %gather3A_410 : vector<16xf32>
        %add3A_412 = arith.addf %add3A_402, %mul3A_411 : vector<16xf32>
        %broadcast_in_dim3A_413 = arith.constant 11 : i32
        %broadcast_in_dim3A_414 = vector.broadcast %broadcast_in_dim3A_413 : i32 to vector<16xi32>
        %gather3A_415 = arith.constant 0 : i32
        %gather3A_416 = arith.constant 0 : i32
        %gather3A_417 = tpu.memref_slice %arg11[%scan3A_255, %gather3A_415, %gather3A_416] : memref<3x512x32xf32, #tpu.memory_space<vmem>> -> memref<1x512x32xf32, #tpu.memory_space<vmem>>
        %gather3A_418 = tpu.memref_squeeze %gather3A_417 : memref<1x512x32xf32, #tpu.memory_space<vmem>> -> memref<512x32xf32, #tpu.memory_space<vmem>>
        %gather3A_419 = tpu.vector_load_idx %gather3A_418[%add3A_287, %broadcast_in_dim3A_414] : memref<512x32xf32, #tpu.memory_space<vmem>>[vector<16xi32>, vector<16xi32>], vector<16xf32>,
        %gather3A_420 = tpu.vector_load_idx %arg9[%sub3A_298, %broadcast_in_dim3A_414] : memref<512x32xf32, #tpu.memory_space<vmem>>[vector<16xi32>, vector<16xi32>], vector<16xf32>,
        %mul3A_421 = arith.mulf %gather3A_419, %gather3A_420 : vector<16xf32>
        %add3A_422 = arith.addf %add3A_412, %mul3A_421 : vector<16xf32>
        %broadcast_in_dim3A_423 = arith.constant 12 : i32
        %broadcast_in_dim3A_424 = vector.broadcast %broadcast_in_dim3A_423 : i32 to vector<16xi32>
        %gather3A_425 = arith.constant 0 : i32
        %gather3A_426 = arith.constant 0 : i32
        %gather3A_427 = tpu.memref_slice %arg11[%scan3A_255, %gather3A_425, %gather3A_426] : memref<3x512x32xf32, #tpu.memory_space<vmem>> -> memref<1x512x32xf32, #tpu.memory_space<vmem>>
        %gather3A_428 = tpu.memref_squeeze %gather3A_427 : memref<1x512x32xf32, #tpu.memory_space<vmem>> -> memref<512x32xf32, #tpu.memory_space<vmem>>
        %gather3A_429 = tpu.vector_load_idx %gather3A_428[%add3A_287, %broadcast_in_dim3A_424] : memref<512x32xf32, #tpu.memory_space<vmem>>[vector<16xi32>, vector<16xi32>], vector<16xf32>,
        %gather3A_430 = tpu.vector_load_idx %arg9[%sub3A_298, %broadcast_in_dim3A_424] : memref<512x32xf32, #tpu.memory_space<vmem>>[vector<16xi32>, vector<16xi32>], vector<16xf32>,
        %mul3A_431 = arith.mulf %gather3A_429, %gather3A_430 : vector<16xf32>
        %add3A_432 = arith.addf %add3A_422, %mul3A_431 : vector<16xf32>
        %broadcast_in_dim3A_433 = arith.constant 13 : i32
        %broadcast_in_dim3A_434 = vector.broadcast %broadcast_in_dim3A_433 : i32 to vector<16xi32>
        %gather3A_435 = arith.constant 0 : i32
        %gather3A_436 = arith.constant 0 : i32
        %gather3A_437 = tpu.memref_slice %arg11[%scan3A_255, %gather3A_435, %gather3A_436] : memref<3x512x32xf32, #tpu.memory_space<vmem>> -> memref<1x512x32xf32, #tpu.memory_space<vmem>>
        %gather3A_438 = tpu.memref_squeeze %gather3A_437 : memref<1x512x32xf32, #tpu.memory_space<vmem>> -> memref<512x32xf32, #tpu.memory_space<vmem>>
        %gather3A_439 = tpu.vector_load_idx %gather3A_438[%add3A_287, %broadcast_in_dim3A_434] : memref<512x32xf32, #tpu.memory_space<vmem>>[vector<16xi32>, vector<16xi32>], vector<16xf32>,
        %gather3A_440 = tpu.vector_load_idx %arg9[%sub3A_298, %broadcast_in_dim3A_434] : memref<512x32xf32, #tpu.memory_space<vmem>>[vector<16xi32>, vector<16xi32>], vector<16xf32>,
        %mul3A_441 = arith.mulf %gather3A_439, %gather3A_440 : vector<16xf32>
        %add3A_442 = arith.addf %add3A_432, %mul3A_441 : vector<16xf32>
        %broadcast_in_dim3A_443 = arith.constant 14 : i32
        %broadcast_in_dim3A_444 = vector.broadcast %broadcast_in_dim3A_443 : i32 to vector<16xi32>
        %gather3A_445 = arith.constant 0 : i32
        %gather3A_446 = arith.constant 0 : i32
        %gather3A_447 = tpu.memref_slice %arg11[%scan3A_255, %gather3A_445, %gather3A_446] : memref<3x512x32xf32, #tpu.memory_space<vmem>> -> memref<1x512x32xf32, #tpu.memory_space<vmem>>
        %gather3A_448 = tpu.memref_squeeze %gather3A_447 : memref<1x512x32xf32, #tpu.memory_space<vmem>> -> memref<512x32xf32, #tpu.memory_space<vmem>>
        %gather3A_449 = tpu.vector_load_idx %gather3A_448[%add3A_287, %broadcast_in_dim3A_444] : memref<512x32xf32, #tpu.memory_space<vmem>>[vector<16xi32>, vector<16xi32>], vector<16xf32>,
        %gather3A_450 = tpu.vector_load_idx %arg9[%sub3A_298, %broadcast_in_dim3A_444] : memref<512x32xf32, #tpu.memory_space<vmem>>[vector<16xi32>, vector<16xi32>], vector<16xf32>,
        %mul3A_451 = arith.mulf %gather3A_449, %gather3A_450 : vector<16xf32>
        %add3A_452 = arith.addf %add3A_442, %mul3A_451 : vector<16xf32>
        %broadcast_in_dim3A_453 = arith.constant 15 : i32
        %broadcast_in_dim3A_454 = vector.broadcast %broadcast_in_dim3A_453 : i32 to vector<16xi32>
        %gather3A_455 = arith.constant 0 : i32
        %gather3A_456 = arith.constant 0 : i32
        %gather3A_457 = tpu.memref_slice %arg11[%scan3A_255, %gather3A_455, %gather3A_456] : memref<3x512x32xf32, #tpu.memory_space<vmem>> -> memref<1x512x32xf32, #tpu.memory_space<vmem>>
        %gather3A_458 = tpu.memref_squeeze %gather3A_457 : memref<1x512x32xf32, #tpu.memory_space<vmem>> -> memref<512x32xf32, #tpu.memory_space<vmem>>
        %gather3A_459 = tpu.vector_load_idx %gather3A_458[%add3A_287, %broadcast_in_dim3A_454] : memref<512x32xf32, #tpu.memory_space<vmem>>[vector<16xi32>, vector<16xi32>], vector<16xf32>,
        %gather3A_460 = tpu.vector_load_idx %arg9[%sub3A_298, %broadcast_in_dim3A_454] : memref<512x32xf32, #tpu.memory_space<vmem>>[vector<16xi32>, vector<16xi32>], vector<16xf32>,
        %mul3A_461 = arith.mulf %gather3A_459, %gather3A_460 : vector<16xf32>
        %add3A_462 = arith.addf %add3A_452, %mul3A_461 : vector<16xf32>
        %broadcast_in_dim3A_463 = arith.constant 16 : i32
        %broadcast_in_dim3A_464 = vector.broadcast %broadcast_in_dim3A_463 : i32 to vector<16xi32>
        %gather3A_465 = arith.constant 0 : i32
        %gather3A_466 = arith.constant 0 : i32
        %gather3A_467 = tpu.memref_slice %arg11[%scan3A_255, %gather3A_465, %gather3A_466] : memref<3x512x32xf32, #tpu.memory_space<vmem>> -> memref<1x512x32xf32, #tpu.memory_space<vmem>>
        %gather3A_468 = tpu.memref_squeeze %gather3A_467 : memref<1x512x32xf32, #tpu.memory_space<vmem>> -> memref<512x32xf32, #tpu.memory_space<vmem>>
        %gather3A_469 = tpu.vector_load_idx %gather3A_468[%add3A_287, %broadcast_in_dim3A_464] : memref<512x32xf32, #tpu.memory_space<vmem>>[vector<16xi32>, vector<16xi32>], vector<16xf32>,
        %gather3A_470 = tpu.vector_load_idx %arg9[%sub3A_298, %broadcast_in_dim3A_464] : memref<512x32xf32, #tpu.memory_space<vmem>>[vector<16xi32>, vector<16xi32>], vector<16xf32>,
        %mul3A_471 = arith.mulf %gather3A_469, %gather3A_470 : vector<16xf32>
        %add3A_472 = arith.addf %add3A_462, %mul3A_471 : vector<16xf32>
        %broadcast_in_dim3A_473 = arith.constant 17 : i32
        %broadcast_in_dim3A_474 = vector.broadcast %broadcast_in_dim3A_473 : i32 to vector<16xi32>
        %gather3A_475 = arith.constant 0 : i32
        %gather3A_476 = arith.constant 0 : i32
        %gather3A_477 = tpu.memref_slice %arg11[%scan3A_255, %gather3A_475, %gather3A_476] : memref<3x512x32xf32, #tpu.memory_space<vmem>> -> memref<1x512x32xf32, #tpu.memory_space<vmem>>
        %gather3A_478 = tpu.memref_squeeze %gather3A_477 : memref<1x512x32xf32, #tpu.memory_space<vmem>> -> memref<512x32xf32, #tpu.memory_space<vmem>>
        %gather3A_479 = tpu.vector_load_idx %gather3A_478[%add3A_287, %broadcast_in_dim3A_474] : memref<512x32xf32, #tpu.memory_space<vmem>>[vector<16xi32>, vector<16xi32>], vector<16xf32>,
        %gather3A_480 = tpu.vector_load_idx %arg9[%sub3A_298, %broadcast_in_dim3A_474] : memref<512x32xf32, #tpu.memory_space<vmem>>[vector<16xi32>, vector<16xi32>], vector<16xf32>,
        %mul3A_481 = arith.mulf %gather3A_479, %gather3A_480 : vector<16xf32>
        %add3A_482 = arith.addf %add3A_472, %mul3A_481 : vector<16xf32>
        %broadcast_in_dim3A_483 = arith.constant 18 : i32
        %broadcast_in_dim3A_484 = vector.broadcast %broadcast_in_dim3A_483 : i32 to vector<16xi32>
        %gather3A_485 = arith.constant 0 : i32
        %gather3A_486 = arith.constant 0 : i32
        %gather3A_487 = tpu.memref_slice %arg11[%scan3A_255, %gather3A_485, %gather3A_486] : memref<3x512x32xf32, #tpu.memory_space<vmem>> -> memref<1x512x32xf32, #tpu.memory_space<vmem>>
        %gather3A_488 = tpu.memref_squeeze %gather3A_487 : memref<1x512x32xf32, #tpu.memory_space<vmem>> -> memref<512x32xf32, #tpu.memory_space<vmem>>
        %gather3A_489 = tpu.vector_load_idx %gather3A_488[%add3A_287, %broadcast_in_dim3A_484] : memref<512x32xf32, #tpu.memory_space<vmem>>[vector<16xi32>, vector<16xi32>], vector<16xf32>,
        %gather3A_490 = tpu.vector_load_idx %arg9[%sub3A_298, %broadcast_in_dim3A_484] : memref<512x32xf32, #tpu.memory_space<vmem>>[vector<16xi32>, vector<16xi32>], vector<16xf32>,
        %mul3A_491 = arith.mulf %gather3A_489, %gather3A_490 : vector<16xf32>
        %add3A_492 = arith.addf %add3A_482, %mul3A_491 : vector<16xf32>
        %broadcast_in_dim3A_493 = arith.constant 19 : i32
        %broadcast_in_dim3A_494 = vector.broadcast %broadcast_in_dim3A_493 : i32 to vector<16xi32>
        %gather3A_495 = arith.constant 0 : i32
        %gather3A_496 = arith.constant 0 : i32
        %gather3A_497 = tpu.memref_slice %arg11[%scan3A_255, %gather3A_495, %gather3A_496] : memref<3x512x32xf32, #tpu.memory_space<vmem>> -> memref<1x512x32xf32, #tpu.memory_space<vmem>>
        %gather3A_498 = tpu.memref_squeeze %gather3A_497 : memref<1x512x32xf32, #tpu.memory_space<vmem>> -> memref<512x32xf32, #tpu.memory_space<vmem>>
        %gather3A_499 = tpu.vector_load_idx %gather3A_498[%add3A_287, %broadcast_in_dim3A_494] : memref<512x32xf32, #tpu.memory_space<vmem>>[vector<16xi32>, vector<16xi32>], vector<16xf32>,
        %gather3A_500 = tpu.vector_load_idx %arg9[%sub3A_298, %broadcast_in_dim3A_494] : memref<512x32xf32, #tpu.memory_space<vmem>>[vector<16xi32>, vector<16xi32>], vector<16xf32>,
        %mul3A_501 = arith.mulf %gather3A_499, %gather3A_500 : vector<16xf32>
        %add3A_502 = arith.addf %add3A_492, %mul3A_501 : vector<16xf32>
        %broadcast_in_dim3A_503 = arith.constant 20 : i32
        %broadcast_in_dim3A_504 = vector.broadcast %broadcast_in_dim3A_503 : i32 to vector<16xi32>
        %gather3A_505 = arith.constant 0 : i32
        %gather3A_506 = arith.constant 0 : i32
        %gather3A_507 = tpu.memref_slice %arg11[%scan3A_255, %gather3A_505, %gather3A_506] : memref<3x512x32xf32, #tpu.memory_space<vmem>> -> memref<1x512x32xf32, #tpu.memory_space<vmem>>
        %gather3A_508 = tpu.memref_squeeze %gather3A_507 : memref<1x512x32xf32, #tpu.memory_space<vmem>> -> memref<512x32xf32, #tpu.memory_space<vmem>>
        %gather3A_509 = tpu.vector_load_idx %gather3A_508[%add3A_287, %broadcast_in_dim3A_504] : memref<512x32xf32, #tpu.memory_space<vmem>>[vector<16xi32>, vector<16xi32>], vector<16xf32>,
        %gather3A_510 = tpu.vector_load_idx %arg9[%sub3A_298, %broadcast_in_dim3A_504] : memref<512x32xf32, #tpu.memory_space<vmem>>[vector<16xi32>, vector<16xi32>], vector<16xf32>,
        %mul3A_511 = arith.mulf %gather3A_509, %gather3A_510 : vector<16xf32>
        %add3A_512 = arith.addf %add3A_502, %mul3A_511 : vector<16xf32>
        %broadcast_in_dim3A_513 = arith.constant 21 : i32
        %broadcast_in_dim3A_514 = vector.broadcast %broadcast_in_dim3A_513 : i32 to vector<16xi32>
        %gather3A_515 = arith.constant 0 : i32
        %gather3A_516 = arith.constant 0 : i32
        %gather3A_517 = tpu.memref_slice %arg11[%scan3A_255, %gather3A_515, %gather3A_516] : memref<3x512x32xf32, #tpu.memory_space<vmem>> -> memref<1x512x32xf32, #tpu.memory_space<vmem>>
        %gather3A_518 = tpu.memref_squeeze %gather3A_517 : memref<1x512x32xf32, #tpu.memory_space<vmem>> -> memref<512x32xf32, #tpu.memory_space<vmem>>
        %gather3A_519 = tpu.vector_load_idx %gather3A_518[%add3A_287, %broadcast_in_dim3A_514] : memref<512x32xf32, #tpu.memory_space<vmem>>[vector<16xi32>, vector<16xi32>], vector<16xf32>,
        %gather3A_520 = tpu.vector_load_idx %arg9[%sub3A_298, %broadcast_in_dim3A_514] : memref<512x32xf32, #tpu.memory_space<vmem>>[vector<16xi32>, vector<16xi32>], vector<16xf32>,
        %mul3A_521 = arith.mulf %gather3A_519, %gather3A_520 : vector<16xf32>
        %add3A_522 = arith.addf %add3A_512, %mul3A_521 : vector<16xf32>
        %broadcast_in_dim3A_523 = arith.constant 22 : i32
        %broadcast_in_dim3A_524 = vector.broadcast %broadcast_in_dim3A_523 : i32 to vector<16xi32>
        %gather3A_525 = arith.constant 0 : i32
        %gather3A_526 = arith.constant 0 : i32
        %gather3A_527 = tpu.memref_slice %arg11[%scan3A_255, %gather3A_525, %gather3A_526] : memref<3x512x32xf32, #tpu.memory_space<vmem>> -> memref<1x512x32xf32, #tpu.memory_space<vmem>>
        %gather3A_528 = tpu.memref_squeeze %gather3A_527 : memref<1x512x32xf32, #tpu.memory_space<vmem>> -> memref<512x32xf32, #tpu.memory_space<vmem>>
        %gather3A_529 = tpu.vector_load_idx %gather3A_528[%add3A_287, %broadcast_in_dim3A_524] : memref<512x32xf32, #tpu.memory_space<vmem>>[vector<16xi32>, vector<16xi32>], vector<16xf32>,
        %gather3A_530 = tpu.vector_load_idx %arg9[%sub3A_298, %broadcast_in_dim3A_524] : memref<512x32xf32, #tpu.memory_space<vmem>>[vector<16xi32>, vector<16xi32>], vector<16xf32>,
        %mul3A_531 = arith.mulf %gather3A_529, %gather3A_530 : vector<16xf32>
        %add3A_532 = arith.addf %add3A_522, %mul3A_531 : vector<16xf32>
        %broadcast_in_dim3A_533 = arith.constant 23 : i32
        %broadcast_in_dim3A_534 = vector.broadcast %broadcast_in_dim3A_533 : i32 to vector<16xi32>
        %gather3A_535 = arith.constant 0 : i32
        %gather3A_536 = arith.constant 0 : i32
        %gather3A_537 = tpu.memref_slice %arg11[%scan3A_255, %gather3A_535, %gather3A_536] : memref<3x512x32xf32, #tpu.memory_space<vmem>> -> memref<1x512x32xf32, #tpu.memory_space<vmem>>
        %gather3A_538 = tpu.memref_squeeze %gather3A_537 : memref<1x512x32xf32, #tpu.memory_space<vmem>> -> memref<512x32xf32, #tpu.memory_space<vmem>>
        %gather3A_539 = tpu.vector_load_idx %gather3A_538[%add3A_287, %broadcast_in_dim3A_534] : memref<512x32xf32, #tpu.memory_space<vmem>>[vector<16xi32>, vector<16xi32>], vector<16xf32>,
        %gather3A_540 = tpu.vector_load_idx %arg9[%sub3A_298, %broadcast_in_dim3A_534] : memref<512x32xf32, #tpu.memory_space<vmem>>[vector<16xi32>, vector<16xi32>], vector<16xf32>,
        %mul3A_541 = arith.mulf %gather3A_539, %gather3A_540 : vector<16xf32>
        %add3A_542 = arith.addf %add3A_532, %mul3A_541 : vector<16xf32>
        %broadcast_in_dim3A_543 = arith.constant 24 : i32
        %broadcast_in_dim3A_544 = vector.broadcast %broadcast_in_dim3A_543 : i32 to vector<16xi32>
        %gather3A_545 = arith.constant 0 : i32
        %gather3A_546 = arith.constant 0 : i32
        %gather3A_547 = tpu.memref_slice %arg11[%scan3A_255, %gather3A_545, %gather3A_546] : memref<3x512x32xf32, #tpu.memory_space<vmem>> -> memref<1x512x32xf32, #tpu.memory_space<vmem>>
        %gather3A_548 = tpu.memref_squeeze %gather3A_547 : memref<1x512x32xf32, #tpu.memory_space<vmem>> -> memref<512x32xf32, #tpu.memory_space<vmem>>
        %gather3A_549 = tpu.vector_load_idx %gather3A_548[%add3A_287, %broadcast_in_dim3A_544] : memref<512x32xf32, #tpu.memory_space<vmem>>[vector<16xi32>, vector<16xi32>], vector<16xf32>,
        %gather3A_550 = tpu.vector_load_idx %arg9[%sub3A_298, %broadcast_in_dim3A_544] : memref<512x32xf32, #tpu.memory_space<vmem>>[vector<16xi32>, vector<16xi32>], vector<16xf32>,
        %mul3A_551 = arith.mulf %gather3A_549, %gather3A_550 : vector<16xf32>
        %add3A_552 = arith.addf %add3A_542, %mul3A_551 : vector<16xf32>
        %broadcast_in_dim3A_553 = arith.constant 25 : i32
        %broadcast_in_dim3A_554 = vector.broadcast %broadcast_in_dim3A_553 : i32 to vector<16xi32>
        %gather3A_555 = arith.constant 0 : i32
        %gather3A_556 = arith.constant 0 : i32
        %gather3A_557 = tpu.memref_slice %arg11[%scan3A_255, %gather3A_555, %gather3A_556] : memref<3x512x32xf32, #tpu.memory_space<vmem>> -> memref<1x512x32xf32, #tpu.memory_space<vmem>>
        %gather3A_558 = tpu.memref_squeeze %gather3A_557 : memref<1x512x32xf32, #tpu.memory_space<vmem>> -> memref<512x32xf32, #tpu.memory_space<vmem>>
        %gather3A_559 = tpu.vector_load_idx %gather3A_558[%add3A_287, %broadcast_in_dim3A_554] : memref<512x32xf32, #tpu.memory_space<vmem>>[vector<16xi32>, vector<16xi32>], vector<16xf32>,
        %gather3A_560 = tpu.vector_load_idx %arg9[%sub3A_298, %broadcast_in_dim3A_554] : memref<512x32xf32, #tpu.memory_space<vmem>>[vector<16xi32>, vector<16xi32>], vector<16xf32>,
        %mul3A_561 = arith.mulf %gather3A_559, %gather3A_560 : vector<16xf32>
        %add3A_562 = arith.addf %add3A_552, %mul3A_561 : vector<16xf32>
        %broadcast_in_dim3A_563 = arith.constant 26 : i32
        %broadcast_in_dim3A_564 = vector.broadcast %broadcast_in_dim3A_563 : i32 to vector<16xi32>
        %gather3A_565 = arith.constant 0 : i32
        %gather3A_566 = arith.constant 0 : i32
        %gather3A_567 = tpu.memref_slice %arg11[%scan3A_255, %gather3A_565, %gather3A_566] : memref<3x512x32xf32, #tpu.memory_space<vmem>> -> memref<1x512x32xf32, #tpu.memory_space<vmem>>
        %gather3A_568 = tpu.memref_squeeze %gather3A_567 : memref<1x512x32xf32, #tpu.memory_space<vmem>> -> memref<512x32xf32, #tpu.memory_space<vmem>>
        %gather3A_569 = tpu.vector_load_idx %gather3A_568[%add3A_287, %broadcast_in_dim3A_564] : memref<512x32xf32, #tpu.memory_space<vmem>>[vector<16xi32>, vector<16xi32>], vector<16xf32>,
        %gather3A_570 = tpu.vector_load_idx %arg9[%sub3A_298, %broadcast_in_dim3A_564] : memref<512x32xf32, #tpu.memory_space<vmem>>[vector<16xi32>, vector<16xi32>], vector<16xf32>,
        %mul3A_571 = arith.mulf %gather3A_569, %gather3A_570 : vector<16xf32>
        %add3A_572 = arith.addf %add3A_562, %mul3A_571 : vector<16xf32>
        %broadcast_in_dim3A_573 = arith.constant 27 : i32
        %broadcast_in_dim3A_574 = vector.broadcast %broadcast_in_dim3A_573 : i32 to vector<16xi32>
        %gather3A_575 = arith.constant 0 : i32
        %gather3A_576 = arith.constant 0 : i32
        %gather3A_577 = tpu.memref_slice %arg11[%scan3A_255, %gather3A_575, %gather3A_576] : memref<3x512x32xf32, #tpu.memory_space<vmem>> -> memref<1x512x32xf32, #tpu.memory_space<vmem>>
        %gather3A_578 = tpu.memref_squeeze %gather3A_577 : memref<1x512x32xf32, #tpu.memory_space<vmem>> -> memref<512x32xf32, #tpu.memory_space<vmem>>
        %gather3A_579 = tpu.vector_load_idx %gather3A_578[%add3A_287, %broadcast_in_dim3A_574] : memref<512x32xf32, #tpu.memory_space<vmem>>[vector<16xi32>, vector<16xi32>], vector<16xf32>,
        %gather3A_580 = tpu.vector_load_idx %arg9[%sub3A_298, %broadcast_in_dim3A_574] : memref<512x32xf32, #tpu.memory_space<vmem>>[vector<16xi32>, vector<16xi32>], vector<16xf32>,
        %mul3A_581 = arith.mulf %gather3A_579, %gather3A_580 : vector<16xf32>
        %add3A_582 = arith.addf %add3A_572, %mul3A_581 : vector<16xf32>
        %broadcast_in_dim3A_583 = arith.constant 28 : i32
        %broadcast_in_dim3A_584 = vector.broadcast %broadcast_in_dim3A_583 : i32 to vector<16xi32>
        %gather3A_585 = arith.constant 0 : i32
        %gather3A_586 = arith.constant 0 : i32
        %gather3A_587 = tpu.memref_slice %arg11[%scan3A_255, %gather3A_585, %gather3A_586] : memref<3x512x32xf32, #tpu.memory_space<vmem>> -> memref<1x512x32xf32, #tpu.memory_space<vmem>>
        %gather3A_588 = tpu.memref_squeeze %gather3A_587 : memref<1x512x32xf32, #tpu.memory_space<vmem>> -> memref<512x32xf32, #tpu.memory_space<vmem>>
        %gather3A_589 = tpu.vector_load_idx %gather3A_588[%add3A_287, %broadcast_in_dim3A_584] : memref<512x32xf32, #tpu.memory_space<vmem>>[vector<16xi32>, vector<16xi32>], vector<16xf32>,
        %gather3A_590 = tpu.vector_load_idx %arg9[%sub3A_298, %broadcast_in_dim3A_584] : memref<512x32xf32, #tpu.memory_space<vmem>>[vector<16xi32>, vector<16xi32>], vector<16xf32>,
        %mul3A_591 = arith.mulf %gather3A_589, %gather3A_590 : vector<16xf32>
        %add3A_592 = arith.addf %add3A_582, %mul3A_591 : vector<16xf32>
        %broadcast_in_dim3A_593 = arith.constant 29 : i32
        %broadcast_in_dim3A_594 = vector.broadcast %broadcast_in_dim3A_593 : i32 to vector<16xi32>
        %gather3A_595 = arith.constant 0 : i32
        %gather3A_596 = arith.constant 0 : i32
        %gather3A_597 = tpu.memref_slice %arg11[%scan3A_255, %gather3A_595, %gather3A_596] : memref<3x512x32xf32, #tpu.memory_space<vmem>> -> memref<1x512x32xf32, #tpu.memory_space<vmem>>
        %gather3A_598 = tpu.memref_squeeze %gather3A_597 : memref<1x512x32xf32, #tpu.memory_space<vmem>> -> memref<512x32xf32, #tpu.memory_space<vmem>>
        %gather3A_599 = tpu.vector_load_idx %gather3A_598[%add3A_287, %broadcast_in_dim3A_594] : memref<512x32xf32, #tpu.memory_space<vmem>>[vector<16xi32>, vector<16xi32>], vector<16xf32>,
        %gather3A_600 = tpu.vector_load_idx %arg9[%sub3A_298, %broadcast_in_dim3A_594] : memref<512x32xf32, #tpu.memory_space<vmem>>[vector<16xi32>, vector<16xi32>], vector<16xf32>,
        %mul3A_601 = arith.mulf %gather3A_599, %gather3A_600 : vector<16xf32>
        %add3A_602 = arith.addf %add3A_592, %mul3A_601 : vector<16xf32>
        %broadcast_in_dim3A_603 = arith.constant 30 : i32
        %broadcast_in_dim3A_604 = vector.broadcast %broadcast_in_dim3A_603 : i32 to vector<16xi32>
        %gather3A_605 = arith.constant 0 : i32
        %gather3A_606 = arith.constant 0 : i32
        %gather3A_607 = tpu.memref_slice %arg11[%scan3A_255, %gather3A_605, %gather3A_606] : memref<3x512x32xf32, #tpu.memory_space<vmem>> -> memref<1x512x32xf32, #tpu.memory_space<vmem>>
        %gather3A_608 = tpu.memref_squeeze %gather3A_607 : memref<1x512x32xf32, #tpu.memory_space<vmem>> -> memref<512x32xf32, #tpu.memory_space<vmem>>
        %gather3A_609 = tpu.vector_load_idx %gather3A_608[%add3A_287, %broadcast_in_dim3A_604] : memref<512x32xf32, #tpu.memory_space<vmem>>[vector<16xi32>, vector<16xi32>], vector<16xf32>,
        %gather3A_610 = tpu.vector_load_idx %arg9[%sub3A_298, %broadcast_in_dim3A_604] : memref<512x32xf32, #tpu.memory_space<vmem>>[vector<16xi32>, vector<16xi32>], vector<16xf32>,
        %mul3A_611 = arith.mulf %gather3A_609, %gather3A_610 : vector<16xf32>
        %add3A_612 = arith.addf %add3A_602, %mul3A_611 : vector<16xf32>
        %broadcast_in_dim3A_613 = arith.constant 31 : i32
        %broadcast_in_dim3A_614 = vector.broadcast %broadcast_in_dim3A_613 : i32 to vector<16xi32>
        %gather3A_615 = arith.constant 0 : i32
        %gather3A_616 = arith.constant 0 : i32
        %gather3A_617 = tpu.memref_slice %arg11[%scan3A_255, %gather3A_615, %gather3A_616] : memref<3x512x32xf32, #tpu.memory_space<vmem>> -> memref<1x512x32xf32, #tpu.memory_space<vmem>>
        %gather3A_618 = tpu.memref_squeeze %gather3A_617 : memref<1x512x32xf32, #tpu.memory_space<vmem>> -> memref<512x32xf32, #tpu.memory_space<vmem>>
        %gather3A_619 = tpu.vector_load_idx %gather3A_618[%add3A_287, %broadcast_in_dim3A_614] : memref<512x32xf32, #tpu.memory_space<vmem>>[vector<16xi32>, vector<16xi32>], vector<16xf32>,
        %gather3A_620 = tpu.vector_load_idx %arg9[%sub3A_298, %broadcast_in_dim3A_614] : memref<512x32xf32, #tpu.memory_space<vmem>>[vector<16xi32>, vector<16xi32>], vector<16xf32>,
        %mul3A_621 = arith.mulf %gather3A_619, %gather3A_620 : vector<16xf32>
        %add3A_622 = arith.addf %add3A_612, %mul3A_621 : vector<16xf32>
        %mul3A_623 = arith.constant 512 : i32
        %mul3A_624 = arith.muli %add3A_230, %mul3A_623 : i32
        %mul3A_625 = arith.constant 16 : i32
        %mul3A_626 = arith.muli %scan3A_283, %mul3A_625 : i32
        %add3A_627 = arith.addi %mul3A_624, %mul3A_626 : i32
        %add3A_628 = vector.broadcast %add3A_627 : i32 to vector<16xi32>
        %add3A_629 = arith.addi %add3A_628, %iota3A : vector<16xi32>
        tpu.vector_store_idx %arg13[%add3A_629], %add3A_622 : memref<25600xf32, #tpu.memory_space<vmem>>[vector<16xi32>], vector<16xf32>,
      }
      %scan3A_260 = arith.constant 32 : i32
      %add3A_261 = arith.constant 2 : i32
      %add3A_262 = arith.addi %add3A_230, %add3A_261 : i32
      %dma_start3A_263 = arith.constant 1 : i32
      %dma_start3A_264 = arith.constant 0 : i32
      %dma_start3A_265 = arith.constant 0 : i32
      %dma_start3A_266 = tpu.memref_slice %arg11[%dma_start3A_263, %dma_start3A_264, %dma_start3A_265] : memref<3x512x32xf32, #tpu.memory_space<vmem>> -> memref<1x512x32xf32, #tpu.memory_space<vmem>>
      %dma_start3A_267 = tpu.memref_squeeze %dma_start3A_266 : memref<1x512x32xf32, #tpu.memory_space<vmem>> -> memref<512x32xf32, #tpu.memory_space<vmem>>
      %dma_start3A_268 = arith.constant 0 : i32
      %dma_start3A_269 = tpu.memref_slice %arg8[%add3A_262, %dma_start3A_268] : memref<50x512xi32, #tpu.memory_space<vmem>> -> memref<1x512xi32, #tpu.memory_space<vmem>>
      %dma_start3A_270 = tpu.memref_squeeze %dma_start3A_269 : memref<1x512xi32, #tpu.memory_space<vmem>> -> memref<512xi32, #tpu.memory_space<vmem>>
      %dma_start3A_271 = arith.constant 0 : i32
      %dma_start3A_272 = arith.constant 0 : i32
      %dma_start3A_273 = tpu.memref_slice %arg4[%dma_start3A_271, %dma_start3A_272] : memref<1000000x32xf32, #tpu.memory_space<hbm>> -> memref<1000000x32xf32, #tpu.memory_space<hbm>>
      tpu.enqueue_indirect_dma source(%dma_start3A_273 : memref<1000000x32xf32, #tpu.memory_space<hbm>>) target(%dma_start3A_267 : memref<512x32xf32, #tpu.memory_space<vmem>>) offsets(%dma_start3A_270 : memref<512xi32, #tpu.memory_space<vmem>>) semaphore(%arg15 : memref<!tpu.dma_semaphore, #tpu.memory_space<semaphore_mem>>)
      %dma_start3A_274 = arith.constant 1 : i32
      %dma_start3A_275 = arith.constant 0 : i32
      %dma_start3A_276 = tpu.memref_slice %arg12[%dma_start3A_274, %dma_start3A_275] : memref<3x512xf32, #tpu.memory_space<vmem>> -> memref<1x512xf32, #tpu.memory_space<vmem>>
      %dma_start3A_277 = tpu.memref_squeeze %dma_start3A_276 : memref<1x512xf32, #tpu.memory_space<vmem>> -> memref<512xf32, #tpu.memory_space<vmem>>
      %dma_start3A_278 = arith.constant 0 : i32
      %dma_start3A_279 = tpu.memref_slice %arg8[%add3A_262, %dma_start3A_278] : memref<50x512xi32, #tpu.memory_space<vmem>> -> memref<1x512xi32, #tpu.memory_space<vmem>>
      %dma_start3A_280 = tpu.memref_squeeze %dma_start3A_279 : memref<1x512xi32, #tpu.memory_space<vmem>> -> memref<512xi32, #tpu.memory_space<vmem>>
      %dma_start3A_281 = arith.constant 0 : i32
      %dma_start3A_282 = tpu.memref_slice %arg6[%dma_start3A_281] : memref<1000000xf32, #tpu.memory_space<hbm>> -> memref<1000000xf32, #tpu.memory_space<hbm>>
      tpu.enqueue_indirect_dma source(%dma_start3A_282 : memref<1000000xf32, #tpu.memory_space<hbm>>) target(%dma_start3A_277 : memref<512xf32, #tpu.memory_space<vmem>>) offsets(%dma_start3A_280 : memref<512xi32, #tpu.memory_space<vmem>>) semaphore(%arg15 : memref<!tpu.dma_semaphore, #tpu.memory_space<semaphore_mem>>)
    }
    %scan3A_54 = arith.constant 16 : i32
    %dma_wait3A = arith.constant 0 : i32
    %dma_wait3A_55 = arith.constant 0 : i32
    %dma_wait3A_56 = arith.constant 0 : i32
    %dma_wait3A_57 = arith.constant 0 : i32
    %dma_wait3A_58 = tpu.memref_slice %arg11[%dma_wait3A_55, %dma_wait3A_56, %dma_wait3A_57] : memref<3x512x32xf32, #tpu.memory_space<vmem>> -> memref<1x512x32xf32, #tpu.memory_space<vmem>>
    %dma_wait3A_59 = tpu.memref_squeeze %dma_wait3A_58 : memref<1x512x32xf32, #tpu.memory_space<vmem>> -> memref<512x32xf32, #tpu.memory_space<vmem>>
    %dma_wait3A_60 = arith.constant 0 : i32
    %dma_wait3A_61 = tpu.memref_slice %arg8[%dma_wait3A, %dma_wait3A_60] : memref<50x512xi32, #tpu.memory_space<vmem>> -> memref<1x512xi32, #tpu.memory_space<vmem>>
    %dma_wait3A_62 = tpu.memref_squeeze %dma_wait3A_61 : memref<1x512xi32, #tpu.memory_space<vmem>> -> memref<512xi32, #tpu.memory_space<vmem>>
    %dma_wait3A_63 = arith.constant 0 : i32
    %dma_wait3A_64 = arith.constant 0 : i32
    %dma_wait3A_65 = tpu.memref_slice %arg4[%dma_wait3A_63, %dma_wait3A_64] : memref<1000000x32xf32, #tpu.memory_space<hbm>> -> memref<1000000x32xf32, #tpu.memory_space<hbm>>
    tpu.wait_indirect_dma semaphore(%arg14 : memref<!tpu.dma_semaphore, #tpu.memory_space<semaphore_mem>>) src(%dma_wait3A_65 : memref<1000000x32xf32, #tpu.memory_space<hbm>>) dst(%dma_wait3A_59 : memref<512x32xf32, #tpu.memory_space<vmem>>)
    %dma_wait3A_66 = arith.constant 0 : i32
    %dma_wait3A_67 = arith.constant 0 : i32
    %dma_wait3A_68 = arith.constant 0 : i32
    %dma_wait3A_69 = tpu.memref_slice %arg12[%dma_wait3A_67, %dma_wait3A_68] : memref<3x512xf32, #tpu.memory_space<vmem>> -> memref<1x512xf32, #tpu.memory_space<vmem>>
    %dma_wait3A_70 = tpu.memref_squeeze %dma_wait3A_69 : memref<1x512xf32, #tpu.memory_space<vmem>> -> memref<512xf32, #tpu.memory_space<vmem>>
    %dma_wait3A_71 = arith.constant 0 : i32
    %dma_wait3A_72 = tpu.memref_slice %arg8[%dma_wait3A_66, %dma_wait3A_71] : memref<50x512xi32, #tpu.memory_space<vmem>> -> memref<1x512xi32, #tpu.memory_space<vmem>>
    %dma_wait3A_73 = tpu.memref_squeeze %dma_wait3A_72 : memref<1x512xi32, #tpu.memory_space<vmem>> -> memref<512xi32, #tpu.memory_space<vmem>>
    %dma_wait3A_74 = arith.constant 0 : i32
    %dma_wait3A_75 = tpu.memref_slice %arg6[%dma_wait3A_74] : memref<1000000xf32, #tpu.memory_space<hbm>> -> memref<1000000xf32, #tpu.memory_space<hbm>>
    tpu.wait_indirect_dma semaphore(%arg14 : memref<!tpu.dma_semaphore, #tpu.memory_space<semaphore_mem>>) src(%dma_wait3A_75 : memref<1000000xf32, #tpu.memory_space<hbm>>) dst(%dma_wait3A_70 : memref<512xf32, #tpu.memory_space<vmem>>)
    %scan3A_76 = arith.constant 0 : i32
    %scan3A_77 = arith.constant 0 : i32
    %scan3A_78 = arith.constant 0 : i32
    %scan3A_79 = arith.constant 0 : i32
    %scan3A_80 = arith.constant 32 : i32
    %scan3A_81 = arith.addi %scan3A_79, %scan3A_80 : i32
    %scan3A_82 = arith.constant 1 : i32
    scf.for %scan3A_114 = %scan3A_79 to %scan3A_81 step %scan3A_82  : i32 {
      %mul3A_115 = arith.constant 16 : i32
      %mul3A_116 = arith.muli %scan3A_114, %mul3A_115 : i32
      %add3A_117 = vector.broadcast %mul3A_116 : i32 to vector<16xi32>
      %add3A_118 = arith.addi %add3A_117, %iota3A : vector<16xi32>
      %add3A_119 = arith.constant 24576 : i32
      %add3A_120 = arith.addi %mul3A_2, %add3A_119 : i32
      %mul3A_121 = arith.constant 16 : i32
      %mul3A_122 = arith.muli %scan3A_114, %mul3A_121 : i32
      %add3A_123 = arith.addi %add3A_120, %mul3A_122 : i32
      %add3A_124 = vector.broadcast %add3A_123 : i32 to vector<16xi32>
      %add3A_125 = arith.addi %add3A_124, %iota3A : vector<16xi32>
      %div3A = arith.constant 50 : i32
      %div3A_126 = vector.broadcast %div3A : i32 to vector<16xi32>
      %div3A_127 = arith.divsi %add3A_125, %div3A_126 : vector<16xi32>
      %sub3A = vector.broadcast %mul3A_4 : i32 to vector<16xi32>
      %sub3A_128 = arith.subi %div3A_127, %sub3A : vector<16xi32>
      %gather3A = tpu.vector_load_idx %arg10[%sub3A_128] : memref<512xf32, #tpu.memory_space<vmem>>[vector<16xi32>], vector<16xf32>,
      %gather3A_129 = arith.constant 0 : i32
      %gather3A_130 = tpu.memref_slice %arg12[%scan3A_77, %gather3A_129] : memref<3x512xf32, #tpu.memory_space<vmem>> -> memref<1x512xf32, #tpu.memory_space<vmem>>
      %gather3A_131 = tpu.memref_squeeze %gather3A_130 : memref<1x512xf32, #tpu.memory_space<vmem>> -> memref<512xf32, #tpu.memory_space<vmem>>
      %gather3A_132 = tpu.vector_load_idx %gather3A_131[%add3A_118] : memref<512xf32, #tpu.memory_space<vmem>>[vector<16xi32>], vector<16xf32>,
      %add3A_133 = arith.addf %gather3A, %gather3A_132 : vector<16xf32>
      %broadcast_in_dim3A = arith.constant 0 : i32
      %broadcast_in_dim3A_134 = vector.broadcast %broadcast_in_dim3A : i32 to vector<16xi32>
      %gather3A_135 = arith.constant 0 : i32
      %gather3A_136 = arith.constant 0 : i32
      %gather3A_137 = tpu.memref_slice %arg11[%scan3A_78, %gather3A_135, %gather3A_136] : memref<3x512x32xf32, #tpu.memory_space<vmem>> -> memref<1x512x32xf32, #tpu.memory_space<vmem>>
      %gather3A_138 = tpu.memref_squeeze %gather3A_137 : memref<1x512x32xf32, #tpu.memory_space<vmem>> -> memref<512x32xf32, #tpu.memory_space<vmem>>
      %gather3A_139 = tpu.vector_load_idx %gather3A_138[%add3A_118, %broadcast_in_dim3A_134] : memref<512x32xf32, #tpu.memory_space<vmem>>[vector<16xi32>, vector<16xi32>], vector<16xf32>,
      %gather3A_140 = tpu.vector_load_idx %arg9[%sub3A_128, %broadcast_in_dim3A_134] : memref<512x32xf32, #tpu.memory_space<vmem>>[vector<16xi32>, vector<16xi32>], vector<16xf32>,
      %mul3A_141 = arith.mulf %gather3A_139, %gather3A_140 : vector<16xf32>
      %add3A_142 = arith.addf %add3A_133, %mul3A_141 : vector<16xf32>
      %broadcast_in_dim3A_143 = arith.constant 1 : i32
      %broadcast_in_dim3A_144 = vector.broadcast %broadcast_in_dim3A_143 : i32 to vector<16xi32>
      %gather3A_145 = arith.constant 0 : i32
      %gather3A_146 = arith.constant 0 : i32
      %gather3A_147 = tpu.memref_slice %arg11[%scan3A_78, %gather3A_145, %gather3A_146] : memref<3x512x32xf32, #tpu.memory_space<vmem>> -> memref<1x512x32xf32, #tpu.memory_space<vmem>>
      %gather3A_148 = tpu.memref_squeeze %gather3A_147 : memref<1x512x32xf32, #tpu.memory_space<vmem>> -> memref<512x32xf32, #tpu.memory_space<vmem>>
      %gather3A_149 = tpu.vector_load_idx %gather3A_148[%add3A_118, %broadcast_in_dim3A_144] : memref<512x32xf32, #tpu.memory_space<vmem>>[vector<16xi32>, vector<16xi32>], vector<16xf32>,
      %gather3A_150 = tpu.vector_load_idx %arg9[%sub3A_128, %broadcast_in_dim3A_144] : memref<512x32xf32, #tpu.memory_space<vmem>>[vector<16xi32>, vector<16xi32>], vector<16xf32>,
      %mul3A_151 = arith.mulf %gather3A_149, %gather3A_150 : vector<16xf32>
      %add3A_152 = arith.addf %add3A_142, %mul3A_151 : vector<16xf32>
      %broadcast_in_dim3A_153 = arith.constant 2 : i32
      %broadcast_in_dim3A_154 = vector.broadcast %broadcast_in_dim3A_153 : i32 to vector<16xi32>
      %gather3A_155 = arith.constant 0 : i32
      %gather3A_156 = arith.constant 0 : i32
      %gather3A_157 = tpu.memref_slice %arg11[%scan3A_78, %gather3A_155, %gather3A_156] : memref<3x512x32xf32, #tpu.memory_space<vmem>> -> memref<1x512x32xf32, #tpu.memory_space<vmem>>
      %gather3A_158 = tpu.memref_squeeze %gather3A_157 : memref<1x512x32xf32, #tpu.memory_space<vmem>> -> memref<512x32xf32, #tpu.memory_space<vmem>>
      %gather3A_159 = tpu.vector_load_idx %gather3A_158[%add3A_118, %broadcast_in_dim3A_154] : memref<512x32xf32, #tpu.memory_space<vmem>>[vector<16xi32>, vector<16xi32>], vector<16xf32>,
      %gather3A_160 = tpu.vector_load_idx %arg9[%sub3A_128, %broadcast_in_dim3A_154] : memref<512x32xf32, #tpu.memory_space<vmem>>[vector<16xi32>, vector<16xi32>], vector<16xf32>,
      %mul3A_161 = arith.mulf %gather3A_159, %gather3A_160 : vector<16xf32>
      %add3A_162 = arith.addf %add3A_152, %mul3A_161 : vector<16xf32>
      %broadcast_in_dim3A_163 = arith.constant 3 : i32
      %broadcast_in_dim3A_164 = vector.broadcast %broadcast_in_dim3A_163 : i32 to vector<16xi32>
      %gather3A_165 = arith.constant 0 : i32
      %gather3A_166 = arith.constant 0 : i32
      %gather3A_167 = tpu.memref_slice %arg11[%scan3A_78, %gather3A_165, %gather3A_166] : memref<3x512x32xf32, #tpu.memory_space<vmem>> -> memref<1x512x32xf32, #tpu.memory_space<vmem>>
      %gather3A_168 = tpu.memref_squeeze %gather3A_167 : memref<1x512x32xf32, #tpu.memory_space<vmem>> -> memref<512x32xf32, #tpu.memory_space<vmem>>
      %gather3A_169 = tpu.vector_load_idx %gather3A_168[%add3A_118, %broadcast_in_dim3A_164] : memref<512x32xf32, #tpu.memory_space<vmem>>[vector<16xi32>, vector<16xi32>], vector<16xf32>,
      %gather3A_170 = tpu.vector_load_idx %arg9[%sub3A_128, %broadcast_in_dim3A_164] : memref<512x32xf32, #tpu.memory_space<vmem>>[vector<16xi32>, vector<16xi32>], vector<16xf32>,
      %mul3A_171 = arith.mulf %gather3A_169, %gather3A_170 : vector<16xf32>
      %add3A_172 = arith.addf %add3A_162, %mul3A_171 : vector<16xf32>
      %broadcast_in_dim3A_173 = arith.constant 4 : i32
      %broadcast_in_dim3A_174 = vector.broadcast %broadcast_in_dim3A_173 : i32 to vector<16xi32>
      %gather3A_175 = arith.constant 0 : i32
      %gather3A_176 = arith.constant 0 : i32
      %gather3A_177 = tpu.memref_slice %arg11[%scan3A_78, %gather3A_175, %gather3A_176] : memref<3x512x32xf32, #tpu.memory_space<vmem>> -> memref<1x512x32xf32, #tpu.memory_space<vmem>>
      %gather3A_178 = tpu.memref_squeeze %gather3A_177 : memref<1x512x32xf32, #tpu.memory_space<vmem>> -> memref<512x32xf32, #tpu.memory_space<vmem>>
      %gather3A_179 = tpu.vector_load_idx %gather3A_178[%add3A_118, %broadcast_in_dim3A_174] : memref<512x32xf32, #tpu.memory_space<vmem>>[vector<16xi32>, vector<16xi32>], vector<16xf32>,
      %gather3A_180 = tpu.vector_load_idx %arg9[%sub3A_128, %broadcast_in_dim3A_174] : memref<512x32xf32, #tpu.memory_space<vmem>>[vector<16xi32>, vector<16xi32>], vector<16xf32>,
      %mul3A_181 = arith.mulf %gather3A_179, %gather3A_180 : vector<16xf32>
      %add3A_182 = arith.addf %add3A_172, %mul3A_181 : vector<16xf32>
      %broadcast_in_dim3A_183 = arith.constant 5 : i32
      %broadcast_in_dim3A_184 = vector.broadcast %broadcast_in_dim3A_183 : i32 to vector<16xi32>
      %gather3A_185 = arith.constant 0 : i32
      %gather3A_186 = arith.constant 0 : i32
      %gather3A_187 = tpu.memref_slice %arg11[%scan3A_78, %gather3A_185, %gather3A_186] : memref<3x512x32xf32, #tpu.memory_space<vmem>> -> memref<1x512x32xf32, #tpu.memory_space<vmem>>
      %gather3A_188 = tpu.memref_squeeze %gather3A_187 : memref<1x512x32xf32, #tpu.memory_space<vmem>> -> memref<512x32xf32, #tpu.memory_space<vmem>>
      %gather3A_189 = tpu.vector_load_idx %gather3A_188[%add3A_118, %broadcast_in_dim3A_184] : memref<512x32xf32, #tpu.memory_space<vmem>>[vector<16xi32>, vector<16xi32>], vector<16xf32>,
      %gather3A_190 = tpu.vector_load_idx %arg9[%sub3A_128, %broadcast_in_dim3A_184] : memref<512x32xf32, #tpu.memory_space<vmem>>[vector<16xi32>, vector<16xi32>], vector<16xf32>,
      %mul3A_191 = arith.mulf %gather3A_189, %gather3A_190 : vector<16xf32>
      %add3A_192 = arith.addf %add3A_182, %mul3A_191 : vector<16xf32>
      %broadcast_in_dim3A_193 = arith.constant 6 : i32
      %broadcast_in_dim3A_194 = vector.broadcast %broadcast_in_dim3A_193 : i32 to vector<16xi32>
      %gather3A_195 = arith.constant 0 : i32
      %gather3A_196 = arith.constant 0 : i32
      %gather3A_197 = tpu.memref_slice %arg11[%scan3A_78, %gather3A_195, %gather3A_196] : memref<3x512x32xf32, #tpu.memory_space<vmem>> -> memref<1x512x32xf32, #tpu.memory_space<vmem>>
      %gather3A_198 = tpu.memref_squeeze %gather3A_197 : memref<1x512x32xf32, #tpu.memory_space<vmem>> -> memref<512x32xf32, #tpu.memory_space<vmem>>
      %gather3A_199 = tpu.vector_load_idx %gather3A_198[%add3A_118, %broadcast_in_dim3A_194] : memref<512x32xf32, #tpu.memory_space<vmem>>[vector<16xi32>, vector<16xi32>], vector<16xf32>,
      %gather3A_200 = tpu.vector_load_idx %arg9[%sub3A_128, %broadcast_in_dim3A_194] : memref<512x32xf32, #tpu.memory_space<vmem>>[vector<16xi32>, vector<16xi32>], vector<16xf32>,
      %mul3A_201 = arith.mulf %gather3A_199, %gather3A_200 : vector<16xf32>
      %add3A_202 = arith.addf %add3A_192, %mul3A_201 : vector<16xf32>
      %broadcast_in_dim3A_203 = arith.constant 7 : i32
      %broadcast_in_dim3A_204 = vector.broadcast %broadcast_in_dim3A_203 : i32 to vector<16xi32>
      %gather3A_205 = arith.constant 0 : i32
      %gather3A_206 = arith.constant 0 : i32
      %gather3A_207 = tpu.memref_slice %arg11[%scan3A_78, %gather3A_205, %gather3A_206] : memref<3x512x32xf32, #tpu.memory_space<vmem>> -> memref<1x512x32xf32, #tpu.memory_space<vmem>>
      %gather3A_208 = tpu.memref_squeeze %gather3A_207 : memref<1x512x32xf32, #tpu.memory_space<vmem>> -> memref<512x32xf32, #tpu.memory_space<vmem>>
      %gather3A_209 = tpu.vector_load_idx %gather3A_208[%add3A_118, %broadcast_in_dim3A_204] : memref<512x32xf32, #tpu.memory_space<vmem>>[vector<16xi32>, vector<16xi32>], vector<16xf32>,
      %gather3A_210 = tpu.vector_load_idx %arg9[%sub3A_128, %broadcast_in_dim3A_204] : memref<512x32xf32, #tpu.memory_space<vmem>>[vector<16xi32>, vector<16xi32>], vector<16xf32>,
      %mul3A_211 = arith.mulf %gather3A_209, %gather3A_210 : vector<16xf32>
      %add3A_212 = arith.addf %add3A_202, %mul3A_211 : vector<16xf32>
      %broadcast_in_dim3A_213 = arith.constant 8 : i32
      %broadcast_in_dim3A_214 = vector.broadcast %broadcast_in_dim3A_213 : i32 to vector<16xi32>
      %gather3A_215 = arith.constant 0 : i32
      %gather3A_216 = arith.constant 0 : i32
      %gather3A_217 = tpu.memref_slice %arg11[%scan3A_78, %gather3A_215, %gather3A_216] : memref<3x512x32xf32, #tpu.memory_space<vmem>> -> memref<1x512x32xf32, #tpu.memory_space<vmem>>
      %gather3A_218 = tpu.memref_squeeze %gather3A_217 : memref<1x512x32xf32, #tpu.memory_space<vmem>> -> memref<512x32xf32, #tpu.memory_space<vmem>>
      %gather3A_219 = tpu.vector_load_idx %gather3A_218[%add3A_118, %broadcast_in_dim3A_214] : memref<512x32xf32, #tpu.memory_space<vmem>>[vector<16xi32>, vector<16xi32>], vector<16xf32>,
      %gather3A_220 = tpu.vector_load_idx %arg9[%sub3A_128, %broadcast_in_dim3A_214] : memref<512x32xf32, #tpu.memory_space<vmem>>[vector<16xi32>, vector<16xi32>], vector<16xf32>,
      %mul3A_221 = arith.mulf %gather3A_219, %gather3A_220 : vector<16xf32>
      %add3A_222 = arith.addf %add3A_212, %mul3A_221 : vector<16xf32>
      %broadcast_in_dim3A_223 = arith.constant 9 : i32
      %broadcast_in_dim3A_224 = vector.broadcast %broadcast_in_dim3A_223 : i32 to vector<16xi32>
      %gather3A_225 = arith.constant 0 : i32
      %gather3A_226 = arith.constant 0 : i32
      %gather3A_227 = tpu.memref_slice %arg11[%scan3A_78, %gather3A_225, %gather3A_226] : memref<3x512x32xf32, #tpu.memory_space<vmem>> -> memref<1x512x32xf32, #tpu.memory_space<vmem>>
      %gather3A_228 = tpu.memref_squeeze %gather3A_227 : memref<1x512x32xf32, #tpu.memory_space<vmem>> -> memref<512x32xf32, #tpu.memory_space<vmem>>
      %gather3A_229 = tpu.vector_load_idx %gather3A_228[%add3A_118, %broadcast_in_dim3A_224] : memref<512x32xf32, #tpu.memory_space<vmem>>[vector<16xi32>, vector<16xi32>], vector<16xf32>,
      %gather3A_230 = tpu.vector_load_idx %arg9[%sub3A_128, %broadcast_in_dim3A_224] : memref<512x32xf32, #tpu.memory_space<vmem>>[vector<16xi32>, vector<16xi32>], vector<16xf32>,
      %mul3A_231 = arith.mulf %gather3A_229, %gather3A_230 : vector<16xf32>
      %add3A_232 = arith.addf %add3A_222, %mul3A_231 : vector<16xf32>
      %broadcast_in_dim3A_233 = arith.constant 10 : i32
      %broadcast_in_dim3A_234 = vector.broadcast %broadcast_in_dim3A_233 : i32 to vector<16xi32>
      %gather3A_235 = arith.constant 0 : i32
      %gather3A_236 = arith.constant 0 : i32
      %gather3A_237 = tpu.memref_slice %arg11[%scan3A_78, %gather3A_235, %gather3A_236] : memref<3x512x32xf32, #tpu.memory_space<vmem>> -> memref<1x512x32xf32, #tpu.memory_space<vmem>>
      %gather3A_238 = tpu.memref_squeeze %gather3A_237 : memref<1x512x32xf32, #tpu.memory_space<vmem>> -> memref<512x32xf32, #tpu.memory_space<vmem>>
      %gather3A_239 = tpu.vector_load_idx %gather3A_238[%add3A_118, %broadcast_in_dim3A_234] : memref<512x32xf32, #tpu.memory_space<vmem>>[vector<16xi32>, vector<16xi32>], vector<16xf32>,
      %gather3A_240 = tpu.vector_load_idx %arg9[%sub3A_128, %broadcast_in_dim3A_234] : memref<512x32xf32, #tpu.memory_space<vmem>>[vector<16xi32>, vector<16xi32>], vector<16xf32>,
      %mul3A_241 = arith.mulf %gather3A_239, %gather3A_240 : vector<16xf32>
      %add3A_242 = arith.addf %add3A_232, %mul3A_241 : vector<16xf32>
      %broadcast_in_dim3A_243 = arith.constant 11 : i32
      %broadcast_in_dim3A_244 = vector.broadcast %broadcast_in_dim3A_243 : i32 to vector<16xi32>
      %gather3A_245 = arith.constant 0 : i32
      %gather3A_246 = arith.constant 0 : i32
      %gather3A_247 = tpu.memref_slice %arg11[%scan3A_78, %gather3A_245, %gather3A_246] : memref<3x512x32xf32, #tpu.memory_space<vmem>> -> memref<1x512x32xf32, #tpu.memory_space<vmem>>
      %gather3A_248 = tpu.memref_squeeze %gather3A_247 : memref<1x512x32xf32, #tpu.memory_space<vmem>> -> memref<512x32xf32, #tpu.memory_space<vmem>>
      %gather3A_249 = tpu.vector_load_idx %gather3A_248[%add3A_118, %broadcast_in_dim3A_244] : memref<512x32xf32, #tpu.memory_space<vmem>>[vector<16xi32>, vector<16xi32>], vector<16xf32>,
      %gather3A_250 = tpu.vector_load_idx %arg9[%sub3A_128, %broadcast_in_dim3A_244] : memref<512x32xf32, #tpu.memory_space<vmem>>[vector<16xi32>, vector<16xi32>], vector<16xf32>,
      %mul3A_251 = arith.mulf %gather3A_249, %gather3A_250 : vector<16xf32>
      %add3A_252 = arith.addf %add3A_242, %mul3A_251 : vector<16xf32>
      %broadcast_in_dim3A_253 = arith.constant 12 : i32
      %broadcast_in_dim3A_254 = vector.broadcast %broadcast_in_dim3A_253 : i32 to vector<16xi32>
      %gather3A_255 = arith.constant 0 : i32
      %gather3A_256 = arith.constant 0 : i32
      %gather3A_257 = tpu.memref_slice %arg11[%scan3A_78, %gather3A_255, %gather3A_256] : memref<3x512x32xf32, #tpu.memory_space<vmem>> -> memref<1x512x32xf32, #tpu.memory_space<vmem>>
      %gather3A_258 = tpu.memref_squeeze %gather3A_257 : memref<1x512x32xf32, #tpu.memory_space<vmem>> -> memref<512x32xf32, #tpu.memory_space<vmem>>
      %gather3A_259 = tpu.vector_load_idx %gather3A_258[%add3A_118, %broadcast_in_dim3A_254] : memref<512x32xf32, #tpu.memory_space<vmem>>[vector<16xi32>, vector<16xi32>], vector<16xf32>,
      %gather3A_260 = tpu.vector_load_idx %arg9[%sub3A_128, %broadcast_in_dim3A_254] : memref<512x32xf32, #tpu.memory_space<vmem>>[vector<16xi32>, vector<16xi32>], vector<16xf32>,
      %mul3A_261 = arith.mulf %gather3A_259, %gather3A_260 : vector<16xf32>
      %add3A_262 = arith.addf %add3A_252, %mul3A_261 : vector<16xf32>
      %broadcast_in_dim3A_263 = arith.constant 13 : i32
      %broadcast_in_dim3A_264 = vector.broadcast %broadcast_in_dim3A_263 : i32 to vector<16xi32>
      %gather3A_265 = arith.constant 0 : i32
      %gather3A_266 = arith.constant 0 : i32
      %gather3A_267 = tpu.memref_slice %arg11[%scan3A_78, %gather3A_265, %gather3A_266] : memref<3x512x32xf32, #tpu.memory_space<vmem>> -> memref<1x512x32xf32, #tpu.memory_space<vmem>>
      %gather3A_268 = tpu.memref_squeeze %gather3A_267 : memref<1x512x32xf32, #tpu.memory_space<vmem>> -> memref<512x32xf32, #tpu.memory_space<vmem>>
      %gather3A_269 = tpu.vector_load_idx %gather3A_268[%add3A_118, %broadcast_in_dim3A_264] : memref<512x32xf32, #tpu.memory_space<vmem>>[vector<16xi32>, vector<16xi32>], vector<16xf32>,
      %gather3A_270 = tpu.vector_load_idx %arg9[%sub3A_128, %broadcast_in_dim3A_264] : memref<512x32xf32, #tpu.memory_space<vmem>>[vector<16xi32>, vector<16xi32>], vector<16xf32>,
      %mul3A_271 = arith.mulf %gather3A_269, %gather3A_270 : vector<16xf32>
      %add3A_272 = arith.addf %add3A_262, %mul3A_271 : vector<16xf32>
      %broadcast_in_dim3A_273 = arith.constant 14 : i32
      %broadcast_in_dim3A_274 = vector.broadcast %broadcast_in_dim3A_273 : i32 to vector<16xi32>
      %gather3A_275 = arith.constant 0 : i32
      %gather3A_276 = arith.constant 0 : i32
      %gather3A_277 = tpu.memref_slice %arg11[%scan3A_78, %gather3A_275, %gather3A_276] : memref<3x512x32xf32, #tpu.memory_space<vmem>> -> memref<1x512x32xf32, #tpu.memory_space<vmem>>
      %gather3A_278 = tpu.memref_squeeze %gather3A_277 : memref<1x512x32xf32, #tpu.memory_space<vmem>> -> memref<512x32xf32, #tpu.memory_space<vmem>>
      %gather3A_279 = tpu.vector_load_idx %gather3A_278[%add3A_118, %broadcast_in_dim3A_274] : memref<512x32xf32, #tpu.memory_space<vmem>>[vector<16xi32>, vector<16xi32>], vector<16xf32>,
      %gather3A_280 = tpu.vector_load_idx %arg9[%sub3A_128, %broadcast_in_dim3A_274] : memref<512x32xf32, #tpu.memory_space<vmem>>[vector<16xi32>, vector<16xi32>], vector<16xf32>,
      %mul3A_281 = arith.mulf %gather3A_279, %gather3A_280 : vector<16xf32>
      %add3A_282 = arith.addf %add3A_272, %mul3A_281 : vector<16xf32>
      %broadcast_in_dim3A_283 = arith.constant 15 : i32
      %broadcast_in_dim3A_284 = vector.broadcast %broadcast_in_dim3A_283 : i32 to vector<16xi32>
      %gather3A_285 = arith.constant 0 : i32
      %gather3A_286 = arith.constant 0 : i32
      %gather3A_287 = tpu.memref_slice %arg11[%scan3A_78, %gather3A_285, %gather3A_286] : memref<3x512x32xf32, #tpu.memory_space<vmem>> -> memref<1x512x32xf32, #tpu.memory_space<vmem>>
      %gather3A_288 = tpu.memref_squeeze %gather3A_287 : memref<1x512x32xf32, #tpu.memory_space<vmem>> -> memref<512x32xf32, #tpu.memory_space<vmem>>
      %gather3A_289 = tpu.vector_load_idx %gather3A_288[%add3A_118, %broadcast_in_dim3A_284] : memref<512x32xf32, #tpu.memory_space<vmem>>[vector<16xi32>, vector<16xi32>], vector<16xf32>,
      %gather3A_290 = tpu.vector_load_idx %arg9[%sub3A_128, %broadcast_in_dim3A_284] : memref<512x32xf32, #tpu.memory_space<vmem>>[vector<16xi32>, vector<16xi32>], vector<16xf32>,
      %mul3A_291 = arith.mulf %gather3A_289, %gather3A_290 : vector<16xf32>
      %add3A_292 = arith.addf %add3A_282, %mul3A_291 : vector<16xf32>
      %broadcast_in_dim3A_293 = arith.constant 16 : i32
      %broadcast_in_dim3A_294 = vector.broadcast %broadcast_in_dim3A_293 : i32 to vector<16xi32>
      %gather3A_295 = arith.constant 0 : i32
      %gather3A_296 = arith.constant 0 : i32
      %gather3A_297 = tpu.memref_slice %arg11[%scan3A_78, %gather3A_295, %gather3A_296] : memref<3x512x32xf32, #tpu.memory_space<vmem>> -> memref<1x512x32xf32, #tpu.memory_space<vmem>>
      %gather3A_298 = tpu.memref_squeeze %gather3A_297 : memref<1x512x32xf32, #tpu.memory_space<vmem>> -> memref<512x32xf32, #tpu.memory_space<vmem>>
      %gather3A_299 = tpu.vector_load_idx %gather3A_298[%add3A_118, %broadcast_in_dim3A_294] : memref<512x32xf32, #tpu.memory_space<vmem>>[vector<16xi32>, vector<16xi32>], vector<16xf32>,
      %gather3A_300 = tpu.vector_load_idx %arg9[%sub3A_128, %broadcast_in_dim3A_294] : memref<512x32xf32, #tpu.memory_space<vmem>>[vector<16xi32>, vector<16xi32>], vector<16xf32>,
      %mul3A_301 = arith.mulf %gather3A_299, %gather3A_300 : vector<16xf32>
      %add3A_302 = arith.addf %add3A_292, %mul3A_301 : vector<16xf32>
      %broadcast_in_dim3A_303 = arith.constant 17 : i32
      %broadcast_in_dim3A_304 = vector.broadcast %broadcast_in_dim3A_303 : i32 to vector<16xi32>
      %gather3A_305 = arith.constant 0 : i32
      %gather3A_306 = arith.constant 0 : i32
      %gather3A_307 = tpu.memref_slice %arg11[%scan3A_78, %gather3A_305, %gather3A_306] : memref<3x512x32xf32, #tpu.memory_space<vmem>> -> memref<1x512x32xf32, #tpu.memory_space<vmem>>
      %gather3A_308 = tpu.memref_squeeze %gather3A_307 : memref<1x512x32xf32, #tpu.memory_space<vmem>> -> memref<512x32xf32, #tpu.memory_space<vmem>>
      %gather3A_309 = tpu.vector_load_idx %gather3A_308[%add3A_118, %broadcast_in_dim3A_304] : memref<512x32xf32, #tpu.memory_space<vmem>>[vector<16xi32>, vector<16xi32>], vector<16xf32>,
      %gather3A_310 = tpu.vector_load_idx %arg9[%sub3A_128, %broadcast_in_dim3A_304] : memref<512x32xf32, #tpu.memory_space<vmem>>[vector<16xi32>, vector<16xi32>], vector<16xf32>,
      %mul3A_311 = arith.mulf %gather3A_309, %gather3A_310 : vector<16xf32>
      %add3A_312 = arith.addf %add3A_302, %mul3A_311 : vector<16xf32>
      %broadcast_in_dim3A_313 = arith.constant 18 : i32
      %broadcast_in_dim3A_314 = vector.broadcast %broadcast_in_dim3A_313 : i32 to vector<16xi32>
      %gather3A_315 = arith.constant 0 : i32
      %gather3A_316 = arith.constant 0 : i32
      %gather3A_317 = tpu.memref_slice %arg11[%scan3A_78, %gather3A_315, %gather3A_316] : memref<3x512x32xf32, #tpu.memory_space<vmem>> -> memref<1x512x32xf32, #tpu.memory_space<vmem>>
      %gather3A_318 = tpu.memref_squeeze %gather3A_317 : memref<1x512x32xf32, #tpu.memory_space<vmem>> -> memref<512x32xf32, #tpu.memory_space<vmem>>
      %gather3A_319 = tpu.vector_load_idx %gather3A_318[%add3A_118, %broadcast_in_dim3A_314] : memref<512x32xf32, #tpu.memory_space<vmem>>[vector<16xi32>, vector<16xi32>], vector<16xf32>,
      %gather3A_320 = tpu.vector_load_idx %arg9[%sub3A_128, %broadcast_in_dim3A_314] : memref<512x32xf32, #tpu.memory_space<vmem>>[vector<16xi32>, vector<16xi32>], vector<16xf32>,
      %mul3A_321 = arith.mulf %gather3A_319, %gather3A_320 : vector<16xf32>
      %add3A_322 = arith.addf %add3A_312, %mul3A_321 : vector<16xf32>
      %broadcast_in_dim3A_323 = arith.constant 19 : i32
      %broadcast_in_dim3A_324 = vector.broadcast %broadcast_in_dim3A_323 : i32 to vector<16xi32>
      %gather3A_325 = arith.constant 0 : i32
      %gather3A_326 = arith.constant 0 : i32
      %gather3A_327 = tpu.memref_slice %arg11[%scan3A_78, %gather3A_325, %gather3A_326] : memref<3x512x32xf32, #tpu.memory_space<vmem>> -> memref<1x512x32xf32, #tpu.memory_space<vmem>>
      %gather3A_328 = tpu.memref_squeeze %gather3A_327 : memref<1x512x32xf32, #tpu.memory_space<vmem>> -> memref<512x32xf32, #tpu.memory_space<vmem>>
      %gather3A_329 = tpu.vector_load_idx %gather3A_328[%add3A_118, %broadcast_in_dim3A_324] : memref<512x32xf32, #tpu.memory_space<vmem>>[vector<16xi32>, vector<16xi32>], vector<16xf32>,
      %gather3A_330 = tpu.vector_load_idx %arg9[%sub3A_128, %broadcast_in_dim3A_324] : memref<512x32xf32, #tpu.memory_space<vmem>>[vector<16xi32>, vector<16xi32>], vector<16xf32>,
      %mul3A_331 = arith.mulf %gather3A_329, %gather3A_330 : vector<16xf32>
      %add3A_332 = arith.addf %add3A_322, %mul3A_331 : vector<16xf32>
      %broadcast_in_dim3A_333 = arith.constant 20 : i32
      %broadcast_in_dim3A_334 = vector.broadcast %broadcast_in_dim3A_333 : i32 to vector<16xi32>
      %gather3A_335 = arith.constant 0 : i32
      %gather3A_336 = arith.constant 0 : i32
      %gather3A_337 = tpu.memref_slice %arg11[%scan3A_78, %gather3A_335, %gather3A_336] : memref<3x512x32xf32, #tpu.memory_space<vmem>> -> memref<1x512x32xf32, #tpu.memory_space<vmem>>
      %gather3A_338 = tpu.memref_squeeze %gather3A_337 : memref<1x512x32xf32, #tpu.memory_space<vmem>> -> memref<512x32xf32, #tpu.memory_space<vmem>>
      %gather3A_339 = tpu.vector_load_idx %gather3A_338[%add3A_118, %broadcast_in_dim3A_334] : memref<512x32xf32, #tpu.memory_space<vmem>>[vector<16xi32>, vector<16xi32>], vector<16xf32>,
      %gather3A_340 = tpu.vector_load_idx %arg9[%sub3A_128, %broadcast_in_dim3A_334] : memref<512x32xf32, #tpu.memory_space<vmem>>[vector<16xi32>, vector<16xi32>], vector<16xf32>,
      %mul3A_341 = arith.mulf %gather3A_339, %gather3A_340 : vector<16xf32>
      %add3A_342 = arith.addf %add3A_332, %mul3A_341 : vector<16xf32>
      %broadcast_in_dim3A_343 = arith.constant 21 : i32
      %broadcast_in_dim3A_344 = vector.broadcast %broadcast_in_dim3A_343 : i32 to vector<16xi32>
      %gather3A_345 = arith.constant 0 : i32
      %gather3A_346 = arith.constant 0 : i32
      %gather3A_347 = tpu.memref_slice %arg11[%scan3A_78, %gather3A_345, %gather3A_346] : memref<3x512x32xf32, #tpu.memory_space<vmem>> -> memref<1x512x32xf32, #tpu.memory_space<vmem>>
      %gather3A_348 = tpu.memref_squeeze %gather3A_347 : memref<1x512x32xf32, #tpu.memory_space<vmem>> -> memref<512x32xf32, #tpu.memory_space<vmem>>
      %gather3A_349 = tpu.vector_load_idx %gather3A_348[%add3A_118, %broadcast_in_dim3A_344] : memref<512x32xf32, #tpu.memory_space<vmem>>[vector<16xi32>, vector<16xi32>], vector<16xf32>,
      %gather3A_350 = tpu.vector_load_idx %arg9[%sub3A_128, %broadcast_in_dim3A_344] : memref<512x32xf32, #tpu.memory_space<vmem>>[vector<16xi32>, vector<16xi32>], vector<16xf32>,
      %mul3A_351 = arith.mulf %gather3A_349, %gather3A_350 : vector<16xf32>
      %add3A_352 = arith.addf %add3A_342, %mul3A_351 : vector<16xf32>
      %broadcast_in_dim3A_353 = arith.constant 22 : i32
      %broadcast_in_dim3A_354 = vector.broadcast %broadcast_in_dim3A_353 : i32 to vector<16xi32>
      %gather3A_355 = arith.constant 0 : i32
      %gather3A_356 = arith.constant 0 : i32
      %gather3A_357 = tpu.memref_slice %arg11[%scan3A_78, %gather3A_355, %gather3A_356] : memref<3x512x32xf32, #tpu.memory_space<vmem>> -> memref<1x512x32xf32, #tpu.memory_space<vmem>>
      %gather3A_358 = tpu.memref_squeeze %gather3A_357 : memref<1x512x32xf32, #tpu.memory_space<vmem>> -> memref<512x32xf32, #tpu.memory_space<vmem>>
      %gather3A_359 = tpu.vector_load_idx %gather3A_358[%add3A_118, %broadcast_in_dim3A_354] : memref<512x32xf32, #tpu.memory_space<vmem>>[vector<16xi32>, vector<16xi32>], vector<16xf32>,
      %gather3A_360 = tpu.vector_load_idx %arg9[%sub3A_128, %broadcast_in_dim3A_354] : memref<512x32xf32, #tpu.memory_space<vmem>>[vector<16xi32>, vector<16xi32>], vector<16xf32>,
      %mul3A_361 = arith.mulf %gather3A_359, %gather3A_360 : vector<16xf32>
      %add3A_362 = arith.addf %add3A_352, %mul3A_361 : vector<16xf32>
      %broadcast_in_dim3A_363 = arith.constant 23 : i32
      %broadcast_in_dim3A_364 = vector.broadcast %broadcast_in_dim3A_363 : i32 to vector<16xi32>
      %gather3A_365 = arith.constant 0 : i32
      %gather3A_366 = arith.constant 0 : i32
      %gather3A_367 = tpu.memref_slice %arg11[%scan3A_78, %gather3A_365, %gather3A_366] : memref<3x512x32xf32, #tpu.memory_space<vmem>> -> memref<1x512x32xf32, #tpu.memory_space<vmem>>
      %gather3A_368 = tpu.memref_squeeze %gather3A_367 : memref<1x512x32xf32, #tpu.memory_space<vmem>> -> memref<512x32xf32, #tpu.memory_space<vmem>>
      %gather3A_369 = tpu.vector_load_idx %gather3A_368[%add3A_118, %broadcast_in_dim3A_364] : memref<512x32xf32, #tpu.memory_space<vmem>>[vector<16xi32>, vector<16xi32>], vector<16xf32>,
      %gather3A_370 = tpu.vector_load_idx %arg9[%sub3A_128, %broadcast_in_dim3A_364] : memref<512x32xf32, #tpu.memory_space<vmem>>[vector<16xi32>, vector<16xi32>], vector<16xf32>,
      %mul3A_371 = arith.mulf %gather3A_369, %gather3A_370 : vector<16xf32>
      %add3A_372 = arith.addf %add3A_362, %mul3A_371 : vector<16xf32>
      %broadcast_in_dim3A_373 = arith.constant 24 : i32
      %broadcast_in_dim3A_374 = vector.broadcast %broadcast_in_dim3A_373 : i32 to vector<16xi32>
      %gather3A_375 = arith.constant 0 : i32
      %gather3A_376 = arith.constant 0 : i32
      %gather3A_377 = tpu.memref_slice %arg11[%scan3A_78, %gather3A_375, %gather3A_376] : memref<3x512x32xf32, #tpu.memory_space<vmem>> -> memref<1x512x32xf32, #tpu.memory_space<vmem>>
      %gather3A_378 = tpu.memref_squeeze %gather3A_377 : memref<1x512x32xf32, #tpu.memory_space<vmem>> -> memref<512x32xf32, #tpu.memory_space<vmem>>
      %gather3A_379 = tpu.vector_load_idx %gather3A_378[%add3A_118, %broadcast_in_dim3A_374] : memref<512x32xf32, #tpu.memory_space<vmem>>[vector<16xi32>, vector<16xi32>], vector<16xf32>,
      %gather3A_380 = tpu.vector_load_idx %arg9[%sub3A_128, %broadcast_in_dim3A_374] : memref<512x32xf32, #tpu.memory_space<vmem>>[vector<16xi32>, vector<16xi32>], vector<16xf32>,
      %mul3A_381 = arith.mulf %gather3A_379, %gather3A_380 : vector<16xf32>
      %add3A_382 = arith.addf %add3A_372, %mul3A_381 : vector<16xf32>
      %broadcast_in_dim3A_383 = arith.constant 25 : i32
      %broadcast_in_dim3A_384 = vector.broadcast %broadcast_in_dim3A_383 : i32 to vector<16xi32>
      %gather3A_385 = arith.constant 0 : i32
      %gather3A_386 = arith.constant 0 : i32
      %gather3A_387 = tpu.memref_slice %arg11[%scan3A_78, %gather3A_385, %gather3A_386] : memref<3x512x32xf32, #tpu.memory_space<vmem>> -> memref<1x512x32xf32, #tpu.memory_space<vmem>>
      %gather3A_388 = tpu.memref_squeeze %gather3A_387 : memref<1x512x32xf32, #tpu.memory_space<vmem>> -> memref<512x32xf32, #tpu.memory_space<vmem>>
      %gather3A_389 = tpu.vector_load_idx %gather3A_388[%add3A_118, %broadcast_in_dim3A_384] : memref<512x32xf32, #tpu.memory_space<vmem>>[vector<16xi32>, vector<16xi32>], vector<16xf32>,
      %gather3A_390 = tpu.vector_load_idx %arg9[%sub3A_128, %broadcast_in_dim3A_384] : memref<512x32xf32, #tpu.memory_space<vmem>>[vector<16xi32>, vector<16xi32>], vector<16xf32>,
      %mul3A_391 = arith.mulf %gather3A_389, %gather3A_390 : vector<16xf32>
      %add3A_392 = arith.addf %add3A_382, %mul3A_391 : vector<16xf32>
      %broadcast_in_dim3A_393 = arith.constant 26 : i32
      %broadcast_in_dim3A_394 = vector.broadcast %broadcast_in_dim3A_393 : i32 to vector<16xi32>
      %gather3A_395 = arith.constant 0 : i32
      %gather3A_396 = arith.constant 0 : i32
      %gather3A_397 = tpu.memref_slice %arg11[%scan3A_78, %gather3A_395, %gather3A_396] : memref<3x512x32xf32, #tpu.memory_space<vmem>> -> memref<1x512x32xf32, #tpu.memory_space<vmem>>
      %gather3A_398 = tpu.memref_squeeze %gather3A_397 : memref<1x512x32xf32, #tpu.memory_space<vmem>> -> memref<512x32xf32, #tpu.memory_space<vmem>>
      %gather3A_399 = tpu.vector_load_idx %gather3A_398[%add3A_118, %broadcast_in_dim3A_394] : memref<512x32xf32, #tpu.memory_space<vmem>>[vector<16xi32>, vector<16xi32>], vector<16xf32>,
      %gather3A_400 = tpu.vector_load_idx %arg9[%sub3A_128, %broadcast_in_dim3A_394] : memref<512x32xf32, #tpu.memory_space<vmem>>[vector<16xi32>, vector<16xi32>], vector<16xf32>,
      %mul3A_401 = arith.mulf %gather3A_399, %gather3A_400 : vector<16xf32>
      %add3A_402 = arith.addf %add3A_392, %mul3A_401 : vector<16xf32>
      %broadcast_in_dim3A_403 = arith.constant 27 : i32
      %broadcast_in_dim3A_404 = vector.broadcast %broadcast_in_dim3A_403 : i32 to vector<16xi32>
      %gather3A_405 = arith.constant 0 : i32
      %gather3A_406 = arith.constant 0 : i32
      %gather3A_407 = tpu.memref_slice %arg11[%scan3A_78, %gather3A_405, %gather3A_406] : memref<3x512x32xf32, #tpu.memory_space<vmem>> -> memref<1x512x32xf32, #tpu.memory_space<vmem>>
      %gather3A_408 = tpu.memref_squeeze %gather3A_407 : memref<1x512x32xf32, #tpu.memory_space<vmem>> -> memref<512x32xf32, #tpu.memory_space<vmem>>
      %gather3A_409 = tpu.vector_load_idx %gather3A_408[%add3A_118, %broadcast_in_dim3A_404] : memref<512x32xf32, #tpu.memory_space<vmem>>[vector<16xi32>, vector<16xi32>], vector<16xf32>,
      %gather3A_410 = tpu.vector_load_idx %arg9[%sub3A_128, %broadcast_in_dim3A_404] : memref<512x32xf32, #tpu.memory_space<vmem>>[vector<16xi32>, vector<16xi32>], vector<16xf32>,
      %mul3A_411 = arith.mulf %gather3A_409, %gather3A_410 : vector<16xf32>
      %add3A_412 = arith.addf %add3A_402, %mul3A_411 : vector<16xf32>
      %broadcast_in_dim3A_413 = arith.constant 28 : i32
      %broadcast_in_dim3A_414 = vector.broadcast %broadcast_in_dim3A_413 : i32 to vector<16xi32>
      %gather3A_415 = arith.constant 0 : i32
      %gather3A_416 = arith.constant 0 : i32
      %gather3A_417 = tpu.memref_slice %arg11[%scan3A_78, %gather3A_415, %gather3A_416] : memref<3x512x32xf32, #tpu.memory_space<vmem>> -> memref<1x512x32xf32, #tpu.memory_space<vmem>>
      %gather3A_418 = tpu.memref_squeeze %gather3A_417 : memref<1x512x32xf32, #tpu.memory_space<vmem>> -> memref<512x32xf32, #tpu.memory_space<vmem>>
      %gather3A_419 = tpu.vector_load_idx %gather3A_418[%add3A_118, %broadcast_in_dim3A_414] : memref<512x32xf32, #tpu.memory_space<vmem>>[vector<16xi32>, vector<16xi32>], vector<16xf32>,
      %gather3A_420 = tpu.vector_load_idx %arg9[%sub3A_128, %broadcast_in_dim3A_414] : memref<512x32xf32, #tpu.memory_space<vmem>>[vector<16xi32>, vector<16xi32>], vector<16xf32>,
      %mul3A_421 = arith.mulf %gather3A_419, %gather3A_420 : vector<16xf32>
      %add3A_422 = arith.addf %add3A_412, %mul3A_421 : vector<16xf32>
      %broadcast_in_dim3A_423 = arith.constant 29 : i32
      %broadcast_in_dim3A_424 = vector.broadcast %broadcast_in_dim3A_423 : i32 to vector<16xi32>
      %gather3A_425 = arith.constant 0 : i32
      %gather3A_426 = arith.constant 0 : i32
      %gather3A_427 = tpu.memref_slice %arg11[%scan3A_78, %gather3A_425, %gather3A_426] : memref<3x512x32xf32, #tpu.memory_space<vmem>> -> memref<1x512x32xf32, #tpu.memory_space<vmem>>
      %gather3A_428 = tpu.memref_squeeze %gather3A_427 : memref<1x512x32xf32, #tpu.memory_space<vmem>> -> memref<512x32xf32, #tpu.memory_space<vmem>>
      %gather3A_429 = tpu.vector_load_idx %gather3A_428[%add3A_118, %broadcast_in_dim3A_424] : memref<512x32xf32, #tpu.memory_space<vmem>>[vector<16xi32>, vector<16xi32>], vector<16xf32>,
      %gather3A_430 = tpu.vector_load_idx %arg9[%sub3A_128, %broadcast_in_dim3A_424] : memref<512x32xf32, #tpu.memory_space<vmem>>[vector<16xi32>, vector<16xi32>], vector<16xf32>,
      %mul3A_431 = arith.mulf %gather3A_429, %gather3A_430 : vector<16xf32>
      %add3A_432 = arith.addf %add3A_422, %mul3A_431 : vector<16xf32>
      %broadcast_in_dim3A_433 = arith.constant 30 : i32
      %broadcast_in_dim3A_434 = vector.broadcast %broadcast_in_dim3A_433 : i32 to vector<16xi32>
      %gather3A_435 = arith.constant 0 : i32
      %gather3A_436 = arith.constant 0 : i32
      %gather3A_437 = tpu.memref_slice %arg11[%scan3A_78, %gather3A_435, %gather3A_436] : memref<3x512x32xf32, #tpu.memory_space<vmem>> -> memref<1x512x32xf32, #tpu.memory_space<vmem>>
      %gather3A_438 = tpu.memref_squeeze %gather3A_437 : memref<1x512x32xf32, #tpu.memory_space<vmem>> -> memref<512x32xf32, #tpu.memory_space<vmem>>
      %gather3A_439 = tpu.vector_load_idx %gather3A_438[%add3A_118, %broadcast_in_dim3A_434] : memref<512x32xf32, #tpu.memory_space<vmem>>[vector<16xi32>, vector<16xi32>], vector<16xf32>,
      %gather3A_440 = tpu.vector_load_idx %arg9[%sub3A_128, %broadcast_in_dim3A_434] : memref<512x32xf32, #tpu.memory_space<vmem>>[vector<16xi32>, vector<16xi32>], vector<16xf32>,
      %mul3A_441 = arith.mulf %gather3A_439, %gather3A_440 : vector<16xf32>
      %add3A_442 = arith.addf %add3A_432, %mul3A_441 : vector<16xf32>
      %broadcast_in_dim3A_443 = arith.constant 31 : i32
      %broadcast_in_dim3A_444 = vector.broadcast %broadcast_in_dim3A_443 : i32 to vector<16xi32>
      %gather3A_445 = arith.constant 0 : i32
      %gather3A_446 = arith.constant 0 : i32
      %gather3A_447 = tpu.memref_slice %arg11[%scan3A_78, %gather3A_445, %gather3A_446] : memref<3x512x32xf32, #tpu.memory_space<vmem>> -> memref<1x512x32xf32, #tpu.memory_space<vmem>>
      %gather3A_448 = tpu.memref_squeeze %gather3A_447 : memref<1x512x32xf32, #tpu.memory_space<vmem>> -> memref<512x32xf32, #tpu.memory_space<vmem>>
      %gather3A_449 = tpu.vector_load_idx %gather3A_448[%add3A_118, %broadcast_in_dim3A_444] : memref<512x32xf32, #tpu.memory_space<vmem>>[vector<16xi32>, vector<16xi32>], vector<16xf32>,
      %gather3A_450 = tpu.vector_load_idx %arg9[%sub3A_128, %broadcast_in_dim3A_444] : memref<512x32xf32, #tpu.memory_space<vmem>>[vector<16xi32>, vector<16xi32>], vector<16xf32>,
      %mul3A_451 = arith.mulf %gather3A_449, %gather3A_450 : vector<16xf32>
      %add3A_452 = arith.addf %add3A_442, %mul3A_451 : vector<16xf32>
      %mul3A_453 = arith.constant 16 : i32
      %mul3A_454 = arith.muli %scan3A_114, %mul3A_453 : i32
      %add3A_455 = arith.constant 24576 : i32
      %add3A_456 = arith.addi %add3A_455, %mul3A_454 : i32
      %add3A_457 = vector.broadcast %add3A_456 : i32 to vector<16xi32>
      %add3A_458 = arith.addi %add3A_457, %iota3A : vector<16xi32>
      tpu.vector_store_idx %arg13[%add3A_458], %add3A_452 : memref<25600xf32, #tpu.memory_space<vmem>>[vector<16xi32>], vector<16xf32>,
    }
    %scan3A_83 = arith.constant 32 : i32
    %dma_wait3A_84 = arith.constant 0 : i32
    %dma_wait3A_85 = arith.constant 1 : i32
    %dma_wait3A_86 = arith.constant 0 : i32
    %dma_wait3A_87 = arith.constant 0 : i32
    %dma_wait3A_88 = tpu.memref_slice %arg11[%dma_wait3A_85, %dma_wait3A_86, %dma_wait3A_87] : memref<3x512x32xf32, #tpu.memory_space<vmem>> -> memref<1x512x32xf32, #tpu.memory_space<vmem>>
    %dma_wait3A_89 = tpu.memref_squeeze %dma_wait3A_88 : memref<1x512x32xf32, #tpu.memory_space<vmem>> -> memref<512x32xf32, #tpu.memory_space<vmem>>
    %dma_wait3A_90 = arith.constant 0 : i32
    %dma_wait3A_91 = tpu.memref_slice %arg8[%dma_wait3A_84, %dma_wait3A_90] : memref<50x512xi32, #tpu.memory_space<vmem>> -> memref<1x512xi32, #tpu.memory_space<vmem>>
    %dma_wait3A_92 = tpu.memref_squeeze %dma_wait3A_91 : memref<1x512xi32, #tpu.memory_space<vmem>> -> memref<512xi32, #tpu.memory_space<vmem>>
    %dma_wait3A_93 = arith.constant 0 : i32
    %dma_wait3A_94 = arith.constant 0 : i32
    %dma_wait3A_95 = tpu.memref_slice %arg4[%dma_wait3A_93, %dma_wait3A_94] : memref<1000000x32xf32, #tpu.memory_space<hbm>> -> memref<1000000x32xf32, #tpu.memory_space<hbm>>
    tpu.wait_indirect_dma semaphore(%arg15 : memref<!tpu.dma_semaphore, #tpu.memory_space<semaphore_mem>>) src(%dma_wait3A_95 : memref<1000000x32xf32, #tpu.memory_space<hbm>>) dst(%dma_wait3A_89 : memref<512x32xf32, #tpu.memory_space<vmem>>)
    %dma_wait3A_96 = arith.constant 0 : i32
    %dma_wait3A_97 = arith.constant 1 : i32
    %dma_wait3A_98 = arith.constant 0 : i32
    %dma_wait3A_99 = tpu.memref_slice %arg12[%dma_wait3A_97, %dma_wait3A_98] : memref<3x512xf32, #tpu.memory_space<vmem>> -> memref<1x512xf32, #tpu.memory_space<vmem>>
    %dma_wait3A_100 = tpu.memref_squeeze %dma_wait3A_99 : memref<1x512xf32, #tpu.memory_space<vmem>> -> memref<512xf32, #tpu.memory_space<vmem>>
    %dma_wait3A_101 = arith.constant 0 : i32
    %dma_wait3A_102 = tpu.memref_slice %arg8[%dma_wait3A_96, %dma_wait3A_101] : memref<50x512xi32, #tpu.memory_space<vmem>> -> memref<1x512xi32, #tpu.memory_space<vmem>>
    %dma_wait3A_103 = tpu.memref_squeeze %dma_wait3A_102 : memref<1x512xi32, #tpu.memory_space<vmem>> -> memref<512xi32, #tpu.memory_space<vmem>>
    %dma_wait3A_104 = arith.constant 0 : i32
    %dma_wait3A_105 = tpu.memref_slice %arg6[%dma_wait3A_104] : memref<1000000xf32, #tpu.memory_space<hbm>> -> memref<1000000xf32, #tpu.memory_space<hbm>>
    tpu.wait_indirect_dma semaphore(%arg15 : memref<!tpu.dma_semaphore, #tpu.memory_space<semaphore_mem>>) src(%dma_wait3A_105 : memref<1000000xf32, #tpu.memory_space<hbm>>) dst(%dma_wait3A_100 : memref<512xf32, #tpu.memory_space<vmem>>)
    %scan3A_106 = arith.constant 0 : i32
    %scan3A_107 = arith.constant 1 : i32
    %scan3A_108 = arith.constant 1 : i32
    %scan3A_109 = arith.constant 0 : i32
    %scan3A_110 = arith.constant 32 : i32
    %scan3A_111 = arith.addi %scan3A_109, %scan3A_110 : i32
    %scan3A_112 = arith.constant 1 : i32
    scf.for %scan3A_114 = %scan3A_109 to %scan3A_111 step %scan3A_112  : i32 {
      %mul3A_115 = arith.constant 16 : i32
      %mul3A_116 = arith.muli %scan3A_114, %mul3A_115 : i32
      %add3A_117 = vector.broadcast %mul3A_116 : i32 to vector<16xi32>
      %add3A_118 = arith.addi %add3A_117, %iota3A : vector<16xi32>
      %add3A_119 = arith.constant 25088 : i32
      %add3A_120 = arith.addi %mul3A_2, %add3A_119 : i32
      %mul3A_121 = arith.constant 16 : i32
      %mul3A_122 = arith.muli %scan3A_114, %mul3A_121 : i32
      %add3A_123 = arith.addi %add3A_120, %mul3A_122 : i32
      %add3A_124 = vector.broadcast %add3A_123 : i32 to vector<16xi32>
      %add3A_125 = arith.addi %add3A_124, %iota3A : vector<16xi32>
      %div3A = arith.constant 50 : i32
      %div3A_126 = vector.broadcast %div3A : i32 to vector<16xi32>
      %div3A_127 = arith.divsi %add3A_125, %div3A_126 : vector<16xi32>
      %sub3A = vector.broadcast %mul3A_4 : i32 to vector<16xi32>
      %sub3A_128 = arith.subi %div3A_127, %sub3A : vector<16xi32>
      %gather3A = tpu.vector_load_idx %arg10[%sub3A_128] : memref<512xf32, #tpu.memory_space<vmem>>[vector<16xi32>], vector<16xf32>,
      %gather3A_129 = arith.constant 0 : i32
      %gather3A_130 = tpu.memref_slice %arg12[%scan3A_107, %gather3A_129] : memref<3x512xf32, #tpu.memory_space<vmem>> -> memref<1x512xf32, #tpu.memory_space<vmem>>
      %gather3A_131 = tpu.memref_squeeze %gather3A_130 : memref<1x512xf32, #tpu.memory_space<vmem>> -> memref<512xf32, #tpu.memory_space<vmem>>
      %gather3A_132 = tpu.vector_load_idx %gather3A_131[%add3A_118] : memref<512xf32, #tpu.memory_space<vmem>>[vector<16xi32>], vector<16xf32>,
      %add3A_133 = arith.addf %gather3A, %gather3A_132 : vector<16xf32>
      %broadcast_in_dim3A = arith.constant 0 : i32
      %broadcast_in_dim3A_134 = vector.broadcast %broadcast_in_dim3A : i32 to vector<16xi32>
      %gather3A_135 = arith.constant 0 : i32
      %gather3A_136 = arith.constant 0 : i32
      %gather3A_137 = tpu.memref_slice %arg11[%scan3A_108, %gather3A_135, %gather3A_136] : memref<3x512x32xf32, #tpu.memory_space<vmem>> -> memref<1x512x32xf32, #tpu.memory_space<vmem>>
      %gather3A_138 = tpu.memref_squeeze %gather3A_137 : memref<1x512x32xf32, #tpu.memory_space<vmem>> -> memref<512x32xf32, #tpu.memory_space<vmem>>
      %gather3A_139 = tpu.vector_load_idx %gather3A_138[%add3A_118, %broadcast_in_dim3A_134] : memref<512x32xf32, #tpu.memory_space<vmem>>[vector<16xi32>, vector<16xi32>], vector<16xf32>,
      %gather3A_140 = tpu.vector_load_idx %arg9[%sub3A_128, %broadcast_in_dim3A_134] : memref<512x32xf32, #tpu.memory_space<vmem>>[vector<16xi32>, vector<16xi32>], vector<16xf32>,
      %mul3A_141 = arith.mulf %gather3A_139, %gather3A_140 : vector<16xf32>
      %add3A_142 = arith.addf %add3A_133, %mul3A_141 : vector<16xf32>
      %broadcast_in_dim3A_143 = arith.constant 1 : i32
      %broadcast_in_dim3A_144 = vector.broadcast %broadcast_in_dim3A_143 : i32 to vector<16xi32>
      %gather3A_145 = arith.constant 0 : i32
      %gather3A_146 = arith.constant 0 : i32
      %gather3A_147 = tpu.memref_slice %arg11[%scan3A_108, %gather3A_145, %gather3A_146] : memref<3x512x32xf32, #tpu.memory_space<vmem>> -> memref<1x512x32xf32, #tpu.memory_space<vmem>>
      %gather3A_148 = tpu.memref_squeeze %gather3A_147 : memref<1x512x32xf32, #tpu.memory_space<vmem>> -> memref<512x32xf32, #tpu.memory_space<vmem>>
      %gather3A_149 = tpu.vector_load_idx %gather3A_148[%add3A_118, %broadcast_in_dim3A_144] : memref<512x32xf32, #tpu.memory_space<vmem>>[vector<16xi32>, vector<16xi32>], vector<16xf32>,
      %gather3A_150 = tpu.vector_load_idx %arg9[%sub3A_128, %broadcast_in_dim3A_144] : memref<512x32xf32, #tpu.memory_space<vmem>>[vector<16xi32>, vector<16xi32>], vector<16xf32>,
      %mul3A_151 = arith.mulf %gather3A_149, %gather3A_150 : vector<16xf32>
      %add3A_152 = arith.addf %add3A_142, %mul3A_151 : vector<16xf32>
      %broadcast_in_dim3A_153 = arith.constant 2 : i32
      %broadcast_in_dim3A_154 = vector.broadcast %broadcast_in_dim3A_153 : i32 to vector<16xi32>
      %gather3A_155 = arith.constant 0 : i32
      %gather3A_156 = arith.constant 0 : i32
      %gather3A_157 = tpu.memref_slice %arg11[%scan3A_108, %gather3A_155, %gather3A_156] : memref<3x512x32xf32, #tpu.memory_space<vmem>> -> memref<1x512x32xf32, #tpu.memory_space<vmem>>
      %gather3A_158 = tpu.memref_squeeze %gather3A_157 : memref<1x512x32xf32, #tpu.memory_space<vmem>> -> memref<512x32xf32, #tpu.memory_space<vmem>>
      %gather3A_159 = tpu.vector_load_idx %gather3A_158[%add3A_118, %broadcast_in_dim3A_154] : memref<512x32xf32, #tpu.memory_space<vmem>>[vector<16xi32>, vector<16xi32>], vector<16xf32>,
      %gather3A_160 = tpu.vector_load_idx %arg9[%sub3A_128, %broadcast_in_dim3A_154] : memref<512x32xf32, #tpu.memory_space<vmem>>[vector<16xi32>, vector<16xi32>], vector<16xf32>,
      %mul3A_161 = arith.mulf %gather3A_159, %gather3A_160 : vector<16xf32>
      %add3A_162 = arith.addf %add3A_152, %mul3A_161 : vector<16xf32>
      %broadcast_in_dim3A_163 = arith.constant 3 : i32
      %broadcast_in_dim3A_164 = vector.broadcast %broadcast_in_dim3A_163 : i32 to vector<16xi32>
      %gather3A_165 = arith.constant 0 : i32
      %gather3A_166 = arith.constant 0 : i32
      %gather3A_167 = tpu.memref_slice %arg11[%scan3A_108, %gather3A_165, %gather3A_166] : memref<3x512x32xf32, #tpu.memory_space<vmem>> -> memref<1x512x32xf32, #tpu.memory_space<vmem>>
      %gather3A_168 = tpu.memref_squeeze %gather3A_167 : memref<1x512x32xf32, #tpu.memory_space<vmem>> -> memref<512x32xf32, #tpu.memory_space<vmem>>
      %gather3A_169 = tpu.vector_load_idx %gather3A_168[%add3A_118, %broadcast_in_dim3A_164] : memref<512x32xf32, #tpu.memory_space<vmem>>[vector<16xi32>, vector<16xi32>], vector<16xf32>,
      %gather3A_170 = tpu.vector_load_idx %arg9[%sub3A_128, %broadcast_in_dim3A_164] : memref<512x32xf32, #tpu.memory_space<vmem>>[vector<16xi32>, vector<16xi32>], vector<16xf32>,
      %mul3A_171 = arith.mulf %gather3A_169, %gather3A_170 : vector<16xf32>
      %add3A_172 = arith.addf %add3A_162, %mul3A_171 : vector<16xf32>
      %broadcast_in_dim3A_173 = arith.constant 4 : i32
      %broadcast_in_dim3A_174 = vector.broadcast %broadcast_in_dim3A_173 : i32 to vector<16xi32>
      %gather3A_175 = arith.constant 0 : i32
      %gather3A_176 = arith.constant 0 : i32
      %gather3A_177 = tpu.memref_slice %arg11[%scan3A_108, %gather3A_175, %gather3A_176] : memref<3x512x32xf32, #tpu.memory_space<vmem>> -> memref<1x512x32xf32, #tpu.memory_space<vmem>>
      %gather3A_178 = tpu.memref_squeeze %gather3A_177 : memref<1x512x32xf32, #tpu.memory_space<vmem>> -> memref<512x32xf32, #tpu.memory_space<vmem>>
      %gather3A_179 = tpu.vector_load_idx %gather3A_178[%add3A_118, %broadcast_in_dim3A_174] : memref<512x32xf32, #tpu.memory_space<vmem>>[vector<16xi32>, vector<16xi32>], vector<16xf32>,
      %gather3A_180 = tpu.vector_load_idx %arg9[%sub3A_128, %broadcast_in_dim3A_174] : memref<512x32xf32, #tpu.memory_space<vmem>>[vector<16xi32>, vector<16xi32>], vector<16xf32>,
      %mul3A_181 = arith.mulf %gather3A_179, %gather3A_180 : vector<16xf32>
      %add3A_182 = arith.addf %add3A_172, %mul3A_181 : vector<16xf32>
      %broadcast_in_dim3A_183 = arith.constant 5 : i32
      %broadcast_in_dim3A_184 = vector.broadcast %broadcast_in_dim3A_183 : i32 to vector<16xi32>
      %gather3A_185 = arith.constant 0 : i32
      %gather3A_186 = arith.constant 0 : i32
      %gather3A_187 = tpu.memref_slice %arg11[%scan3A_108, %gather3A_185, %gather3A_186] : memref<3x512x32xf32, #tpu.memory_space<vmem>> -> memref<1x512x32xf32, #tpu.memory_space<vmem>>
      %gather3A_188 = tpu.memref_squeeze %gather3A_187 : memref<1x512x32xf32, #tpu.memory_space<vmem>> -> memref<512x32xf32, #tpu.memory_space<vmem>>
      %gather3A_189 = tpu.vector_load_idx %gather3A_188[%add3A_118, %broadcast_in_dim3A_184] : memref<512x32xf32, #tpu.memory_space<vmem>>[vector<16xi32>, vector<16xi32>], vector<16xf32>,
      %gather3A_190 = tpu.vector_load_idx %arg9[%sub3A_128, %broadcast_in_dim3A_184] : memref<512x32xf32, #tpu.memory_space<vmem>>[vector<16xi32>, vector<16xi32>], vector<16xf32>,
      %mul3A_191 = arith.mulf %gather3A_189, %gather3A_190 : vector<16xf32>
      %add3A_192 = arith.addf %add3A_182, %mul3A_191 : vector<16xf32>
      %broadcast_in_dim3A_193 = arith.constant 6 : i32
      %broadcast_in_dim3A_194 = vector.broadcast %broadcast_in_dim3A_193 : i32 to vector<16xi32>
      %gather3A_195 = arith.constant 0 : i32
      %gather3A_196 = arith.constant 0 : i32
      %gather3A_197 = tpu.memref_slice %arg11[%scan3A_108, %gather3A_195, %gather3A_196] : memref<3x512x32xf32, #tpu.memory_space<vmem>> -> memref<1x512x32xf32, #tpu.memory_space<vmem>>
      %gather3A_198 = tpu.memref_squeeze %gather3A_197 : memref<1x512x32xf32, #tpu.memory_space<vmem>> -> memref<512x32xf32, #tpu.memory_space<vmem>>
      %gather3A_199 = tpu.vector_load_idx %gather3A_198[%add3A_118, %broadcast_in_dim3A_194] : memref<512x32xf32, #tpu.memory_space<vmem>>[vector<16xi32>, vector<16xi32>], vector<16xf32>,
      %gather3A_200 = tpu.vector_load_idx %arg9[%sub3A_128, %broadcast_in_dim3A_194] : memref<512x32xf32, #tpu.memory_space<vmem>>[vector<16xi32>, vector<16xi32>], vector<16xf32>,
      %mul3A_201 = arith.mulf %gather3A_199, %gather3A_200 : vector<16xf32>
      %add3A_202 = arith.addf %add3A_192, %mul3A_201 : vector<16xf32>
      %broadcast_in_dim3A_203 = arith.constant 7 : i32
      %broadcast_in_dim3A_204 = vector.broadcast %broadcast_in_dim3A_203 : i32 to vector<16xi32>
      %gather3A_205 = arith.constant 0 : i32
      %gather3A_206 = arith.constant 0 : i32
      %gather3A_207 = tpu.memref_slice %arg11[%scan3A_108, %gather3A_205, %gather3A_206] : memref<3x512x32xf32, #tpu.memory_space<vmem>> -> memref<1x512x32xf32, #tpu.memory_space<vmem>>
      %gather3A_208 = tpu.memref_squeeze %gather3A_207 : memref<1x512x32xf32, #tpu.memory_space<vmem>> -> memref<512x32xf32, #tpu.memory_space<vmem>>
      %gather3A_209 = tpu.vector_load_idx %gather3A_208[%add3A_118, %broadcast_in_dim3A_204] : memref<512x32xf32, #tpu.memory_space<vmem>>[vector<16xi32>, vector<16xi32>], vector<16xf32>,
      %gather3A_210 = tpu.vector_load_idx %arg9[%sub3A_128, %broadcast_in_dim3A_204] : memref<512x32xf32, #tpu.memory_space<vmem>>[vector<16xi32>, vector<16xi32>], vector<16xf32>,
      %mul3A_211 = arith.mulf %gather3A_209, %gather3A_210 : vector<16xf32>
      %add3A_212 = arith.addf %add3A_202, %mul3A_211 : vector<16xf32>
      %broadcast_in_dim3A_213 = arith.constant 8 : i32
      %broadcast_in_dim3A_214 = vector.broadcast %broadcast_in_dim3A_213 : i32 to vector<16xi32>
      %gather3A_215 = arith.constant 0 : i32
      %gather3A_216 = arith.constant 0 : i32
      %gather3A_217 = tpu.memref_slice %arg11[%scan3A_108, %gather3A_215, %gather3A_216] : memref<3x512x32xf32, #tpu.memory_space<vmem>> -> memref<1x512x32xf32, #tpu.memory_space<vmem>>
      %gather3A_218 = tpu.memref_squeeze %gather3A_217 : memref<1x512x32xf32, #tpu.memory_space<vmem>> -> memref<512x32xf32, #tpu.memory_space<vmem>>
      %gather3A_219 = tpu.vector_load_idx %gather3A_218[%add3A_118, %broadcast_in_dim3A_214] : memref<512x32xf32, #tpu.memory_space<vmem>>[vector<16xi32>, vector<16xi32>], vector<16xf32>,
      %gather3A_220 = tpu.vector_load_idx %arg9[%sub3A_128, %broadcast_in_dim3A_214] : memref<512x32xf32, #tpu.memory_space<vmem>>[vector<16xi32>, vector<16xi32>], vector<16xf32>,
      %mul3A_221 = arith.mulf %gather3A_219, %gather3A_220 : vector<16xf32>
      %add3A_222 = arith.addf %add3A_212, %mul3A_221 : vector<16xf32>
      %broadcast_in_dim3A_223 = arith.constant 9 : i32
      %broadcast_in_dim3A_224 = vector.broadcast %broadcast_in_dim3A_223 : i32 to vector<16xi32>
      %gather3A_225 = arith.constant 0 : i32
      %gather3A_226 = arith.constant 0 : i32
      %gather3A_227 = tpu.memref_slice %arg11[%scan3A_108, %gather3A_225, %gather3A_226] : memref<3x512x32xf32, #tpu.memory_space<vmem>> -> memref<1x512x32xf32, #tpu.memory_space<vmem>>
      %gather3A_228 = tpu.memref_squeeze %gather3A_227 : memref<1x512x32xf32, #tpu.memory_space<vmem>> -> memref<512x32xf32, #tpu.memory_space<vmem>>
      %gather3A_229 = tpu.vector_load_idx %gather3A_228[%add3A_118, %broadcast_in_dim3A_224] : memref<512x32xf32, #tpu.memory_space<vmem>>[vector<16xi32>, vector<16xi32>], vector<16xf32>,
      %gather3A_230 = tpu.vector_load_idx %arg9[%sub3A_128, %broadcast_in_dim3A_224] : memref<512x32xf32, #tpu.memory_space<vmem>>[vector<16xi32>, vector<16xi32>], vector<16xf32>,
      %mul3A_231 = arith.mulf %gather3A_229, %gather3A_230 : vector<16xf32>
      %add3A_232 = arith.addf %add3A_222, %mul3A_231 : vector<16xf32>
      %broadcast_in_dim3A_233 = arith.constant 10 : i32
      %broadcast_in_dim3A_234 = vector.broadcast %broadcast_in_dim3A_233 : i32 to vector<16xi32>
      %gather3A_235 = arith.constant 0 : i32
      %gather3A_236 = arith.constant 0 : i32
      %gather3A_237 = tpu.memref_slice %arg11[%scan3A_108, %gather3A_235, %gather3A_236] : memref<3x512x32xf32, #tpu.memory_space<vmem>> -> memref<1x512x32xf32, #tpu.memory_space<vmem>>
      %gather3A_238 = tpu.memref_squeeze %gather3A_237 : memref<1x512x32xf32, #tpu.memory_space<vmem>> -> memref<512x32xf32, #tpu.memory_space<vmem>>
      %gather3A_239 = tpu.vector_load_idx %gather3A_238[%add3A_118, %broadcast_in_dim3A_234] : memref<512x32xf32, #tpu.memory_space<vmem>>[vector<16xi32>, vector<16xi32>], vector<16xf32>,
      %gather3A_240 = tpu.vector_load_idx %arg9[%sub3A_128, %broadcast_in_dim3A_234] : memref<512x32xf32, #tpu.memory_space<vmem>>[vector<16xi32>, vector<16xi32>], vector<16xf32>,
      %mul3A_241 = arith.mulf %gather3A_239, %gather3A_240 : vector<16xf32>
      %add3A_242 = arith.addf %add3A_232, %mul3A_241 : vector<16xf32>
      %broadcast_in_dim3A_243 = arith.constant 11 : i32
      %broadcast_in_dim3A_244 = vector.broadcast %broadcast_in_dim3A_243 : i32 to vector<16xi32>
      %gather3A_245 = arith.constant 0 : i32
      %gather3A_246 = arith.constant 0 : i32
      %gather3A_247 = tpu.memref_slice %arg11[%scan3A_108, %gather3A_245, %gather3A_246] : memref<3x512x32xf32, #tpu.memory_space<vmem>> -> memref<1x512x32xf32, #tpu.memory_space<vmem>>
      %gather3A_248 = tpu.memref_squeeze %gather3A_247 : memref<1x512x32xf32, #tpu.memory_space<vmem>> -> memref<512x32xf32, #tpu.memory_space<vmem>>
      %gather3A_249 = tpu.vector_load_idx %gather3A_248[%add3A_118, %broadcast_in_dim3A_244] : memref<512x32xf32, #tpu.memory_space<vmem>>[vector<16xi32>, vector<16xi32>], vector<16xf32>,
      %gather3A_250 = tpu.vector_load_idx %arg9[%sub3A_128, %broadcast_in_dim3A_244] : memref<512x32xf32, #tpu.memory_space<vmem>>[vector<16xi32>, vector<16xi32>], vector<16xf32>,
      %mul3A_251 = arith.mulf %gather3A_249, %gather3A_250 : vector<16xf32>
      %add3A_252 = arith.addf %add3A_242, %mul3A_251 : vector<16xf32>
      %broadcast_in_dim3A_253 = arith.constant 12 : i32
      %broadcast_in_dim3A_254 = vector.broadcast %broadcast_in_dim3A_253 : i32 to vector<16xi32>
      %gather3A_255 = arith.constant 0 : i32
      %gather3A_256 = arith.constant 0 : i32
      %gather3A_257 = tpu.memref_slice %arg11[%scan3A_108, %gather3A_255, %gather3A_256] : memref<3x512x32xf32, #tpu.memory_space<vmem>> -> memref<1x512x32xf32, #tpu.memory_space<vmem>>
      %gather3A_258 = tpu.memref_squeeze %gather3A_257 : memref<1x512x32xf32, #tpu.memory_space<vmem>> -> memref<512x32xf32, #tpu.memory_space<vmem>>
      %gather3A_259 = tpu.vector_load_idx %gather3A_258[%add3A_118, %broadcast_in_dim3A_254] : memref<512x32xf32, #tpu.memory_space<vmem>>[vector<16xi32>, vector<16xi32>], vector<16xf32>,
      %gather3A_260 = tpu.vector_load_idx %arg9[%sub3A_128, %broadcast_in_dim3A_254] : memref<512x32xf32, #tpu.memory_space<vmem>>[vector<16xi32>, vector<16xi32>], vector<16xf32>,
      %mul3A_261 = arith.mulf %gather3A_259, %gather3A_260 : vector<16xf32>
      %add3A_262 = arith.addf %add3A_252, %mul3A_261 : vector<16xf32>
      %broadcast_in_dim3A_263 = arith.constant 13 : i32
      %broadcast_in_dim3A_264 = vector.broadcast %broadcast_in_dim3A_263 : i32 to vector<16xi32>
      %gather3A_265 = arith.constant 0 : i32
      %gather3A_266 = arith.constant 0 : i32
      %gather3A_267 = tpu.memref_slice %arg11[%scan3A_108, %gather3A_265, %gather3A_266] : memref<3x512x32xf32, #tpu.memory_space<vmem>> -> memref<1x512x32xf32, #tpu.memory_space<vmem>>
      %gather3A_268 = tpu.memref_squeeze %gather3A_267 : memref<1x512x32xf32, #tpu.memory_space<vmem>> -> memref<512x32xf32, #tpu.memory_space<vmem>>
      %gather3A_269 = tpu.vector_load_idx %gather3A_268[%add3A_118, %broadcast_in_dim3A_264] : memref<512x32xf32, #tpu.memory_space<vmem>>[vector<16xi32>, vector<16xi32>], vector<16xf32>,
      %gather3A_270 = tpu.vector_load_idx %arg9[%sub3A_128, %broadcast_in_dim3A_264] : memref<512x32xf32, #tpu.memory_space<vmem>>[vector<16xi32>, vector<16xi32>], vector<16xf32>,
      %mul3A_271 = arith.mulf %gather3A_269, %gather3A_270 : vector<16xf32>
      %add3A_272 = arith.addf %add3A_262, %mul3A_271 : vector<16xf32>
      %broadcast_in_dim3A_273 = arith.constant 14 : i32
      %broadcast_in_dim3A_274 = vector.broadcast %broadcast_in_dim3A_273 : i32 to vector<16xi32>
      %gather3A_275 = arith.constant 0 : i32
      %gather3A_276 = arith.constant 0 : i32
      %gather3A_277 = tpu.memref_slice %arg11[%scan3A_108, %gather3A_275, %gather3A_276] : memref<3x512x32xf32, #tpu.memory_space<vmem>> -> memref<1x512x32xf32, #tpu.memory_space<vmem>>
      %gather3A_278 = tpu.memref_squeeze %gather3A_277 : memref<1x512x32xf32, #tpu.memory_space<vmem>> -> memref<512x32xf32, #tpu.memory_space<vmem>>
      %gather3A_279 = tpu.vector_load_idx %gather3A_278[%add3A_118, %broadcast_in_dim3A_274] : memref<512x32xf32, #tpu.memory_space<vmem>>[vector<16xi32>, vector<16xi32>], vector<16xf32>,
      %gather3A_280 = tpu.vector_load_idx %arg9[%sub3A_128, %broadcast_in_dim3A_274] : memref<512x32xf32, #tpu.memory_space<vmem>>[vector<16xi32>, vector<16xi32>], vector<16xf32>,
      %mul3A_281 = arith.mulf %gather3A_279, %gather3A_280 : vector<16xf32>
      %add3A_282 = arith.addf %add3A_272, %mul3A_281 : vector<16xf32>
      %broadcast_in_dim3A_283 = arith.constant 15 : i32
      %broadcast_in_dim3A_284 = vector.broadcast %broadcast_in_dim3A_283 : i32 to vector<16xi32>
      %gather3A_285 = arith.constant 0 : i32
      %gather3A_286 = arith.constant 0 : i32
      %gather3A_287 = tpu.memref_slice %arg11[%scan3A_108, %gather3A_285, %gather3A_286] : memref<3x512x32xf32, #tpu.memory_space<vmem>> -> memref<1x512x32xf32, #tpu.memory_space<vmem>>
      %gather3A_288 = tpu.memref_squeeze %gather3A_287 : memref<1x512x32xf32, #tpu.memory_space<vmem>> -> memref<512x32xf32, #tpu.memory_space<vmem>>
      %gather3A_289 = tpu.vector_load_idx %gather3A_288[%add3A_118, %broadcast_in_dim3A_284] : memref<512x32xf32, #tpu.memory_space<vmem>>[vector<16xi32>, vector<16xi32>], vector<16xf32>,
      %gather3A_290 = tpu.vector_load_idx %arg9[%sub3A_128, %broadcast_in_dim3A_284] : memref<512x32xf32, #tpu.memory_space<vmem>>[vector<16xi32>, vector<16xi32>], vector<16xf32>,
      %mul3A_291 = arith.mulf %gather3A_289, %gather3A_290 : vector<16xf32>
      %add3A_292 = arith.addf %add3A_282, %mul3A_291 : vector<16xf32>
      %broadcast_in_dim3A_293 = arith.constant 16 : i32
      %broadcast_in_dim3A_294 = vector.broadcast %broadcast_in_dim3A_293 : i32 to vector<16xi32>
      %gather3A_295 = arith.constant 0 : i32
      %gather3A_296 = arith.constant 0 : i32
      %gather3A_297 = tpu.memref_slice %arg11[%scan3A_108, %gather3A_295, %gather3A_296] : memref<3x512x32xf32, #tpu.memory_space<vmem>> -> memref<1x512x32xf32, #tpu.memory_space<vmem>>
      %gather3A_298 = tpu.memref_squeeze %gather3A_297 : memref<1x512x32xf32, #tpu.memory_space<vmem>> -> memref<512x32xf32, #tpu.memory_space<vmem>>
      %gather3A_299 = tpu.vector_load_idx %gather3A_298[%add3A_118, %broadcast_in_dim3A_294] : memref<512x32xf32, #tpu.memory_space<vmem>>[vector<16xi32>, vector<16xi32>], vector<16xf32>,
      %gather3A_300 = tpu.vector_load_idx %arg9[%sub3A_128, %broadcast_in_dim3A_294] : memref<512x32xf32, #tpu.memory_space<vmem>>[vector<16xi32>, vector<16xi32>], vector<16xf32>,
      %mul3A_301 = arith.mulf %gather3A_299, %gather3A_300 : vector<16xf32>
      %add3A_302 = arith.addf %add3A_292, %mul3A_301 : vector<16xf32>
      %broadcast_in_dim3A_303 = arith.constant 17 : i32
      %broadcast_in_dim3A_304 = vector.broadcast %broadcast_in_dim3A_303 : i32 to vector<16xi32>
      %gather3A_305 = arith.constant 0 : i32
      %gather3A_306 = arith.constant 0 : i32
      %gather3A_307 = tpu.memref_slice %arg11[%scan3A_108, %gather3A_305, %gather3A_306] : memref<3x512x32xf32, #tpu.memory_space<vmem>> -> memref<1x512x32xf32, #tpu.memory_space<vmem>>
      %gather3A_308 = tpu.memref_squeeze %gather3A_307 : memref<1x512x32xf32, #tpu.memory_space<vmem>> -> memref<512x32xf32, #tpu.memory_space<vmem>>
      %gather3A_309 = tpu.vector_load_idx %gather3A_308[%add3A_118, %broadcast_in_dim3A_304] : memref<512x32xf32, #tpu.memory_space<vmem>>[vector<16xi32>, vector<16xi32>], vector<16xf32>,
      %gather3A_310 = tpu.vector_load_idx %arg9[%sub3A_128, %broadcast_in_dim3A_304] : memref<512x32xf32, #tpu.memory_space<vmem>>[vector<16xi32>, vector<16xi32>], vector<16xf32>,
      %mul3A_311 = arith.mulf %gather3A_309, %gather3A_310 : vector<16xf32>
      %add3A_312 = arith.addf %add3A_302, %mul3A_311 : vector<16xf32>
      %broadcast_in_dim3A_313 = arith.constant 18 : i32
      %broadcast_in_dim3A_314 = vector.broadcast %broadcast_in_dim3A_313 : i32 to vector<16xi32>
      %gather3A_315 = arith.constant 0 : i32
      %gather3A_316 = arith.constant 0 : i32
      %gather3A_317 = tpu.memref_slice %arg11[%scan3A_108, %gather3A_315, %gather3A_316] : memref<3x512x32xf32, #tpu.memory_space<vmem>> -> memref<1x512x32xf32, #tpu.memory_space<vmem>>
      %gather3A_318 = tpu.memref_squeeze %gather3A_317 : memref<1x512x32xf32, #tpu.memory_space<vmem>> -> memref<512x32xf32, #tpu.memory_space<vmem>>
      %gather3A_319 = tpu.vector_load_idx %gather3A_318[%add3A_118, %broadcast_in_dim3A_314] : memref<512x32xf32, #tpu.memory_space<vmem>>[vector<16xi32>, vector<16xi32>], vector<16xf32>,
      %gather3A_320 = tpu.vector_load_idx %arg9[%sub3A_128, %broadcast_in_dim3A_314] : memref<512x32xf32, #tpu.memory_space<vmem>>[vector<16xi32>, vector<16xi32>], vector<16xf32>,
      %mul3A_321 = arith.mulf %gather3A_319, %gather3A_320 : vector<16xf32>
      %add3A_322 = arith.addf %add3A_312, %mul3A_321 : vector<16xf32>
      %broadcast_in_dim3A_323 = arith.constant 19 : i32
      %broadcast_in_dim3A_324 = vector.broadcast %broadcast_in_dim3A_323 : i32 to vector<16xi32>
      %gather3A_325 = arith.constant 0 : i32
      %gather3A_326 = arith.constant 0 : i32
      %gather3A_327 = tpu.memref_slice %arg11[%scan3A_108, %gather3A_325, %gather3A_326] : memref<3x512x32xf32, #tpu.memory_space<vmem>> -> memref<1x512x32xf32, #tpu.memory_space<vmem>>
      %gather3A_328 = tpu.memref_squeeze %gather3A_327 : memref<1x512x32xf32, #tpu.memory_space<vmem>> -> memref<512x32xf32, #tpu.memory_space<vmem>>
      %gather3A_329 = tpu.vector_load_idx %gather3A_328[%add3A_118, %broadcast_in_dim3A_324] : memref<512x32xf32, #tpu.memory_space<vmem>>[vector<16xi32>, vector<16xi32>], vector<16xf32>,
      %gather3A_330 = tpu.vector_load_idx %arg9[%sub3A_128, %broadcast_in_dim3A_324] : memref<512x32xf32, #tpu.memory_space<vmem>>[vector<16xi32>, vector<16xi32>], vector<16xf32>,
      %mul3A_331 = arith.mulf %gather3A_329, %gather3A_330 : vector<16xf32>
      %add3A_332 = arith.addf %add3A_322, %mul3A_331 : vector<16xf32>
      %broadcast_in_dim3A_333 = arith.constant 20 : i32
      %broadcast_in_dim3A_334 = vector.broadcast %broadcast_in_dim3A_333 : i32 to vector<16xi32>
      %gather3A_335 = arith.constant 0 : i32
      %gather3A_336 = arith.constant 0 : i32
      %gather3A_337 = tpu.memref_slice %arg11[%scan3A_108, %gather3A_335, %gather3A_336] : memref<3x512x32xf32, #tpu.memory_space<vmem>> -> memref<1x512x32xf32, #tpu.memory_space<vmem>>
      %gather3A_338 = tpu.memref_squeeze %gather3A_337 : memref<1x512x32xf32, #tpu.memory_space<vmem>> -> memref<512x32xf32, #tpu.memory_space<vmem>>
      %gather3A_339 = tpu.vector_load_idx %gather3A_338[%add3A_118, %broadcast_in_dim3A_334] : memref<512x32xf32, #tpu.memory_space<vmem>>[vector<16xi32>, vector<16xi32>], vector<16xf32>,
      %gather3A_340 = tpu.vector_load_idx %arg9[%sub3A_128, %broadcast_in_dim3A_334] : memref<512x32xf32, #tpu.memory_space<vmem>>[vector<16xi32>, vector<16xi32>], vector<16xf32>,
      %mul3A_341 = arith.mulf %gather3A_339, %gather3A_340 : vector<16xf32>
      %add3A_342 = arith.addf %add3A_332, %mul3A_341 : vector<16xf32>
      %broadcast_in_dim3A_343 = arith.constant 21 : i32
      %broadcast_in_dim3A_344 = vector.broadcast %broadcast_in_dim3A_343 : i32 to vector<16xi32>
      %gather3A_345 = arith.constant 0 : i32
      %gather3A_346 = arith.constant 0 : i32
      %gather3A_347 = tpu.memref_slice %arg11[%scan3A_108, %gather3A_345, %gather3A_346] : memref<3x512x32xf32, #tpu.memory_space<vmem>> -> memref<1x512x32xf32, #tpu.memory_space<vmem>>
      %gather3A_348 = tpu.memref_squeeze %gather3A_347 : memref<1x512x32xf32, #tpu.memory_space<vmem>> -> memref<512x32xf32, #tpu.memory_space<vmem>>
      %gather3A_349 = tpu.vector_load_idx %gather3A_348[%add3A_118, %broadcast_in_dim3A_344] : memref<512x32xf32, #tpu.memory_space<vmem>>[vector<16xi32>, vector<16xi32>], vector<16xf32>,
      %gather3A_350 = tpu.vector_load_idx %arg9[%sub3A_128, %broadcast_in_dim3A_344] : memref<512x32xf32, #tpu.memory_space<vmem>>[vector<16xi32>, vector<16xi32>], vector<16xf32>,
      %mul3A_351 = arith.mulf %gather3A_349, %gather3A_350 : vector<16xf32>
      %add3A_352 = arith.addf %add3A_342, %mul3A_351 : vector<16xf32>
      %broadcast_in_dim3A_353 = arith.constant 22 : i32
      %broadcast_in_dim3A_354 = vector.broadcast %broadcast_in_dim3A_353 : i32 to vector<16xi32>
      %gather3A_355 = arith.constant 0 : i32
      %gather3A_356 = arith.constant 0 : i32
      %gather3A_357 = tpu.memref_slice %arg11[%scan3A_108, %gather3A_355, %gather3A_356] : memref<3x512x32xf32, #tpu.memory_space<vmem>> -> memref<1x512x32xf32, #tpu.memory_space<vmem>>
      %gather3A_358 = tpu.memref_squeeze %gather3A_357 : memref<1x512x32xf32, #tpu.memory_space<vmem>> -> memref<512x32xf32, #tpu.memory_space<vmem>>
      %gather3A_359 = tpu.vector_load_idx %gather3A_358[%add3A_118, %broadcast_in_dim3A_354] : memref<512x32xf32, #tpu.memory_space<vmem>>[vector<16xi32>, vector<16xi32>], vector<16xf32>,
      %gather3A_360 = tpu.vector_load_idx %arg9[%sub3A_128, %broadcast_in_dim3A_354] : memref<512x32xf32, #tpu.memory_space<vmem>>[vector<16xi32>, vector<16xi32>], vector<16xf32>,
      %mul3A_361 = arith.mulf %gather3A_359, %gather3A_360 : vector<16xf32>
      %add3A_362 = arith.addf %add3A_352, %mul3A_361 : vector<16xf32>
      %broadcast_in_dim3A_363 = arith.constant 23 : i32
      %broadcast_in_dim3A_364 = vector.broadcast %broadcast_in_dim3A_363 : i32 to vector<16xi32>
      %gather3A_365 = arith.constant 0 : i32
      %gather3A_366 = arith.constant 0 : i32
      %gather3A_367 = tpu.memref_slice %arg11[%scan3A_108, %gather3A_365, %gather3A_366] : memref<3x512x32xf32, #tpu.memory_space<vmem>> -> memref<1x512x32xf32, #tpu.memory_space<vmem>>
      %gather3A_368 = tpu.memref_squeeze %gather3A_367 : memref<1x512x32xf32, #tpu.memory_space<vmem>> -> memref<512x32xf32, #tpu.memory_space<vmem>>
      %gather3A_369 = tpu.vector_load_idx %gather3A_368[%add3A_118, %broadcast_in_dim3A_364] : memref<512x32xf32, #tpu.memory_space<vmem>>[vector<16xi32>, vector<16xi32>], vector<16xf32>,
      %gather3A_370 = tpu.vector_load_idx %arg9[%sub3A_128, %broadcast_in_dim3A_364] : memref<512x32xf32, #tpu.memory_space<vmem>>[vector<16xi32>, vector<16xi32>], vector<16xf32>,
      %mul3A_371 = arith.mulf %gather3A_369, %gather3A_370 : vector<16xf32>
      %add3A_372 = arith.addf %add3A_362, %mul3A_371 : vector<16xf32>
      %broadcast_in_dim3A_373 = arith.constant 24 : i32
      %broadcast_in_dim3A_374 = vector.broadcast %broadcast_in_dim3A_373 : i32 to vector<16xi32>
      %gather3A_375 = arith.constant 0 : i32
      %gather3A_376 = arith.constant 0 : i32
      %gather3A_377 = tpu.memref_slice %arg11[%scan3A_108, %gather3A_375, %gather3A_376] : memref<3x512x32xf32, #tpu.memory_space<vmem>> -> memref<1x512x32xf32, #tpu.memory_space<vmem>>
      %gather3A_378 = tpu.memref_squeeze %gather3A_377 : memref<1x512x32xf32, #tpu.memory_space<vmem>> -> memref<512x32xf32, #tpu.memory_space<vmem>>
      %gather3A_379 = tpu.vector_load_idx %gather3A_378[%add3A_118, %broadcast_in_dim3A_374] : memref<512x32xf32, #tpu.memory_space<vmem>>[vector<16xi32>, vector<16xi32>], vector<16xf32>,
      %gather3A_380 = tpu.vector_load_idx %arg9[%sub3A_128, %broadcast_in_dim3A_374] : memref<512x32xf32, #tpu.memory_space<vmem>>[vector<16xi32>, vector<16xi32>], vector<16xf32>,
      %mul3A_381 = arith.mulf %gather3A_379, %gather3A_380 : vector<16xf32>
      %add3A_382 = arith.addf %add3A_372, %mul3A_381 : vector<16xf32>
      %broadcast_in_dim3A_383 = arith.constant 25 : i32
      %broadcast_in_dim3A_384 = vector.broadcast %broadcast_in_dim3A_383 : i32 to vector<16xi32>
      %gather3A_385 = arith.constant 0 : i32
      %gather3A_386 = arith.constant 0 : i32
      %gather3A_387 = tpu.memref_slice %arg11[%scan3A_108, %gather3A_385, %gather3A_386] : memref<3x512x32xf32, #tpu.memory_space<vmem>> -> memref<1x512x32xf32, #tpu.memory_space<vmem>>
      %gather3A_388 = tpu.memref_squeeze %gather3A_387 : memref<1x512x32xf32, #tpu.memory_space<vmem>> -> memref<512x32xf32, #tpu.memory_space<vmem>>
      %gather3A_389 = tpu.vector_load_idx %gather3A_388[%add3A_118, %broadcast_in_dim3A_384] : memref<512x32xf32, #tpu.memory_space<vmem>>[vector<16xi32>, vector<16xi32>], vector<16xf32>,
      %gather3A_390 = tpu.vector_load_idx %arg9[%sub3A_128, %broadcast_in_dim3A_384] : memref<512x32xf32, #tpu.memory_space<vmem>>[vector<16xi32>, vector<16xi32>], vector<16xf32>,
      %mul3A_391 = arith.mulf %gather3A_389, %gather3A_390 : vector<16xf32>
      %add3A_392 = arith.addf %add3A_382, %mul3A_391 : vector<16xf32>
      %broadcast_in_dim3A_393 = arith.constant 26 : i32
      %broadcast_in_dim3A_394 = vector.broadcast %broadcast_in_dim3A_393 : i32 to vector<16xi32>
      %gather3A_395 = arith.constant 0 : i32
      %gather3A_396 = arith.constant 0 : i32
      %gather3A_397 = tpu.memref_slice %arg11[%scan3A_108, %gather3A_395, %gather3A_396] : memref<3x512x32xf32, #tpu.memory_space<vmem>> -> memref<1x512x32xf32, #tpu.memory_space<vmem>>
      %gather3A_398 = tpu.memref_squeeze %gather3A_397 : memref<1x512x32xf32, #tpu.memory_space<vmem>> -> memref<512x32xf32, #tpu.memory_space<vmem>>
      %gather3A_399 = tpu.vector_load_idx %gather3A_398[%add3A_118, %broadcast_in_dim3A_394] : memref<512x32xf32, #tpu.memory_space<vmem>>[vector<16xi32>, vector<16xi32>], vector<16xf32>,
      %gather3A_400 = tpu.vector_load_idx %arg9[%sub3A_128, %broadcast_in_dim3A_394] : memref<512x32xf32, #tpu.memory_space<vmem>>[vector<16xi32>, vector<16xi32>], vector<16xf32>,
      %mul3A_401 = arith.mulf %gather3A_399, %gather3A_400 : vector<16xf32>
      %add3A_402 = arith.addf %add3A_392, %mul3A_401 : vector<16xf32>
      %broadcast_in_dim3A_403 = arith.constant 27 : i32
      %broadcast_in_dim3A_404 = vector.broadcast %broadcast_in_dim3A_403 : i32 to vector<16xi32>
      %gather3A_405 = arith.constant 0 : i32
      %gather3A_406 = arith.constant 0 : i32
      %gather3A_407 = tpu.memref_slice %arg11[%scan3A_108, %gather3A_405, %gather3A_406] : memref<3x512x32xf32, #tpu.memory_space<vmem>> -> memref<1x512x32xf32, #tpu.memory_space<vmem>>
      %gather3A_408 = tpu.memref_squeeze %gather3A_407 : memref<1x512x32xf32, #tpu.memory_space<vmem>> -> memref<512x32xf32, #tpu.memory_space<vmem>>
      %gather3A_409 = tpu.vector_load_idx %gather3A_408[%add3A_118, %broadcast_in_dim3A_404] : memref<512x32xf32, #tpu.memory_space<vmem>>[vector<16xi32>, vector<16xi32>], vector<16xf32>,
      %gather3A_410 = tpu.vector_load_idx %arg9[%sub3A_128, %broadcast_in_dim3A_404] : memref<512x32xf32, #tpu.memory_space<vmem>>[vector<16xi32>, vector<16xi32>], vector<16xf32>,
      %mul3A_411 = arith.mulf %gather3A_409, %gather3A_410 : vector<16xf32>
      %add3A_412 = arith.addf %add3A_402, %mul3A_411 : vector<16xf32>
      %broadcast_in_dim3A_413 = arith.constant 28 : i32
      %broadcast_in_dim3A_414 = vector.broadcast %broadcast_in_dim3A_413 : i32 to vector<16xi32>
      %gather3A_415 = arith.constant 0 : i32
      %gather3A_416 = arith.constant 0 : i32
      %gather3A_417 = tpu.memref_slice %arg11[%scan3A_108, %gather3A_415, %gather3A_416] : memref<3x512x32xf32, #tpu.memory_space<vmem>> -> memref<1x512x32xf32, #tpu.memory_space<vmem>>
      %gather3A_418 = tpu.memref_squeeze %gather3A_417 : memref<1x512x32xf32, #tpu.memory_space<vmem>> -> memref<512x32xf32, #tpu.memory_space<vmem>>
      %gather3A_419 = tpu.vector_load_idx %gather3A_418[%add3A_118, %broadcast_in_dim3A_414] : memref<512x32xf32, #tpu.memory_space<vmem>>[vector<16xi32>, vector<16xi32>], vector<16xf32>,
      %gather3A_420 = tpu.vector_load_idx %arg9[%sub3A_128, %broadcast_in_dim3A_414] : memref<512x32xf32, #tpu.memory_space<vmem>>[vector<16xi32>, vector<16xi32>], vector<16xf32>,
      %mul3A_421 = arith.mulf %gather3A_419, %gather3A_420 : vector<16xf32>
      %add3A_422 = arith.addf %add3A_412, %mul3A_421 : vector<16xf32>
      %broadcast_in_dim3A_423 = arith.constant 29 : i32
      %broadcast_in_dim3A_424 = vector.broadcast %broadcast_in_dim3A_423 : i32 to vector<16xi32>
      %gather3A_425 = arith.constant 0 : i32
      %gather3A_426 = arith.constant 0 : i32
      %gather3A_427 = tpu.memref_slice %arg11[%scan3A_108, %gather3A_425, %gather3A_426] : memref<3x512x32xf32, #tpu.memory_space<vmem>> -> memref<1x512x32xf32, #tpu.memory_space<vmem>>
      %gather3A_428 = tpu.memref_squeeze %gather3A_427 : memref<1x512x32xf32, #tpu.memory_space<vmem>> -> memref<512x32xf32, #tpu.memory_space<vmem>>
      %gather3A_429 = tpu.vector_load_idx %gather3A_428[%add3A_118, %broadcast_in_dim3A_424] : memref<512x32xf32, #tpu.memory_space<vmem>>[vector<16xi32>, vector<16xi32>], vector<16xf32>,
      %gather3A_430 = tpu.vector_load_idx %arg9[%sub3A_128, %broadcast_in_dim3A_424] : memref<512x32xf32, #tpu.memory_space<vmem>>[vector<16xi32>, vector<16xi32>], vector<16xf32>,
      %mul3A_431 = arith.mulf %gather3A_429, %gather3A_430 : vector<16xf32>
      %add3A_432 = arith.addf %add3A_422, %mul3A_431 : vector<16xf32>
      %broadcast_in_dim3A_433 = arith.constant 30 : i32
      %broadcast_in_dim3A_434 = vector.broadcast %broadcast_in_dim3A_433 : i32 to vector<16xi32>
      %gather3A_435 = arith.constant 0 : i32
      %gather3A_436 = arith.constant 0 : i32
      %gather3A_437 = tpu.memref_slice %arg11[%scan3A_108, %gather3A_435, %gather3A_436] : memref<3x512x32xf32, #tpu.memory_space<vmem>> -> memref<1x512x32xf32, #tpu.memory_space<vmem>>
      %gather3A_438 = tpu.memref_squeeze %gather3A_437 : memref<1x512x32xf32, #tpu.memory_space<vmem>> -> memref<512x32xf32, #tpu.memory_space<vmem>>
      %gather3A_439 = tpu.vector_load_idx %gather3A_438[%add3A_118, %broadcast_in_dim3A_434] : memref<512x32xf32, #tpu.memory_space<vmem>>[vector<16xi32>, vector<16xi32>], vector<16xf32>,
      %gather3A_440 = tpu.vector_load_idx %arg9[%sub3A_128, %broadcast_in_dim3A_434] : memref<512x32xf32, #tpu.memory_space<vmem>>[vector<16xi32>, vector<16xi32>], vector<16xf32>,
      %mul3A_441 = arith.mulf %gather3A_439, %gather3A_440 : vector<16xf32>
      %add3A_442 = arith.addf %add3A_432, %mul3A_441 : vector<16xf32>
      %broadcast_in_dim3A_443 = arith.constant 31 : i32
      %broadcast_in_dim3A_444 = vector.broadcast %broadcast_in_dim3A_443 : i32 to vector<16xi32>
      %gather3A_445 = arith.constant 0 : i32
      %gather3A_446 = arith.constant 0 : i32
      %gather3A_447 = tpu.memref_slice %arg11[%scan3A_108, %gather3A_445, %gather3A_446] : memref<3x512x32xf32, #tpu.memory_space<vmem>> -> memref<1x512x32xf32, #tpu.memory_space<vmem>>
      %gather3A_448 = tpu.memref_squeeze %gather3A_447 : memref<1x512x32xf32, #tpu.memory_space<vmem>> -> memref<512x32xf32, #tpu.memory_space<vmem>>
      %gather3A_449 = tpu.vector_load_idx %gather3A_448[%add3A_118, %broadcast_in_dim3A_444] : memref<512x32xf32, #tpu.memory_space<vmem>>[vector<16xi32>, vector<16xi32>], vector<16xf32>,
      %gather3A_450 = tpu.vector_load_idx %arg9[%sub3A_128, %broadcast_in_dim3A_444] : memref<512x32xf32, #tpu.memory_space<vmem>>[vector<16xi32>, vector<16xi32>], vector<16xf32>,
      %mul3A_451 = arith.mulf %gather3A_449, %gather3A_450 : vector<16xf32>
      %add3A_452 = arith.addf %add3A_442, %mul3A_451 : vector<16xf32>
      %mul3A_453 = arith.constant 16 : i32
      %mul3A_454 = arith.muli %scan3A_114, %mul3A_453 : i32
      %add3A_455 = arith.constant 25088 : i32
      %add3A_456 = arith.addi %add3A_455, %mul3A_454 : i32
      %add3A_457 = vector.broadcast %add3A_456 : i32 to vector<16xi32>
      %add3A_458 = arith.addi %add3A_457, %iota3A : vector<16xi32>
      tpu.vector_store_idx %arg13[%add3A_458], %add3A_452 : memref<25600xf32, #tpu.memory_space<vmem>>[vector<16xi32>], vector<16xf32>,
    }
    %scan3A_113 = arith.constant 32 : i32
    "tpu.region"() ({
      %run_scoped3A = tpu.sem_alloc : memref<!tpu.dma_semaphore, #tpu.memory_space<semaphore_mem>>
      %dma_start3A_114 = tpu.memref_slice %arg7[%mul3A_2] : memref<819200xf32, #tpu.memory_space<hbm>> -> memref<25600xf32, #tpu.memory_space<hbm>>
      %dma_start3A_115 = tpu.memref_slice %arg7[%mul3A_2] : memref<819200xf32, #tpu.memory_space<hbm>> -> memref<25600xf32, #tpu.memory_space<hbm>>
      tpu.enqueue_dma source(%arg13 : memref<25600xf32, #tpu.memory_space<vmem>>) target(%dma_start3A_115 : memref<25600xf32, #tpu.memory_space<hbm>>) target_semaphore(%run_scoped3A : memref<!tpu.dma_semaphore, #tpu.memory_space<semaphore_mem>>)
      %dma_wait3A_116 = tpu.memref_slice %arg7[%mul3A_2] : memref<819200xf32, #tpu.memory_space<hbm>> -> memref<25600xf32, #tpu.memory_space<hbm>>
      %dma_wait3A_117 = tpu.memref_slice %arg7[%mul3A_2] : memref<819200xf32, #tpu.memory_space<hbm>> -> memref<25600xf32, #tpu.memory_space<hbm>>
      tpu.wait_dma2 semaphore(%run_scoped3A : memref<!tpu.dma_semaphore, #tpu.memory_space<semaphore_mem>>) src(%arg13 : memref<25600xf32, #tpu.memory_space<vmem>>) dst(%dma_wait3A_117 : memref<25600xf32, #tpu.memory_space<hbm>>)
      tpu.yield
    }) : () -> ()
    return
  }
}

</mosaic_0001>

<sc_bundles>
// kernel: _fm.3.cloned.1.call-start
scs
__scs_entry_jumppad:
0x0: {  	(pc) =	sbr.rel $0x88, $3  }
0x1: {  	(tag) =	ssettag $0x0;
	lr =	simm.s32 $0x1  }
0x2: {  	[smem:$0x3F9C] =	sst lr;
	_ =	strace $0xD0000000  }
0x3: {  	_ = 	snop  }
0x4: {  	_ = 	snop  }
0x5: {  	_ = 	snop  }
0x6: {  	_ = 	snop  }
0x7: {  	_ = 	snop  }
__scs_overlays_trampoline_lowered:
0x8: {  	[smem:$0x3FAB] =	sst s0  }
0x9: {  	[smem:$0x3FAC] =	sst s1  }
0xa: {  	[smem:$0x3FAD] =	sst s2  }
0xb: {  	[smem:$0x3FAE] =	sst s3  }
0xc: {  	[smem:$0x3FAF] =	sst s4  }
0xd: {  	[smem:$0x3FB0] =	sst s5  }
0xe: {  	[smem:$0x3FB1] =	sst s6  }
0xf: {  	[smem:$0x3FB2] =	sst s7  }
0x10: {  	[smem:$0x3FB3] =	sst s8  }
0x11: {  	[smem:$0x3FB4] =	sst s9;
	s0 =	simm.s32 @!p0 $0x0  }
0x12: {  	s1 =	sld [smem:$0x3F9A];
	s0 =	simm.s32 @p0 $0x1  }
0x13: {  	[smem:$0x3FB5] =	sst s0;
	s0 =	simm.s32 @!p1 $0x0  }
0x14: {  	s2 =	sld [smem:$0x3F99];
	s0 =	simm.s32 @p1 $0x1  }
0x15: {  	[smem:$0x3FB6] =	sst s0;
	s0 =	simm.s32 @!p2 $0x0  }
0x16: {  	s3 =	sld [smem:$0x3FDB];
	s0 =	simm.s32 @p2 $0x1  }
0x17: {  	s4 =	simm.s32 $0x1BF5;
	[smem:$0x3FB8] =	sst s0  }
0x18: {  	s0 =	sld [smem:$0x3F9B];
	_ =	swait.ge [sflag:s4], $0x0  }
0x19: {  	s7 =	sld [smem:$0x3F9C]  }
0x1a: {  	s8 =	sadd.s32 $0xFFFFE003, lr  }
0x1b: {  	s9 =	sadd.s32 $0xFFFFFEF7, lr;
	s5 =	simm.s32 $0xFFFFFFFF;
	p2 =	slt.u32 s8, $0xFFFFF086  }
0x1c: {  	p1 =	slt.u32 s9, $0xF7A;
	s5 =	simm.s32 @!p2 $0x0  }
0x1d: {  	s5 =	simm.s32 @p1 $0x1;
	p0 =	seq.s32 s7, s2  }
0x1e: {  	s7 =	smul.u32 @!p0 $0xF7A, s2;
	p2 =	seq.s32 @!p0 s5, $0x0  }
0x1f: {  	s9 =	smul.u32 $0xF7A, s1;
	s8 =	simm.s32 @!p0 $0x1BF5;
	p2 =	por !p2, p0  }
0x20: {  	[sflag:s8] =	ssyncset.s32 @!p0 $0xFFFFF086;
	s6 =	sadd.s32 @!p0 s3, s7;
	s7 =	simm.s32 @!p0 $0x108  }
0x21: {  	s3 =	sadd.s32 s3, s9;
	s6 =	sadd.s32 @!p0 $0x88, s6;
	s7 =	simm.s32 @p2 $0x1082  }
0x22: {  	[simem:s7], [sflag:s8] =	dma.local @!p0 [hbm:s6], $0xF7A  }
0x23: {  	s9 =	sor.u32 $0xD0000000, s2;
	s6 =	simm.s32 $0x108;
	_ =	swait.ge @!p0 [sflag:s8], $0x0  }
0x24: {  	s3 =	sadd.s32 $0x88, s3;
	s6 =	simm.s32 @!p1 $0x1082;
	[sflag:s4] =	ssyncset.s32 $0xFFFFF086  }
0x25: {  	[simem:s6], [sflag:s4] =	dma.local [hbm:s3], $0xF7A  }
0x26: {  	[smem:$0x3F9C] =	sst s1;
	(tag) =	ssettag s2;
	_ =	strace s9  }
0x27: {  	s1 =	sld [smem:$0x3FAC]  }
0x28: {  	s2 =	sld [smem:$0x3FAD]  }
0x29: {  	s4 =	sld [smem:$0x3FAF]  }
0x2a: {  	p0 =	seq.s32 s5, $0x0;
	s5 =	sld [smem:$0x3FB0]  }
0x2b: {  	s6 =	sld [smem:$0x3FB1]  }
0x2c: {  	s7 =	sld [smem:$0x3FB2]  }
0x2d: {  	s3 =	simm.s32 $0x108;
	s8 =	sld [smem:$0x3FB3]  }
0x2e: {  	s3 =	simm.s32 @!p0 $0x1082;
	s9 =	sld [smem:$0x3FB4]  }
0x2f: {  	lr =	sadd.s32 s0, s3;
	s0 =	sld [smem:$0x3FAB]  }
0x30: {  	s3 =	sld [smem:$0x3FAE]  }
0x31: {  	[smem:$0x3FB7] =	sst s10  }
0x32: {  	s10 =	sld [smem:$0x3FB5];
	_ =	sdelay $0x3  }
0x33: {  	p0 =	seq.s32 s10, $0x1;
	s10 =	sld [smem:$0x3FB7];
	_ =	sdelay $0x3  }
0x34: {  	[smem:$0x3FB7] =	sst s10  }
0x35: {  	s10 =	sld [smem:$0x3FB6];
	_ =	sdelay $0x3  }
0x36: {  	p1 =	seq.s32 s10, $0x1;
	s10 =	sld [smem:$0x3FB7];
	_ =	sdelay $0x3  }
0x37: {  	[smem:$0x3FB7] =	sst s10  }
0x38: {  	s10 =	sld [smem:$0x3FB8]  }
0x39: {  	_ = 	snop;
	(pc) =	sbr.ind lr, $3  }
0x3a: {  	_ = 	snop  }
0x3b: {  	_ = 	snop  }
0x3c: {  	p2 =	seq.s32 s10, $0x1;
	s10 =	sld [smem:$0x3FB7]  }
0x3d: {  	_ =	shalt  }
0x3e: {  	_ =	shalt  }
0x3f: {  	_ =	shalt  }
0x40: {  	_ =	shalt  }
0x41: {  	_ =	shalt  }
0x42: {  	_ =	shalt  }
0x43: {  	_ =	shalt  }
0x44: {  	_ =	shalt  }
0x45: {  	_ =	shalt  }
0x46: {  	_ =	shalt  }
0x47: {  	_ =	shalt  }
0x48: {  	_ =	shalt  }
0x49: {  	_ =	shalt  }
0x4a: {  	_ =	shalt  }
0x4b: {  	_ =	shalt  }
0x4c: {  	_ =	shalt  }
0x4d: {  	_ =	shalt  }
0x4e: {  	_ =	shalt  }
0x4f: {  	_ =	shalt  }
0x50: {  	_ =	shalt  }
0x51: {  	_ =	shalt  }
0x52: {  	_ =	shalt  }
0x53: {  	_ =	shalt  }
0x54: {  	_ =	shalt  }
0x55: {  	_ =	shalt  }
0x56: {  	_ =	shalt  }
0x57: {  	_ =	shalt  }
0x58: {  	_ =	shalt  }
0x59: {  	_ =	shalt  }
0x5a: {  	_ =	shalt  }
0x5b: {  	_ =	shalt  }
0x5c: {  	_ =	shalt  }
0x5d: {  	_ =	shalt  }
0x5e: {  	_ =	shalt  }
0x5f: {  	_ =	shalt  }
0x60: {  	_ =	shalt  }
0x61: {  	_ =	shalt  }
0x62: {  	_ =	shalt  }
0x63: {  	_ =	shalt  }
0x64: {  	_ =	shalt  }
0x65: {  	_ =	shalt  }
0x66: {  	_ =	shalt  }
0x67: {  	_ =	shalt  }
0x68: {  	_ =	shalt  }
0x69: {  	_ =	shalt  }
0x6a: {  	_ =	shalt  }
0x6b: {  	_ =	shalt  }
0x6c: {  	_ =	shalt  }
0x6d: {  	_ =	shalt  }
0x6e: {  	_ =	shalt  }
0x6f: {  	_ =	shalt  }
0x70: {  	_ =	shalt  }
0x71: {  	_ =	shalt  }
0x72: {  	_ =	shalt  }
0x73: {  	_ =	shalt  }
0x74: {  	_ =	shalt  }
0x75: {  	_ =	shalt  }
0x76: {  	_ =	shalt  }
0x77: {  	_ =	shalt  }
0x78: {  	_ =	shalt  }
0x79: {  	_ =	shalt  }
0x7a: {  	_ =	shalt  }
0x7b: {  	_ =	shalt  }
0x7c: {  	_ =	shalt  }
0x7d: {  	_ =	shalt  }
0x7e: {  	_ =	shalt  }
0x7f: {  	_ =	shalt  }
0x80: {  	_ =	shalt  }
0x81: {  	_ =	shalt  }
0x82: {  	_ =	shalt  }
0x83: {  	_ =	shalt  }
0x84: {  	_ =	shalt  }
0x85: {  	_ =	shalt  }
0x86: {  	_ =	shalt  }
0x87: {  	_ =	shalt  }
.Lfunc_end0:
.L_simem_size_0:
called_computation_lowered:
.L_overlay_start_0:
0x88: {  	s2 =	sld [smem:$0x3FD9]  }
0x89: {  	s3 =	sld [smem:$0x3FFE];
	_ =	sdelay $0x1  }
0x8a: {  	s1 =	srdreg.scid  }
0x8b: {  	s0 =	sand.u32 $0x1, s1  }
0x8c: {  	s17 =	sshll.u32 s0, $0xA;
	s2 =	sadd.s32 s3, s2  }
0x8d: {  	s2 =	sadd.s32 s2, s17  }
0x8e: {  	[smem:$0x3FC3] =	sst s2  }
0x8f: {  	_ = 	snop  }
0x90: {  	s2 =	sld [smem:$0x3FC6]  }
0x91: {  	s18 =	sld [smem:$0x3FC5]  }
0x92: {  	s4 =	sld [smem:$0x3FD0];
	(tm) =	ssettm $0x1  }
0x93: {  	s5 =	sld [smem:$0x3FFB];
	_ =	sdelay $0x3  }
0x94: {  	_ =	strace s5  }
0x95: {  	s5 =	sld [smem:$0x3FFC];
	_ =	sdelay $0x3  }
0x96: {  	_ =	strace s5  }
0x97: {  	s5 =	sld [smem:$0x3FFD];
	_ =	sdelay $0x3  }
0x98: {  	_ =	strace s5  }
0x99: {  	_ =	strace $0x8FFFFFFF  }
0x9a: {  	s19 =	sld [smem:$0x3FDB];
	_ =	sdelay $0x1  }
0x9b: {  	s6 =	simm.s32 $_scs_section_size  }
0x9c: {  	s7 =	simm.s32 $_size__tile_overlayer_lowered;
	s8 =	simm.s32 $_tile_overlayer_lowered  }
0x9d: {  	s22 =	simm.s32 $0x1BFF;
	s21 =	sshll.u32 s8, $0x1;
	s5 =	sadd.s32 s6, s19  }
0x9e: {  	s9 =	simm.s32 $0x0;
	s20 =	sshll.u32 s7, $0x1;
	s7 =	sadd.s32 s21, s5  }
0x9f: {  	[timem:s9], [sflag:s22] =	dma.local [hbm:s7], s20  }
0xa0: {  	_ =	swait.ge [sflag:s22], s20  }
0xa1: {  	s6 =	ssub.s32 $0x0, s20;
	[sflag:s22] =	ssyncset.done $0x0  }
0xa2: {  	[sflag:s22] =	ssyncadd.s32 s6;
	_ =	sdelay $0x1  }
0xa3: {  	s23 =	simm.s32 $0x1B8B  }
0xa4: {  	_ =	swait.ge [sflag:s23], $0x1  }
0xa5: {  	[sflag:s23] =	ssyncset.done $0x0  }
0xa6: {  	s25 =	simm.s32 $0x1B8E;
	s24 =	sld [smem:$0x3FFE];
	[sflag:s23] =	ssyncadd.s32 $0xFFFFFFFF  }
0xa7: {  	s26 =	simm.s32 $execute0_lowered;
	[smem:$0x3FD2] =	sst s25  }
0xa8: {  	s7 =	sshll.u32 s26, $0x1;
	_ =	strace $0x80000046;
	[dreg:$0x1] =	wrdreg $0xFFFFFFFF  }
0xa9: {  	s28 =	simm.s32 $_size_execute0_lowered;
	s5 =	sadd.s32 s5, s7;
	[dreg:$0x0] =	wrdreg $0x0  }
0xaa: {  	s7 =	sshll.u32 s28, $0x1;
	[dreg:$0x2] =	wrdreg s5  }
0xab: {  	[dreg:$0x3] =	wrdreg s7  }
0xac: {  	[dreg:$0x4] =	wrdreg $0xC0  }
0xad: {  	_ =	task [dreg:s9], $0x5FFFF  }
0xae: {  	[dreg:$0x1] =	wrdreg $0xFFFFFFFF  }
0xaf: {  	[dreg:$0x0] =	wrdreg $0x60  }
0xb0: {  	[dreg:$0x2] =	wrdreg s24  }
0xb1: {  	[dreg:$0x3] =	wrdreg s2  }
0xb2: {  	[dreg:$0x4] =	wrdreg s18  }
0xb3: {  	[dreg:$0x5] =	wrdreg s4  }
0xb4: {  	[dreg:$0x6] =	wrdreg $0x9  }
0xb5: {  	_ =	task.clear_ibuf [dreg:s9], $0x7FFFF;
	_ =	strace $0x90000046  }
0xb6: {  	s29 =	simm.s32 $0x9;
	_ =	strace $0x80000048  }
0xb7: {  	_ =	swait.ge [sflag:s29], $0x1  }
0xb8: {  	[sflag:s29] =	ssyncadd.s32 $0xFFFFFFFF  }
0xb9: {  	_ =	strace $0x90000048  }
0xba: {  	_ =	sfence  }
0xbb: {  	s30 =	sld [smem:$0x0];
	_ =	sdelay $0x2  }
0xbc: {  	s31 =	sshll.u32 s1, $0xD;
	s1 =	sshrl.u32 s1, $0x2  }
0xbd: {  	s3 =	sand.u32 $0x4000, s31;
	s1 =	sadd.s32 s1, s30  }
0xbe: {  	s0 =	sor.u32 s3, s0;
	s1 =	sshll.u32 s1, $0x11  }
0xbf: {  	s0 =	sor.u32 s1, s0  }
0xc0: {  	s0 =	sadd.s32 $0x8F2B, s0  }
0xc1: {  	[sflag:s0] =	ssyncadd.remote.s32 $0x1  }
0xc2: {  	_ =	sfence.sel $0xFFFF  }
0xc3: {  	[dreg:$0x0] =	wrdreg $0xFFFFFFFF;
	(pc) =	sbr.abs _section_cstart, $3  }
0xc4: {  	[dreg:$0x1] =	wrdreg $0xFFFFFFFF  }
0xc5: {  	_ =	task.clear_ibuf [dreg:s9], $0x2FFFF;
	_ =	strace $0x9FFFFFFF  }
0xc6: {  	(tm) =	ssettm $0x7FFFFFFF  }
0xc7: {  	_ =	shalt  }
tec
execute0_lowered:
.L_overlay_start_1:
0x0: {  	(tag) =	ssettag $0x1  }
0x1: {  	s0 =	rddreg [dreg:$0x0]  }
0x2: {  	s1 =	rddreg [dreg:$0x1];
	s3 =	srdreg.scid  }
0x3: {  	s12 =	stileid.u32;
	s2 =	rddreg [dreg:$0x2]  }
0x4: {  	s6 =	rddreg [dreg:$0x3];
	s15 =	simm.s32 $0x4;
	s16 =	simm.s32 $0x6400  }
0x5: {  	s17 =	simm.s32 $0xA400;
	s18 =	simm.s32 $0xA600;
	s19 =	simm.s32 $0x16600  }
0x6: {  	s20 =	simm.s32 $0xE600;
	s28 =	simm.s32 $0x2;
	s29 =	simm.s32 $0x3  }
0x7: {  	s30 =	simm.s32 $0x0;
	s5 =	sand.u32 $0x1, s3;
	s21 =	sshll.u32 s12, $0x1  }
0x8: {  	s3 =	simm.s32 $0x0;
	s12 =	smul.u32 $0xC800, s12;
	s7 =	sor.u32 s5, s21  }
0x9: {  	[smem:$0x7FF] =	sst s3;
	s10 =	ssub.s32 $0x2, s5;
	s5 =	smul.u32 $0x6400, s5  }
0xa: {  	s21 =	simm.s32 $0x16800;
	s4 =	smul.u32 $0xC80, s7;
	_ =	strace $0x80000047  }
0xb: {  	s22 =	sshll.u32 s7, $0xB;
	s11 =	smul.u32 $0x6400, s7;
	s23 =	sshrl.u32 s10, $0x1  }
0xc: {  	s9 =	sadd.s32 s22, s0;
	s5 =	sadd.s32 s5, s12;
	s22 =	simm.s32 $0x1  }
0xd: {  	s8 =	sadd.s32 s4, s0;
	s4 =	sadd.s32 $0xF42C00, s0;
	s0 =	ssub.s32 s10, s23  }
0xe: {  	s10 =	sshll.u32 s7, $0x9;
	s24 =	sadd.s32 $0x800, s9;
	[dreg:$0x8] =	wrdreg s5  }
0xf: {  	s7 =	sshll.u32 s7, $0x6;
	s26 =	sor.u32 $0x200, s5;
	[dreg:$0x6] =	wrdreg s24  }
0x10: {  	s25 =	sshrl.u32 s11, $0x3;
	s31 =	sadd.s32 $0x400, s5;
	[dreg:$0xb] =	wrdreg s26  }
0x11: {  	s13 =	sadd.s32 $0x6000, s5;
	s8 =	sadd.s32 $0x10800, s8;
	[dreg:$0xc] =	wrdreg s31  }
0x12: {  	s14 =	sadd.s32 $0x6200, s5;
	s1 =	sadd.s32 s1, s7;
	[dreg:$0x5] =	wrdreg s8  }
0x13: {  	s23 =	simm.s32 $0x16C00;
	s0 =	smax.u32 s0, $0x1;
	[dreg:$0x7] =	wrdreg s1  }
0x14: {  	v0 =	vlaneseq.u32;
	s24 =	simm.s32 $0x200;
	s1 =	sadd.s32 s6, s25;
	[dreg:$0xa] =	wrdreg s0  }
0x15: {  	v2 =	vor.u32 $0xFFFFFFF8, v0;
	s26 =	simm.s32 $0x16A00;
	v1 =	vmov s10;
	s25 =	simm.s32 $0x12600;
	[dreg:$0x9] =	wrdreg s1  }
.LBB2_1:
0x16: {  	s0 =	rddreg [dreg:$0x5]  }
0x17: {  	[tilespmem:s3], [sflag:$0x4] =	stream.linear.gather [hbm4b:s0+s3], $0x6400, $0x38;
	[tilespmem:$0x1D000] =	vst v63  }
0x18: {  	_ =	swait.ge [sflag:s15], $0x6400  }
0x19: {  	[sflag:s15] =	ssyncset.done $0x0  }
0x1a: {  	s11 =	rddreg [dreg:$0x6];
	[sflag:s15] =	ssyncadd.s32 $0xFFFF9C00  }
0x1b: {  	[tilespmem:s16], [sflag:$0x4] =	stream.linear.gather [hbm4b:s11+s3], $0x4000, $0x38;
	[tilespmem:$0x1D000] =	vst v63  }
0x1c: {  	_ =	swait.ge [sflag:s15], $0x4000  }
0x1d: {  	[sflag:s15] =	ssyncset.done $0x0  }
0x1e: {  	s12 =	rddreg [dreg:$0x7];
	[sflag:s15] =	ssyncadd.s32 $0xFFFFC000  }
0x1f: {  	[tilespmem:s17], [sflag:$0x4] =	stream.linear.gather [hbm4b:s12+s3], $0x200, $0x38;
	[tilespmem:$0x1D000] =	vst v63  }
0x20: {  	_ =	swait.ge [sflag:s15], $0x200  }
0x21: {  	[sflag:s15] =	ssyncset.done $0x0  }
0x22: {  	[sflag:s15] =	ssyncadd.s32 $0xFFFFFE00  }
0x23: {  	[tilespmem:s18], [sflag:$0x1] =	stream.indirect.gather [hbm4b:s4+s24], $0x20, s3, s24, $0xb8;
	[tilespmem:$0x1D000] =	vst v63  }
0x24: {  	s12 =	rddreg [dreg:$0xc]  }
0x25: {  	[tilespmem:s19], [sflag:$0x1] =	stream.indirect.gather [hbm4b:s2+s24], $0x1, s3, s24, $0xb8;
	[tilespmem:$0x1D000] =	vst v63  }
0x26: {  	s31 =	simm.s32 $0x400;
	s6 =	simm.s32 $0x0;
	s11 =	rddreg [dreg:$0xb]  }
0x27: {  	[tilespmem:s20], [sflag:$0x2] =	stream.indirect.gather [hbm4b:s4+s24], $0x20, s24, s24, $0xb8;
	[tilespmem:$0x1D000] =	vst v63  }
0x28: {  	s9 =	simm.s32 $0x0;
	s0 =	simm.s32 $0x200;
	s8 =	rddreg [dreg:$0x8]  }
0x29: {  	[tilespmem:s21], [sflag:$0x2] =	stream.indirect.gather [hbm4b:s2+s24], $0x1, s24, s24, $0xb8;
	[tilespmem:$0x1D000] =	vst v63  }
.LBB2_2:
0x2a: {  	s1 =	sadd.s32 $0x0, s8  }
0x2b: {  	v3 =	vor.u32 s1, v0  }
0x2c: {  	v3 =	vmulhi.u32 $0x51EB851F, v3  }
0x2d: {  	s5 =	simm.s32 $0x0  }
0x2e: {  	_ =	swait.ge [sflag:s22], $0x4000;
	v4 =	vor.u32 s5, v0;
	v3 =	vshrl.u32 v3, $0x4  }
0x2f: {  	[sflag:s22] =	ssyncset.done $0x0;
	v6 =	vand.u32 v2, v4;
	v5 =	vsub.s32 v3, v1  }
0x30: {  	[sflag:s22] =	ssyncadd.s32 $0xFFFFC000;
	v4 =	vshll.u32 v4, $0x5;
	v3 =	vand.u32 $0x7, v3;
	v7 =	vand.u32 $0xFFFFFFF8, v5  }
0x31: {  	_ =	swait.ge [sflag:s22], $0x200;
	v7 =	vor.u32 v3, v7  }
0x32: {  	[sflag:s22] =	ssyncset.done $0x0;
	v3 =	vshll.u32 v5, $0x5  }
0x33: {  	[sflag:s22] =	ssyncadd.s32 $0xFFFFFE00;
	v5 =	vor.u32 $0x1, v4  }
0x34: {  	v6 =	vld.idx.msk [tilespmem:v6+s19+$0x0], $0xffff;
	v8 =	vor.u32 $0x1, v3  }
0x35: {  	v9 =	vor.u32 $0x2, v4;
	v10 =	vld.idx.msk [tilespmem:v4+s18+$0x0], $0xffff  }
0x36: {  	v11 =	vor.u32 $0x2, v3;
	v7 =	vld.idx.msk [tilespmem:v7+s17+$0x0], $0xffff  }
0x37: {  	v13 =	vor.u32 $0x3, v4;
	v12 =	vld.idx.msk [tilespmem:v3+s16+$0x0], $0xffff  }
0x38: {  	v14 =	vor.u32 $0x3, v3;
	v5 =	vld.idx.msk [tilespmem:v5+s18+$0x0], $0xffff  }
0x39: {  	v15 =	vor.u32 $0x4, v4;
	v8 =	vld.idx.msk [tilespmem:v8+s16+$0x0], $0xffff  }
0x3a: {  	v9 =	vld.idx.msk [tilespmem:v9+s18+$0x0], $0xffff;
	v16 =	vor.u32 $0x4, v3  }
0x3b: {  	v17 =	vor.u32 $0x5, v4;
	v11 =	vld.idx.msk [tilespmem:v11+s16+$0x0], $0xffff  }
0x3c: {  	v13 =	vld.idx.msk [tilespmem:v13+s18+$0x0], $0xffff;
	v18 =	vor.u32 $0x5, v3;
	v6 =	vadd.f32 v6, v7;
	v7 =	vmul.f32 v12, v10  }
0x3d: {  	v20 =	vor.u32 $0x6, v4;
	v10 =	vld.idx.msk [tilespmem:v14+s16+$0x0], $0xffff  }
0x3e: {  	v21 =	vld.idx.msk [tilespmem:v15+s18+$0x0], $0xffff;
	v22 =	vor.u32 $0x6, v3;
	v5 =	vmul.f32 v8, v5;
	v6 =	vadd.f32 v7, v6  }
0x3f: {  	v8 =	vor.u32 $0x7, v4;
	v7 =	vld.idx.msk [tilespmem:v16+s16+$0x0], $0xffff  }
0x40: {  	v23 =	vld.idx.msk [tilespmem:v17+s18+$0x0], $0xffff;
	v24 =	vor.u32 $0x7, v3;
	v5 =	vadd.f32 v5, v6;
	v6 =	vmul.f32 v11, v9  }
0x41: {  	v9 =	vld.idx.msk [tilespmem:v18+s16+$0x0], $0xffff;
	v11 =	vor.u32 $0x8, v4  }
0x42: {  	v25 =	vor.u32 $0x8, v3;
	v12 =	vld.idx.msk [tilespmem:v20+s18+$0x0], $0xffff;
	v5 =	vadd.f32 v6, v5;
	v6 =	vmul.f32 v10, v13  }
0x43: {  	v26 =	vor.u32 $0x9, v4;
	v10 =	vld.idx.msk [tilespmem:v22+s16+$0x0], $0xffff  }
0x44: {  	v27 =	vor.u32 $0x9, v3;
	v8 =	vld.idx.msk [tilespmem:v8+s18+$0x0], $0xffff;
	v5 =	vadd.f32 v6, v5;
	v6 =	vmul.f32 v7, v21  }
0x45: {  	v28 =	vor.u32 $0xA, v4;
	v7 =	vld.idx.msk [tilespmem:v24+s16+$0x0], $0xffff  }
0x46: {  	v29 =	vor.u32 $0xA, v3;
	v11 =	vld.idx.msk [tilespmem:v11+s18+$0x0], $0xffff;
	v5 =	vadd.f32 v6, v5;
	v6 =	vmul.f32 v9, v23  }
0x47: {  	v30 =	vor.u32 $0xB, v4;
	v9 =	vld.idx.msk [tilespmem:v25+s16+$0x0], $0xffff  }
0x48: {  	v31 =	vor.u32 $0xB, v3;
	v13 =	vld.idx.msk [tilespmem:v26+s18+$0x0], $0xffff;
	v5 =	vadd.f32 v6, v5;
	v6 =	vmul.f32 v10, v12  }
0x49: {  	v32 =	vor.u32 $0xC, v4;
	v10 =	vld.idx.msk [tilespmem:v27+s16+$0x0], $0xffff  }
0x4a: {  	v33 =	vor.u32 $0xC, v3;
	v14 =	vld.idx.msk [tilespmem:v28+s18+$0x0], $0xffff;
	v5 =	vadd.f32 v6, v5;
	v6 =	vmul.f32 v7, v8  }
0x4b: {  	v7 =	vld.idx.msk [tilespmem:v29+s16+$0x0], $0xffff;
	v8 =	vor.u32 $0xD, v4  }
0x4c: {  	v34 =	vor.u32 $0xD, v3;
	v16 =	vld.idx.msk [tilespmem:v30+s18+$0x0], $0xffff;
	v5 =	vadd.f32 v6, v5;
	v6 =	vmul.f32 v9, v11  }
0x4d: {  	v9 =	vld.idx.msk [tilespmem:v31+s16+$0x0], $0xffff;
	v11 =	vor.u32 $0xE, v4  }
0x4e: {  	v35 =	vor.u32 $0xE, v3;
	v12 =	vld.idx.msk [tilespmem:v32+s18+$0x0], $0xffff;
	v5 =	vadd.f32 v6, v5;
	v6 =	vmul.f32 v10, v13  }
0x4f: {  	v36 =	vor.u32 $0xF, v4;
	v10 =	vld.idx.msk [tilespmem:v33+s16+$0x0], $0xffff  }
0x50: {  	v37 =	vor.u32 $0xF, v3;
	v8 =	vld.idx.msk [tilespmem:v8+s18+$0x0], $0xffff;
	v5 =	vadd.f32 v6, v5;
	v6 =	vmul.f32 v7, v14  }
0x51: {  	v38 =	vor.u32 $0x10, v4;
	v7 =	vld.idx.msk [tilespmem:v34+s16+$0x0], $0xffff  }
0x52: {  	v39 =	vor.u32 $0x10, v3;
	v11 =	vld.idx.msk [tilespmem:v11+s18+$0x0], $0xffff;
	v5 =	vadd.f32 v6, v5;
	v6 =	vmul.f32 v9, v16  }
0x53: {  	v40 =	vor.u32 $0x11, v4;
	v9 =	vld.idx.msk [tilespmem:v35+s16+$0x0], $0xffff  }
0x54: {  	v41 =	vor.u32 $0x11, v3;
	v13 =	vld.idx.msk [tilespmem:v36+s18+$0x0], $0xffff;
	v5 =	vadd.f32 v6, v5;
	v6 =	vmul.f32 v10, v12  }
0x55: {  	v42 =	vor.u32 $0x12, v4;
	v10 =	vld.idx.msk [tilespmem:v37+s16+$0x0], $0xffff  }
0x56: {  	v43 =	vor.u32 $0x12, v3;
	v14 =	vld.idx.msk [tilespmem:v38+s18+$0x0], $0xffff;
	v5 =	vadd.f32 v6, v5;
	v6 =	vmul.f32 v7, v8  }
0x57: {  	v7 =	vld.idx.msk [tilespmem:v39+s16+$0x0], $0xffff;
	v8 =	vor.u32 $0x13, v4  }
0x58: {  	v44 =	vor.u32 $0x13, v3;
	v16 =	vld.idx.msk [tilespmem:v40+s18+$0x0], $0xffff;
	v5 =	vadd.f32 v6, v5;
	v6 =	vmul.f32 v9, v11  }
0x59: {  	v9 =	vld.idx.msk [tilespmem:v41+s16+$0x0], $0xffff;
	v11 =	vor.u32 $0x14, v4  }
0x5a: {  	v45 =	vor.u32 $0x14, v3;
	v12 =	vld.idx.msk [tilespmem:v42+s18+$0x0], $0xffff;
	v5 =	vadd.f32 v6, v5;
	v6 =	vmul.f32 v10, v13  }
0x5b: {  	v46 =	vor.u32 $0x15, v4;
	v10 =	vld.idx.msk [tilespmem:v43+s16+$0x0], $0xffff  }
0x5c: {  	v47 =	vor.u32 $0x15, v3;
	v8 =	vld.idx.msk [tilespmem:v8+s18+$0x0], $0xffff;
	v5 =	vadd.f32 v6, v5;
	v6 =	vmul.f32 v7, v14  }
0x5d: {  	v48 =	vor.u32 $0x16, v4;
	v7 =	vld.idx.msk [tilespmem:v44+s16+$0x0], $0xffff  }
0x5e: {  	v49 =	vor.u32 $0x16, v3;
	v11 =	vld.idx.msk [tilespmem:v11+s18+$0x0], $0xffff;
	v5 =	vadd.f32 v6, v5;
	v6 =	vmul.f32 v9, v16  }
0x5f: {  	v50 =	vor.u32 $0x17, v4;
	v9 =	vld.idx.msk [tilespmem:v45+s16+$0x0], $0xffff  }
0x60: {  	v51 =	vor.u32 $0x17, v3;
	v13 =	vld.idx.msk [tilespmem:v46+s18+$0x0], $0xffff;
	v5 =	vadd.f32 v6, v5;
	v6 =	vmul.f32 v10, v12  }
0x61: {  	v52 =	vor.u32 $0x18, v4;
	v10 =	vld.idx.msk [tilespmem:v47+s16+$0x0], $0xffff  }
0x62: {  	v53 =	vor.u32 $0x18, v3;
	v14 =	vld.idx.msk [tilespmem:v48+s18+$0x0], $0xffff;
	v5 =	vadd.f32 v6, v5;
	v6 =	vmul.f32 v7, v8  }
0x63: {  	v7 =	vld.idx.msk [tilespmem:v49+s16+$0x0], $0xffff;
	v8 =	vor.u32 $0x19, v4  }
0x64: {  	v54 =	vor.u32 $0x19, v3;
	v16 =	vld.idx.msk [tilespmem:v50+s18+$0x0], $0xffff;
	v5 =	vadd.f32 v6, v5;
	v6 =	vmul.f32 v9, v11  }
0x65: {  	v9 =	vld.idx.msk [tilespmem:v51+s16+$0x0], $0xffff;
	v11 =	vor.u32 $0x1A, v4  }
0x66: {  	v55 =	vor.u32 $0x1A, v3;
	v12 =	vld.idx.msk [tilespmem:v52+s18+$0x0], $0xffff;
	v5 =	vadd.f32 v6, v5;
	v6 =	vmul.f32 v10, v13  }
0x67: {  	v56 =	vor.u32 $0x1B, v4;
	v10 =	vld.idx.msk [tilespmem:v53+s16+$0x0], $0xffff  }
0x68: {  	v57 =	vor.u32 $0x1B, v3;
	v8 =	vld.idx.msk [tilespmem:v8+s18+$0x0], $0xffff;
	v5 =	vadd.f32 v6, v5;
	v6 =	vmul.f32 v7, v14  }
0x69: {  	v58 =	vor.u32 $0x1C, v4;
	v7 =	vld.idx.msk [tilespmem:v54+s16+$0x0], $0xffff  }
0x6a: {  	v59 =	vor.u32 $0x1C, v3;
	v11 =	vld.idx.msk [tilespmem:v11+s18+$0x0], $0xffff;
	v5 =	vadd.f32 v6, v5;
	v6 =	vmul.f32 v9, v16  }
0x6b: {  	v60 =	vor.u32 $0x1D, v4;
	v9 =	vld.idx.msk [tilespmem:v55+s16+$0x0], $0xffff  }
0x6c: {  	v61 =	vor.u32 $0x1D, v3;
	v13 =	vld.idx.msk [tilespmem:v56+s18+$0x0], $0xffff;
	v5 =	vadd.f32 v6, v5;
	v6 =	vmul.f32 v10, v12  }
0x6d: {  	v62 =	vor.u32 $0x1E, v4;
	v10 =	vld.idx.msk [tilespmem:v57+s16+$0x0], $0xffff  }
0x6e: {  	v14 =	vld.idx.msk [tilespmem:v58+s18+$0x0], $0xffff;
	v5 =	vadd.f32 v6, v5;
	v6 =	vmul.f32 v7, v8;
	v7 =	vor.u32 $0x1E, v3  }
0x6f: {  	v63 =	vor.u32 $0x1F, v4;
	v8 =	vld.idx.msk [tilespmem:v59+s16+$0x0], $0xffff  }
0x70: {  	v16 =	vld.idx.msk [tilespmem:v60+s18+$0x0], $0xffff;
	v4 =	vadd.f32 v6, v5;
	v5 =	vmul.f32 v9, v11;
	v6 =	vor.u32 $0x1F, v3  }
0x71: {  	v9 =	vld.idx.msk [tilespmem:v61+s16+$0x0], $0xffff  }
0x72: {  	v10 =	vmul.f32 v10, v13;
	v3 =	vadd.f32 v5, v4;
	v4 =	vld.idx.msk [tilespmem:v62+s18+$0x0], $0xffff  }
0x73: {  	v5 =	vld.idx.msk [tilespmem:v7+s16+$0x0], $0xffff  }
0x74: {  	s7 =	sadd.s32 $0x10, s8;
	v8 =	vmul.f32 v8, v14;
	v10 =	vadd.f32 v10, v3;
	v3 =	vld.idx.msk [tilespmem:v63+s18+$0x0], $0xffff  }
0x75: {  	s10 =	smul.u32 $0x600, s9;
	v7 =	vor.u32 s7, v0;
	v6 =	vld.idx.msk [tilespmem:v6+s16+$0x0], $0xffff  }
0x76: {  	s5 =	simm.s32 $0x10;
	s1 =	simm.s32 $0x20;
	s7 =	sadd.s32 $0x0, s6;
	v7 =	vmulhi.u32 $0x51EB851F, v7;
	v9 =	vmul.f32 v9, v16;
	v8 =	vadd.f32 v8, v10  }
.LBB2_3:
0x77: {  	p0 =	sne.s32 s1, $0x1F0;
	v10 =	vor.u32 s5, v0;
	v11 =	vor.u32 s7, v0  }
0x78: {  	v4 =	vmul.f32 v5, v4;
	v7 =	vshrl.u32 v7, $0x4;
	v8 =	vadd.f32 v9, v8  }
0x79: {  	v9 =	vand.u32 v2, v10;
	v5 =	vsub.s32 v7, v1;
	v7 =	vand.u32 $0x7, v7  }
0x7a: {  	v6 =	vmul.f32 v6, v3;
	v12 =	vand.u32 $0xFFFFFFF8, v5;
	v4 =	vadd.f32 v4, v8  }
0x7b: {  	v7 =	vor.u32 v7, v12  }
0x7c: {  	v3 =	vshll.u32 v10, $0x5;
	v6 =	vadd.f32 v6, v4  }
0x7d: {  	v4 =	vshll.u32 v5, $0x5  }
0x7e: {  	v5 =	vor.u32 $0x1, v3;
	[tilespmem:v11+s23+$0x0] =	vst.idx.msk $0xffff, v6  }
0x7f: {  	v8 =	vor.u32 $0x1, v4;
	v6 =	vld.idx.msk [tilespmem:v9+s19+$0x0], $0xffff  }
0x80: {  	v9 =	vor.u32 $0x2, v3;
	v7 =	vld.idx.msk [tilespmem:v7+s17+$0x0], $0xffff  }
0x81: {  	v11 =	vor.u32 $0x2, v4;
	v10 =	vld.idx.msk [tilespmem:v3+s18+$0x0], $0xffff  }
0x82: {  	v13 =	vor.u32 $0x3, v3;
	v12 =	vld.idx.msk [tilespmem:v4+s16+$0x0], $0xffff  }
0x83: {  	v14 =	vor.u32 $0x3, v4;
	v5 =	vld.idx.msk [tilespmem:v5+s18+$0x0], $0xffff  }
0x84: {  	v15 =	vor.u32 $0x4, v3;
	v8 =	vld.idx.msk [tilespmem:v8+s16+$0x0], $0xffff  }
0x85: {  	v16 =	vor.u32 $0x4, v4;
	v9 =	vld.idx.msk [tilespmem:v9+s18+$0x0], $0xffff  }
0x86: {  	v17 =	vor.u32 $0x5, v3;
	v11 =	vld.idx.msk [tilespmem:v11+s16+$0x0], $0xffff  }
0x87: {  	v18 =	vor.u32 $0x5, v4;
	v13 =	vld.idx.msk [tilespmem:v13+s18+$0x0], $0xffff  }
0x88: {  	v6 =	vadd.f32 v6, v7;
	v7 =	vmul.f32 v12, v10;
	v12 =	vor.u32 $0x6, v3;
	v10 =	vld.idx.msk [tilespmem:v14+s16+$0x0], $0xffff  }
0x89: {  	v14 =	vld.idx.msk [tilespmem:v15+s18+$0x0], $0xffff;
	v15 =	vor.u32 $0x6, v4  }
0x8a: {  	v6 =	vadd.f32 v7, v6;
	v5 =	vmul.f32 v8, v5;
	v8 =	vor.u32 $0x7, v3;
	v7 =	vld.idx.msk [tilespmem:v16+s16+$0x0], $0xffff  }
0x8b: {  	v16 =	vld.idx.msk [tilespmem:v17+s18+$0x0], $0xffff;
	v17 =	vor.u32 $0x7, v4  }
0x8c: {  	v5 =	vadd.f32 v5, v6;
	v6 =	vmul.f32 v11, v9;
	v11 =	vor.u32 $0x8, v3;
	v9 =	vld.idx.msk [tilespmem:v18+s16+$0x0], $0xffff  }
0x8d: {  	v18 =	vor.u32 $0x8, v4;
	v12 =	vld.idx.msk [tilespmem:v12+s18+$0x0], $0xffff  }
0x8e: {  	v5 =	vadd.f32 v6, v5;
	v6 =	vmul.f32 v10, v13;
	v13 =	vor.u32 $0x9, v3;
	v10 =	vld.idx.msk [tilespmem:v15+s16+$0x0], $0xffff  }
0x8f: {  	v15 =	vor.u32 $0x9, v4;
	v8 =	vld.idx.msk [tilespmem:v8+s18+$0x0], $0xffff  }
0x90: {  	v5 =	vadd.f32 v6, v5;
	v6 =	vmul.f32 v7, v14;
	v14 =	vor.u32 $0xA, v3;
	v7 =	vld.idx.msk [tilespmem:v17+s16+$0x0], $0xffff  }
0x91: {  	v17 =	vor.u32 $0xA, v4;
	v11 =	vld.idx.msk [tilespmem:v11+s18+$0x0], $0xffff  }
0x92: {  	v5 =	vadd.f32 v6, v5;
	v6 =	vmul.f32 v9, v16;
	v16 =	vor.u32 $0xB, v3;
	v9 =	vld.idx.msk [tilespmem:v18+s16+$0x0], $0xffff  }
0x93: {  	v18 =	vor.u32 $0xB, v4;
	v13 =	vld.idx.msk [tilespmem:v13+s18+$0x0], $0xffff  }
0x94: {  	v5 =	vadd.f32 v6, v5;
	v6 =	vmul.f32 v10, v12;
	v12 =	vor.u32 $0xC, v3;
	v10 =	vld.idx.msk [tilespmem:v15+s16+$0x0], $0xffff  }
0x95: {  	v15 =	vor.u32 $0xC, v4;
	v14 =	vld.idx.msk [tilespmem:v14+s18+$0x0], $0xffff  }
0x96: {  	v5 =	vadd.f32 v6, v5;
	v6 =	vmul.f32 v7, v8;
	v8 =	vor.u32 $0xD, v3;
	v7 =	vld.idx.msk [tilespmem:v17+s16+$0x0], $0xffff  }
0x97: {  	v17 =	vor.u32 $0xD, v4;
	v16 =	vld.idx.msk [tilespmem:v16+s18+$0x0], $0xffff  }
0x98: {  	v5 =	vadd.f32 v6, v5;
	v6 =	vmul.f32 v9, v11;
	v11 =	vor.u32 $0xE, v3;
	v9 =	vld.idx.msk [tilespmem:v18+s16+$0x0], $0xffff  }
0x99: {  	v18 =	vor.u32 $0xE, v4;
	v12 =	vld.idx.msk [tilespmem:v12+s18+$0x0], $0xffff  }
0x9a: {  	v5 =	vadd.f32 v6, v5;
	v6 =	vmul.f32 v10, v13;
	v13 =	vor.u32 $0xF, v3;
	v10 =	vld.idx.msk [tilespmem:v15+s16+$0x0], $0xffff  }
0x9b: {  	v15 =	vor.u32 $0xF, v4;
	v8 =	vld.idx.msk [tilespmem:v8+s18+$0x0], $0xffff  }
0x9c: {  	v5 =	vadd.f32 v6, v5;
	v6 =	vmul.f32 v7, v14;
	v14 =	vor.u32 $0x10, v3;
	v7 =	vld.idx.msk [tilespmem:v17+s16+$0x0], $0xffff  }
0x9d: {  	v17 =	vor.u32 $0x10, v4;
	v11 =	vld.idx.msk [tilespmem:v11+s18+$0x0], $0xffff  }
0x9e: {  	v5 =	vadd.f32 v6, v5;
	v6 =	vmul.f32 v9, v16;
	v16 =	vor.u32 $0x11, v3;
	v9 =	vld.idx.msk [tilespmem:v18+s16+$0x0], $0xffff  }
0x9f: {  	v18 =	vor.u32 $0x11, v4;
	v13 =	vld.idx.msk [tilespmem:v13+s18+$0x0], $0xffff  }
0xa0: {  	v5 =	vadd.f32 v6, v5;
	v6 =	vmul.f32 v10, v12;
	v12 =	vor.u32 $0x12, v3;
	v10 =	vld.idx.msk [tilespmem:v15+s16+$0x0], $0xffff  }
0xa1: {  	v15 =	vor.u32 $0x12, v4;
	v14 =	vld.idx.msk [tilespmem:v14+s18+$0x0], $0xffff  }
0xa2: {  	v5 =	vadd.f32 v6, v5;
	v6 =	vmul.f32 v7, v8;
	v8 =	vor.u32 $0x13, v3;
	v7 =	vld.idx.msk [tilespmem:v17+s16+$0x0], $0xffff  }
0xa3: {  	v17 =	vor.u32 $0x13, v4;
	v16 =	vld.idx.msk [tilespmem:v16+s18+$0x0], $0xffff  }
0xa4: {  	v5 =	vadd.f32 v6, v5;
	v6 =	vmul.f32 v9, v11;
	v11 =	vor.u32 $0x14, v3;
	v9 =	vld.idx.msk [tilespmem:v18+s16+$0x0], $0xffff  }
0xa5: {  	v18 =	vor.u32 $0x14, v4;
	v12 =	vld.idx.msk [tilespmem:v12+s18+$0x0], $0xffff  }
0xa6: {  	v5 =	vadd.f32 v6, v5;
	v6 =	vmul.f32 v10, v13;
	v13 =	vor.u32 $0x15, v3;
	v10 =	vld.idx.msk [tilespmem:v15+s16+$0x0], $0xffff  }
0xa7: {  	v15 =	vor.u32 $0x15, v4;
	v8 =	vld.idx.msk [tilespmem:v8+s18+$0x0], $0xffff  }
0xa8: {  	v5 =	vadd.f32 v6, v5;
	v6 =	vmul.f32 v7, v14;
	v14 =	vor.u32 $0x16, v3;
	v7 =	vld.idx.msk [tilespmem:v17+s16+$0x0], $0xffff  }
0xa9: {  	v17 =	vor.u32 $0x16, v4;
	v11 =	vld.idx.msk [tilespmem:v11+s18+$0x0], $0xffff  }
0xaa: {  	v5 =	vadd.f32 v6, v5;
	v6 =	vmul.f32 v9, v16;
	v16 =	vor.u32 $0x17, v3;
	v9 =	vld.idx.msk [tilespmem:v18+s16+$0x0], $0xffff  }
0xab: {  	v18 =	vor.u32 $0x17, v4;
	v13 =	vld.idx.msk [tilespmem:v13+s18+$0x0], $0xffff  }
0xac: {  	v5 =	vadd.f32 v6, v5;
	v6 =	vmul.f32 v10, v12;
	v12 =	vor.u32 $0x18, v3;
	v10 =	vld.idx.msk [tilespmem:v15+s16+$0x0], $0xffff  }
0xad: {  	v15 =	vor.u32 $0x18, v4;
	v14 =	vld.idx.msk [tilespmem:v14+s18+$0x0], $0xffff  }
0xae: {  	v5 =	vadd.f32 v6, v5;
	v6 =	vmul.f32 v7, v8;
	v8 =	vor.u32 $0x19, v3;
	v7 =	vld.idx.msk [tilespmem:v17+s16+$0x0], $0xffff  }
0xaf: {  	v17 =	vor.u32 $0x19, v4;
	v16 =	vld.idx.msk [tilespmem:v16+s18+$0x0], $0xffff  }
0xb0: {  	v5 =	vadd.f32 v6, v5;
	v6 =	vmul.f32 v9, v11;
	v11 =	vor.u32 $0x1A, v3;
	v9 =	vld.idx.msk [tilespmem:v18+s16+$0x0], $0xffff  }
0xb1: {  	v18 =	vor.u32 $0x1A, v4;
	v12 =	vld.idx.msk [tilespmem:v12+s18+$0x0], $0xffff  }
0xb2: {  	v5 =	vadd.f32 v6, v5;
	v6 =	vmul.f32 v10, v13;
	v13 =	vor.u32 $0x1B, v3;
	v10 =	vld.idx.msk [tilespmem:v15+s16+$0x0], $0xffff  }
0xb3: {  	v15 =	vor.u32 $0x1B, v4;
	v8 =	vld.idx.msk [tilespmem:v8+s18+$0x0], $0xffff  }
0xb4: {  	v5 =	vadd.f32 v6, v5;
	v6 =	vmul.f32 v7, v14;
	v14 =	vor.u32 $0x1C, v3;
	v7 =	vld.idx.msk [tilespmem:v17+s16+$0x0], $0xffff  }
0xb5: {  	v17 =	vor.u32 $0x1C, v4;
	v11 =	vld.idx.msk [tilespmem:v11+s18+$0x0], $0xffff  }
0xb6: {  	v5 =	vadd.f32 v6, v5;
	v6 =	vmul.f32 v9, v16;
	v16 =	vor.u32 $0x1D, v3;
	v9 =	vld.idx.msk [tilespmem:v18+s16+$0x0], $0xffff  }
0xb7: {  	v18 =	vor.u32 $0x1D, v4;
	v13 =	vld.idx.msk [tilespmem:v13+s18+$0x0], $0xffff  }
0xb8: {  	v5 =	vadd.f32 v6, v5;
	v6 =	vmul.f32 v10, v12;
	v12 =	vor.u32 $0x1E, v3;
	v10 =	vld.idx.msk [tilespmem:v15+s16+$0x0], $0xffff  }
0xb9: {  	v15 =	vor.u32 $0x1E, v4;
	v14 =	vld.idx.msk [tilespmem:v14+s18+$0x0], $0xffff  }
0xba: {  	v3 =	vor.u32 $0x1F, v3;
	v5 =	vadd.f32 v6, v5;
	v6 =	vmul.f32 v7, v8;
	v7 =	vld.idx.msk [tilespmem:v17+s16+$0x0], $0xffff  }
0xbb: {  	v8 =	vor.u32 $0x1F, v4;
	v16 =	vld.idx.msk [tilespmem:v16+s18+$0x0], $0xffff  }
0xbc: {  	v5 =	vadd.f32 v6, v5;
	v6 =	vmul.f32 v9, v11;
	v9 =	vld.idx.msk [tilespmem:v18+s16+$0x0], $0xffff  }
0xbd: {  	v4 =	vld.idx.msk [tilespmem:v12+s18+$0x0], $0xffff  }
.Ltmp0:
0xbe: {  	v6 =	vadd.f32 v6, v5;
	v10 =	vmul.f32 v10, v13;
	v5 =	vld.idx.msk [tilespmem:v15+s16+$0x0], $0xffff;
	(pc) =	sbr.rel @p0 .LBB2_3-.Ltmp0, $4  }
0xbf: {  	v3 =	vld.idx.msk [tilespmem:v3+s18+$0x0], $0xffff  }
0xc0: {  	s7 =	sadd.s32 s1, s8;
	v10 =	vadd.f32 v10, v6;
	v11 =	vmul.f32 v7, v14;
	v6 =	vld.idx.msk [tilespmem:v8+s16+$0x0], $0xffff  }
0xc1: {  	v7 =	vor.u32 s7, v0  }
0xc2: {  	s7 =	sadd.s32 s5, s6;
	s5 =	smov.u32 s1;
	s1 =	sadd.s32 $0x10, s1;
	v7 =	vmulhi.u32 $0x51EB851F, v7;
	v8 =	vadd.f32 v11, v10;
	v9 =	vmul.f32 v9, v16  }
0xc3: {  	_ = 	snop  }
0xc4: {  	v10 =	vor.u32 s5, v0;
	v4 =	vmul.f32 v5, v4;
	v8 =	vadd.f32 v9, v8  }
0xc5: {  	v11 =	vor.u32 s7, v0;
	v7 =	vshrl.u32 v7, $0x4;
	v9 =	vand.u32 v2, v10  }
0xc6: {  	v5 =	vsub.s32 v7, v1;
	v6 =	vmul.f32 v6, v3;
	v4 =	vadd.f32 v4, v8  }
0xc7: {  	v7 =	vand.u32 $0x7, v7;
	v3 =	vshll.u32 v10, $0x5;
	v12 =	vand.u32 $0xFFFFFFF8, v5  }
0xc8: {  	v7 =	vor.u32 v7, v12;
	v6 =	vadd.f32 v6, v4  }
0xc9: {  	v4 =	vshll.u32 v5, $0x5  }
0xca: {  	v5 =	vor.u32 $0x1, v3;
	[tilespmem:v11+s23+$0x0] =	vst.idx.msk $0xffff, v6  }
0xcb: {  	v8 =	vor.u32 $0x1, v4;
	v6 =	vld.idx.msk [tilespmem:v9+s19+$0x0], $0xffff  }
0xcc: {  	v11 =	vor.u32 $0x2, v4;
	v10 =	vld.idx.msk [tilespmem:v3+s18+$0x0], $0xffff  }
0xcd: {  	v9 =	vor.u32 $0x2, v3;
	v7 =	vld.idx.msk [tilespmem:v7+s17+$0x0], $0xffff  }
0xce: {  	v13 =	vor.u32 $0x3, v3;
	v55 =	vld.idx.msk [tilespmem:v4+s16+$0x0], $0xffff  }
0xcf: {  	v14 =	vor.u32 $0x3, v4;
	v5 =	vld.idx.msk [tilespmem:v5+s18+$0x0], $0xffff  }
0xd0: {  	v15 =	vor.u32 $0x4, v3;
	v8 =	vld.idx.msk [tilespmem:v8+s16+$0x0], $0xffff  }
0xd1: {  	v16 =	vor.u32 $0x4, v4;
	v11 =	vld.idx.msk [tilespmem:v11+s16+$0x0], $0xffff  }
0xd2: {  	v17 =	vor.u32 $0x5, v3;
	v9 =	vld.idx.msk [tilespmem:v9+s18+$0x0], $0xffff  }
0xd3: {  	v18 =	vor.u32 $0x5, v4;
	v13 =	vld.idx.msk [tilespmem:v13+s18+$0x0], $0xffff;
	v6 =	vadd.f32 v6, v7;
	v7 =	vmul.f32 v55, v10  }
0xd4: {  	v56 =	vor.u32 $0x6, v3;
	v10 =	vld.idx.msk [tilespmem:v14+s16+$0x0], $0xffff  }
0xd5: {  	v58 =	vor.u32 $0x6, v4;
	v57 =	vld.idx.msk [tilespmem:v15+s18+$0x0], $0xffff;
	v5 =	vmul.f32 v8, v5;
	v6 =	vadd.f32 v7, v6  }
0xd6: {  	v8 =	vor.u32 $0x7, v3;
	v7 =	vld.idx.msk [tilespmem:v16+s16+$0x0], $0xffff  }
0xd7: {  	v60 =	vor.u32 $0x7, v4;
	v59 =	vld.idx.msk [tilespmem:v17+s18+$0x0], $0xffff;
	v5 =	vadd.f32 v5, v6;
	v6 =	vmul.f32 v11, v9  }
0xd8: {  	v9 =	vld.idx.msk [tilespmem:v18+s16+$0x0], $0xffff;
	v11 =	vor.u32 $0x8, v3  }
0xd9: {  	v61 =	vor.u32 $0x8, v4;
	v12 =	vld.idx.msk [tilespmem:v56+s18+$0x0], $0xffff;
	v5 =	vadd.f32 v6, v5;
	v6 =	vmul.f32 v10, v13  }
0xda: {  	v62 =	vor.u32 $0x9, v3;
	v10 =	vld.idx.msk [tilespmem:v58+s16+$0x0], $0xffff  }
0xdb: {  	v63 =	vor.u32 $0x9, v4;
	v8 =	vld.idx.msk [tilespmem:v8+s18+$0x0], $0xffff;
	v5 =	vadd.f32 v6, v5;
	v6 =	vmul.f32 v7, v57  }
0xdc: {  	v21 =	vor.u32 $0xA, v3;
	v7 =	vld.idx.msk [tilespmem:v60+s16+$0x0], $0xffff  }
0xdd: {  	v22 =	vor.u32 $0xA, v4;
	v11 =	vld.idx.msk [tilespmem:v11+s18+$0x0], $0xffff;
	v5 =	vadd.f32 v6, v5;
	v6 =	vmul.f32 v9, v59  }
0xde: {  	v23 =	vor.u32 $0xB, v3;
	v9 =	vld.idx.msk [tilespmem:v61+s16+$0x0], $0xffff  }
0xdf: {  	v24 =	vor.u32 $0xB, v4;
	v13 =	vld.idx.msk [tilespmem:v62+s18+$0x0], $0xffff;
	v5 =	vadd.f32 v6, v5;
	v6 =	vmul.f32 v10, v12  }
0xe0: {  	v25 =	vor.u32 $0xC, v3;
	v10 =	vld.idx.msk [tilespmem:v63+s16+$0x0], $0xffff  }
0xe1: {  	v26 =	vor.u32 $0xC, v4;
	v14 =	vld.idx.msk [tilespmem:v21+s18+$0x0], $0xffff;
	v5 =	vadd.f32 v6, v5;
	v6 =	vmul.f32 v7, v8  }
0xe2: {  	v7 =	vld.idx.msk [tilespmem:v22+s16+$0x0], $0xffff;
	v8 =	vor.u32 $0xD, v3  }
0xe3: {  	v27 =	vor.u32 $0xD, v4;
	v16 =	vld.idx.msk [tilespmem:v23+s18+$0x0], $0xffff;
	v5 =	vadd.f32 v6, v5;
	v6 =	vmul.f32 v9, v11  }
0xe4: {  	v9 =	vld.idx.msk [tilespmem:v24+s16+$0x0], $0xffff;
	v11 =	vor.u32 $0xE, v3  }
0xe5: {  	v28 =	vor.u32 $0xE, v4;
	v12 =	vld.idx.msk [tilespmem:v25+s18+$0x0], $0xffff;
	v5 =	vadd.f32 v6, v5;
	v6 =	vmul.f32 v10, v13  }
0xe6: {  	v29 =	vor.u32 $0xF, v3;
	v10 =	vld.idx.msk [tilespmem:v26+s16+$0x0], $0xffff  }
0xe7: {  	v30 =	vor.u32 $0xF, v4;
	v8 =	vld.idx.msk [tilespmem:v8+s18+$0x0], $0xffff;
	v5 =	vadd.f32 v6, v5;
	v6 =	vmul.f32 v7, v14  }
0xe8: {  	v31 =	vor.u32 $0x10, v3;
	v7 =	vld.idx.msk [tilespmem:v27+s16+$0x0], $0xffff  }
0xe9: {  	v32 =	vor.u32 $0x10, v4;
	v11 =	vld.idx.msk [tilespmem:v11+s18+$0x0], $0xffff;
	v5 =	vadd.f32 v6, v5;
	v6 =	vmul.f32 v9, v16  }
0xea: {  	v33 =	vor.u32 $0x11, v3;
	v9 =	vld.idx.msk [tilespmem:v28+s16+$0x0], $0xffff  }
0xeb: {  	v34 =	vor.u32 $0x11, v4;
	v13 =	vld.idx.msk [tilespmem:v29+s18+$0x0], $0xffff;
	v5 =	vadd.f32 v6, v5;
	v6 =	vmul.f32 v10, v12  }
0xec: {  	v35 =	vor.u32 $0x12, v3;
	v10 =	vld.idx.msk [tilespmem:v30+s16+$0x0], $0xffff  }
0xed: {  	v36 =	vor.u32 $0x12, v4;
	v14 =	vld.idx.msk [tilespmem:v31+s18+$0x0], $0xffff;
	v5 =	vadd.f32 v6, v5;
	v6 =	vmul.f32 v7, v8  }
0xee: {  	v7 =	vld.idx.msk [tilespmem:v32+s16+$0x0], $0xffff;
	v8 =	vor.u32 $0x13, v3  }
0xef: {  	v37 =	vor.u32 $0x13, v4;
	v16 =	vld.idx.msk [tilespmem:v33+s18+$0x0], $0xffff;
	v5 =	vadd.f32 v6, v5;
	v6 =	vmul.f32 v9, v11  }
0xf0: {  	v9 =	vld.idx.msk [tilespmem:v34+s16+$0x0], $0xffff;
	v11 =	vor.u32 $0x14, v3  }
0xf1: {  	v38 =	vor.u32 $0x14, v4;
	v12 =	vld.idx.msk [tilespmem:v35+s18+$0x0], $0xffff;
	v5 =	vadd.f32 v6, v5;
	v6 =	vmul.f32 v10, v13  }
0xf2: {  	v39 =	vor.u32 $0x15, v3;
	v10 =	vld.idx.msk [tilespmem:v36+s16+$0x0], $0xffff  }
0xf3: {  	v40 =	vor.u32 $0x15, v4;
	v8 =	vld.idx.msk [tilespmem:v8+s18+$0x0], $0xffff;
	v5 =	vadd.f32 v6, v5;
	v6 =	vmul.f32 v7, v14  }
0xf4: {  	v41 =	vor.u32 $0x16, v3;
	v7 =	vld.idx.msk [tilespmem:v37+s16+$0x0], $0xffff  }
0xf5: {  	v42 =	vor.u32 $0x16, v4;
	v11 =	vld.idx.msk [tilespmem:v11+s18+$0x0], $0xffff;
	v5 =	vadd.f32 v6, v5;
	v6 =	vmul.f32 v9, v16  }
0xf6: {  	v43 =	vor.u32 $0x17, v3;
	v9 =	vld.idx.msk [tilespmem:v38+s16+$0x0], $0xffff  }
0xf7: {  	v44 =	vor.u32 $0x17, v4;
	v13 =	vld.idx.msk [tilespmem:v39+s18+$0x0], $0xffff;
	v5 =	vadd.f32 v6, v5;
	v6 =	vmul.f32 v10, v12  }
0xf8: {  	v45 =	vor.u32 $0x18, v3;
	v10 =	vld.idx.msk [tilespmem:v40+s16+$0x0], $0xffff  }
0xf9: {  	v46 =	vor.u32 $0x18, v4;
	v14 =	vld.idx.msk [tilespmem:v41+s18+$0x0], $0xffff;
	v5 =	vadd.f32 v6, v5;
	v6 =	vmul.f32 v7, v8  }
0xfa: {  	v7 =	vld.idx.msk [tilespmem:v42+s16+$0x0], $0xffff;
	v8 =	vor.u32 $0x19, v3  }
0xfb: {  	v47 =	vor.u32 $0x19, v4;
	v16 =	vld.idx.msk [tilespmem:v43+s18+$0x0], $0xffff;
	v5 =	vadd.f32 v6, v5;
	v6 =	vmul.f32 v9, v11  }
0xfc: {  	v9 =	vld.idx.msk [tilespmem:v44+s16+$0x0], $0xffff;
	v11 =	vor.u32 $0x1A, v3  }
0xfd: {  	v48 =	vor.u32 $0x1A, v4;
	v12 =	vld.idx.msk [tilespmem:v45+s18+$0x0], $0xffff;
	v5 =	vadd.f32 v6, v5;
	v6 =	vmul.f32 v10, v13  }
0xfe: {  	v49 =	vor.u32 $0x1B, v3;
	v10 =	vld.idx.msk [tilespmem:v46+s16+$0x0], $0xffff  }
0xff: {  	v50 =	vor.u32 $0x1B, v4;
	v8 =	vld.idx.msk [tilespmem:v8+s18+$0x0], $0xffff;
	v5 =	vadd.f32 v6, v5;
	v6 =	vmul.f32 v7, v14  }
0x100: {  	v51 =	vor.u32 $0x1C, v3;
	v7 =	vld.idx.msk [tilespmem:v47+s16+$0x0], $0xffff  }
0x101: {  	v52 =	vor.u32 $0x1C, v4;
	v11 =	vld.idx.msk [tilespmem:v11+s18+$0x0], $0xffff;
	v5 =	vadd.f32 v6, v5;
	v6 =	vmul.f32 v9, v16  }
0x102: {  	v53 =	vor.u32 $0x1D, v3;
	v9 =	vld.idx.msk [tilespmem:v48+s16+$0x0], $0xffff  }
0x103: {  	v54 =	vor.u32 $0x1D, v4;
	v13 =	vld.idx.msk [tilespmem:v49+s18+$0x0], $0xffff;
	v5 =	vadd.f32 v6, v5;
	v6 =	vmul.f32 v10, v12  }
0x104: {  	v55 =	vor.u32 $0x1E, v3;
	v10 =	vld.idx.msk [tilespmem:v50+s16+$0x0], $0xffff  }
0x105: {  	v56 =	vor.u32 $0x1E, v4;
	v14 =	vld.idx.msk [tilespmem:v51+s18+$0x0], $0xffff;
	v5 =	vadd.f32 v6, v5;
	v6 =	vmul.f32 v7, v8  }
0x106: {  	v4 =	vor.u32 $0x1F, v4;
	v7 =	vld.idx.msk [tilespmem:v52+s16+$0x0], $0xffff  }
0x107: {  	v3 =	vor.u32 $0x1F, v3;
	v8 =	vld.idx.msk [tilespmem:v53+s18+$0x0], $0xffff;
	v5 =	vadd.f32 v6, v5;
	v6 =	vmul.f32 v9, v11  }
0x108: {  	v9 =	vld.idx.msk [tilespmem:v54+s16+$0x0], $0xffff  }
0x109: {  	v11 =	vld.idx.msk [tilespmem:v55+s18+$0x0], $0xffff;
	v5 =	vadd.f32 v6, v5;
	v6 =	vmul.f32 v10, v13  }
0x10a: {  	v10 =	vld.idx.msk [tilespmem:v56+s16+$0x0], $0xffff  }
0x10b: {  	v4 =	vld.idx.msk [tilespmem:v4+s16+$0x0], $0xffff;
	v5 =	vadd.f32 v6, v5;
	v6 =	vmul.f32 v7, v14  }
0x10c: {  	v3 =	vld.idx.msk [tilespmem:v3+s18+$0x0], $0xffff  }
0x10d: {  	v5 =	vadd.f32 v6, v5;
	v6 =	vmul.f32 v9, v8;
	_ =	sdelay $0x1  }
0x10e: {  	s1 =	sadd.s32 s5, s6;
	v5 =	vadd.f32 v6, v5;
	v6 =	vmul.f32 v10, v11  }
0x10f: {  	v7 =	vor.u32 s1, v0  }
0x110: {  	v3 =	vmul.f32 v4, v3;
	v5 =	vadd.f32 v6, v5;
	_ =	sdelay $0x1  }
0x111: {  	v3 =	vadd.f32 v3, v5;
	_ =	sdelay $0x1  }
0x112: {  	s7 =	sadd.s32 $0x400, s10;
	s10 =	sadd.s32 $0x0, s11;
	[tilespmem:v7+s23+$0x0] =	vst.idx.msk $0xffff, v3  }
0x113: {  	[tilespmem:s25], [sflag:$0x3] =	stream.indirect.gather [hbm4b:s4+s24], $0x20, s7, s24, $0xb8;
	[tilespmem:$0x1D000] =	vst v63  }
0x114: {  	v3 =	vor.u32 s10, v0  }
0x115: {  	v3 =	vmulhi.u32 $0x51EB851F, v3;
	[tilespmem:s26], [sflag:$0x3] =	stream.indirect.gather [hbm4b:s2+s24], $0x1, s7, s24, $0xb8;
	[tilespmem:$0x1D000] =	vst v63  }
0x116: {  	s7 =	simm.s32 $0x0  }
0x117: {  	v3 =	vshrl.u32 v3, $0x4;
	_ =	swait.ge [sflag:s28], $0x4000;
	v4 =	vor.u32 s7, v0  }
0x118: {  	v5 =	vsub.s32 v3, v1;
	[sflag:s28] =	ssyncset.done $0x0;
	v6 =	vand.u32 v2, v4  }
0x119: {  	v3 =	vand.u32 $0x7, v3;
	v7 =	vand.u32 $0xFFFFFFF8, v5;
	v4 =	vshll.u32 v4, $0x5;
	[sflag:s28] =	ssyncadd.s32 $0xFFFFC000  }
0x11a: {  	v7 =	vor.u32 v3, v7;
	_ =	swait.ge [sflag:s28], $0x200  }
0x11b: {  	v3 =	vshll.u32 v5, $0x5;
	[sflag:s28] =	ssyncset.done $0x0  }
0x11c: {  	v5 =	vor.u32 $0x1, v4;
	[sflag:s28] =	ssyncadd.s32 $0xFFFFFE00  }
0x11d: {  	v8 =	vor.u32 $0x1, v3;
	v6 =	vld.idx.msk [tilespmem:v6+s21+$0x0], $0xffff  }
0x11e: {  	v9 =	vor.u32 $0x2, v4;
	v10 =	vld.idx.msk [tilespmem:v4+s20+$0x0], $0xffff  }
0x11f: {  	v11 =	vor.u32 $0x2, v3;
	v7 =	vld.idx.msk [tilespmem:v7+s17+$0x0], $0xffff  }
0x120: {  	v58 =	vor.u32 $0x3, v4;
	v57 =	vld.idx.msk [tilespmem:v3+s16+$0x0], $0xffff  }
0x121: {  	v59 =	vor.u32 $0x3, v3;
	v5 =	vld.idx.msk [tilespmem:v5+s20+$0x0], $0xffff  }
0x122: {  	v60 =	vor.u32 $0x4, v4;
	v8 =	vld.idx.msk [tilespmem:v8+s16+$0x0], $0xffff  }
0x123: {  	v61 =	vor.u32 $0x4, v3;
	v9 =	vld.idx.msk [tilespmem:v9+s20+$0x0], $0xffff  }
0x124: {  	v62 =	vor.u32 $0x5, v4;
	v11 =	vld.idx.msk [tilespmem:v11+s16+$0x0], $0xffff  }
0x125: {  	v63 =	vor.u32 $0x5, v3;
	v13 =	vld.idx.msk [tilespmem:v58+s20+$0x0], $0xffff;
	v6 =	vadd.f32 v6, v7;
	v7 =	vmul.f32 v57, v10  }
0x126: {  	v20 =	vor.u32 $0x6, v4;
	v10 =	vld.idx.msk [tilespmem:v59+s16+$0x0], $0xffff  }
0x127: {  	v22 =	vor.u32 $0x6, v3;
	v21 =	vld.idx.msk [tilespmem:v60+s20+$0x0], $0xffff;
	v5 =	vmul.f32 v8, v5;
	v6 =	vadd.f32 v7, v6  }
0x128: {  	v8 =	vor.u32 $0x7, v4;
	v7 =	vld.idx.msk [tilespmem:v61+s16+$0x0], $0xffff  }
0x129: {  	v24 =	vor.u32 $0x7, v3;
	v23 =	vld.idx.msk [tilespmem:v62+s20+$0x0], $0xffff;
	v5 =	vadd.f32 v5, v6;
	v6 =	vmul.f32 v11, v9  }
0x12a: {  	v9 =	vld.idx.msk [tilespmem:v63+s16+$0x0], $0xffff;
	v11 =	vor.u32 $0x8, v4  }
0x12b: {  	v25 =	vor.u32 $0x8, v3;
	v12 =	vld.idx.msk [tilespmem:v20+s20+$0x0], $0xffff;
	v5 =	vadd.f32 v6, v5;
	v6 =	vmul.f32 v10, v13  }
0x12c: {  	v26 =	vor.u32 $0x9, v4;
	v10 =	vld.idx.msk [tilespmem:v22+s16+$0x0], $0xffff  }
0x12d: {  	v27 =	vor.u32 $0x9, v3;
	v8 =	vld.idx.msk [tilespmem:v8+s20+$0x0], $0xffff;
	v5 =	vadd.f32 v6, v5;
	v6 =	vmul.f32 v7, v21  }
0x12e: {  	v28 =	vor.u32 $0xA, v4;
	v7 =	vld.idx.msk [tilespmem:v24+s16+$0x0], $0xffff  }
0x12f: {  	v29 =	vor.u32 $0xA, v3;
	v11 =	vld.idx.msk [tilespmem:v11+s20+$0x0], $0xffff;
	v5 =	vadd.f32 v6, v5;
	v6 =	vmul.f32 v9, v23  }
0x130: {  	v30 =	vor.u32 $0xB, v4;
	v9 =	vld.idx.msk [tilespmem:v25+s16+$0x0], $0xffff  }
0x131: {  	v31 =	vor.u32 $0xB, v3;
	v13 =	vld.idx.msk [tilespmem:v26+s20+$0x0], $0xffff;
	v5 =	vadd.f32 v6, v5;
	v6 =	vmul.f32 v10, v12  }
0x132: {  	v32 =	vor.u32 $0xC, v4;
	v10 =	vld.idx.msk [tilespmem:v27+s16+$0x0], $0xffff  }
0x133: {  	v33 =	vor.u32 $0xC, v3;
	v14 =	vld.idx.msk [tilespmem:v28+s20+$0x0], $0xffff;
	v5 =	vadd.f32 v6, v5;
	v6 =	vmul.f32 v7, v8  }
0x134: {  	v7 =	vld.idx.msk [tilespmem:v29+s16+$0x0], $0xffff;
	v8 =	vor.u32 $0xD, v4  }
0x135: {  	v34 =	vor.u32 $0xD, v3;
	v16 =	vld.idx.msk [tilespmem:v30+s20+$0x0], $0xffff;
	v5 =	vadd.f32 v6, v5;
	v6 =	vmul.f32 v9, v11  }
0x136: {  	v9 =	vld.idx.msk [tilespmem:v31+s16+$0x0], $0xffff;
	v11 =	vor.u32 $0xE, v4  }
0x137: {  	v35 =	vor.u32 $0xE, v3;
	v12 =	vld.idx.msk [tilespmem:v32+s20+$0x0], $0xffff;
	v5 =	vadd.f32 v6, v5;
	v6 =	vmul.f32 v10, v13  }
0x138: {  	v36 =	vor.u32 $0xF, v4;
	v10 =	vld.idx.msk [tilespmem:v33+s16+$0x0], $0xffff  }
0x139: {  	v37 =	vor.u32 $0xF, v3;
	v8 =	vld.idx.msk [tilespmem:v8+s20+$0x0], $0xffff;
	v5 =	vadd.f32 v6, v5;
	v6 =	vmul.f32 v7, v14  }
0x13a: {  	v38 =	vor.u32 $0x10, v4;
	v7 =	vld.idx.msk [tilespmem:v34+s16+$0x0], $0xffff  }
0x13b: {  	v39 =	vor.u32 $0x10, v3;
	v11 =	vld.idx.msk [tilespmem:v11+s20+$0x0], $0xffff;
	v5 =	vadd.f32 v6, v5;
	v6 =	vmul.f32 v9, v16  }
0x13c: {  	v40 =	vor.u32 $0x11, v4;
	v9 =	vld.idx.msk [tilespmem:v35+s16+$0x0], $0xffff  }
0x13d: {  	v41 =	vor.u32 $0x11, v3;
	v13 =	vld.idx.msk [tilespmem:v36+s20+$0x0], $0xffff;
	v5 =	vadd.f32 v6, v5;
	v6 =	vmul.f32 v10, v12  }
0x13e: {  	v42 =	vor.u32 $0x12, v4;
	v10 =	vld.idx.msk [tilespmem:v37+s16+$0x0], $0xffff  }
0x13f: {  	v43 =	vor.u32 $0x12, v3;
	v14 =	vld.idx.msk [tilespmem:v38+s20+$0x0], $0xffff;
	v5 =	vadd.f32 v6, v5;
	v6 =	vmul.f32 v7, v8  }
0x140: {  	v7 =	vld.idx.msk [tilespmem:v39+s16+$0x0], $0xffff;
	v8 =	vor.u32 $0x13, v4  }
0x141: {  	v44 =	vor.u32 $0x13, v3;
	v16 =	vld.idx.msk [tilespmem:v40+s20+$0x0], $0xffff;
	v5 =	vadd.f32 v6, v5;
	v6 =	vmul.f32 v9, v11  }
0x142: {  	v9 =	vld.idx.msk [tilespmem:v41+s16+$0x0], $0xffff;
	v11 =	vor.u32 $0x14, v4  }
0x143: {  	v45 =	vor.u32 $0x14, v3;
	v12 =	vld.idx.msk [tilespmem:v42+s20+$0x0], $0xffff;
	v5 =	vadd.f32 v6, v5;
	v6 =	vmul.f32 v10, v13  }
0x144: {  	v46 =	vor.u32 $0x15, v4;
	v10 =	vld.idx.msk [tilespmem:v43+s16+$0x0], $0xffff  }
0x145: {  	v47 =	vor.u32 $0x15, v3;
	v8 =	vld.idx.msk [tilespmem:v8+s20+$0x0], $0xffff;
	v5 =	vadd.f32 v6, v5;
	v6 =	vmul.f32 v7, v14  }
0x146: {  	v48 =	vor.u32 $0x16, v4;
	v7 =	vld.idx.msk [tilespmem:v44+s16+$0x0], $0xffff  }
0x147: {  	v49 =	vor.u32 $0x16, v3;
	v11 =	vld.idx.msk [tilespmem:v11+s20+$0x0], $0xffff;
	v5 =	vadd.f32 v6, v5;
	v6 =	vmul.f32 v9, v16  }
0x148: {  	v50 =	vor.u32 $0x17, v4;
	v9 =	vld.idx.msk [tilespmem:v45+s16+$0x0], $0xffff  }
0x149: {  	v51 =	vor.u32 $0x17, v3;
	v13 =	vld.idx.msk [tilespmem:v46+s20+$0x0], $0xffff;
	v5 =	vadd.f32 v6, v5;
	v6 =	vmul.f32 v10, v12  }
0x14a: {  	v52 =	vor.u32 $0x18, v4;
	v10 =	vld.idx.msk [tilespmem:v47+s16+$0x0], $0xffff  }
0x14b: {  	v53 =	vor.u32 $0x18, v3;
	v14 =	vld.idx.msk [tilespmem:v48+s20+$0x0], $0xffff;
	v5 =	vadd.f32 v6, v5;
	v6 =	vmul.f32 v7, v8  }
0x14c: {  	v7 =	vld.idx.msk [tilespmem:v49+s16+$0x0], $0xffff;
	v8 =	vor.u32 $0x19, v4  }
0x14d: {  	v54 =	vor.u32 $0x19, v3;
	v16 =	vld.idx.msk [tilespmem:v50+s20+$0x0], $0xffff;
	v5 =	vadd.f32 v6, v5;
	v6 =	vmul.f32 v9, v11  }
0x14e: {  	v9 =	vld.idx.msk [tilespmem:v51+s16+$0x0], $0xffff;
	v11 =	vor.u32 $0x1A, v4  }
0x14f: {  	v55 =	vor.u32 $0x1A, v3;
	v12 =	vld.idx.msk [tilespmem:v52+s20+$0x0], $0xffff;
	v5 =	vadd.f32 v6, v5;
	v6 =	vmul.f32 v10, v13  }
0x150: {  	v56 =	vor.u32 $0x1B, v4;
	v10 =	vld.idx.msk [tilespmem:v53+s16+$0x0], $0xffff  }
0x151: {  	v57 =	vor.u32 $0x1B, v3;
	v8 =	vld.idx.msk [tilespmem:v8+s20+$0x0], $0xffff;
	v5 =	vadd.f32 v6, v5;
	v6 =	vmul.f32 v7, v14  }
0x152: {  	v58 =	vor.u32 $0x1C, v4;
	v7 =	vld.idx.msk [tilespmem:v54+s16+$0x0], $0xffff  }
0x153: {  	v59 =	vor.u32 $0x1C, v3;
	v11 =	vld.idx.msk [tilespmem:v11+s20+$0x0], $0xffff;
	v5 =	vadd.f32 v6, v5;
	v6 =	vmul.f32 v9, v16  }
0x154: {  	v60 =	vor.u32 $0x1D, v4;
	v9 =	vld.idx.msk [tilespmem:v55+s16+$0x0], $0xffff  }
0x155: {  	v61 =	vor.u32 $0x1D, v3;
	v13 =	vld.idx.msk [tilespmem:v56+s20+$0x0], $0xffff;
	v5 =	vadd.f32 v6, v5;
	v6 =	vmul.f32 v10, v12  }
0x156: {  	v62 =	vor.u32 $0x1E, v4;
	v10 =	vld.idx.msk [tilespmem:v57+s16+$0x0], $0xffff  }
0x157: {  	v14 =	vld.idx.msk [tilespmem:v58+s20+$0x0], $0xffff;
	v5 =	vadd.f32 v6, v5;
	v6 =	vmul.f32 v7, v8;
	v7 =	vor.u32 $0x1E, v3  }
0x158: {  	v63 =	vor.u32 $0x1F, v4;
	v8 =	vld.idx.msk [tilespmem:v59+s16+$0x0], $0xffff  }
0x159: {  	v16 =	vld.idx.msk [tilespmem:v60+s20+$0x0], $0xffff;
	v4 =	vadd.f32 v6, v5;
	v5 =	vmul.f32 v9, v11;
	v6 =	vor.u32 $0x1F, v3  }
0x15a: {  	v9 =	vld.idx.msk [tilespmem:v61+s16+$0x0], $0xffff  }
0x15b: {  	v10 =	vmul.f32 v10, v13;
	v3 =	vadd.f32 v5, v4;
	v4 =	vld.idx.msk [tilespmem:v62+s20+$0x0], $0xffff  }
0x15c: {  	v5 =	vld.idx.msk [tilespmem:v7+s16+$0x0], $0xffff  }
0x15d: {  	s10 =	sadd.s32 $0x10, s11;
	v8 =	vmul.f32 v8, v14;
	v10 =	vadd.f32 v10, v3;
	v3 =	vld.idx.msk [tilespmem:v63+s20+$0x0], $0xffff  }
0x15e: {  	v7 =	vor.u32 s10, v0;
	v6 =	vld.idx.msk [tilespmem:v6+s16+$0x0], $0xffff  }
0x15f: {  	s5 =	simm.s32 $0x10;
	s1 =	simm.s32 $0x20;
	s7 =	sadd.s32 $0x0, s0;
	v7 =	vmulhi.u32 $0x51EB851F, v7;
	v9 =	vmul.f32 v9, v16;
	v8 =	vadd.f32 v8, v10  }
.LBB2_5:
0x160: {  	p0 =	sne.s32 s1, $0x1F0;
	v10 =	vor.u32 s5, v0;
	v11 =	vor.u32 s7, v0  }
0x161: {  	v4 =	vmul.f32 v5, v4;
	v7 =	vshrl.u32 v7, $0x4;
	v8 =	vadd.f32 v9, v8  }
0x162: {  	v9 =	vand.u32 v2, v10;
	v5 =	vsub.s32 v7, v1;
	v7 =	vand.u32 $0x7, v7  }
0x163: {  	v6 =	vmul.f32 v6, v3;
	v12 =	vand.u32 $0xFFFFFFF8, v5;
	v4 =	vadd.f32 v4, v8  }
0x164: {  	v7 =	vor.u32 v7, v12  }
0x165: {  	v3 =	vshll.u32 v10, $0x5;
	v6 =	vadd.f32 v6, v4  }
0x166: {  	v4 =	vshll.u32 v5, $0x5  }
0x167: {  	v5 =	vor.u32 $0x1, v3;
	[tilespmem:v11+s23+$0x0] =	vst.idx.msk $0xffff, v6  }
0x168: {  	v8 =	vor.u32 $0x1, v4;
	v6 =	vld.idx.msk [tilespmem:v9+s21+$0x0], $0xffff  }
0x169: {  	v9 =	vor.u32 $0x2, v3;
	v7 =	vld.idx.msk [tilespmem:v7+s17+$0x0], $0xffff  }
0x16a: {  	v11 =	vor.u32 $0x2, v4;
	v10 =	vld.idx.msk [tilespmem:v3+s20+$0x0], $0xffff  }
0x16b: {  	v13 =	vor.u32 $0x3, v3;
	v12 =	vld.idx.msk [tilespmem:v4+s16+$0x0], $0xffff  }
0x16c: {  	v14 =	vor.u32 $0x3, v4;
	v5 =	vld.idx.msk [tilespmem:v5+s20+$0x0], $0xffff  }
0x16d: {  	v15 =	vor.u32 $0x4, v3;
	v8 =	vld.idx.msk [tilespmem:v8+s16+$0x0], $0xffff  }
0x16e: {  	v16 =	vor.u32 $0x4, v4;
	v9 =	vld.idx.msk [tilespmem:v9+s20+$0x0], $0xffff  }
0x16f: {  	v17 =	vor.u32 $0x5, v3;
	v11 =	vld.idx.msk [tilespmem:v11+s16+$0x0], $0xffff  }
0x170: {  	v18 =	vor.u32 $0x5, v4;
	v13 =	vld.idx.msk [tilespmem:v13+s20+$0x0], $0xffff  }
0x171: {  	v6 =	vadd.f32 v6, v7;
	v7 =	vmul.f32 v12, v10;
	v12 =	vor.u32 $0x6, v3;
	v10 =	vld.idx.msk [tilespmem:v14+s16+$0x0], $0xffff  }
0x172: {  	v14 =	vld.idx.msk [tilespmem:v15+s20+$0x0], $0xffff;
	v15 =	vor.u32 $0x6, v4  }
0x173: {  	v6 =	vadd.f32 v7, v6;
	v5 =	vmul.f32 v8, v5;
	v8 =	vor.u32 $0x7, v3;
	v7 =	vld.idx.msk [tilespmem:v16+s16+$0x0], $0xffff  }
0x174: {  	v16 =	vld.idx.msk [tilespmem:v17+s20+$0x0], $0xffff;
	v17 =	vor.u32 $0x7, v4  }
0x175: {  	v5 =	vadd.f32 v5, v6;
	v6 =	vmul.f32 v11, v9;
	v11 =	vor.u32 $0x8, v3;
	v9 =	vld.idx.msk [tilespmem:v18+s16+$0x0], $0xffff  }
0x176: {  	v18 =	vor.u32 $0x8, v4;
	v12 =	vld.idx.msk [tilespmem:v12+s20+$0x0], $0xffff  }
0x177: {  	v5 =	vadd.f32 v6, v5;
	v6 =	vmul.f32 v10, v13;
	v13 =	vor.u32 $0x9, v3;
	v10 =	vld.idx.msk [tilespmem:v15+s16+$0x0], $0xffff  }
0x178: {  	v15 =	vor.u32 $0x9, v4;
	v8 =	vld.idx.msk [tilespmem:v8+s20+$0x0], $0xffff  }
0x179: {  	v5 =	vadd.f32 v6, v5;
	v6 =	vmul.f32 v7, v14;
	v14 =	vor.u32 $0xA, v3;
	v7 =	vld.idx.msk [tilespmem:v17+s16+$0x0], $0xffff  }
0x17a: {  	v17 =	vor.u32 $0xA, v4;
	v11 =	vld.idx.msk [tilespmem:v11+s20+$0x0], $0xffff  }
0x17b: {  	v5 =	vadd.f32 v6, v5;
	v6 =	vmul.f32 v9, v16;
	v16 =	vor.u32 $0xB, v3;
	v9 =	vld.idx.msk [tilespmem:v18+s16+$0x0], $0xffff  }
0x17c: {  	v18 =	vor.u32 $0xB, v4;
	v13 =	vld.idx.msk [tilespmem:v13+s20+$0x0], $0xffff  }
0x17d: {  	v5 =	vadd.f32 v6, v5;
	v6 =	vmul.f32 v10, v12;
	v12 =	vor.u32 $0xC, v3;
	v10 =	vld.idx.msk [tilespmem:v15+s16+$0x0], $0xffff  }
0x17e: {  	v15 =	vor.u32 $0xC, v4;
	v14 =	vld.idx.msk [tilespmem:v14+s20+$0x0], $0xffff  }
0x17f: {  	v5 =	vadd.f32 v6, v5;
	v6 =	vmul.f32 v7, v8;
	v8 =	vor.u32 $0xD, v3;
	v7 =	vld.idx.msk [tilespmem:v17+s16+$0x0], $0xffff  }
0x180: {  	v17 =	vor.u32 $0xD, v4;
	v16 =	vld.idx.msk [tilespmem:v16+s20+$0x0], $0xffff  }
0x181: {  	v5 =	vadd.f32 v6, v5;
	v6 =	vmul.f32 v9, v11;
	v11 =	vor.u32 $0xE, v3;
	v9 =	vld.idx.msk [tilespmem:v18+s16+$0x0], $0xffff  }
0x182: {  	v18 =	vor.u32 $0xE, v4;
	v12 =	vld.idx.msk [tilespmem:v12+s20+$0x0], $0xffff  }
0x183: {  	v5 =	vadd.f32 v6, v5;
	v6 =	vmul.f32 v10, v13;
	v13 =	vor.u32 $0xF, v3;
	v10 =	vld.idx.msk [tilespmem:v15+s16+$0x0], $0xffff  }
0x184: {  	v15 =	vor.u32 $0xF, v4;
	v8 =	vld.idx.msk [tilespmem:v8+s20+$0x0], $0xffff  }
0x185: {  	v5 =	vadd.f32 v6, v5;
	v6 =	vmul.f32 v7, v14;
	v14 =	vor.u32 $0x10, v3;
	v7 =	vld.idx.msk [tilespmem:v17+s16+$0x0], $0xffff  }
0x186: {  	v17 =	vor.u32 $0x10, v4;
	v11 =	vld.idx.msk [tilespmem:v11+s20+$0x0], $0xffff  }
0x187: {  	v5 =	vadd.f32 v6, v5;
	v6 =	vmul.f32 v9, v16;
	v16 =	vor.u32 $0x11, v3;
	v9 =	vld.idx.msk [tilespmem:v18+s16+$0x0], $0xffff  }
0x188: {  	v18 =	vor.u32 $0x11, v4;
	v13 =	vld.idx.msk [tilespmem:v13+s20+$0x0], $0xffff  }
0x189: {  	v5 =	vadd.f32 v6, v5;
	v6 =	vmul.f32 v10, v12;
	v12 =	vor.u32 $0x12, v3;
	v10 =	vld.idx.msk [tilespmem:v15+s16+$0x0], $0xffff  }
0x18a: {  	v15 =	vor.u32 $0x12, v4;
	v14 =	vld.idx.msk [tilespmem:v14+s20+$0x0], $0xffff  }
0x18b: {  	v5 =	vadd.f32 v6, v5;
	v6 =	vmul.f32 v7, v8;
	v8 =	vor.u32 $0x13, v3;
	v7 =	vld.idx.msk [tilespmem:v17+s16+$0x0], $0xffff  }
0x18c: {  	v17 =	vor.u32 $0x13, v4;
	v16 =	vld.idx.msk [tilespmem:v16+s20+$0x0], $0xffff  }
0x18d: {  	v5 =	vadd.f32 v6, v5;
	v6 =	vmul.f32 v9, v11;
	v11 =	vor.u32 $0x14, v3;
	v9 =	vld.idx.msk [tilespmem:v18+s16+$0x0], $0xffff  }
0x18e: {  	v18 =	vor.u32 $0x14, v4;
	v12 =	vld.idx.msk [tilespmem:v12+s20+$0x0], $0xffff  }
0x18f: {  	v5 =	vadd.f32 v6, v5;
	v6 =	vmul.f32 v10, v13;
	v13 =	vor.u32 $0x15, v3;
	v10 =	vld.idx.msk [tilespmem:v15+s16+$0x0], $0xffff  }
0x190: {  	v15 =	vor.u32 $0x15, v4;
	v8 =	vld.idx.msk [tilespmem:v8+s20+$0x0], $0xffff  }
0x191: {  	v5 =	vadd.f32 v6, v5;
	v6 =	vmul.f32 v7, v14;
	v14 =	vor.u32 $0x16, v3;
	v7 =	vld.idx.msk [tilespmem:v17+s16+$0x0], $0xffff  }
0x192: {  	v17 =	vor.u32 $0x16, v4;
	v11 =	vld.idx.msk [tilespmem:v11+s20+$0x0], $0xffff  }
0x193: {  	v5 =	vadd.f32 v6, v5;
	v6 =	vmul.f32 v9, v16;
	v16 =	vor.u32 $0x17, v3;
	v9 =	vld.idx.msk [tilespmem:v18+s16+$0x0], $0xffff  }
0x194: {  	v18 =	vor.u32 $0x17, v4;
	v13 =	vld.idx.msk [tilespmem:v13+s20+$0x0], $0xffff  }
0x195: {  	v5 =	vadd.f32 v6, v5;
	v6 =	vmul.f32 v10, v12;
	v12 =	vor.u32 $0x18, v3;
	v10 =	vld.idx.msk [tilespmem:v15+s16+$0x0], $0xffff  }
0x196: {  	v15 =	vor.u32 $0x18, v4;
	v14 =	vld.idx.msk [tilespmem:v14+s20+$0x0], $0xffff  }
0x197: {  	v5 =	vadd.f32 v6, v5;
	v6 =	vmul.f32 v7, v8;
	v8 =	vor.u32 $0x19, v3;
	v7 =	vld.idx.msk [tilespmem:v17+s16+$0x0], $0xffff  }
0x198: {  	v17 =	vor.u32 $0x19, v4;
	v16 =	vld.idx.msk [tilespmem:v16+s20+$0x0], $0xffff  }
0x199: {  	v5 =	vadd.f32 v6, v5;
	v6 =	vmul.f32 v9, v11;
	v11 =	vor.u32 $0x1A, v3;
	v9 =	vld.idx.msk [tilespmem:v18+s16+$0x0], $0xffff  }
0x19a: {  	v18 =	vor.u32 $0x1A, v4;
	v12 =	vld.idx.msk [tilespmem:v12+s20+$0x0], $0xffff  }
0x19b: {  	v5 =	vadd.f32 v6, v5;
	v6 =	vmul.f32 v10, v13;
	v13 =	vor.u32 $0x1B, v3;
	v10 =	vld.idx.msk [tilespmem:v15+s16+$0x0], $0xffff  }
0x19c: {  	v15 =	vor.u32 $0x1B, v4;
	v8 =	vld.idx.msk [tilespmem:v8+s20+$0x0], $0xffff  }
0x19d: {  	v5 =	vadd.f32 v6, v5;
	v6 =	vmul.f32 v7, v14;
	v14 =	vor.u32 $0x1C, v3;
	v7 =	vld.idx.msk [tilespmem:v17+s16+$0x0], $0xffff  }
0x19e: {  	v17 =	vor.u32 $0x1C, v4;
	v11 =	vld.idx.msk [tilespmem:v11+s20+$0x0], $0xffff  }
0x19f: {  	v5 =	vadd.f32 v6, v5;
	v6 =	vmul.f32 v9, v16;
	v16 =	vor.u32 $0x1D, v3;
	v9 =	vld.idx.msk [tilespmem:v18+s16+$0x0], $0xffff  }
0x1a0: {  	v18 =	vor.u32 $0x1D, v4;
	v13 =	vld.idx.msk [tilespmem:v13+s20+$0x0], $0xffff  }
0x1a1: {  	v5 =	vadd.f32 v6, v5;
	v6 =	vmul.f32 v10, v12;
	v12 =	vor.u32 $0x1E, v3;
	v10 =	vld.idx.msk [tilespmem:v15+s16+$0x0], $0xffff  }
0x1a2: {  	v15 =	vor.u32 $0x1E, v4;
	v14 =	vld.idx.msk [tilespmem:v14+s20+$0x0], $0xffff  }
0x1a3: {  	v3 =	vor.u32 $0x1F, v3;
	v5 =	vadd.f32 v6, v5;
	v6 =	vmul.f32 v7, v8;
	v7 =	vld.idx.msk [tilespmem:v17+s16+$0x0], $0xffff  }
0x1a4: {  	v8 =	vor.u32 $0x1F, v4;
	v16 =	vld.idx.msk [tilespmem:v16+s20+$0x0], $0xffff  }
0x1a5: {  	v5 =	vadd.f32 v6, v5;
	v6 =	vmul.f32 v9, v11;
	v9 =	vld.idx.msk [tilespmem:v18+s16+$0x0], $0xffff  }
0x1a6: {  	v4 =	vld.idx.msk [tilespmem:v12+s20+$0x0], $0xffff  }
.Ltmp1:
0x1a7: {  	v6 =	vadd.f32 v6, v5;
	v10 =	vmul.f32 v10, v13;
	v5 =	vld.idx.msk [tilespmem:v15+s16+$0x0], $0xffff;
	(pc) =	sbr.rel @p0 .LBB2_5-.Ltmp1, $4  }
0x1a8: {  	v3 =	vld.idx.msk [tilespmem:v3+s20+$0x0], $0xffff  }
0x1a9: {  	s7 =	sadd.s32 s1, s11;
	v10 =	vadd.f32 v10, v6;
	v11 =	vmul.f32 v7, v14;
	v6 =	vld.idx.msk [tilespmem:v8+s16+$0x0], $0xffff  }
0x1aa: {  	v7 =	vor.u32 s7, v0  }
0x1ab: {  	s7 =	sadd.s32 s5, s0;
	s5 =	smov.u32 s1;
	s1 =	sadd.s32 $0x10, s1;
	v7 =	vmulhi.u32 $0x51EB851F, v7;
	v8 =	vadd.f32 v11, v10;
	v9 =	vmul.f32 v9, v16  }
0x1ac: {  	_ = 	snop  }
0x1ad: {  	v10 =	vor.u32 s5, v0;
	v4 =	vmul.f32 v5, v4;
	v8 =	vadd.f32 v9, v8  }
0x1ae: {  	v11 =	vor.u32 s7, v0;
	v7 =	vshrl.u32 v7, $0x4;
	v9 =	vand.u32 v2, v10  }
0x1af: {  	v5 =	vsub.s32 v7, v1;
	v6 =	vmul.f32 v6, v3;
	v4 =	vadd.f32 v4, v8  }
0x1b0: {  	v7 =	vand.u32 $0x7, v7;
	v3 =	vshll.u32 v10, $0x5;
	v12 =	vand.u32 $0xFFFFFFF8, v5  }
0x1b1: {  	v7 =	vor.u32 v7, v12;
	v6 =	vadd.f32 v6, v4  }
0x1b2: {  	v4 =	vshll.u32 v5, $0x5  }
0x1b3: {  	v5 =	vor.u32 $0x1, v3;
	[tilespmem:v11+s23+$0x0] =	vst.idx.msk $0xffff, v6  }
0x1b4: {  	v8 =	vor.u32 $0x1, v4;
	v6 =	vld.idx.msk [tilespmem:v9+s21+$0x0], $0xffff  }
0x1b5: {  	v11 =	vor.u32 $0x2, v4;
	v10 =	vld.idx.msk [tilespmem:v3+s20+$0x0], $0xffff  }
0x1b6: {  	v9 =	vor.u32 $0x2, v3;
	v7 =	vld.idx.msk [tilespmem:v7+s17+$0x0], $0xffff  }
0x1b7: {  	v13 =	vor.u32 $0x3, v3;
	v55 =	vld.idx.msk [tilespmem:v4+s16+$0x0], $0xffff  }
0x1b8: {  	v14 =	vor.u32 $0x3, v4;
	v5 =	vld.idx.msk [tilespmem:v5+s20+$0x0], $0xffff  }
0x1b9: {  	v15 =	vor.u32 $0x4, v3;
	v8 =	vld.idx.msk [tilespmem:v8+s16+$0x0], $0xffff  }
0x1ba: {  	v16 =	vor.u32 $0x4, v4;
	v11 =	vld.idx.msk [tilespmem:v11+s16+$0x0], $0xffff  }
0x1bb: {  	v17 =	vor.u32 $0x5, v3;
	v9 =	vld.idx.msk [tilespmem:v9+s20+$0x0], $0xffff  }
0x1bc: {  	v18 =	vor.u32 $0x5, v4;
	v13 =	vld.idx.msk [tilespmem:v13+s20+$0x0], $0xffff;
	v6 =	vadd.f32 v6, v7;
	v7 =	vmul.f32 v55, v10  }
0x1bd: {  	v56 =	vor.u32 $0x6, v3;
	v10 =	vld.idx.msk [tilespmem:v14+s16+$0x0], $0xffff  }
0x1be: {  	v58 =	vor.u32 $0x6, v4;
	v57 =	vld.idx.msk [tilespmem:v15+s20+$0x0], $0xffff;
	v5 =	vmul.f32 v8, v5;
	v6 =	vadd.f32 v7, v6  }
0x1bf: {  	v8 =	vor.u32 $0x7, v3;
	v7 =	vld.idx.msk [tilespmem:v16+s16+$0x0], $0xffff  }
0x1c0: {  	v60 =	vor.u32 $0x7, v4;
	v59 =	vld.idx.msk [tilespmem:v17+s20+$0x0], $0xffff;
	v5 =	vadd.f32 v5, v6;
	v6 =	vmul.f32 v11, v9  }
0x1c1: {  	v9 =	vld.idx.msk [tilespmem:v18+s16+$0x0], $0xffff;
	v11 =	vor.u32 $0x8, v3  }
0x1c2: {  	v61 =	vor.u32 $0x8, v4;
	v12 =	vld.idx.msk [tilespmem:v56+s20+$0x0], $0xffff;
	v5 =	vadd.f32 v6, v5;
	v6 =	vmul.f32 v10, v13  }
0x1c3: {  	v62 =	vor.u32 $0x9, v3;
	v10 =	vld.idx.msk [tilespmem:v58+s16+$0x0], $0xffff  }
0x1c4: {  	v63 =	vor.u32 $0x9, v4;
	v8 =	vld.idx.msk [tilespmem:v8+s20+$0x0], $0xffff;
	v5 =	vadd.f32 v6, v5;
	v6 =	vmul.f32 v7, v57  }
0x1c5: {  	v21 =	vor.u32 $0xA, v3;
	v7 =	vld.idx.msk [tilespmem:v60+s16+$0x0], $0xffff  }
0x1c6: {  	v22 =	vor.u32 $0xA, v4;
	v11 =	vld.idx.msk [tilespmem:v11+s20+$0x0], $0xffff;
	v5 =	vadd.f32 v6, v5;
	v6 =	vmul.f32 v9, v59  }
0x1c7: {  	v23 =	vor.u32 $0xB, v3;
	v9 =	vld.idx.msk [tilespmem:v61+s16+$0x0], $0xffff  }
0x1c8: {  	v24 =	vor.u32 $0xB, v4;
	v13 =	vld.idx.msk [tilespmem:v62+s20+$0x0], $0xffff;
	v5 =	vadd.f32 v6, v5;
	v6 =	vmul.f32 v10, v12  }
0x1c9: {  	v25 =	vor.u32 $0xC, v3;
	v10 =	vld.idx.msk [tilespmem:v63+s16+$0x0], $0xffff  }
0x1ca: {  	v26 =	vor.u32 $0xC, v4;
	v14 =	vld.idx.msk [tilespmem:v21+s20+$0x0], $0xffff;
	v5 =	vadd.f32 v6, v5;
	v6 =	vmul.f32 v7, v8  }
0x1cb: {  	v7 =	vld.idx.msk [tilespmem:v22+s16+$0x0], $0xffff;
	v8 =	vor.u32 $0xD, v3  }
0x1cc: {  	v27 =	vor.u32 $0xD, v4;
	v16 =	vld.idx.msk [tilespmem:v23+s20+$0x0], $0xffff;
	v5 =	vadd.f32 v6, v5;
	v6 =	vmul.f32 v9, v11  }
0x1cd: {  	v9 =	vld.idx.msk [tilespmem:v24+s16+$0x0], $0xffff;
	v11 =	vor.u32 $0xE, v3  }
0x1ce: {  	v28 =	vor.u32 $0xE, v4;
	v12 =	vld.idx.msk [tilespmem:v25+s20+$0x0], $0xffff;
	v5 =	vadd.f32 v6, v5;
	v6 =	vmul.f32 v10, v13  }
0x1cf: {  	v29 =	vor.u32 $0xF, v3;
	v10 =	vld.idx.msk [tilespmem:v26+s16+$0x0], $0xffff  }
0x1d0: {  	v30 =	vor.u32 $0xF, v4;
	v8 =	vld.idx.msk [tilespmem:v8+s20+$0x0], $0xffff;
	v5 =	vadd.f32 v6, v5;
	v6 =	vmul.f32 v7, v14  }
0x1d1: {  	v31 =	vor.u32 $0x10, v3;
	v7 =	vld.idx.msk [tilespmem:v27+s16+$0x0], $0xffff  }
0x1d2: {  	v32 =	vor.u32 $0x10, v4;
	v11 =	vld.idx.msk [tilespmem:v11+s20+$0x0], $0xffff;
	v5 =	vadd.f32 v6, v5;
	v6 =	vmul.f32 v9, v16  }
0x1d3: {  	v33 =	vor.u32 $0x11, v3;
	v9 =	vld.idx.msk [tilespmem:v28+s16+$0x0], $0xffff  }
0x1d4: {  	v34 =	vor.u32 $0x11, v4;
	v13 =	vld.idx.msk [tilespmem:v29+s20+$0x0], $0xffff;
	v5 =	vadd.f32 v6, v5;
	v6 =	vmul.f32 v10, v12  }
0x1d5: {  	v35 =	vor.u32 $0x12, v3;
	v10 =	vld.idx.msk [tilespmem:v30+s16+$0x0], $0xffff  }
0x1d6: {  	v36 =	vor.u32 $0x12, v4;
	v14 =	vld.idx.msk [tilespmem:v31+s20+$0x0], $0xffff;
	v5 =	vadd.f32 v6, v5;
	v6 =	vmul.f32 v7, v8  }
0x1d7: {  	v7 =	vld.idx.msk [tilespmem:v32+s16+$0x0], $0xffff;
	v8 =	vor.u32 $0x13, v3  }
0x1d8: {  	v37 =	vor.u32 $0x13, v4;
	v16 =	vld.idx.msk [tilespmem:v33+s20+$0x0], $0xffff;
	v5 =	vadd.f32 v6, v5;
	v6 =	vmul.f32 v9, v11  }
0x1d9: {  	v9 =	vld.idx.msk [tilespmem:v34+s16+$0x0], $0xffff;
	v11 =	vor.u32 $0x14, v3  }
0x1da: {  	v38 =	vor.u32 $0x14, v4;
	v12 =	vld.idx.msk [tilespmem:v35+s20+$0x0], $0xffff;
	v5 =	vadd.f32 v6, v5;
	v6 =	vmul.f32 v10, v13  }
0x1db: {  	v39 =	vor.u32 $0x15, v3;
	v10 =	vld.idx.msk [tilespmem:v36+s16+$0x0], $0xffff  }
0x1dc: {  	v40 =	vor.u32 $0x15, v4;
	v8 =	vld.idx.msk [tilespmem:v8+s20+$0x0], $0xffff;
	v5 =	vadd.f32 v6, v5;
	v6 =	vmul.f32 v7, v14  }
0x1dd: {  	v41 =	vor.u32 $0x16, v3;
	v7 =	vld.idx.msk [tilespmem:v37+s16+$0x0], $0xffff  }
0x1de: {  	v42 =	vor.u32 $0x16, v4;
	v11 =	vld.idx.msk [tilespmem:v11+s20+$0x0], $0xffff;
	v5 =	vadd.f32 v6, v5;
	v6 =	vmul.f32 v9, v16  }
0x1df: {  	v43 =	vor.u32 $0x17, v3;
	v9 =	vld.idx.msk [tilespmem:v38+s16+$0x0], $0xffff  }
0x1e0: {  	v44 =	vor.u32 $0x17, v4;
	v13 =	vld.idx.msk [tilespmem:v39+s20+$0x0], $0xffff;
	v5 =	vadd.f32 v6, v5;
	v6 =	vmul.f32 v10, v12  }
0x1e1: {  	v45 =	vor.u32 $0x18, v3;
	v10 =	vld.idx.msk [tilespmem:v40+s16+$0x0], $0xffff  }
0x1e2: {  	v46 =	vor.u32 $0x18, v4;
	v14 =	vld.idx.msk [tilespmem:v41+s20+$0x0], $0xffff;
	v5 =	vadd.f32 v6, v5;
	v6 =	vmul.f32 v7, v8  }
0x1e3: {  	v7 =	vld.idx.msk [tilespmem:v42+s16+$0x0], $0xffff;
	v8 =	vor.u32 $0x19, v3  }
0x1e4: {  	v47 =	vor.u32 $0x19, v4;
	v16 =	vld.idx.msk [tilespmem:v43+s20+$0x0], $0xffff;
	v5 =	vadd.f32 v6, v5;
	v6 =	vmul.f32 v9, v11  }
0x1e5: {  	v9 =	vld.idx.msk [tilespmem:v44+s16+$0x0], $0xffff;
	v11 =	vor.u32 $0x1A, v3  }
0x1e6: {  	v48 =	vor.u32 $0x1A, v4;
	v12 =	vld.idx.msk [tilespmem:v45+s20+$0x0], $0xffff;
	v5 =	vadd.f32 v6, v5;
	v6 =	vmul.f32 v10, v13  }
0x1e7: {  	v49 =	vor.u32 $0x1B, v3;
	v10 =	vld.idx.msk [tilespmem:v46+s16+$0x0], $0xffff  }
0x1e8: {  	v50 =	vor.u32 $0x1B, v4;
	v8 =	vld.idx.msk [tilespmem:v8+s20+$0x0], $0xffff;
	v5 =	vadd.f32 v6, v5;
	v6 =	vmul.f32 v7, v14  }
0x1e9: {  	v51 =	vor.u32 $0x1C, v3;
	v7 =	vld.idx.msk [tilespmem:v47+s16+$0x0], $0xffff  }
0x1ea: {  	v52 =	vor.u32 $0x1C, v4;
	v11 =	vld.idx.msk [tilespmem:v11+s20+$0x0], $0xffff;
	v5 =	vadd.f32 v6, v5;
	v6 =	vmul.f32 v9, v16  }
0x1eb: {  	v53 =	vor.u32 $0x1D, v3;
	v9 =	vld.idx.msk [tilespmem:v48+s16+$0x0], $0xffff  }
0x1ec: {  	v54 =	vor.u32 $0x1D, v4;
	v13 =	vld.idx.msk [tilespmem:v49+s20+$0x0], $0xffff;
	v5 =	vadd.f32 v6, v5;
	v6 =	vmul.f32 v10, v12  }
0x1ed: {  	v55 =	vor.u32 $0x1E, v3;
	v10 =	vld.idx.msk [tilespmem:v50+s16+$0x0], $0xffff  }
0x1ee: {  	v56 =	vor.u32 $0x1E, v4;
	v14 =	vld.idx.msk [tilespmem:v51+s20+$0x0], $0xffff;
	v5 =	vadd.f32 v6, v5;
	v6 =	vmul.f32 v7, v8  }
0x1ef: {  	v4 =	vor.u32 $0x1F, v4;
	v7 =	vld.idx.msk [tilespmem:v52+s16+$0x0], $0xffff  }
0x1f0: {  	v3 =	vor.u32 $0x1F, v3;
	v8 =	vld.idx.msk [tilespmem:v53+s20+$0x0], $0xffff;
	v5 =	vadd.f32 v6, v5;
	v6 =	vmul.f32 v9, v11  }
0x1f1: {  	v9 =	vld.idx.msk [tilespmem:v54+s16+$0x0], $0xffff  }
0x1f2: {  	v11 =	vld.idx.msk [tilespmem:v55+s20+$0x0], $0xffff;
	v5 =	vadd.f32 v6, v5;
	v6 =	vmul.f32 v10, v13  }
0x1f3: {  	v10 =	vld.idx.msk [tilespmem:v56+s16+$0x0], $0xffff  }
0x1f4: {  	v4 =	vld.idx.msk [tilespmem:v4+s16+$0x0], $0xffff;
	v5 =	vadd.f32 v6, v5;
	v6 =	vmul.f32 v7, v14  }
0x1f5: {  	v3 =	vld.idx.msk [tilespmem:v3+s20+$0x0], $0xffff  }
0x1f6: {  	v5 =	vadd.f32 v6, v5;
	v6 =	vmul.f32 v9, v8;
	_ =	sdelay $0x1  }
0x1f7: {  	s1 =	sadd.s32 s5, s0;
	v5 =	vadd.f32 v6, v5;
	v6 =	vmul.f32 v10, v11  }
0x1f8: {  	v7 =	vor.u32 s1, v0  }
0x1f9: {  	v3 =	vmul.f32 v4, v3;
	v5 =	vadd.f32 v6, v5  }
0x1fa: {  	s5 =	smul.u32 $0x1800, s9  }
0x1fb: {  	v3 =	vadd.f32 v3, v5  }
0x1fc: {  	s10 =	sshra.s32 s5, $0x2  }
0x1fd: {  	s7 =	sadd.s32 $0x0, s12;
	s1 =	sadd.s32 $0x600, s10;
	[tilespmem:v7+s23+$0x0] =	vst.idx.msk $0xffff, v3  }
0x1fe: {  	v3 =	vor.u32 s7, v0;
	[tilespmem:s18], [sflag:$0x1] =	stream.indirect.gather [hbm4b:s4+s24], $0x20, s1, s24, $0xb8;
	[tilespmem:$0x1D000] =	vst v63  }
0x1ff: {  	s5 =	simm.s32 $0x0;
	v3 =	vmulhi.u32 $0x51EB851F, v3  }
0x200: {  	[tilespmem:s19], [sflag:$0x1] =	stream.indirect.gather [hbm4b:s2+s24], $0x1, s1, s24, $0xb8;
	[tilespmem:$0x1D000] =	vst v63  }
0x201: {  	v4 =	vor.u32 s5, v0;
	v3 =	vshrl.u32 v3, $0x4;
	_ =	swait.ge [sflag:s29], $0x4000  }
0x202: {  	v6 =	vand.u32 v2, v4;
	v5 =	vsub.s32 v3, v1;
	[sflag:s29] =	ssyncset.done $0x0  }
0x203: {  	v4 =	vshll.u32 v4, $0x5;
	v3 =	vand.u32 $0x7, v3;
	v7 =	vand.u32 $0xFFFFFFF8, v5;
	[sflag:s29] =	ssyncadd.s32 $0xFFFFC000  }
0x204: {  	v7 =	vor.u32 v3, v7;
	_ =	swait.ge [sflag:s29], $0x200  }
0x205: {  	v3 =	vshll.u32 v5, $0x5;
	[sflag:s29] =	ssyncset.done $0x0  }
0x206: {  	v5 =	vor.u32 $0x1, v4;
	[sflag:s29] =	ssyncadd.s32 $0xFFFFFE00  }
0x207: {  	v8 =	vor.u32 $0x1, v3;
	v6 =	vld.idx.msk [tilespmem:v6+s26+$0x0], $0xffff  }
0x208: {  	v9 =	vor.u32 $0x2, v4;
	v10 =	vld.idx.msk [tilespmem:v4+s25+$0x0], $0xffff  }
0x209: {  	v11 =	vor.u32 $0x2, v3;
	v7 =	vld.idx.msk [tilespmem:v7+s17+$0x0], $0xffff  }
0x20a: {  	v58 =	vor.u32 $0x3, v4;
	v57 =	vld.idx.msk [tilespmem:v3+s16+$0x0], $0xffff  }
0x20b: {  	v59 =	vor.u32 $0x3, v3;
	v5 =	vld.idx.msk [tilespmem:v5+s25+$0x0], $0xffff  }
0x20c: {  	v60 =	vor.u32 $0x4, v4;
	v8 =	vld.idx.msk [tilespmem:v8+s16+$0x0], $0xffff  }
0x20d: {  	v61 =	vor.u32 $0x4, v3;
	v9 =	vld.idx.msk [tilespmem:v9+s25+$0x0], $0xffff  }
0x20e: {  	v62 =	vor.u32 $0x5, v4;
	v11 =	vld.idx.msk [tilespmem:v11+s16+$0x0], $0xffff  }
0x20f: {  	v63 =	vor.u32 $0x5, v3;
	v13 =	vld.idx.msk [tilespmem:v58+s25+$0x0], $0xffff;
	v6 =	vadd.f32 v6, v7;
	v7 =	vmul.f32 v57, v10  }
0x210: {  	v20 =	vor.u32 $0x6, v4;
	v10 =	vld.idx.msk [tilespmem:v59+s16+$0x0], $0xffff  }
0x211: {  	v22 =	vor.u32 $0x6, v3;
	v21 =	vld.idx.msk [tilespmem:v60+s25+$0x0], $0xffff;
	v5 =	vmul.f32 v8, v5;
	v6 =	vadd.f32 v7, v6  }
0x212: {  	v8 =	vor.u32 $0x7, v4;
	v7 =	vld.idx.msk [tilespmem:v61+s16+$0x0], $0xffff  }
0x213: {  	v24 =	vor.u32 $0x7, v3;
	v23 =	vld.idx.msk [tilespmem:v62+s25+$0x0], $0xffff;
	v5 =	vadd.f32 v5, v6;
	v6 =	vmul.f32 v11, v9  }
0x214: {  	v9 =	vld.idx.msk [tilespmem:v63+s16+$0x0], $0xffff;
	v11 =	vor.u32 $0x8, v4  }
0x215: {  	v25 =	vor.u32 $0x8, v3;
	v12 =	vld.idx.msk [tilespmem:v20+s25+$0x0], $0xffff;
	v5 =	vadd.f32 v6, v5;
	v6 =	vmul.f32 v10, v13  }
0x216: {  	v26 =	vor.u32 $0x9, v4;
	v10 =	vld.idx.msk [tilespmem:v22+s16+$0x0], $0xffff  }
0x217: {  	v27 =	vor.u32 $0x9, v3;
	v8 =	vld.idx.msk [tilespmem:v8+s25+$0x0], $0xffff;
	v5 =	vadd.f32 v6, v5;
	v6 =	vmul.f32 v7, v21  }
0x218: {  	v28 =	vor.u32 $0xA, v4;
	v7 =	vld.idx.msk [tilespmem:v24+s16+$0x0], $0xffff  }
0x219: {  	v29 =	vor.u32 $0xA, v3;
	v11 =	vld.idx.msk [tilespmem:v11+s25+$0x0], $0xffff;
	v5 =	vadd.f32 v6, v5;
	v6 =	vmul.f32 v9, v23  }
0x21a: {  	v30 =	vor.u32 $0xB, v4;
	v9 =	vld.idx.msk [tilespmem:v25+s16+$0x0], $0xffff  }
0x21b: {  	v31 =	vor.u32 $0xB, v3;
	v13 =	vld.idx.msk [tilespmem:v26+s25+$0x0], $0xffff;
	v5 =	vadd.f32 v6, v5;
	v6 =	vmul.f32 v10, v12  }
0x21c: {  	v32 =	vor.u32 $0xC, v4;
	v10 =	vld.idx.msk [tilespmem:v27+s16+$0x0], $0xffff  }
0x21d: {  	v33 =	vor.u32 $0xC, v3;
	v14 =	vld.idx.msk [tilespmem:v28+s25+$0x0], $0xffff;
	v5 =	vadd.f32 v6, v5;
	v6 =	vmul.f32 v7, v8  }
0x21e: {  	v7 =	vld.idx.msk [tilespmem:v29+s16+$0x0], $0xffff;
	v8 =	vor.u32 $0xD, v4  }
0x21f: {  	v34 =	vor.u32 $0xD, v3;
	v16 =	vld.idx.msk [tilespmem:v30+s25+$0x0], $0xffff;
	v5 =	vadd.f32 v6, v5;
	v6 =	vmul.f32 v9, v11  }
0x220: {  	v9 =	vld.idx.msk [tilespmem:v31+s16+$0x0], $0xffff;
	v11 =	vor.u32 $0xE, v4  }
0x221: {  	v35 =	vor.u32 $0xE, v3;
	v12 =	vld.idx.msk [tilespmem:v32+s25+$0x0], $0xffff;
	v5 =	vadd.f32 v6, v5;
	v6 =	vmul.f32 v10, v13  }
0x222: {  	v36 =	vor.u32 $0xF, v4;
	v10 =	vld.idx.msk [tilespmem:v33+s16+$0x0], $0xffff  }
0x223: {  	v37 =	vor.u32 $0xF, v3;
	v8 =	vld.idx.msk [tilespmem:v8+s25+$0x0], $0xffff;
	v5 =	vadd.f32 v6, v5;
	v6 =	vmul.f32 v7, v14  }
0x224: {  	v38 =	vor.u32 $0x10, v4;
	v7 =	vld.idx.msk [tilespmem:v34+s16+$0x0], $0xffff  }
0x225: {  	v39 =	vor.u32 $0x10, v3;
	v11 =	vld.idx.msk [tilespmem:v11+s25+$0x0], $0xffff;
	v5 =	vadd.f32 v6, v5;
	v6 =	vmul.f32 v9, v16  }
0x226: {  	v40 =	vor.u32 $0x11, v4;
	v9 =	vld.idx.msk [tilespmem:v35+s16+$0x0], $0xffff  }
0x227: {  	v41 =	vor.u32 $0x11, v3;
	v13 =	vld.idx.msk [tilespmem:v36+s25+$0x0], $0xffff;
	v5 =	vadd.f32 v6, v5;
	v6 =	vmul.f32 v10, v12  }
0x228: {  	v42 =	vor.u32 $0x12, v4;
	v10 =	vld.idx.msk [tilespmem:v37+s16+$0x0], $0xffff  }
0x229: {  	v43 =	vor.u32 $0x12, v3;
	v14 =	vld.idx.msk [tilespmem:v38+s25+$0x0], $0xffff;
	v5 =	vadd.f32 v6, v5;
	v6 =	vmul.f32 v7, v8  }
0x22a: {  	v7 =	vld.idx.msk [tilespmem:v39+s16+$0x0], $0xffff;
	v8 =	vor.u32 $0x13, v4  }
0x22b: {  	v44 =	vor.u32 $0x13, v3;
	v16 =	vld.idx.msk [tilespmem:v40+s25+$0x0], $0xffff;
	v5 =	vadd.f32 v6, v5;
	v6 =	vmul.f32 v9, v11  }
0x22c: {  	v9 =	vld.idx.msk [tilespmem:v41+s16+$0x0], $0xffff;
	v11 =	vor.u32 $0x14, v4  }
0x22d: {  	v45 =	vor.u32 $0x14, v3;
	v12 =	vld.idx.msk [tilespmem:v42+s25+$0x0], $0xffff;
	v5 =	vadd.f32 v6, v5;
	v6 =	vmul.f32 v10, v13  }
0x22e: {  	v46 =	vor.u32 $0x15, v4;
	v10 =	vld.idx.msk [tilespmem:v43+s16+$0x0], $0xffff  }
0x22f: {  	v47 =	vor.u32 $0x15, v3;
	v8 =	vld.idx.msk [tilespmem:v8+s25+$0x0], $0xffff;
	v5 =	vadd.f32 v6, v5;
	v6 =	vmul.f32 v7, v14  }
0x230: {  	v48 =	vor.u32 $0x16, v4;
	v7 =	vld.idx.msk [tilespmem:v44+s16+$0x0], $0xffff  }
0x231: {  	v49 =	vor.u32 $0x16, v3;
	v11 =	vld.idx.msk [tilespmem:v11+s25+$0x0], $0xffff;
	v5 =	vadd.f32 v6, v5;
	v6 =	vmul.f32 v9, v16  }
0x232: {  	v50 =	vor.u32 $0x17, v4;
	v9 =	vld.idx.msk [tilespmem:v45+s16+$0x0], $0xffff  }
0x233: {  	v51 =	vor.u32 $0x17, v3;
	v13 =	vld.idx.msk [tilespmem:v46+s25+$0x0], $0xffff;
	v5 =	vadd.f32 v6, v5;
	v6 =	vmul.f32 v10, v12  }
0x234: {  	v52 =	vor.u32 $0x18, v4;
	v10 =	vld.idx.msk [tilespmem:v47+s16+$0x0], $0xffff  }
0x235: {  	v53 =	vor.u32 $0x18, v3;
	v14 =	vld.idx.msk [tilespmem:v48+s25+$0x0], $0xffff;
	v5 =	vadd.f32 v6, v5;
	v6 =	vmul.f32 v7, v8  }
0x236: {  	v7 =	vld.idx.msk [tilespmem:v49+s16+$0x0], $0xffff;
	v8 =	vor.u32 $0x19, v4  }
0x237: {  	v54 =	vor.u32 $0x19, v3;
	v16 =	vld.idx.msk [tilespmem:v50+s25+$0x0], $0xffff;
	v5 =	vadd.f32 v6, v5;
	v6 =	vmul.f32 v9, v11  }
0x238: {  	v9 =	vld.idx.msk [tilespmem:v51+s16+$0x0], $0xffff;
	v11 =	vor.u32 $0x1A, v4  }
0x239: {  	v55 =	vor.u32 $0x1A, v3;
	v12 =	vld.idx.msk [tilespmem:v52+s25+$0x0], $0xffff;
	v5 =	vadd.f32 v6, v5;
	v6 =	vmul.f32 v10, v13  }
0x23a: {  	v56 =	vor.u32 $0x1B, v4;
	v10 =	vld.idx.msk [tilespmem:v53+s16+$0x0], $0xffff  }
0x23b: {  	v57 =	vor.u32 $0x1B, v3;
	v8 =	vld.idx.msk [tilespmem:v8+s25+$0x0], $0xffff;
	v5 =	vadd.f32 v6, v5;
	v6 =	vmul.f32 v7, v14  }
0x23c: {  	v58 =	vor.u32 $0x1C, v4;
	v7 =	vld.idx.msk [tilespmem:v54+s16+$0x0], $0xffff  }
0x23d: {  	v59 =	vor.u32 $0x1C, v3;
	v11 =	vld.idx.msk [tilespmem:v11+s25+$0x0], $0xffff;
	v5 =	vadd.f32 v6, v5;
	v6 =	vmul.f32 v9, v16  }
0x23e: {  	v60 =	vor.u32 $0x1D, v4;
	v9 =	vld.idx.msk [tilespmem:v55+s16+$0x0], $0xffff  }
0x23f: {  	v61 =	vor.u32 $0x1D, v3;
	v13 =	vld.idx.msk [tilespmem:v56+s25+$0x0], $0xffff;
	v5 =	vadd.f32 v6, v5;
	v6 =	vmul.f32 v10, v12  }
0x240: {  	v62 =	vor.u32 $0x1E, v4;
	v10 =	vld.idx.msk [tilespmem:v57+s16+$0x0], $0xffff  }
0x241: {  	v14 =	vld.idx.msk [tilespmem:v58+s25+$0x0], $0xffff;
	v5 =	vadd.f32 v6, v5;
	v6 =	vmul.f32 v7, v8;
	v7 =	vor.u32 $0x1E, v3  }
0x242: {  	v63 =	vor.u32 $0x1F, v4;
	v8 =	vld.idx.msk [tilespmem:v59+s16+$0x0], $0xffff  }
0x243: {  	v16 =	vld.idx.msk [tilespmem:v60+s25+$0x0], $0xffff;
	v4 =	vadd.f32 v6, v5;
	v5 =	vmul.f32 v9, v11;
	v6 =	vor.u32 $0x1F, v3  }
0x244: {  	v9 =	vld.idx.msk [tilespmem:v61+s16+$0x0], $0xffff  }
0x245: {  	v10 =	vmul.f32 v10, v13;
	v3 =	vadd.f32 v5, v4;
	v4 =	vld.idx.msk [tilespmem:v62+s25+$0x0], $0xffff  }
0x246: {  	v5 =	vld.idx.msk [tilespmem:v7+s16+$0x0], $0xffff  }
0x247: {  	s7 =	sadd.s32 $0x10, s12;
	v8 =	vmul.f32 v8, v14;
	v10 =	vadd.f32 v10, v3;
	v3 =	vld.idx.msk [tilespmem:v63+s25+$0x0], $0xffff  }
0x248: {  	v7 =	vor.u32 s7, v0;
	v6 =	vld.idx.msk [tilespmem:v6+s16+$0x0], $0xffff  }
0x249: {  	s5 =	simm.s32 $0x10;
	s1 =	simm.s32 $0x20;
	s7 =	sadd.s32 $0x0, s31;
	v7 =	vmulhi.u32 $0x51EB851F, v7;
	v9 =	vmul.f32 v9, v16;
	v8 =	vadd.f32 v8, v10  }
.LBB2_7:
0x24a: {  	p0 =	sne.s32 s1, $0x1F0;
	v10 =	vor.u32 s5, v0;
	v11 =	vor.u32 s7, v0  }
0x24b: {  	v4 =	vmul.f32 v5, v4;
	v7 =	vshrl.u32 v7, $0x4;
	v8 =	vadd.f32 v9, v8  }
0x24c: {  	v9 =	vand.u32 v2, v10;
	v5 =	vsub.s32 v7, v1;
	v7 =	vand.u32 $0x7, v7  }
0x24d: {  	v6 =	vmul.f32 v6, v3;
	v12 =	vand.u32 $0xFFFFFFF8, v5;
	v4 =	vadd.f32 v4, v8  }
0x24e: {  	v7 =	vor.u32 v7, v12  }
0x24f: {  	v3 =	vshll.u32 v10, $0x5;
	v6 =	vadd.f32 v6, v4  }
0x250: {  	v4 =	vshll.u32 v5, $0x5  }
0x251: {  	v5 =	vor.u32 $0x1, v3;
	[tilespmem:v11+s23+$0x0] =	vst.idx.msk $0xffff, v6  }
0x252: {  	v8 =	vor.u32 $0x1, v4;
	v6 =	vld.idx.msk [tilespmem:v9+s26+$0x0], $0xffff  }
0x253: {  	v9 =	vor.u32 $0x2, v3;
	v7 =	vld.idx.msk [tilespmem:v7+s17+$0x0], $0xffff  }
0x254: {  	v11 =	vor.u32 $0x2, v4;
	v10 =	vld.idx.msk [tilespmem:v3+s25+$0x0], $0xffff  }
0x255: {  	v13 =	vor.u32 $0x3, v3;
	v12 =	vld.idx.msk [tilespmem:v4+s16+$0x0], $0xffff  }
0x256: {  	v14 =	vor.u32 $0x3, v4;
	v5 =	vld.idx.msk [tilespmem:v5+s25+$0x0], $0xffff  }
0x257: {  	v15 =	vor.u32 $0x4, v3;
	v8 =	vld.idx.msk [tilespmem:v8+s16+$0x0], $0xffff  }
0x258: {  	v16 =	vor.u32 $0x4, v4;
	v9 =	vld.idx.msk [tilespmem:v9+s25+$0x0], $0xffff  }
0x259: {  	v17 =	vor.u32 $0x5, v3;
	v11 =	vld.idx.msk [tilespmem:v11+s16+$0x0], $0xffff  }
0x25a: {  	v18 =	vor.u32 $0x5, v4;
	v13 =	vld.idx.msk [tilespmem:v13+s25+$0x0], $0xffff  }
0x25b: {  	v6 =	vadd.f32 v6, v7;
	v7 =	vmul.f32 v12, v10;
	v12 =	vor.u32 $0x6, v3;
	v10 =	vld.idx.msk [tilespmem:v14+s16+$0x0], $0xffff  }
0x25c: {  	v14 =	vld.idx.msk [tilespmem:v15+s25+$0x0], $0xffff;
	v15 =	vor.u32 $0x6, v4  }
0x25d: {  	v6 =	vadd.f32 v7, v6;
	v5 =	vmul.f32 v8, v5;
	v8 =	vor.u32 $0x7, v3;
	v7 =	vld.idx.msk [tilespmem:v16+s16+$0x0], $0xffff  }
0x25e: {  	v16 =	vld.idx.msk [tilespmem:v17+s25+$0x0], $0xffff;
	v17 =	vor.u32 $0x7, v4  }
0x25f: {  	v5 =	vadd.f32 v5, v6;
	v6 =	vmul.f32 v11, v9;
	v11 =	vor.u32 $0x8, v3;
	v9 =	vld.idx.msk [tilespmem:v18+s16+$0x0], $0xffff  }
0x260: {  	v18 =	vor.u32 $0x8, v4;
	v12 =	vld.idx.msk [tilespmem:v12+s25+$0x0], $0xffff  }
0x261: {  	v5 =	vadd.f32 v6, v5;
	v6 =	vmul.f32 v10, v13;
	v13 =	vor.u32 $0x9, v3;
	v10 =	vld.idx.msk [tilespmem:v15+s16+$0x0], $0xffff  }
0x262: {  	v15 =	vor.u32 $0x9, v4;
	v8 =	vld.idx.msk [tilespmem:v8+s25+$0x0], $0xffff  }
0x263: {  	v5 =	vadd.f32 v6, v5;
	v6 =	vmul.f32 v7, v14;
	v14 =	vor.u32 $0xA, v3;
	v7 =	vld.idx.msk [tilespmem:v17+s16+$0x0], $0xffff  }
0x264: {  	v17 =	vor.u32 $0xA, v4;
	v11 =	vld.idx.msk [tilespmem:v11+s25+$0x0], $0xffff  }
0x265: {  	v5 =	vadd.f32 v6, v5;
	v6 =	vmul.f32 v9, v16;
	v16 =	vor.u32 $0xB, v3;
	v9 =	vld.idx.msk [tilespmem:v18+s16+$0x0], $0xffff  }
0x266: {  	v18 =	vor.u32 $0xB, v4;
	v13 =	vld.idx.msk [tilespmem:v13+s25+$0x0], $0xffff  }
0x267: {  	v5 =	vadd.f32 v6, v5;
	v6 =	vmul.f32 v10, v12;
	v12 =	vor.u32 $0xC, v3;
	v10 =	vld.idx.msk [tilespmem:v15+s16+$0x0], $0xffff  }
0x268: {  	v15 =	vor.u32 $0xC, v4;
	v14 =	vld.idx.msk [tilespmem:v14+s25+$0x0], $0xffff  }
0x269: {  	v5 =	vadd.f32 v6, v5;
	v6 =	vmul.f32 v7, v8;
	v8 =	vor.u32 $0xD, v3;
	v7 =	vld.idx.msk [tilespmem:v17+s16+$0x0], $0xffff  }
0x26a: {  	v17 =	vor.u32 $0xD, v4;
	v16 =	vld.idx.msk [tilespmem:v16+s25+$0x0], $0xffff  }
0x26b: {  	v5 =	vadd.f32 v6, v5;
	v6 =	vmul.f32 v9, v11;
	v11 =	vor.u32 $0xE, v3;
	v9 =	vld.idx.msk [tilespmem:v18+s16+$0x0], $0xffff  }
0x26c: {  	v18 =	vor.u32 $0xE, v4;
	v12 =	vld.idx.msk [tilespmem:v12+s25+$0x0], $0xffff  }
0x26d: {  	v5 =	vadd.f32 v6, v5;
	v6 =	vmul.f32 v10, v13;
	v13 =	vor.u32 $0xF, v3;
	v10 =	vld.idx.msk [tilespmem:v15+s16+$0x0], $0xffff  }
0x26e: {  	v15 =	vor.u32 $0xF, v4;
	v8 =	vld.idx.msk [tilespmem:v8+s25+$0x0], $0xffff  }
0x26f: {  	v5 =	vadd.f32 v6, v5;
	v6 =	vmul.f32 v7, v14;
	v14 =	vor.u32 $0x10, v3;
	v7 =	vld.idx.msk [tilespmem:v17+s16+$0x0], $0xffff  }
0x270: {  	v17 =	vor.u32 $0x10, v4;
	v11 =	vld.idx.msk [tilespmem:v11+s25+$0x0], $0xffff  }
0x271: {  	v5 =	vadd.f32 v6, v5;
	v6 =	vmul.f32 v9, v16;
	v16 =	vor.u32 $0x11, v3;
	v9 =	vld.idx.msk [tilespmem:v18+s16+$0x0], $0xffff  }
0x272: {  	v18 =	vor.u32 $0x11, v4;
	v13 =	vld.idx.msk [tilespmem:v13+s25+$0x0], $0xffff  }
0x273: {  	v5 =	vadd.f32 v6, v5;
	v6 =	vmul.f32 v10, v12;
	v12 =	vor.u32 $0x12, v3;
	v10 =	vld.idx.msk [tilespmem:v15+s16+$0x0], $0xffff  }
0x274: {  	v15 =	vor.u32 $0x12, v4;
	v14 =	vld.idx.msk [tilespmem:v14+s25+$0x0], $0xffff  }
0x275: {  	v5 =	vadd.f32 v6, v5;
	v6 =	vmul.f32 v7, v8;
	v8 =	vor.u32 $0x13, v3;
	v7 =	vld.idx.msk [tilespmem:v17+s16+$0x0], $0xffff  }
0x276: {  	v17 =	vor.u32 $0x13, v4;
	v16 =	vld.idx.msk [tilespmem:v16+s25+$0x0], $0xffff  }
0x277: {  	v5 =	vadd.f32 v6, v5;
	v6 =	vmul.f32 v9, v11;
	v11 =	vor.u32 $0x14, v3;
	v9 =	vld.idx.msk [tilespmem:v18+s16+$0x0], $0xffff  }
0x278: {  	v18 =	vor.u32 $0x14, v4;
	v12 =	vld.idx.msk [tilespmem:v12+s25+$0x0], $0xffff  }
0x279: {  	v5 =	vadd.f32 v6, v5;
	v6 =	vmul.f32 v10, v13;
	v13 =	vor.u32 $0x15, v3;
	v10 =	vld.idx.msk [tilespmem:v15+s16+$0x0], $0xffff  }
0x27a: {  	v15 =	vor.u32 $0x15, v4;
	v8 =	vld.idx.msk [tilespmem:v8+s25+$0x0], $0xffff  }
0x27b: {  	v5 =	vadd.f32 v6, v5;
	v6 =	vmul.f32 v7, v14;
	v14 =	vor.u32 $0x16, v3;
	v7 =	vld.idx.msk [tilespmem:v17+s16+$0x0], $0xffff  }
0x27c: {  	v17 =	vor.u32 $0x16, v4;
	v11 =	vld.idx.msk [tilespmem:v11+s25+$0x0], $0xffff  }
0x27d: {  	v5 =	vadd.f32 v6, v5;
	v6 =	vmul.f32 v9, v16;
	v16 =	vor.u32 $0x17, v3;
	v9 =	vld.idx.msk [tilespmem:v18+s16+$0x0], $0xffff  }
0x27e: {  	v18 =	vor.u32 $0x17, v4;
	v13 =	vld.idx.msk [tilespmem:v13+s25+$0x0], $0xffff  }
0x27f: {  	v5 =	vadd.f32 v6, v5;
	v6 =	vmul.f32 v10, v12;
	v12 =	vor.u32 $0x18, v3;
	v10 =	vld.idx.msk [tilespmem:v15+s16+$0x0], $0xffff  }
0x280: {  	v15 =	vor.u32 $0x18, v4;
	v14 =	vld.idx.msk [tilespmem:v14+s25+$0x0], $0xffff  }
0x281: {  	v5 =	vadd.f32 v6, v5;
	v6 =	vmul.f32 v7, v8;
	v8 =	vor.u32 $0x19, v3;
	v7 =	vld.idx.msk [tilespmem:v17+s16+$0x0], $0xffff  }
0x282: {  	v17 =	vor.u32 $0x19, v4;
	v16 =	vld.idx.msk [tilespmem:v16+s25+$0x0], $0xffff  }
0x283: {  	v5 =	vadd.f32 v6, v5;
	v6 =	vmul.f32 v9, v11;
	v11 =	vor.u32 $0x1A, v3;
	v9 =	vld.idx.msk [tilespmem:v18+s16+$0x0], $0xffff  }
0x284: {  	v18 =	vor.u32 $0x1A, v4;
	v12 =	vld.idx.msk [tilespmem:v12+s25+$0x0], $0xffff  }
0x285: {  	v5 =	vadd.f32 v6, v5;
	v6 =	vmul.f32 v10, v13;
	v13 =	vor.u32 $0x1B, v3;
	v10 =	vld.idx.msk [tilespmem:v15+s16+$0x0], $0xffff  }
0x286: {  	v15 =	vor.u32 $0x1B, v4;
	v8 =	vld.idx.msk [tilespmem:v8+s25+$0x0], $0xffff  }
0x287: {  	v5 =	vadd.f32 v6, v5;
	v6 =	vmul.f32 v7, v14;
	v14 =	vor.u32 $0x1C, v3;
	v7 =	vld.idx.msk [tilespmem:v17+s16+$0x0], $0xffff  }
0x288: {  	v17 =	vor.u32 $0x1C, v4;
	v11 =	vld.idx.msk [tilespmem:v11+s25+$0x0], $0xffff  }
0x289: {  	v5 =	vadd.f32 v6, v5;
	v6 =	vmul.f32 v9, v16;
	v16 =	vor.u32 $0x1D, v3;
	v9 =	vld.idx.msk [tilespmem:v18+s16+$0x0], $0xffff  }
0x28a: {  	v18 =	vor.u32 $0x1D, v4;
	v13 =	vld.idx.msk [tilespmem:v13+s25+$0x0], $0xffff  }
0x28b: {  	v5 =	vadd.f32 v6, v5;
	v6 =	vmul.f32 v10, v12;
	v12 =	vor.u32 $0x1E, v3;
	v10 =	vld.idx.msk [tilespmem:v15+s16+$0x0], $0xffff  }
0x28c: {  	v15 =	vor.u32 $0x1E, v4;
	v14 =	vld.idx.msk [tilespmem:v14+s25+$0x0], $0xffff  }
0x28d: {  	v3 =	vor.u32 $0x1F, v3;
	v5 =	vadd.f32 v6, v5;
	v6 =	vmul.f32 v7, v8;
	v7 =	vld.idx.msk [tilespmem:v17+s16+$0x0], $0xffff  }
0x28e: {  	v8 =	vor.u32 $0x1F, v4;
	v16 =	vld.idx.msk [tilespmem:v16+s25+$0x0], $0xffff  }
0x28f: {  	v5 =	vadd.f32 v6, v5;
	v6 =	vmul.f32 v9, v11;
	v9 =	vld.idx.msk [tilespmem:v18+s16+$0x0], $0xffff  }
0x290: {  	v4 =	vld.idx.msk [tilespmem:v12+s25+$0x0], $0xffff  }
.Ltmp2:
0x291: {  	v6 =	vadd.f32 v6, v5;
	v10 =	vmul.f32 v10, v13;
	v5 =	vld.idx.msk [tilespmem:v15+s16+$0x0], $0xffff;
	(pc) =	sbr.rel @p0 .LBB2_7-.Ltmp2, $4  }
0x292: {  	v3 =	vld.idx.msk [tilespmem:v3+s25+$0x0], $0xffff  }
0x293: {  	s7 =	sadd.s32 s1, s12;
	v10 =	vadd.f32 v10, v6;
	v11 =	vmul.f32 v7, v14;
	v6 =	vld.idx.msk [tilespmem:v8+s16+$0x0], $0xffff  }
0x294: {  	v7 =	vor.u32 s7, v0  }
0x295: {  	s7 =	sadd.s32 s5, s31;
	s5 =	smov.u32 s1;
	s1 =	sadd.s32 $0x10, s1;
	v7 =	vmulhi.u32 $0x51EB851F, v7;
	v8 =	vadd.f32 v11, v10;
	v9 =	vmul.f32 v9, v16  }
0x296: {  	_ = 	snop  }
0x297: {  	v10 =	vor.u32 s5, v0;
	v4 =	vmul.f32 v5, v4;
	v8 =	vadd.f32 v9, v8  }
0x298: {  	v11 =	vor.u32 s7, v0;
	v7 =	vshrl.u32 v7, $0x4;
	v31 =	vand.u32 v2, v10  }
0x299: {  	v30 =	vsub.s32 v7, v1;
	v6 =	vmul.f32 v6, v3;
	v4 =	vadd.f32 v4, v8  }
0x29a: {  	v7 =	vand.u32 $0x7, v7;
	v3 =	vshll.u32 v10, $0x5;
	v12 =	vand.u32 $0xFFFFFFF8, v30  }
0x29b: {  	v7 =	vor.u32 v7, v12;
	v6 =	vadd.f32 v6, v4  }
0x29c: {  	v4 =	vshll.u32 v30, $0x5  }
0x29d: {  	v32 =	vor.u32 $0x1, v3;
	[tilespmem:v11+s23+$0x0] =	vst.idx.msk $0xffff, v6  }
0x29e: {  	v33 =	vor.u32 $0x1, v4;
	v6 =	vld.idx.msk [tilespmem:v31+s26+$0x0], $0xffff  }
0x29f: {  	v34 =	vor.u32 $0x2, v3;
	v10 =	vld.idx.msk [tilespmem:v3+s25+$0x0], $0xffff  }
0x2a0: {  	v35 =	vor.u32 $0x2, v4;
	v7 =	vld.idx.msk [tilespmem:v7+s17+$0x0], $0xffff  }
0x2a1: {  	v13 =	vor.u32 $0x3, v3;
	v36 =	vld.idx.msk [tilespmem:v4+s16+$0x0], $0xffff  }
0x2a2: {  	v14 =	vor.u32 $0x3, v4;
	v5 =	vld.idx.msk [tilespmem:v32+s25+$0x0], $0xffff  }
0x2a3: {  	v15 =	vor.u32 $0x4, v3;
	v8 =	vld.idx.msk [tilespmem:v33+s16+$0x0], $0xffff  }
0x2a4: {  	v16 =	vor.u32 $0x4, v4;
	v9 =	vld.idx.msk [tilespmem:v34+s25+$0x0], $0xffff  }
0x2a5: {  	v17 =	vor.u32 $0x5, v3;
	v11 =	vld.idx.msk [tilespmem:v35+s16+$0x0], $0xffff  }
0x2a6: {  	v18 =	vor.u32 $0x5, v4;
	v13 =	vld.idx.msk [tilespmem:v13+s25+$0x0], $0xffff;
	v6 =	vadd.f32 v6, v7;
	v37 =	vmul.f32 v36, v10  }
0x2a7: {  	v39 =	vor.u32 $0x6, v3;
	v38 =	vld.idx.msk [tilespmem:v14+s16+$0x0], $0xffff  }
0x2a8: {  	v41 =	vor.u32 $0x6, v4;
	v40 =	vld.idx.msk [tilespmem:v15+s25+$0x0], $0xffff;
	v5 =	vmul.f32 v8, v5;
	v6 =	vadd.f32 v37, v6  }
0x2a9: {  	v45 =	vor.u32 $0x7, v4;
	v42 =	vld.idx.msk [tilespmem:v16+s16+$0x0], $0xffff  }
0x2aa: {  	v43 =	vor.u32 $0x7, v3;
	v44 =	vld.idx.msk [tilespmem:v17+s25+$0x0], $0xffff;
	v46 =	vmul.f32 v11, v9;
	v5 =	vadd.f32 v5, v6  }
0x2ab: {  	v49 =	vor.u32 $0x8, v4;
	v47 =	vld.idx.msk [tilespmem:v18+s16+$0x0], $0xffff  }
0x2ac: {  	v48 =	vor.u32 $0x8, v3;
	v12 =	vld.idx.msk [tilespmem:v39+s25+$0x0], $0xffff;
	v50 =	vmul.f32 v38, v13;
	v5 =	vadd.f32 v46, v5  }
0x2ad: {  	v53 =	vor.u32 $0x9, v4;
	v51 =	vld.idx.msk [tilespmem:v41+s16+$0x0], $0xffff  }
0x2ae: {  	v52 =	vor.u32 $0x9, v3;
	v55 =	vld.idx.msk [tilespmem:v45+s16+$0x0], $0xffff;
	v54 =	vmul.f32 v42, v40;
	v5 =	vadd.f32 v50, v5  }
0x2af: {  	v56 =	vor.u32 $0xA, v3;
	v8 =	vld.idx.msk [tilespmem:v43+s25+$0x0], $0xffff  }
0x2b0: {  	v57 =	vor.u32 $0xA, v4;
	v59 =	vld.idx.msk [tilespmem:v49+s16+$0x0], $0xffff;
	v58 =	vmul.f32 v47, v44;
	v5 =	vadd.f32 v54, v5  }
0x2b1: {  	v60 =	vor.u32 $0xB, v3;
	v11 =	vld.idx.msk [tilespmem:v48+s25+$0x0], $0xffff  }
0x2b2: {  	v61 =	vor.u32 $0xB, v4;
	v63 =	vld.idx.msk [tilespmem:v53+s16+$0x0], $0xffff;
	v62 =	vmul.f32 v51, v12;
	v5 =	vadd.f32 v58, v5  }
0x2b3: {  	v22 =	vor.u32 $0xC, v4;
	v13 =	vld.idx.msk [tilespmem:v52+s25+$0x0], $0xffff  }
0x2b4: {  	v21 =	vor.u32 $0xC, v3;
	v14 =	vld.idx.msk [tilespmem:v56+s25+$0x0], $0xffff;
	v23 =	vmul.f32 v55, v8;
	v5 =	vadd.f32 v62, v5  }
0x2b5: {  	v26 =	vor.u32 $0xD, v4;
	v24 =	vld.idx.msk [tilespmem:v57+s16+$0x0], $0xffff  }
0x2b6: {  	v25 =	vor.u32 $0xD, v3;
	v16 =	vld.idx.msk [tilespmem:v60+s25+$0x0], $0xffff;
	v27 =	vmul.f32 v59, v11;
	v5 =	vadd.f32 v23, v5  }
0x2b7: {  	v30 =	vor.u32 $0xE, v4;
	v28 =	vld.idx.msk [tilespmem:v61+s16+$0x0], $0xffff  }
0x2b8: {  	v29 =	vor.u32 $0xE, v3;
	v32 =	vld.idx.msk [tilespmem:v22+s16+$0x0], $0xffff;
	v31 =	vmul.f32 v63, v13;
	v5 =	vadd.f32 v27, v5  }
0x2b9: {  	v34 =	vor.u32 $0xF, v4;
	v12 =	vld.idx.msk [tilespmem:v21+s25+$0x0], $0xffff  }
0x2ba: {  	v33 =	vor.u32 $0xF, v3;
	v36 =	vld.idx.msk [tilespmem:v26+s16+$0x0], $0xffff;
	v35 =	vmul.f32 v24, v14;
	v5 =	vadd.f32 v31, v5  }
0x2bb: {  	v38 =	vor.u32 $0x10, v4;
	v8 =	vld.idx.msk [tilespmem:v25+s25+$0x0], $0xffff  }
0x2bc: {  	v39 =	vmul.f32 v28, v16;
	v40 =	vld.idx.msk [tilespmem:v30+s16+$0x0], $0xffff;
	v37 =	vor.u32 $0x10, v3;
	v5 =	vadd.f32 v35, v5  }
0x2bd: {  	v41 =	vor.u32 $0x11, v3;
	v11 =	vld.idx.msk [tilespmem:v29+s25+$0x0], $0xffff  }
0x2be: {  	v42 =	vor.u32 $0x11, v4;
	v44 =	vld.idx.msk [tilespmem:v34+s16+$0x0], $0xffff;
	v43 =	vmul.f32 v32, v12;
	v5 =	vadd.f32 v39, v5  }
0x2bf: {  	v45 =	vor.u32 $0x12, v3;
	v13 =	vld.idx.msk [tilespmem:v33+s25+$0x0], $0xffff  }
0x2c0: {  	v46 =	vor.u32 $0x12, v4;
	v48 =	vld.idx.msk [tilespmem:v38+s16+$0x0], $0xffff;
	v47 =	vmul.f32 v36, v8;
	v5 =	vadd.f32 v43, v5  }
0x2c1: {  	v49 =	vor.u32 $0x13, v3;
	v14 =	vld.idx.msk [tilespmem:v37+s25+$0x0], $0xffff  }
0x2c2: {  	v16 =	vld.idx.msk [tilespmem:v41+s25+$0x0], $0xffff;
	v50 =	vor.u32 $0x13, v4;
	v51 =	vmul.f32 v40, v11;
	v5 =	vadd.f32 v47, v5  }
0x2c3: {  	v53 =	vor.u32 $0x14, v3;
	v52 =	vld.idx.msk [tilespmem:v42+s16+$0x0], $0xffff  }
0x2c4: {  	v12 =	vld.idx.msk [tilespmem:v45+s25+$0x0], $0xffff;
	v54 =	vor.u32 $0x14, v4;
	v55 =	vmul.f32 v44, v13;
	v5 =	vadd.f32 v51, v5  }
0x2c5: {  	v57 =	vor.u32 $0x15, v3;
	v56 =	vld.idx.msk [tilespmem:v46+s16+$0x0], $0xffff  }
0x2c6: {  	v8 =	vld.idx.msk [tilespmem:v49+s25+$0x0], $0xffff;
	v58 =	vor.u32 $0x15, v4;
	v59 =	vmul.f32 v48, v14;
	v5 =	vadd.f32 v55, v5  }
0x2c7: {  	v61 =	vor.u32 $0x16, v3;
	v60 =	vld.idx.msk [tilespmem:v50+s16+$0x0], $0xffff  }
0x2c8: {  	v11 =	vld.idx.msk [tilespmem:v53+s25+$0x0], $0xffff;
	v63 =	vmul.f32 v52, v16;
	v62 =	vor.u32 $0x16, v4;
	v5 =	vadd.f32 v59, v5  }
0x2c9: {  	v22 =	vor.u32 $0x17, v3;
	v21 =	vld.idx.msk [tilespmem:v54+s16+$0x0], $0xffff  }
0x2ca: {  	v13 =	vld.idx.msk [tilespmem:v57+s25+$0x0], $0xffff;
	v23 =	vor.u32 $0x17, v4;
	v24 =	vmul.f32 v56, v12;
	v5 =	vadd.f32 v63, v5  }
0x2cb: {  	v26 =	vor.u32 $0x18, v3;
	v25 =	vld.idx.msk [tilespmem:v58+s16+$0x0], $0xffff  }
0x2cc: {  	v14 =	vld.idx.msk [tilespmem:v61+s25+$0x0], $0xffff;
	v27 =	vor.u32 $0x18, v4;
	v28 =	vmul.f32 v60, v8;
	v5 =	vadd.f32 v24, v5  }
0x2cd: {  	v30 =	vor.u32 $0x19, v3;
	v29 =	vld.idx.msk [tilespmem:v62+s16+$0x0], $0xffff  }
0x2ce: {  	v16 =	vld.idx.msk [tilespmem:v22+s25+$0x0], $0xffff;
	v31 =	vor.u32 $0x19, v4;
	v32 =	vmul.f32 v21, v11;
	v5 =	vadd.f32 v28, v5  }
0x2cf: {  	v34 =	vor.u32 $0x1A, v3;
	v33 =	vld.idx.msk [tilespmem:v23+s16+$0x0], $0xffff  }
0x2d0: {  	v12 =	vld.idx.msk [tilespmem:v26+s25+$0x0], $0xffff;
	v35 =	vor.u32 $0x1A, v4;
	v36 =	vmul.f32 v25, v13;
	v5 =	vadd.f32 v32, v5  }
0x2d1: {  	v38 =	vor.u32 $0x1B, v3;
	v37 =	vld.idx.msk [tilespmem:v27+s16+$0x0], $0xffff  }
0x2d2: {  	v8 =	vld.idx.msk [tilespmem:v30+s25+$0x0], $0xffff;
	v39 =	vor.u32 $0x1B, v4;
	v40 =	vmul.f32 v29, v14;
	v5 =	vadd.f32 v36, v5  }
0x2d3: {  	v42 =	vor.u32 $0x1C, v3;
	v41 =	vld.idx.msk [tilespmem:v31+s16+$0x0], $0xffff  }
0x2d4: {  	v11 =	vld.idx.msk [tilespmem:v34+s25+$0x0], $0xffff;
	v43 =	vor.u32 $0x1C, v4;
	v44 =	vmul.f32 v33, v16;
	v5 =	vadd.f32 v40, v5  }
0x2d5: {  	v46 =	vor.u32 $0x1D, v3;
	v45 =	vld.idx.msk [tilespmem:v35+s16+$0x0], $0xffff  }
0x2d6: {  	v13 =	vld.idx.msk [tilespmem:v38+s25+$0x0], $0xffff;
	v47 =	vor.u32 $0x1D, v4;
	v48 =	vmul.f32 v37, v12;
	v5 =	vadd.f32 v44, v5  }
0x2d7: {  	v50 =	vor.u32 $0x1E, v3;
	v49 =	vld.idx.msk [tilespmem:v39+s16+$0x0], $0xffff  }
0x2d8: {  	v14 =	vld.idx.msk [tilespmem:v42+s25+$0x0], $0xffff;
	v51 =	vor.u32 $0x1E, v4;
	v52 =	vmul.f32 v41, v8;
	v5 =	vadd.f32 v48, v5  }
0x2d9: {  	v3 =	vor.u32 $0x1F, v3;
	v53 =	vld.idx.msk [tilespmem:v43+s16+$0x0], $0xffff  }
0x2da: {  	v54 =	vld.idx.msk [tilespmem:v46+s25+$0x0], $0xffff;
	v4 =	vor.u32 $0x1F, v4;
	v55 =	vmul.f32 v45, v11;
	v5 =	vadd.f32 v52, v5  }
0x2db: {  	v56 =	vld.idx.msk [tilespmem:v47+s16+$0x0], $0xffff  }
0x2dc: {  	v57 =	vld.idx.msk [tilespmem:v50+s25+$0x0], $0xffff;
	v58 =	vmul.f32 v49, v13;
	v5 =	vadd.f32 v55, v5  }
0x2dd: {  	v59 =	vld.idx.msk [tilespmem:v51+s16+$0x0], $0xffff  }
0x2de: {  	v3 =	vld.idx.msk [tilespmem:v3+s25+$0x0], $0xffff;
	v60 =	vmul.f32 v53, v14;
	v5 =	vadd.f32 v58, v5  }
0x2df: {  	v4 =	vld.idx.msk [tilespmem:v4+s16+$0x0], $0xffff  }
0x2e0: {  	v61 =	vmul.f32 v56, v54;
	v5 =	vadd.f32 v60, v5;
	_ =	sdelay $0x1  }
0x2e1: {  	s1 =	sadd.s32 s5, s31;
	v62 =	vmul.f32 v59, v57;
	v5 =	vadd.f32 v61, v5  }
0x2e2: {  	v63 =	vor.u32 s1, v0  }
0x2e3: {  	v3 =	vmul.f32 v4, v3;
	v5 =	vadd.f32 v62, v5  }
0x2e4: {  	s9 =	sadd.s32 $0x1, s9  }
0x2e5: {  	p0 =	sne.s32 s9, $0x10;
	v3 =	vadd.f32 v3, v5  }
.Ltmp3:
0x2e6: {  	s10 =	sadd.s32 $0x800, s10;
	(pc) =	sbr.rel @p0 .LBB2_2-.Ltmp3, $4  }
0x2e7: {  	s8 =	sadd.s32 $0x600, s8;
	s6 =	sadd.s32 $0x600, s6;
	s11 =	sadd.s32 $0x600, s11;
	[tilespmem:v63+s23+$0x0] =	vst.idx.msk $0xffff, v3  }
0x2e8: {  	[tilespmem:s20], [sflag:$0x2] =	stream.indirect.gather [hbm4b:s4+s24], $0x20, s10, s24, $0xb8;
	[tilespmem:$0x1D000] =	vst v63  }
0x2e9: {  	s0 =	sadd.s32 $0x600, s0;
	s12 =	sadd.s32 $0x600, s12;
	s31 =	sadd.s32 $0x600, s31  }
0x2ea: {  	[tilespmem:s21], [sflag:$0x2] =	stream.indirect.gather [hbm4b:s2+s24], $0x1, s10, s24, $0xb8;
	[tilespmem:$0x1D000] =	vst v63  }
0x2eb: {  	s0 =	sadd.s32 $0x0, s13  }
0x2ec: {  	v3 =	vor.u32 s0, v0  }
0x2ed: {  	v3 =	vmulhi.u32 $0x51EB851F, v3  }
0x2ee: {  	s12 =	simm.s32 $0x0  }
0x2ef: {  	_ =	swait.ge [sflag:s22], $0x4000;
	v4 =	vor.u32 s12, v0;
	v3 =	vshrl.u32 v3, $0x4  }
0x2f0: {  	[sflag:s22] =	ssyncset.done $0x0;
	v6 =	vand.u32 v2, v4;
	v5 =	vsub.s32 v3, v1  }
0x2f1: {  	[sflag:s22] =	ssyncadd.s32 $0xFFFFC000;
	v4 =	vshll.u32 v4, $0x5;
	v3 =	vand.u32 $0x7, v3;
	v7 =	vand.u32 $0xFFFFFFF8, v5  }
0x2f2: {  	_ =	swait.ge [sflag:s22], $0x200;
	v7 =	vor.u32 v3, v7  }
0x2f3: {  	[sflag:s22] =	ssyncset.done $0x0;
	v3 =	vshll.u32 v5, $0x5  }
0x2f4: {  	[sflag:s22] =	ssyncadd.s32 $0xFFFFFE00;
	v5 =	vor.u32 $0x1, v4  }
0x2f5: {  	v6 =	vld.idx.msk [tilespmem:v6+s19+$0x0], $0xffff;
	v8 =	vor.u32 $0x1, v3  }
0x2f6: {  	v9 =	vor.u32 $0x2, v4;
	v10 =	vld.idx.msk [tilespmem:v4+s18+$0x0], $0xffff  }
0x2f7: {  	v11 =	vor.u32 $0x2, v3;
	v7 =	vld.idx.msk [tilespmem:v7+s17+$0x0], $0xffff  }
0x2f8: {  	v13 =	vor.u32 $0x3, v4;
	v12 =	vld.idx.msk [tilespmem:v3+s16+$0x0], $0xffff  }
0x2f9: {  	v14 =	vor.u32 $0x3, v3;
	v5 =	vld.idx.msk [tilespmem:v5+s18+$0x0], $0xffff  }
0x2fa: {  	v15 =	vor.u32 $0x4, v4;
	v8 =	vld.idx.msk [tilespmem:v8+s16+$0x0], $0xffff  }
0x2fb: {  	v9 =	vld.idx.msk [tilespmem:v9+s18+$0x0], $0xffff;
	v16 =	vor.u32 $0x4, v3  }
0x2fc: {  	v17 =	vor.u32 $0x5, v4;
	v11 =	vld.idx.msk [tilespmem:v11+s16+$0x0], $0xffff  }
0x2fd: {  	v13 =	vld.idx.msk [tilespmem:v13+s18+$0x0], $0xffff;
	v18 =	vor.u32 $0x5, v3;
	v6 =	vadd.f32 v6, v7;
	v7 =	vmul.f32 v12, v10  }
0x2fe: {  	v20 =	vor.u32 $0x6, v4;
	v10 =	vld.idx.msk [tilespmem:v14+s16+$0x0], $0xffff  }
0x2ff: {  	v21 =	vld.idx.msk [tilespmem:v15+s18+$0x0], $0xffff;
	v22 =	vor.u32 $0x6, v3;
	v5 =	vmul.f32 v8, v5;
	v6 =	vadd.f32 v7, v6  }
0x300: {  	v8 =	vor.u32 $0x7, v4;
	v7 =	vld.idx.msk [tilespmem:v16+s16+$0x0], $0xffff  }
0x301: {  	v23 =	vld.idx.msk [tilespmem:v17+s18+$0x0], $0xffff;
	v24 =	vor.u32 $0x7, v3;
	v5 =	vadd.f32 v5, v6;
	v6 =	vmul.f32 v11, v9  }
0x302: {  	v9 =	vld.idx.msk [tilespmem:v18+s16+$0x0], $0xffff;
	v11 =	vor.u32 $0x8, v4  }
0x303: {  	v25 =	vor.u32 $0x8, v3;
	v12 =	vld.idx.msk [tilespmem:v20+s18+$0x0], $0xffff;
	v5 =	vadd.f32 v6, v5;
	v6 =	vmul.f32 v10, v13  }
0x304: {  	v26 =	vor.u32 $0x9, v4;
	v10 =	vld.idx.msk [tilespmem:v22+s16+$0x0], $0xffff  }
0x305: {  	v27 =	vor.u32 $0x9, v3;
	v8 =	vld.idx.msk [tilespmem:v8+s18+$0x0], $0xffff;
	v5 =	vadd.f32 v6, v5;
	v6 =	vmul.f32 v7, v21  }
0x306: {  	v28 =	vor.u32 $0xA, v4;
	v7 =	vld.idx.msk [tilespmem:v24+s16+$0x0], $0xffff  }
0x307: {  	v29 =	vor.u32 $0xA, v3;
	v11 =	vld.idx.msk [tilespmem:v11+s18+$0x0], $0xffff;
	v5 =	vadd.f32 v6, v5;
	v6 =	vmul.f32 v9, v23  }
0x308: {  	v30 =	vor.u32 $0xB, v4;
	v9 =	vld.idx.msk [tilespmem:v25+s16+$0x0], $0xffff  }
0x309: {  	v31 =	vor.u32 $0xB, v3;
	v13 =	vld.idx.msk [tilespmem:v26+s18+$0x0], $0xffff;
	v5 =	vadd.f32 v6, v5;
	v6 =	vmul.f32 v10, v12  }
0x30a: {  	v32 =	vor.u32 $0xC, v4;
	v10 =	vld.idx.msk [tilespmem:v27+s16+$0x0], $0xffff  }
0x30b: {  	v33 =	vor.u32 $0xC, v3;
	v14 =	vld.idx.msk [tilespmem:v28+s18+$0x0], $0xffff;
	v5 =	vadd.f32 v6, v5;
	v6 =	vmul.f32 v7, v8  }
0x30c: {  	v7 =	vld.idx.msk [tilespmem:v29+s16+$0x0], $0xffff;
	v8 =	vor.u32 $0xD, v4  }
0x30d: {  	v34 =	vor.u32 $0xD, v3;
	v16 =	vld.idx.msk [tilespmem:v30+s18+$0x0], $0xffff;
	v5 =	vadd.f32 v6, v5;
	v6 =	vmul.f32 v9, v11  }
0x30e: {  	v9 =	vld.idx.msk [tilespmem:v31+s16+$0x0], $0xffff;
	v11 =	vor.u32 $0xE, v4  }
0x30f: {  	v35 =	vor.u32 $0xE, v3;
	v12 =	vld.idx.msk [tilespmem:v32+s18+$0x0], $0xffff;
	v5 =	vadd.f32 v6, v5;
	v6 =	vmul.f32 v10, v13  }
0x310: {  	v36 =	vor.u32 $0xF, v4;
	v10 =	vld.idx.msk [tilespmem:v33+s16+$0x0], $0xffff  }
0x311: {  	v37 =	vor.u32 $0xF, v3;
	v8 =	vld.idx.msk [tilespmem:v8+s18+$0x0], $0xffff;
	v5 =	vadd.f32 v6, v5;
	v6 =	vmul.f32 v7, v14  }
0x312: {  	v38 =	vor.u32 $0x10, v4;
	v7 =	vld.idx.msk [tilespmem:v34+s16+$0x0], $0xffff  }
0x313: {  	v39 =	vor.u32 $0x10, v3;
	v11 =	vld.idx.msk [tilespmem:v11+s18+$0x0], $0xffff;
	v5 =	vadd.f32 v6, v5;
	v6 =	vmul.f32 v9, v16  }
0x314: {  	v40 =	vor.u32 $0x11, v4;
	v9 =	vld.idx.msk [tilespmem:v35+s16+$0x0], $0xffff  }
0x315: {  	v41 =	vor.u32 $0x11, v3;
	v13 =	vld.idx.msk [tilespmem:v36+s18+$0x0], $0xffff;
	v5 =	vadd.f32 v6, v5;
	v6 =	vmul.f32 v10, v12  }
0x316: {  	v42 =	vor.u32 $0x12, v4;
	v10 =	vld.idx.msk [tilespmem:v37+s16+$0x0], $0xffff  }
0x317: {  	v43 =	vor.u32 $0x12, v3;
	v14 =	vld.idx.msk [tilespmem:v38+s18+$0x0], $0xffff;
	v5 =	vadd.f32 v6, v5;
	v6 =	vmul.f32 v7, v8  }
0x318: {  	v7 =	vld.idx.msk [tilespmem:v39+s16+$0x0], $0xffff;
	v8 =	vor.u32 $0x13, v4  }
0x319: {  	v44 =	vor.u32 $0x13, v3;
	v16 =	vld.idx.msk [tilespmem:v40+s18+$0x0], $0xffff;
	v5 =	vadd.f32 v6, v5;
	v6 =	vmul.f32 v9, v11  }
0x31a: {  	v9 =	vld.idx.msk [tilespmem:v41+s16+$0x0], $0xffff;
	v11 =	vor.u32 $0x14, v4  }
0x31b: {  	v45 =	vor.u32 $0x14, v3;
	v12 =	vld.idx.msk [tilespmem:v42+s18+$0x0], $0xffff;
	v5 =	vadd.f32 v6, v5;
	v6 =	vmul.f32 v10, v13  }
0x31c: {  	v46 =	vor.u32 $0x15, v4;
	v10 =	vld.idx.msk [tilespmem:v43+s16+$0x0], $0xffff  }
0x31d: {  	v47 =	vor.u32 $0x15, v3;
	v8 =	vld.idx.msk [tilespmem:v8+s18+$0x0], $0xffff;
	v5 =	vadd.f32 v6, v5;
	v6 =	vmul.f32 v7, v14  }
0x31e: {  	v48 =	vor.u32 $0x16, v4;
	v7 =	vld.idx.msk [tilespmem:v44+s16+$0x0], $0xffff  }
0x31f: {  	v49 =	vor.u32 $0x16, v3;
	v11 =	vld.idx.msk [tilespmem:v11+s18+$0x0], $0xffff;
	v5 =	vadd.f32 v6, v5;
	v6 =	vmul.f32 v9, v16  }
0x320: {  	v50 =	vor.u32 $0x17, v4;
	v9 =	vld.idx.msk [tilespmem:v45+s16+$0x0], $0xffff  }
0x321: {  	v51 =	vor.u32 $0x17, v3;
	v13 =	vld.idx.msk [tilespmem:v46+s18+$0x0], $0xffff;
	v5 =	vadd.f32 v6, v5;
	v6 =	vmul.f32 v10, v12  }
0x322: {  	v52 =	vor.u32 $0x18, v4;
	v10 =	vld.idx.msk [tilespmem:v47+s16+$0x0], $0xffff  }
0x323: {  	v53 =	vor.u32 $0x18, v3;
	v14 =	vld.idx.msk [tilespmem:v48+s18+$0x0], $0xffff;
	v5 =	vadd.f32 v6, v5;
	v6 =	vmul.f32 v7, v8  }
0x324: {  	v7 =	vld.idx.msk [tilespmem:v49+s16+$0x0], $0xffff;
	v8 =	vor.u32 $0x19, v4  }
0x325: {  	v54 =	vor.u32 $0x19, v3;
	v16 =	vld.idx.msk [tilespmem:v50+s18+$0x0], $0xffff;
	v5 =	vadd.f32 v6, v5;
	v6 =	vmul.f32 v9, v11  }
0x326: {  	v9 =	vld.idx.msk [tilespmem:v51+s16+$0x0], $0xffff;
	v11 =	vor.u32 $0x1A, v4  }
0x327: {  	v55 =	vor.u32 $0x1A, v3;
	v12 =	vld.idx.msk [tilespmem:v52+s18+$0x0], $0xffff;
	v5 =	vadd.f32 v6, v5;
	v6 =	vmul.f32 v10, v13  }
0x328: {  	v56 =	vor.u32 $0x1B, v4;
	v10 =	vld.idx.msk [tilespmem:v53+s16+$0x0], $0xffff  }
0x329: {  	v57 =	vor.u32 $0x1B, v3;
	v8 =	vld.idx.msk [tilespmem:v8+s18+$0x0], $0xffff;
	v5 =	vadd.f32 v6, v5;
	v6 =	vmul.f32 v7, v14  }
0x32a: {  	v58 =	vor.u32 $0x1C, v4;
	v7 =	vld.idx.msk [tilespmem:v54+s16+$0x0], $0xffff  }
0x32b: {  	v59 =	vor.u32 $0x1C, v3;
	v11 =	vld.idx.msk [tilespmem:v11+s18+$0x0], $0xffff;
	v5 =	vadd.f32 v6, v5;
	v6 =	vmul.f32 v9, v16  }
0x32c: {  	v60 =	vor.u32 $0x1D, v4;
	v9 =	vld.idx.msk [tilespmem:v55+s16+$0x0], $0xffff  }
0x32d: {  	v61 =	vor.u32 $0x1D, v3;
	v13 =	vld.idx.msk [tilespmem:v56+s18+$0x0], $0xffff;
	v5 =	vadd.f32 v6, v5;
	v6 =	vmul.f32 v10, v12  }
0x32e: {  	v62 =	vor.u32 $0x1E, v4;
	v10 =	vld.idx.msk [tilespmem:v57+s16+$0x0], $0xffff  }
0x32f: {  	v14 =	vld.idx.msk [tilespmem:v58+s18+$0x0], $0xffff;
	v5 =	vadd.f32 v6, v5;
	v6 =	vmul.f32 v7, v8;
	v7 =	vor.u32 $0x1E, v3  }
0x330: {  	v63 =	vor.u32 $0x1F, v4;
	v8 =	vld.idx.msk [tilespmem:v59+s16+$0x0], $0xffff  }
0x331: {  	v16 =	vld.idx.msk [tilespmem:v60+s18+$0x0], $0xffff;
	v4 =	vadd.f32 v6, v5;
	v5 =	vmul.f32 v9, v11;
	v6 =	vor.u32 $0x1F, v3  }
0x332: {  	v9 =	vld.idx.msk [tilespmem:v61+s16+$0x0], $0xffff  }
0x333: {  	v10 =	vmul.f32 v10, v13;
	v3 =	vadd.f32 v5, v4;
	v4 =	vld.idx.msk [tilespmem:v62+s18+$0x0], $0xffff  }
0x334: {  	v5 =	vld.idx.msk [tilespmem:v7+s16+$0x0], $0xffff  }
0x335: {  	s31 =	sadd.s32 $0x10, s13;
	v8 =	vmul.f32 v8, v14;
	v10 =	vadd.f32 v10, v3;
	v3 =	vld.idx.msk [tilespmem:v63+s18+$0x0], $0xffff  }
0x336: {  	v7 =	vor.u32 s31, v0;
	v6 =	vld.idx.msk [tilespmem:v6+s16+$0x0], $0xffff  }
0x337: {  	s1 =	simm.s32 $0x20;
	s5 =	simm.s32 $0x6000;
	s0 =	simm.s32 $0x10;
	v7 =	vmulhi.u32 $0x51EB851F, v7;
	v9 =	vmul.f32 v9, v16;
	v8 =	vadd.f32 v8, v10  }
.LBB2_10:
0x338: {  	p0 =	sne.s32 s1, $0x1F0;
	v10 =	vor.u32 s0, v0;
	v11 =	vor.u32 s5, v0  }
0x339: {  	v4 =	vmul.f32 v5, v4;
	v7 =	vshrl.u32 v7, $0x4;
	v8 =	vadd.f32 v9, v8  }
0x33a: {  	v9 =	vand.u32 v2, v10;
	v5 =	vsub.s32 v7, v1;
	v7 =	vand.u32 $0x7, v7  }
0x33b: {  	v6 =	vmul.f32 v6, v3;
	v12 =	vand.u32 $0xFFFFFFF8, v5;
	v4 =	vadd.f32 v4, v8  }
0x33c: {  	v7 =	vor.u32 v7, v12  }
0x33d: {  	v3 =	vshll.u32 v10, $0x5;
	v6 =	vadd.f32 v6, v4  }
0x33e: {  	v4 =	vshll.u32 v5, $0x5  }
0x33f: {  	v5 =	vor.u32 $0x1, v3;
	[tilespmem:v11+s23+$0x0] =	vst.idx.msk $0xffff, v6  }
0x340: {  	v8 =	vor.u32 $0x1, v4;
	v6 =	vld.idx.msk [tilespmem:v9+s19+$0x0], $0xffff  }
0x341: {  	v9 =	vor.u32 $0x2, v3;
	v7 =	vld.idx.msk [tilespmem:v7+s17+$0x0], $0xffff  }
0x342: {  	v11 =	vor.u32 $0x2, v4;
	v10 =	vld.idx.msk [tilespmem:v3+s18+$0x0], $0xffff  }
0x343: {  	v13 =	vor.u32 $0x3, v3;
	v12 =	vld.idx.msk [tilespmem:v4+s16+$0x0], $0xffff  }
0x344: {  	v14 =	vor.u32 $0x3, v4;
	v5 =	vld.idx.msk [tilespmem:v5+s18+$0x0], $0xffff  }
0x345: {  	v15 =	vor.u32 $0x4, v3;
	v8 =	vld.idx.msk [tilespmem:v8+s16+$0x0], $0xffff  }
0x346: {  	v16 =	vor.u32 $0x4, v4;
	v9 =	vld.idx.msk [tilespmem:v9+s18+$0x0], $0xffff  }
0x347: {  	v17 =	vor.u32 $0x5, v3;
	v11 =	vld.idx.msk [tilespmem:v11+s16+$0x0], $0xffff  }
0x348: {  	v18 =	vor.u32 $0x5, v4;
	v13 =	vld.idx.msk [tilespmem:v13+s18+$0x0], $0xffff  }
0x349: {  	v6 =	vadd.f32 v6, v7;
	v7 =	vmul.f32 v12, v10;
	v12 =	vor.u32 $0x6, v3;
	v10 =	vld.idx.msk [tilespmem:v14+s16+$0x0], $0xffff  }
0x34a: {  	v14 =	vld.idx.msk [tilespmem:v15+s18+$0x0], $0xffff;
	v15 =	vor.u32 $0x6, v4  }
0x34b: {  	v6 =	vadd.f32 v7, v6;
	v5 =	vmul.f32 v8, v5;
	v8 =	vor.u32 $0x7, v3;
	v7 =	vld.idx.msk [tilespmem:v16+s16+$0x0], $0xffff  }
0x34c: {  	v16 =	vld.idx.msk [tilespmem:v17+s18+$0x0], $0xffff;
	v17 =	vor.u32 $0x7, v4  }
0x34d: {  	v5 =	vadd.f32 v5, v6;
	v6 =	vmul.f32 v11, v9;
	v11 =	vor.u32 $0x8, v3;
	v9 =	vld.idx.msk [tilespmem:v18+s16+$0x0], $0xffff  }
0x34e: {  	v18 =	vor.u32 $0x8, v4;
	v12 =	vld.idx.msk [tilespmem:v12+s18+$0x0], $0xffff  }
0x34f: {  	v5 =	vadd.f32 v6, v5;
	v6 =	vmul.f32 v10, v13;
	v13 =	vor.u32 $0x9, v3;
	v10 =	vld.idx.msk [tilespmem:v15+s16+$0x0], $0xffff  }
0x350: {  	v15 =	vor.u32 $0x9, v4;
	v8 =	vld.idx.msk [tilespmem:v8+s18+$0x0], $0xffff  }
0x351: {  	v5 =	vadd.f32 v6, v5;
	v6 =	vmul.f32 v7, v14;
	v14 =	vor.u32 $0xA, v3;
	v7 =	vld.idx.msk [tilespmem:v17+s16+$0x0], $0xffff  }
0x352: {  	v17 =	vor.u32 $0xA, v4;
	v11 =	vld.idx.msk [tilespmem:v11+s18+$0x0], $0xffff  }
0x353: {  	v5 =	vadd.f32 v6, v5;
	v6 =	vmul.f32 v9, v16;
	v16 =	vor.u32 $0xB, v3;
	v9 =	vld.idx.msk [tilespmem:v18+s16+$0x0], $0xffff  }
0x354: {  	v18 =	vor.u32 $0xB, v4;
	v13 =	vld.idx.msk [tilespmem:v13+s18+$0x0], $0xffff  }
0x355: {  	v5 =	vadd.f32 v6, v5;
	v6 =	vmul.f32 v10, v12;
	v12 =	vor.u32 $0xC, v3;
	v10 =	vld.idx.msk [tilespmem:v15+s16+$0x0], $0xffff  }
0x356: {  	v15 =	vor.u32 $0xC, v4;
	v14 =	vld.idx.msk [tilespmem:v14+s18+$0x0], $0xffff  }
0x357: {  	v5 =	vadd.f32 v6, v5;
	v6 =	vmul.f32 v7, v8;
	v8 =	vor.u32 $0xD, v3;
	v7 =	vld.idx.msk [tilespmem:v17+s16+$0x0], $0xffff  }
0x358: {  	v17 =	vor.u32 $0xD, v4;
	v16 =	vld.idx.msk [tilespmem:v16+s18+$0x0], $0xffff  }
0x359: {  	v5 =	vadd.f32 v6, v5;
	v6 =	vmul.f32 v9, v11;
	v11 =	vor.u32 $0xE, v3;
	v9 =	vld.idx.msk [tilespmem:v18+s16+$0x0], $0xffff  }
0x35a: {  	v18 =	vor.u32 $0xE, v4;
	v12 =	vld.idx.msk [tilespmem:v12+s18+$0x0], $0xffff  }
0x35b: {  	v5 =	vadd.f32 v6, v5;
	v6 =	vmul.f32 v10, v13;
	v13 =	vor.u32 $0xF, v3;
	v10 =	vld.idx.msk [tilespmem:v15+s16+$0x0], $0xffff  }
0x35c: {  	v15 =	vor.u32 $0xF, v4;
	v8 =	vld.idx.msk [tilespmem:v8+s18+$0x0], $0xffff  }
0x35d: {  	v5 =	vadd.f32 v6, v5;
	v6 =	vmul.f32 v7, v14;
	v14 =	vor.u32 $0x10, v3;
	v7 =	vld.idx.msk [tilespmem:v17+s16+$0x0], $0xffff  }
0x35e: {  	v17 =	vor.u32 $0x10, v4;
	v11 =	vld.idx.msk [tilespmem:v11+s18+$0x0], $0xffff  }
0x35f: {  	v5 =	vadd.f32 v6, v5;
	v6 =	vmul.f32 v9, v16;
	v16 =	vor.u32 $0x11, v3;
	v9 =	vld.idx.msk [tilespmem:v18+s16+$0x0], $0xffff  }
0x360: {  	v18 =	vor.u32 $0x11, v4;
	v13 =	vld.idx.msk [tilespmem:v13+s18+$0x0], $0xffff  }
0x361: {  	v5 =	vadd.f32 v6, v5;
	v6 =	vmul.f32 v10, v12;
	v12 =	vor.u32 $0x12, v3;
	v10 =	vld.idx.msk [tilespmem:v15+s16+$0x0], $0xffff  }
0x362: {  	v15 =	vor.u32 $0x12, v4;
	v14 =	vld.idx.msk [tilespmem:v14+s18+$0x0], $0xffff  }
0x363: {  	v5 =	vadd.f32 v6, v5;
	v6 =	vmul.f32 v7, v8;
	v8 =	vor.u32 $0x13, v3;
	v7 =	vld.idx.msk [tilespmem:v17+s16+$0x0], $0xffff  }
0x364: {  	v17 =	vor.u32 $0x13, v4;
	v16 =	vld.idx.msk [tilespmem:v16+s18+$0x0], $0xffff  }
0x365: {  	v5 =	vadd.f32 v6, v5;
	v6 =	vmul.f32 v9, v11;
	v11 =	vor.u32 $0x14, v3;
	v9 =	vld.idx.msk [tilespmem:v18+s16+$0x0], $0xffff  }
0x366: {  	v18 =	vor.u32 $0x14, v4;
	v12 =	vld.idx.msk [tilespmem:v12+s18+$0x0], $0xffff  }
0x367: {  	v5 =	vadd.f32 v6, v5;
	v6 =	vmul.f32 v10, v13;
	v13 =	vor.u32 $0x15, v3;
	v10 =	vld.idx.msk [tilespmem:v15+s16+$0x0], $0xffff  }
0x368: {  	v15 =	vor.u32 $0x15, v4;
	v8 =	vld.idx.msk [tilespmem:v8+s18+$0x0], $0xffff  }
0x369: {  	v5 =	vadd.f32 v6, v5;
	v6 =	vmul.f32 v7, v14;
	v14 =	vor.u32 $0x16, v3;
	v7 =	vld.idx.msk [tilespmem:v17+s16+$0x0], $0xffff  }
0x36a: {  	v17 =	vor.u32 $0x16, v4;
	v11 =	vld.idx.msk [tilespmem:v11+s18+$0x0], $0xffff  }
0x36b: {  	v5 =	vadd.f32 v6, v5;
	v6 =	vmul.f32 v9, v16;
	v16 =	vor.u32 $0x17, v3;
	v9 =	vld.idx.msk [tilespmem:v18+s16+$0x0], $0xffff  }
0x36c: {  	v18 =	vor.u32 $0x17, v4;
	v13 =	vld.idx.msk [tilespmem:v13+s18+$0x0], $0xffff  }
0x36d: {  	v5 =	vadd.f32 v6, v5;
	v6 =	vmul.f32 v10, v12;
	v12 =	vor.u32 $0x18, v3;
	v10 =	vld.idx.msk [tilespmem:v15+s16+$0x0], $0xffff  }
0x36e: {  	v15 =	vor.u32 $0x18, v4;
	v14 =	vld.idx.msk [tilespmem:v14+s18+$0x0], $0xffff  }
0x36f: {  	v5 =	vadd.f32 v6, v5;
	v6 =	vmul.f32 v7, v8;
	v8 =	vor.u32 $0x19, v3;
	v7 =	vld.idx.msk [tilespmem:v17+s16+$0x0], $0xffff  }
0x370: {  	v17 =	vor.u32 $0x19, v4;
	v16 =	vld.idx.msk [tilespmem:v16+s18+$0x0], $0xffff  }
0x371: {  	v5 =	vadd.f32 v6, v5;
	v6 =	vmul.f32 v9, v11;
	v11 =	vor.u32 $0x1A, v3;
	v9 =	vld.idx.msk [tilespmem:v18+s16+$0x0], $0xffff  }
0x372: {  	v18 =	vor.u32 $0x1A, v4;
	v12 =	vld.idx.msk [tilespmem:v12+s18+$0x0], $0xffff  }
0x373: {  	v5 =	vadd.f32 v6, v5;
	v6 =	vmul.f32 v10, v13;
	v13 =	vor.u32 $0x1B, v3;
	v10 =	vld.idx.msk [tilespmem:v15+s16+$0x0], $0xffff  }
0x374: {  	v15 =	vor.u32 $0x1B, v4;
	v8 =	vld.idx.msk [tilespmem:v8+s18+$0x0], $0xffff  }
0x375: {  	v5 =	vadd.f32 v6, v5;
	v6 =	vmul.f32 v7, v14;
	v14 =	vor.u32 $0x1C, v3;
	v7 =	vld.idx.msk [tilespmem:v17+s16+$0x0], $0xffff  }
0x376: {  	v17 =	vor.u32 $0x1C, v4;
	v11 =	vld.idx.msk [tilespmem:v11+s18+$0x0], $0xffff  }
0x377: {  	v5 =	vadd.f32 v6, v5;
	v6 =	vmul.f32 v9, v16;
	v16 =	vor.u32 $0x1D, v3;
	v9 =	vld.idx.msk [tilespmem:v18+s16+$0x0], $0xffff  }
0x378: {  	v18 =	vor.u32 $0x1D, v4;
	v13 =	vld.idx.msk [tilespmem:v13+s18+$0x0], $0xffff  }
0x379: {  	v5 =	vadd.f32 v6, v5;
	v6 =	vmul.f32 v10, v12;
	v12 =	vor.u32 $0x1E, v3;
	v10 =	vld.idx.msk [tilespmem:v15+s16+$0x0], $0xffff  }
0x37a: {  	v15 =	vor.u32 $0x1E, v4;
	v14 =	vld.idx.msk [tilespmem:v14+s18+$0x0], $0xffff  }
0x37b: {  	v3 =	vor.u32 $0x1F, v3;
	v5 =	vadd.f32 v6, v5;
	v6 =	vmul.f32 v7, v8;
	v7 =	vld.idx.msk [tilespmem:v17+s16+$0x0], $0xffff  }
0x37c: {  	v8 =	vor.u32 $0x1F, v4;
	v16 =	vld.idx.msk [tilespmem:v16+s18+$0x0], $0xffff  }
0x37d: {  	v5 =	vadd.f32 v6, v5;
	v6 =	vmul.f32 v9, v11;
	v9 =	vld.idx.msk [tilespmem:v18+s16+$0x0], $0xffff  }
0x37e: {  	v4 =	vld.idx.msk [tilespmem:v12+s18+$0x0], $0xffff  }
.Ltmp4:
0x37f: {  	v6 =	vadd.f32 v6, v5;
	v10 =	vmul.f32 v10, v13;
	v5 =	vld.idx.msk [tilespmem:v15+s16+$0x0], $0xffff;
	(pc) =	sbr.rel @p0 .LBB2_10-.Ltmp4, $4  }
0x380: {  	v3 =	vld.idx.msk [tilespmem:v3+s18+$0x0], $0xffff  }
0x381: {  	s5 =	sadd.s32 s1, s13;
	v10 =	vadd.f32 v10, v6;
	v11 =	vmul.f32 v7, v14;
	v6 =	vld.idx.msk [tilespmem:v8+s16+$0x0], $0xffff  }
0x382: {  	v7 =	vor.u32 s5, v0  }
0x383: {  	s5 =	sadd.s32 $0x6000, s0;
	s0 =	smov.u32 s1;
	s1 =	sadd.s32 $0x10, s1;
	v7 =	vmulhi.u32 $0x51EB851F, v7;
	v8 =	vadd.f32 v11, v10;
	v9 =	vmul.f32 v9, v16  }
0x384: {  	_ = 	snop  }
0x385: {  	v10 =	vor.u32 s0, v0;
	v4 =	vmul.f32 v5, v4;
	v8 =	vadd.f32 v9, v8  }
0x386: {  	v11 =	vor.u32 s5, v0;
	v7 =	vshrl.u32 v7, $0x4;
	v9 =	vand.u32 v2, v10  }
0x387: {  	v5 =	vsub.s32 v7, v1;
	v6 =	vmul.f32 v6, v3;
	v4 =	vadd.f32 v4, v8  }
0x388: {  	v7 =	vand.u32 $0x7, v7;
	v3 =	vshll.u32 v10, $0x5;
	v12 =	vand.u32 $0xFFFFFFF8, v5  }
0x389: {  	v7 =	vor.u32 v7, v12;
	v6 =	vadd.f32 v6, v4  }
0x38a: {  	v4 =	vshll.u32 v5, $0x5  }
0x38b: {  	v5 =	vor.u32 $0x1, v3;
	[tilespmem:v11+s23+$0x0] =	vst.idx.msk $0xffff, v6  }
0x38c: {  	v8 =	vor.u32 $0x1, v4;
	v6 =	vld.idx.msk [tilespmem:v9+s19+$0x0], $0xffff  }
0x38d: {  	v11 =	vor.u32 $0x2, v4;
	v10 =	vld.idx.msk [tilespmem:v3+s18+$0x0], $0xffff  }
0x38e: {  	v9 =	vor.u32 $0x2, v3;
	v7 =	vld.idx.msk [tilespmem:v7+s17+$0x0], $0xffff  }
0x38f: {  	v13 =	vor.u32 $0x3, v3;
	v55 =	vld.idx.msk [tilespmem:v4+s16+$0x0], $0xffff  }
0x390: {  	v14 =	vor.u32 $0x3, v4;
	v5 =	vld.idx.msk [tilespmem:v5+s18+$0x0], $0xffff  }
0x391: {  	v15 =	vor.u32 $0x4, v3;
	v8 =	vld.idx.msk [tilespmem:v8+s16+$0x0], $0xffff  }
0x392: {  	v16 =	vor.u32 $0x4, v4;
	v11 =	vld.idx.msk [tilespmem:v11+s16+$0x0], $0xffff  }
0x393: {  	v17 =	vor.u32 $0x5, v3;
	v9 =	vld.idx.msk [tilespmem:v9+s18+$0x0], $0xffff  }
0x394: {  	v18 =	vor.u32 $0x5, v4;
	v13 =	vld.idx.msk [tilespmem:v13+s18+$0x0], $0xffff;
	v6 =	vadd.f32 v6, v7;
	v7 =	vmul.f32 v55, v10  }
0x395: {  	v56 =	vor.u32 $0x6, v3;
	v10 =	vld.idx.msk [tilespmem:v14+s16+$0x0], $0xffff  }
0x396: {  	v58 =	vor.u32 $0x6, v4;
	v57 =	vld.idx.msk [tilespmem:v15+s18+$0x0], $0xffff;
	v5 =	vmul.f32 v8, v5;
	v6 =	vadd.f32 v7, v6  }
0x397: {  	v8 =	vor.u32 $0x7, v3;
	v7 =	vld.idx.msk [tilespmem:v16+s16+$0x0], $0xffff  }
0x398: {  	v60 =	vor.u32 $0x7, v4;
	v59 =	vld.idx.msk [tilespmem:v17+s18+$0x0], $0xffff;
	v5 =	vadd.f32 v5, v6;
	v6 =	vmul.f32 v11, v9  }
0x399: {  	v9 =	vld.idx.msk [tilespmem:v18+s16+$0x0], $0xffff;
	v11 =	vor.u32 $0x8, v3  }
0x39a: {  	v61 =	vor.u32 $0x8, v4;
	v12 =	vld.idx.msk [tilespmem:v56+s18+$0x0], $0xffff;
	v5 =	vadd.f32 v6, v5;
	v6 =	vmul.f32 v10, v13  }
0x39b: {  	v62 =	vor.u32 $0x9, v3;
	v10 =	vld.idx.msk [tilespmem:v58+s16+$0x0], $0xffff  }
0x39c: {  	v63 =	vor.u32 $0x9, v4;
	v8 =	vld.idx.msk [tilespmem:v8+s18+$0x0], $0xffff;
	v5 =	vadd.f32 v6, v5;
	v6 =	vmul.f32 v7, v57  }
0x39d: {  	v21 =	vor.u32 $0xA, v3;
	v7 =	vld.idx.msk [tilespmem:v60+s16+$0x0], $0xffff  }
0x39e: {  	v22 =	vor.u32 $0xA, v4;
	v11 =	vld.idx.msk [tilespmem:v11+s18+$0x0], $0xffff;
	v5 =	vadd.f32 v6, v5;
	v6 =	vmul.f32 v9, v59  }
0x39f: {  	v23 =	vor.u32 $0xB, v3;
	v9 =	vld.idx.msk [tilespmem:v61+s16+$0x0], $0xffff  }
0x3a0: {  	v24 =	vor.u32 $0xB, v4;
	v13 =	vld.idx.msk [tilespmem:v62+s18+$0x0], $0xffff;
	v5 =	vadd.f32 v6, v5;
	v6 =	vmul.f32 v10, v12  }
0x3a1: {  	v25 =	vor.u32 $0xC, v3;
	v10 =	vld.idx.msk [tilespmem:v63+s16+$0x0], $0xffff  }
0x3a2: {  	v26 =	vor.u32 $0xC, v4;
	v14 =	vld.idx.msk [tilespmem:v21+s18+$0x0], $0xffff;
	v5 =	vadd.f32 v6, v5;
	v6 =	vmul.f32 v7, v8  }
0x3a3: {  	v7 =	vld.idx.msk [tilespmem:v22+s16+$0x0], $0xffff;
	v8 =	vor.u32 $0xD, v3  }
0x3a4: {  	v27 =	vor.u32 $0xD, v4;
	v16 =	vld.idx.msk [tilespmem:v23+s18+$0x0], $0xffff;
	v5 =	vadd.f32 v6, v5;
	v6 =	vmul.f32 v9, v11  }
0x3a5: {  	v9 =	vld.idx.msk [tilespmem:v24+s16+$0x0], $0xffff;
	v11 =	vor.u32 $0xE, v3  }
0x3a6: {  	v28 =	vor.u32 $0xE, v4;
	v12 =	vld.idx.msk [tilespmem:v25+s18+$0x0], $0xffff;
	v5 =	vadd.f32 v6, v5;
	v6 =	vmul.f32 v10, v13  }
0x3a7: {  	v29 =	vor.u32 $0xF, v3;
	v10 =	vld.idx.msk [tilespmem:v26+s16+$0x0], $0xffff  }
0x3a8: {  	v30 =	vor.u32 $0xF, v4;
	v8 =	vld.idx.msk [tilespmem:v8+s18+$0x0], $0xffff;
	v5 =	vadd.f32 v6, v5;
	v6 =	vmul.f32 v7, v14  }
0x3a9: {  	v31 =	vor.u32 $0x10, v3;
	v7 =	vld.idx.msk [tilespmem:v27+s16+$0x0], $0xffff  }
0x3aa: {  	v32 =	vor.u32 $0x10, v4;
	v11 =	vld.idx.msk [tilespmem:v11+s18+$0x0], $0xffff;
	v5 =	vadd.f32 v6, v5;
	v6 =	vmul.f32 v9, v16  }
0x3ab: {  	v33 =	vor.u32 $0x11, v3;
	v9 =	vld.idx.msk [tilespmem:v28+s16+$0x0], $0xffff  }
0x3ac: {  	v34 =	vor.u32 $0x11, v4;
	v13 =	vld.idx.msk [tilespmem:v29+s18+$0x0], $0xffff;
	v5 =	vadd.f32 v6, v5;
	v6 =	vmul.f32 v10, v12  }
0x3ad: {  	v35 =	vor.u32 $0x12, v3;
	v10 =	vld.idx.msk [tilespmem:v30+s16+$0x0], $0xffff  }
0x3ae: {  	v36 =	vor.u32 $0x12, v4;
	v14 =	vld.idx.msk [tilespmem:v31+s18+$0x0], $0xffff;
	v5 =	vadd.f32 v6, v5;
	v6 =	vmul.f32 v7, v8  }
0x3af: {  	v7 =	vld.idx.msk [tilespmem:v32+s16+$0x0], $0xffff;
	v8 =	vor.u32 $0x13, v3  }
0x3b0: {  	v37 =	vor.u32 $0x13, v4;
	v16 =	vld.idx.msk [tilespmem:v33+s18+$0x0], $0xffff;
	v5 =	vadd.f32 v6, v5;
	v6 =	vmul.f32 v9, v11  }
0x3b1: {  	v9 =	vld.idx.msk [tilespmem:v34+s16+$0x0], $0xffff;
	v11 =	vor.u32 $0x14, v3  }
0x3b2: {  	v38 =	vor.u32 $0x14, v4;
	v12 =	vld.idx.msk [tilespmem:v35+s18+$0x0], $0xffff;
	v5 =	vadd.f32 v6, v5;
	v6 =	vmul.f32 v10, v13  }
0x3b3: {  	v39 =	vor.u32 $0x15, v3;
	v10 =	vld.idx.msk [tilespmem:v36+s16+$0x0], $0xffff  }
0x3b4: {  	v40 =	vor.u32 $0x15, v4;
	v8 =	vld.idx.msk [tilespmem:v8+s18+$0x0], $0xffff;
	v5 =	vadd.f32 v6, v5;
	v6 =	vmul.f32 v7, v14  }
0x3b5: {  	v41 =	vor.u32 $0x16, v3;
	v7 =	vld.idx.msk [tilespmem:v37+s16+$0x0], $0xffff  }
0x3b6: {  	v42 =	vor.u32 $0x16, v4;
	v11 =	vld.idx.msk [tilespmem:v11+s18+$0x0], $0xffff;
	v5 =	vadd.f32 v6, v5;
	v6 =	vmul.f32 v9, v16  }
0x3b7: {  	v43 =	vor.u32 $0x17, v3;
	v9 =	vld.idx.msk [tilespmem:v38+s16+$0x0], $0xffff  }
0x3b8: {  	v44 =	vor.u32 $0x17, v4;
	v13 =	vld.idx.msk [tilespmem:v39+s18+$0x0], $0xffff;
	v5 =	vadd.f32 v6, v5;
	v6 =	vmul.f32 v10, v12  }
0x3b9: {  	v45 =	vor.u32 $0x18, v3;
	v10 =	vld.idx.msk [tilespmem:v40+s16+$0x0], $0xffff  }
0x3ba: {  	v46 =	vor.u32 $0x18, v4;
	v14 =	vld.idx.msk [tilespmem:v41+s18+$0x0], $0xffff;
	v5 =	vadd.f32 v6, v5;
	v6 =	vmul.f32 v7, v8  }
0x3bb: {  	v7 =	vld.idx.msk [tilespmem:v42+s16+$0x0], $0xffff;
	v8 =	vor.u32 $0x19, v3  }
0x3bc: {  	v47 =	vor.u32 $0x19, v4;
	v16 =	vld.idx.msk [tilespmem:v43+s18+$0x0], $0xffff;
	v5 =	vadd.f32 v6, v5;
	v6 =	vmul.f32 v9, v11  }
0x3bd: {  	v9 =	vld.idx.msk [tilespmem:v44+s16+$0x0], $0xffff;
	v11 =	vor.u32 $0x1A, v3  }
0x3be: {  	v48 =	vor.u32 $0x1A, v4;
	v12 =	vld.idx.msk [tilespmem:v45+s18+$0x0], $0xffff;
	v5 =	vadd.f32 v6, v5;
	v6 =	vmul.f32 v10, v13  }
0x3bf: {  	v49 =	vor.u32 $0x1B, v3;
	v10 =	vld.idx.msk [tilespmem:v46+s16+$0x0], $0xffff  }
0x3c0: {  	v50 =	vor.u32 $0x1B, v4;
	v8 =	vld.idx.msk [tilespmem:v8+s18+$0x0], $0xffff;
	v5 =	vadd.f32 v6, v5;
	v6 =	vmul.f32 v7, v14  }
0x3c1: {  	v51 =	vor.u32 $0x1C, v3;
	v7 =	vld.idx.msk [tilespmem:v47+s16+$0x0], $0xffff  }
0x3c2: {  	v52 =	vor.u32 $0x1C, v4;
	v11 =	vld.idx.msk [tilespmem:v11+s18+$0x0], $0xffff;
	v5 =	vadd.f32 v6, v5;
	v6 =	vmul.f32 v9, v16  }
0x3c3: {  	v53 =	vor.u32 $0x1D, v3;
	v9 =	vld.idx.msk [tilespmem:v48+s16+$0x0], $0xffff  }
0x3c4: {  	v54 =	vor.u32 $0x1D, v4;
	v13 =	vld.idx.msk [tilespmem:v49+s18+$0x0], $0xffff;
	v5 =	vadd.f32 v6, v5;
	v6 =	vmul.f32 v10, v12  }
0x3c5: {  	v55 =	vor.u32 $0x1E, v3;
	v10 =	vld.idx.msk [tilespmem:v50+s16+$0x0], $0xffff  }
0x3c6: {  	v56 =	vor.u32 $0x1E, v4;
	v14 =	vld.idx.msk [tilespmem:v51+s18+$0x0], $0xffff;
	v5 =	vadd.f32 v6, v5;
	v6 =	vmul.f32 v7, v8  }
0x3c7: {  	v4 =	vor.u32 $0x1F, v4;
	v7 =	vld.idx.msk [tilespmem:v52+s16+$0x0], $0xffff  }
0x3c8: {  	v3 =	vor.u32 $0x1F, v3;
	v8 =	vld.idx.msk [tilespmem:v53+s18+$0x0], $0xffff;
	v5 =	vadd.f32 v6, v5;
	v6 =	vmul.f32 v9, v11  }
0x3c9: {  	v9 =	vld.idx.msk [tilespmem:v54+s16+$0x0], $0xffff  }
0x3ca: {  	v11 =	vld.idx.msk [tilespmem:v55+s18+$0x0], $0xffff;
	v5 =	vadd.f32 v6, v5;
	v6 =	vmul.f32 v10, v13  }
0x3cb: {  	v10 =	vld.idx.msk [tilespmem:v56+s16+$0x0], $0xffff  }
0x3cc: {  	v4 =	vld.idx.msk [tilespmem:v4+s16+$0x0], $0xffff;
	v5 =	vadd.f32 v6, v5;
	v6 =	vmul.f32 v7, v14  }
0x3cd: {  	v3 =	vld.idx.msk [tilespmem:v3+s18+$0x0], $0xffff  }
0x3ce: {  	v5 =	vadd.f32 v6, v5;
	v6 =	vmul.f32 v9, v8;
	_ =	sdelay $0x1  }
0x3cf: {  	s10 =	sadd.s32 $0x6000, s0;
	v5 =	vadd.f32 v6, v5;
	v6 =	vmul.f32 v10, v11  }
0x3d0: {  	v7 =	vor.u32 s10, v0  }
0x3d1: {  	v3 =	vmul.f32 v4, v3;
	v5 =	vadd.f32 v6, v5  }
0x3d2: {  	s11 =	sadd.s32 $0x0, s14  }
0x3d3: {  	v4 =	vor.u32 s11, v0;
	v3 =	vadd.f32 v3, v5  }
0x3d4: {  	v4 =	vmulhi.u32 $0x51EB851F, v4  }
0x3d5: {  	s12 =	simm.s32 $0x0;
	[tilespmem:v7+s23+$0x0] =	vst.idx.msk $0xffff, v3  }
0x3d6: {  	v3 =	vshrl.u32 v4, $0x4;
	v4 =	vor.u32 s12, v0;
	_ =	swait.ge [sflag:s28], $0x4000  }
0x3d7: {  	v5 =	vsub.s32 v3, v1;
	v6 =	vand.u32 v2, v4;
	[sflag:s28] =	ssyncset.done $0x0  }
0x3d8: {  	v3 =	vand.u32 $0x7, v3;
	v4 =	vshll.u32 v4, $0x5;
	v7 =	vand.u32 $0xFFFFFFF8, v5;
	[sflag:s28] =	ssyncadd.s32 $0xFFFFC000  }
0x3d9: {  	v7 =	vor.u32 v3, v7;
	_ =	swait.ge [sflag:s28], $0x200  }
0x3da: {  	v3 =	vshll.u32 v5, $0x5;
	[sflag:s28] =	ssyncset.done $0x0  }
0x3db: {  	v5 =	vor.u32 $0x1, v4;
	[sflag:s28] =	ssyncadd.s32 $0xFFFFFE00  }
0x3dc: {  	v8 =	vor.u32 $0x1, v3;
	v6 =	vld.idx.msk [tilespmem:v6+s21+$0x0], $0xffff  }
0x3dd: {  	v9 =	vor.u32 $0x2, v4;
	v10 =	vld.idx.msk [tilespmem:v4+s20+$0x0], $0xffff  }
0x3de: {  	v11 =	vor.u32 $0x2, v3;
	v7 =	vld.idx.msk [tilespmem:v7+s17+$0x0], $0xffff  }
0x3df: {  	v58 =	vor.u32 $0x3, v4;
	v57 =	vld.idx.msk [tilespmem:v3+s16+$0x0], $0xffff  }
0x3e0: {  	v59 =	vor.u32 $0x3, v3;
	v5 =	vld.idx.msk [tilespmem:v5+s20+$0x0], $0xffff  }
0x3e1: {  	v60 =	vor.u32 $0x4, v4;
	v8 =	vld.idx.msk [tilespmem:v8+s16+$0x0], $0xffff  }
0x3e2: {  	v61 =	vor.u32 $0x4, v3;
	v9 =	vld.idx.msk [tilespmem:v9+s20+$0x0], $0xffff  }
0x3e3: {  	v62 =	vor.u32 $0x5, v4;
	v11 =	vld.idx.msk [tilespmem:v11+s16+$0x0], $0xffff  }
0x3e4: {  	v63 =	vor.u32 $0x5, v3;
	v13 =	vld.idx.msk [tilespmem:v58+s20+$0x0], $0xffff;
	v6 =	vadd.f32 v6, v7;
	v7 =	vmul.f32 v57, v10  }
0x3e5: {  	v20 =	vor.u32 $0x6, v4;
	v10 =	vld.idx.msk [tilespmem:v59+s16+$0x0], $0xffff  }
0x3e6: {  	v22 =	vor.u32 $0x6, v3;
	v21 =	vld.idx.msk [tilespmem:v60+s20+$0x0], $0xffff;
	v5 =	vmul.f32 v8, v5;
	v6 =	vadd.f32 v7, v6  }
0x3e7: {  	v8 =	vor.u32 $0x7, v4;
	v7 =	vld.idx.msk [tilespmem:v61+s16+$0x0], $0xffff  }
0x3e8: {  	v24 =	vor.u32 $0x7, v3;
	v23 =	vld.idx.msk [tilespmem:v62+s20+$0x0], $0xffff;
	v5 =	vadd.f32 v5, v6;
	v6 =	vmul.f32 v11, v9  }
0x3e9: {  	v9 =	vld.idx.msk [tilespmem:v63+s16+$0x0], $0xffff;
	v11 =	vor.u32 $0x8, v4  }
0x3ea: {  	v25 =	vor.u32 $0x8, v3;
	v12 =	vld.idx.msk [tilespmem:v20+s20+$0x0], $0xffff;
	v5 =	vadd.f32 v6, v5;
	v6 =	vmul.f32 v10, v13  }
0x3eb: {  	v26 =	vor.u32 $0x9, v4;
	v10 =	vld.idx.msk [tilespmem:v22+s16+$0x0], $0xffff  }
0x3ec: {  	v27 =	vor.u32 $0x9, v3;
	v8 =	vld.idx.msk [tilespmem:v8+s20+$0x0], $0xffff;
	v5 =	vadd.f32 v6, v5;
	v6 =	vmul.f32 v7, v21  }
0x3ed: {  	v28 =	vor.u32 $0xA, v4;
	v7 =	vld.idx.msk [tilespmem:v24+s16+$0x0], $0xffff  }
0x3ee: {  	v29 =	vor.u32 $0xA, v3;
	v11 =	vld.idx.msk [tilespmem:v11+s20+$0x0], $0xffff;
	v5 =	vadd.f32 v6, v5;
	v6 =	vmul.f32 v9, v23  }
0x3ef: {  	v30 =	vor.u32 $0xB, v4;
	v9 =	vld.idx.msk [tilespmem:v25+s16+$0x0], $0xffff  }
0x3f0: {  	v31 =	vor.u32 $0xB, v3;
	v13 =	vld.idx.msk [tilespmem:v26+s20+$0x0], $0xffff;
	v5 =	vadd.f32 v6, v5;
	v6 =	vmul.f32 v10, v12  }
0x3f1: {  	v32 =	vor.u32 $0xC, v4;
	v10 =	vld.idx.msk [tilespmem:v27+s16+$0x0], $0xffff  }
0x3f2: {  	v33 =	vor.u32 $0xC, v3;
	v14 =	vld.idx.msk [tilespmem:v28+s20+$0x0], $0xffff;
	v5 =	vadd.f32 v6, v5;
	v6 =	vmul.f32 v7, v8  }
0x3f3: {  	v7 =	vld.idx.msk [tilespmem:v29+s16+$0x0], $0xffff;
	v8 =	vor.u32 $0xD, v4  }
0x3f4: {  	v34 =	vor.u32 $0xD, v3;
	v16 =	vld.idx.msk [tilespmem:v30+s20+$0x0], $0xffff;
	v5 =	vadd.f32 v6, v5;
	v6 =	vmul.f32 v9, v11  }
0x3f5: {  	v9 =	vld.idx.msk [tilespmem:v31+s16+$0x0], $0xffff;
	v11 =	vor.u32 $0xE, v4  }
0x3f6: {  	v35 =	vor.u32 $0xE, v3;
	v12 =	vld.idx.msk [tilespmem:v32+s20+$0x0], $0xffff;
	v5 =	vadd.f32 v6, v5;
	v6 =	vmul.f32 v10, v13  }
0x3f7: {  	v36 =	vor.u32 $0xF, v4;
	v10 =	vld.idx.msk [tilespmem:v33+s16+$0x0], $0xffff  }
0x3f8: {  	v37 =	vor.u32 $0xF, v3;
	v8 =	vld.idx.msk [tilespmem:v8+s20+$0x0], $0xffff;
	v5 =	vadd.f32 v6, v5;
	v6 =	vmul.f32 v7, v14  }
0x3f9: {  	v38 =	vor.u32 $0x10, v4;
	v7 =	vld.idx.msk [tilespmem:v34+s16+$0x0], $0xffff  }
0x3fa: {  	v39 =	vor.u32 $0x10, v3;
	v11 =	vld.idx.msk [tilespmem:v11+s20+$0x0], $0xffff;
	v5 =	vadd.f32 v6, v5;
	v6 =	vmul.f32 v9, v16  }
0x3fb: {  	v40 =	vor.u32 $0x11, v4;
	v9 =	vld.idx.msk [tilespmem:v35+s16+$0x0], $0xffff  }
0x3fc: {  	v41 =	vor.u32 $0x11, v3;
	v13 =	vld.idx.msk [tilespmem:v36+s20+$0x0], $0xffff;
	v5 =	vadd.f32 v6, v5;
	v6 =	vmul.f32 v10, v12  }
0x3fd: {  	v42 =	vor.u32 $0x12, v4;
	v10 =	vld.idx.msk [tilespmem:v37+s16+$0x0], $0xffff  }
0x3fe: {  	v43 =	vor.u32 $0x12, v3;
	v14 =	vld.idx.msk [tilespmem:v38+s20+$0x0], $0xffff;
	v5 =	vadd.f32 v6, v5;
	v6 =	vmul.f32 v7, v8  }
0x3ff: {  	v7 =	vld.idx.msk [tilespmem:v39+s16+$0x0], $0xffff;
	v8 =	vor.u32 $0x13, v4  }
0x400: {  	v44 =	vor.u32 $0x13, v3;
	v16 =	vld.idx.msk [tilespmem:v40+s20+$0x0], $0xffff;
	v5 =	vadd.f32 v6, v5;
	v6 =	vmul.f32 v9, v11  }
0x401: {  	v9 =	vld.idx.msk [tilespmem:v41+s16+$0x0], $0xffff;
	v11 =	vor.u32 $0x14, v4  }
0x402: {  	v45 =	vor.u32 $0x14, v3;
	v12 =	vld.idx.msk [tilespmem:v42+s20+$0x0], $0xffff;
	v5 =	vadd.f32 v6, v5;
	v6 =	vmul.f32 v10, v13  }
0x403: {  	v46 =	vor.u32 $0x15, v4;
	v10 =	vld.idx.msk [tilespmem:v43+s16+$0x0], $0xffff  }
0x404: {  	v47 =	vor.u32 $0x15, v3;
	v8 =	vld.idx.msk [tilespmem:v8+s20+$0x0], $0xffff;
	v5 =	vadd.f32 v6, v5;
	v6 =	vmul.f32 v7, v14  }
0x405: {  	v48 =	vor.u32 $0x16, v4;
	v7 =	vld.idx.msk [tilespmem:v44+s16+$0x0], $0xffff  }
0x406: {  	v49 =	vor.u32 $0x16, v3;
	v11 =	vld.idx.msk [tilespmem:v11+s20+$0x0], $0xffff;
	v5 =	vadd.f32 v6, v5;
	v6 =	vmul.f32 v9, v16  }
0x407: {  	v50 =	vor.u32 $0x17, v4;
	v9 =	vld.idx.msk [tilespmem:v45+s16+$0x0], $0xffff  }
0x408: {  	v51 =	vor.u32 $0x17, v3;
	v13 =	vld.idx.msk [tilespmem:v46+s20+$0x0], $0xffff;
	v5 =	vadd.f32 v6, v5;
	v6 =	vmul.f32 v10, v12  }
0x409: {  	v52 =	vor.u32 $0x18, v4;
	v10 =	vld.idx.msk [tilespmem:v47+s16+$0x0], $0xffff  }
0x40a: {  	v53 =	vor.u32 $0x18, v3;
	v14 =	vld.idx.msk [tilespmem:v48+s20+$0x0], $0xffff;
	v5 =	vadd.f32 v6, v5;
	v6 =	vmul.f32 v7, v8  }
0x40b: {  	v7 =	vld.idx.msk [tilespmem:v49+s16+$0x0], $0xffff;
	v8 =	vor.u32 $0x19, v4  }
0x40c: {  	v54 =	vor.u32 $0x19, v3;
	v16 =	vld.idx.msk [tilespmem:v50+s20+$0x0], $0xffff;
	v5 =	vadd.f32 v6, v5;
	v6 =	vmul.f32 v9, v11  }
0x40d: {  	v9 =	vld.idx.msk [tilespmem:v51+s16+$0x0], $0xffff;
	v11 =	vor.u32 $0x1A, v4  }
0x40e: {  	v55 =	vor.u32 $0x1A, v3;
	v12 =	vld.idx.msk [tilespmem:v52+s20+$0x0], $0xffff;
	v5 =	vadd.f32 v6, v5;
	v6 =	vmul.f32 v10, v13  }
0x40f: {  	v56 =	vor.u32 $0x1B, v4;
	v10 =	vld.idx.msk [tilespmem:v53+s16+$0x0], $0xffff  }
0x410: {  	v57 =	vor.u32 $0x1B, v3;
	v8 =	vld.idx.msk [tilespmem:v8+s20+$0x0], $0xffff;
	v5 =	vadd.f32 v6, v5;
	v6 =	vmul.f32 v7, v14  }
0x411: {  	v58 =	vor.u32 $0x1C, v4;
	v7 =	vld.idx.msk [tilespmem:v54+s16+$0x0], $0xffff  }
0x412: {  	v59 =	vor.u32 $0x1C, v3;
	v11 =	vld.idx.msk [tilespmem:v11+s20+$0x0], $0xffff;
	v5 =	vadd.f32 v6, v5;
	v6 =	vmul.f32 v9, v16  }
0x413: {  	v60 =	vor.u32 $0x1D, v4;
	v9 =	vld.idx.msk [tilespmem:v55+s16+$0x0], $0xffff  }
0x414: {  	v61 =	vor.u32 $0x1D, v3;
	v13 =	vld.idx.msk [tilespmem:v56+s20+$0x0], $0xffff;
	v5 =	vadd.f32 v6, v5;
	v6 =	vmul.f32 v10, v12  }
0x415: {  	v62 =	vor.u32 $0x1E, v4;
	v10 =	vld.idx.msk [tilespmem:v57+s16+$0x0], $0xffff  }
0x416: {  	v14 =	vld.idx.msk [tilespmem:v58+s20+$0x0], $0xffff;
	v5 =	vadd.f32 v6, v5;
	v6 =	vmul.f32 v7, v8;
	v7 =	vor.u32 $0x1E, v3  }
0x417: {  	v63 =	vor.u32 $0x1F, v4;
	v8 =	vld.idx.msk [tilespmem:v59+s16+$0x0], $0xffff  }
0x418: {  	v16 =	vld.idx.msk [tilespmem:v60+s20+$0x0], $0xffff;
	v4 =	vadd.f32 v6, v5;
	v5 =	vmul.f32 v9, v11;
	v6 =	vor.u32 $0x1F, v3  }
0x419: {  	v9 =	vld.idx.msk [tilespmem:v61+s16+$0x0], $0xffff  }
0x41a: {  	v10 =	vmul.f32 v10, v13;
	v3 =	vadd.f32 v5, v4;
	v4 =	vld.idx.msk [tilespmem:v62+s20+$0x0], $0xffff  }
0x41b: {  	v5 =	vld.idx.msk [tilespmem:v7+s16+$0x0], $0xffff  }
0x41c: {  	s31 =	sadd.s32 $0x10, s14;
	v8 =	vmul.f32 v8, v14;
	v10 =	vadd.f32 v10, v3;
	v3 =	vld.idx.msk [tilespmem:v63+s20+$0x0], $0xffff  }
0x41d: {  	v7 =	vor.u32 s31, v0;
	v6 =	vld.idx.msk [tilespmem:v6+s16+$0x0], $0xffff  }
0x41e: {  	s0 =	simm.s32 $0x10;
	s1 =	simm.s32 $0x20;
	s5 =	simm.s32 $0x6200;
	v7 =	vmulhi.u32 $0x51EB851F, v7;
	v9 =	vmul.f32 v9, v16;
	v8 =	vadd.f32 v8, v10  }
.LBB2_12:
0x41f: {  	p0 =	sne.s32 s1, $0x1F0;
	v10 =	vor.u32 s0, v0;
	v11 =	vor.u32 s5, v0  }
0x420: {  	v4 =	vmul.f32 v5, v4;
	v7 =	vshrl.u32 v7, $0x4;
	v8 =	vadd.f32 v9, v8  }
0x421: {  	v9 =	vand.u32 v2, v10;
	v5 =	vsub.s32 v7, v1;
	v7 =	vand.u32 $0x7, v7  }
0x422: {  	v6 =	vmul.f32 v6, v3;
	v12 =	vand.u32 $0xFFFFFFF8, v5;
	v4 =	vadd.f32 v4, v8  }
0x423: {  	v7 =	vor.u32 v7, v12  }
0x424: {  	v3 =	vshll.u32 v10, $0x5;
	v6 =	vadd.f32 v6, v4  }
0x425: {  	v4 =	vshll.u32 v5, $0x5  }
0x426: {  	v5 =	vor.u32 $0x1, v3;
	[tilespmem:v11+s23+$0x0] =	vst.idx.msk $0xffff, v6  }
0x427: {  	v8 =	vor.u32 $0x1, v4;
	v6 =	vld.idx.msk [tilespmem:v9+s21+$0x0], $0xffff  }
0x428: {  	v9 =	vor.u32 $0x2, v3;
	v7 =	vld.idx.msk [tilespmem:v7+s17+$0x0], $0xffff  }
0x429: {  	v11 =	vor.u32 $0x2, v4;
	v10 =	vld.idx.msk [tilespmem:v3+s20+$0x0], $0xffff  }
0x42a: {  	v13 =	vor.u32 $0x3, v3;
	v12 =	vld.idx.msk [tilespmem:v4+s16+$0x0], $0xffff  }
0x42b: {  	v14 =	vor.u32 $0x3, v4;
	v5 =	vld.idx.msk [tilespmem:v5+s20+$0x0], $0xffff  }
0x42c: {  	v15 =	vor.u32 $0x4, v3;
	v8 =	vld.idx.msk [tilespmem:v8+s16+$0x0], $0xffff  }
0x42d: {  	v16 =	vor.u32 $0x4, v4;
	v9 =	vld.idx.msk [tilespmem:v9+s20+$0x0], $0xffff  }
0x42e: {  	v17 =	vor.u32 $0x5, v3;
	v11 =	vld.idx.msk [tilespmem:v11+s16+$0x0], $0xffff  }
0x42f: {  	v18 =	vor.u32 $0x5, v4;
	v13 =	vld.idx.msk [tilespmem:v13+s20+$0x0], $0xffff  }
0x430: {  	v6 =	vadd.f32 v6, v7;
	v7 =	vmul.f32 v12, v10;
	v12 =	vor.u32 $0x6, v3;
	v10 =	vld.idx.msk [tilespmem:v14+s16+$0x0], $0xffff  }
0x431: {  	v14 =	vld.idx.msk [tilespmem:v15+s20+$0x0], $0xffff;
	v15 =	vor.u32 $0x6, v4  }
0x432: {  	v6 =	vadd.f32 v7, v6;
	v5 =	vmul.f32 v8, v5;
	v8 =	vor.u32 $0x7, v3;
	v7 =	vld.idx.msk [tilespmem:v16+s16+$0x0], $0xffff  }
0x433: {  	v16 =	vld.idx.msk [tilespmem:v17+s20+$0x0], $0xffff;
	v17 =	vor.u32 $0x7, v4  }
0x434: {  	v5 =	vadd.f32 v5, v6;
	v6 =	vmul.f32 v11, v9;
	v11 =	vor.u32 $0x8, v3;
	v9 =	vld.idx.msk [tilespmem:v18+s16+$0x0], $0xffff  }
0x435: {  	v18 =	vor.u32 $0x8, v4;
	v12 =	vld.idx.msk [tilespmem:v12+s20+$0x0], $0xffff  }
0x436: {  	v5 =	vadd.f32 v6, v5;
	v6 =	vmul.f32 v10, v13;
	v13 =	vor.u32 $0x9, v3;
	v10 =	vld.idx.msk [tilespmem:v15+s16+$0x0], $0xffff  }
0x437: {  	v15 =	vor.u32 $0x9, v4;
	v8 =	vld.idx.msk [tilespmem:v8+s20+$0x0], $0xffff  }
0x438: {  	v5 =	vadd.f32 v6, v5;
	v6 =	vmul.f32 v7, v14;
	v14 =	vor.u32 $0xA, v3;
	v7 =	vld.idx.msk [tilespmem:v17+s16+$0x0], $0xffff  }
0x439: {  	v17 =	vor.u32 $0xA, v4;
	v11 =	vld.idx.msk [tilespmem:v11+s20+$0x0], $0xffff  }
0x43a: {  	v5 =	vadd.f32 v6, v5;
	v6 =	vmul.f32 v9, v16;
	v16 =	vor.u32 $0xB, v3;
	v9 =	vld.idx.msk [tilespmem:v18+s16+$0x0], $0xffff  }
0x43b: {  	v18 =	vor.u32 $0xB, v4;
	v13 =	vld.idx.msk [tilespmem:v13+s20+$0x0], $0xffff  }
0x43c: {  	v5 =	vadd.f32 v6, v5;
	v6 =	vmul.f32 v10, v12;
	v12 =	vor.u32 $0xC, v3;
	v10 =	vld.idx.msk [tilespmem:v15+s16+$0x0], $0xffff  }
0x43d: {  	v15 =	vor.u32 $0xC, v4;
	v14 =	vld.idx.msk [tilespmem:v14+s20+$0x0], $0xffff  }
0x43e: {  	v5 =	vadd.f32 v6, v5;
	v6 =	vmul.f32 v7, v8;
	v8 =	vor.u32 $0xD, v3;
	v7 =	vld.idx.msk [tilespmem:v17+s16+$0x0], $0xffff  }
0x43f: {  	v17 =	vor.u32 $0xD, v4;
	v16 =	vld.idx.msk [tilespmem:v16+s20+$0x0], $0xffff  }
0x440: {  	v5 =	vadd.f32 v6, v5;
	v6 =	vmul.f32 v9, v11;
	v11 =	vor.u32 $0xE, v3;
	v9 =	vld.idx.msk [tilespmem:v18+s16+$0x0], $0xffff  }
0x441: {  	v18 =	vor.u32 $0xE, v4;
	v12 =	vld.idx.msk [tilespmem:v12+s20+$0x0], $0xffff  }
0x442: {  	v5 =	vadd.f32 v6, v5;
	v6 =	vmul.f32 v10, v13;
	v13 =	vor.u32 $0xF, v3;
	v10 =	vld.idx.msk [tilespmem:v15+s16+$0x0], $0xffff  }
0x443: {  	v15 =	vor.u32 $0xF, v4;
	v8 =	vld.idx.msk [tilespmem:v8+s20+$0x0], $0xffff  }
0x444: {  	v5 =	vadd.f32 v6, v5;
	v6 =	vmul.f32 v7, v14;
	v14 =	vor.u32 $0x10, v3;
	v7 =	vld.idx.msk [tilespmem:v17+s16+$0x0], $0xffff  }
0x445: {  	v17 =	vor.u32 $0x10, v4;
	v11 =	vld.idx.msk [tilespmem:v11+s20+$0x0], $0xffff  }
0x446: {  	v5 =	vadd.f32 v6, v5;
	v6 =	vmul.f32 v9, v16;
	v16 =	vor.u32 $0x11, v3;
	v9 =	vld.idx.msk [tilespmem:v18+s16+$0x0], $0xffff  }
0x447: {  	v18 =	vor.u32 $0x11, v4;
	v13 =	vld.idx.msk [tilespmem:v13+s20+$0x0], $0xffff  }
0x448: {  	v5 =	vadd.f32 v6, v5;
	v6 =	vmul.f32 v10, v12;
	v12 =	vor.u32 $0x12, v3;
	v10 =	vld.idx.msk [tilespmem:v15+s16+$0x0], $0xffff  }
0x449: {  	v15 =	vor.u32 $0x12, v4;
	v14 =	vld.idx.msk [tilespmem:v14+s20+$0x0], $0xffff  }
0x44a: {  	v5 =	vadd.f32 v6, v5;
	v6 =	vmul.f32 v7, v8;
	v8 =	vor.u32 $0x13, v3;
	v7 =	vld.idx.msk [tilespmem:v17+s16+$0x0], $0xffff  }
0x44b: {  	v17 =	vor.u32 $0x13, v4;
	v16 =	vld.idx.msk [tilespmem:v16+s20+$0x0], $0xffff  }
0x44c: {  	v5 =	vadd.f32 v6, v5;
	v6 =	vmul.f32 v9, v11;
	v11 =	vor.u32 $0x14, v3;
	v9 =	vld.idx.msk [tilespmem:v18+s16+$0x0], $0xffff  }
0x44d: {  	v18 =	vor.u32 $0x14, v4;
	v12 =	vld.idx.msk [tilespmem:v12+s20+$0x0], $0xffff  }
0x44e: {  	v5 =	vadd.f32 v6, v5;
	v6 =	vmul.f32 v10, v13;
	v13 =	vor.u32 $0x15, v3;
	v10 =	vld.idx.msk [tilespmem:v15+s16+$0x0], $0xffff  }
0x44f: {  	v15 =	vor.u32 $0x15, v4;
	v8 =	vld.idx.msk [tilespmem:v8+s20+$0x0], $0xffff  }
0x450: {  	v5 =	vadd.f32 v6, v5;
	v6 =	vmul.f32 v7, v14;
	v14 =	vor.u32 $0x16, v3;
	v7 =	vld.idx.msk [tilespmem:v17+s16+$0x0], $0xffff  }
0x451: {  	v17 =	vor.u32 $0x16, v4;
	v11 =	vld.idx.msk [tilespmem:v11+s20+$0x0], $0xffff  }
0x452: {  	v5 =	vadd.f32 v6, v5;
	v6 =	vmul.f32 v9, v16;
	v16 =	vor.u32 $0x17, v3;
	v9 =	vld.idx.msk [tilespmem:v18+s16+$0x0], $0xffff  }
0x453: {  	v18 =	vor.u32 $0x17, v4;
	v13 =	vld.idx.msk [tilespmem:v13+s20+$0x0], $0xffff  }
0x454: {  	v5 =	vadd.f32 v6, v5;
	v6 =	vmul.f32 v10, v12;
	v12 =	vor.u32 $0x18, v3;
	v10 =	vld.idx.msk [tilespmem:v15+s16+$0x0], $0xffff  }
0x455: {  	v15 =	vor.u32 $0x18, v4;
	v14 =	vld.idx.msk [tilespmem:v14+s20+$0x0], $0xffff  }
0x456: {  	v5 =	vadd.f32 v6, v5;
	v6 =	vmul.f32 v7, v8;
	v8 =	vor.u32 $0x19, v3;
	v7 =	vld.idx.msk [tilespmem:v17+s16+$0x0], $0xffff  }
0x457: {  	v17 =	vor.u32 $0x19, v4;
	v16 =	vld.idx.msk [tilespmem:v16+s20+$0x0], $0xffff  }
0x458: {  	v5 =	vadd.f32 v6, v5;
	v6 =	vmul.f32 v9, v11;
	v11 =	vor.u32 $0x1A, v3;
	v9 =	vld.idx.msk [tilespmem:v18+s16+$0x0], $0xffff  }
0x459: {  	v18 =	vor.u32 $0x1A, v4;
	v12 =	vld.idx.msk [tilespmem:v12+s20+$0x0], $0xffff  }
0x45a: {  	v5 =	vadd.f32 v6, v5;
	v6 =	vmul.f32 v10, v13;
	v13 =	vor.u32 $0x1B, v3;
	v10 =	vld.idx.msk [tilespmem:v15+s16+$0x0], $0xffff  }
0x45b: {  	v15 =	vor.u32 $0x1B, v4;
	v8 =	vld.idx.msk [tilespmem:v8+s20+$0x0], $0xffff  }
0x45c: {  	v5 =	vadd.f32 v6, v5;
	v6 =	vmul.f32 v7, v14;
	v14 =	vor.u32 $0x1C, v3;
	v7 =	vld.idx.msk [tilespmem:v17+s16+$0x0], $0xffff  }
0x45d: {  	v17 =	vor.u32 $0x1C, v4;
	v11 =	vld.idx.msk [tilespmem:v11+s20+$0x0], $0xffff  }
0x45e: {  	v5 =	vadd.f32 v6, v5;
	v6 =	vmul.f32 v9, v16;
	v16 =	vor.u32 $0x1D, v3;
	v9 =	vld.idx.msk [tilespmem:v18+s16+$0x0], $0xffff  }
0x45f: {  	v18 =	vor.u32 $0x1D, v4;
	v13 =	vld.idx.msk [tilespmem:v13+s20+$0x0], $0xffff  }
0x460: {  	v5 =	vadd.f32 v6, v5;
	v6 =	vmul.f32 v10, v12;
	v12 =	vor.u32 $0x1E, v3;
	v10 =	vld.idx.msk [tilespmem:v15+s16+$0x0], $0xffff  }
0x461: {  	v15 =	vor.u32 $0x1E, v4;
	v14 =	vld.idx.msk [tilespmem:v14+s20+$0x0], $0xffff  }
0x462: {  	v3 =	vor.u32 $0x1F, v3;
	v5 =	vadd.f32 v6, v5;
	v6 =	vmul.f32 v7, v8;
	v7 =	vld.idx.msk [tilespmem:v17+s16+$0x0], $0xffff  }
0x463: {  	v8 =	vor.u32 $0x1F, v4;
	v16 =	vld.idx.msk [tilespmem:v16+s20+$0x0], $0xffff  }
0x464: {  	v5 =	vadd.f32 v6, v5;
	v6 =	vmul.f32 v9, v11;
	v9 =	vld.idx.msk [tilespmem:v18+s16+$0x0], $0xffff  }
0x465: {  	v4 =	vld.idx.msk [tilespmem:v12+s20+$0x0], $0xffff  }
.Ltmp5:
0x466: {  	v6 =	vadd.f32 v6, v5;
	v10 =	vmul.f32 v10, v13;
	v5 =	vld.idx.msk [tilespmem:v15+s16+$0x0], $0xffff;
	(pc) =	sbr.rel @p0 .LBB2_12-.Ltmp5, $4  }
0x467: {  	v3 =	vld.idx.msk [tilespmem:v3+s20+$0x0], $0xffff  }
0x468: {  	s5 =	sadd.s32 s1, s14;
	v10 =	vadd.f32 v10, v6;
	v11 =	vmul.f32 v7, v14;
	v6 =	vld.idx.msk [tilespmem:v8+s16+$0x0], $0xffff  }
0x469: {  	v7 =	vor.u32 s5, v0  }
0x46a: {  	s5 =	sadd.s32 $0x6200, s0;
	s0 =	smov.u32 s1;
	s1 =	sadd.s32 $0x10, s1;
	v7 =	vmulhi.u32 $0x51EB851F, v7;
	v8 =	vadd.f32 v11, v10;
	v9 =	vmul.f32 v9, v16  }
0x46b: {  	_ = 	snop  }
0x46c: {  	v10 =	vor.u32 s0, v0;
	v4 =	vmul.f32 v5, v4;
	v8 =	vadd.f32 v9, v8  }
0x46d: {  	v11 =	vor.u32 s5, v0;
	v7 =	vshrl.u32 v7, $0x4;
	v31 =	vand.u32 v2, v10  }
0x46e: {  	v30 =	vsub.s32 v7, v1;
	v6 =	vmul.f32 v6, v3;
	v4 =	vadd.f32 v4, v8  }
0x46f: {  	v7 =	vand.u32 $0x7, v7;
	v3 =	vshll.u32 v10, $0x5;
	v12 =	vand.u32 $0xFFFFFFF8, v30  }
0x470: {  	v7 =	vor.u32 v7, v12;
	v6 =	vadd.f32 v6, v4  }
0x471: {  	v4 =	vshll.u32 v30, $0x5  }
0x472: {  	v32 =	vor.u32 $0x1, v3;
	[tilespmem:v11+s23+$0x0] =	vst.idx.msk $0xffff, v6  }
0x473: {  	v33 =	vor.u32 $0x1, v4;
	v6 =	vld.idx.msk [tilespmem:v31+s21+$0x0], $0xffff  }
0x474: {  	v34 =	vor.u32 $0x2, v3;
	v10 =	vld.idx.msk [tilespmem:v3+s20+$0x0], $0xffff  }
0x475: {  	v35 =	vor.u32 $0x2, v4;
	v7 =	vld.idx.msk [tilespmem:v7+s17+$0x0], $0xffff  }
0x476: {  	v13 =	vor.u32 $0x3, v3;
	v36 =	vld.idx.msk [tilespmem:v4+s16+$0x0], $0xffff  }
0x477: {  	v14 =	vor.u32 $0x3, v4;
	v5 =	vld.idx.msk [tilespmem:v32+s20+$0x0], $0xffff  }
0x478: {  	v15 =	vor.u32 $0x4, v3;
	v8 =	vld.idx.msk [tilespmem:v33+s16+$0x0], $0xffff  }
0x479: {  	v16 =	vor.u32 $0x4, v4;
	v9 =	vld.idx.msk [tilespmem:v34+s20+$0x0], $0xffff  }
0x47a: {  	v17 =	vor.u32 $0x5, v3;
	v11 =	vld.idx.msk [tilespmem:v35+s16+$0x0], $0xffff  }
0x47b: {  	v18 =	vor.u32 $0x5, v4;
	v13 =	vld.idx.msk [tilespmem:v13+s20+$0x0], $0xffff;
	v6 =	vadd.f32 v6, v7;
	v37 =	vmul.f32 v36, v10  }
0x47c: {  	v39 =	vor.u32 $0x6, v3;
	v38 =	vld.idx.msk [tilespmem:v14+s16+$0x0], $0xffff  }
0x47d: {  	v41 =	vor.u32 $0x6, v4;
	v40 =	vld.idx.msk [tilespmem:v15+s20+$0x0], $0xffff;
	v5 =	vmul.f32 v8, v5;
	v6 =	vadd.f32 v37, v6  }
0x47e: {  	v45 =	vor.u32 $0x7, v4;
	v42 =	vld.idx.msk [tilespmem:v16+s16+$0x0], $0xffff  }
0x47f: {  	v43 =	vor.u32 $0x7, v3;
	v44 =	vld.idx.msk [tilespmem:v17+s20+$0x0], $0xffff;
	v46 =	vmul.f32 v11, v9;
	v5 =	vadd.f32 v5, v6  }
0x480: {  	v49 =	vor.u32 $0x8, v4;
	v47 =	vld.idx.msk [tilespmem:v18+s16+$0x0], $0xffff  }
0x481: {  	v48 =	vor.u32 $0x8, v3;
	v12 =	vld.idx.msk [tilespmem:v39+s20+$0x0], $0xffff;
	v50 =	vmul.f32 v38, v13;
	v5 =	vadd.f32 v46, v5  }
0x482: {  	v53 =	vor.u32 $0x9, v4;
	v51 =	vld.idx.msk [tilespmem:v41+s16+$0x0], $0xffff  }
0x483: {  	v52 =	vor.u32 $0x9, v3;
	v55 =	vld.idx.msk [tilespmem:v45+s16+$0x0], $0xffff;
	v54 =	vmul.f32 v42, v40;
	v5 =	vadd.f32 v50, v5  }
0x484: {  	v56 =	vor.u32 $0xA, v3;
	v8 =	vld.idx.msk [tilespmem:v43+s20+$0x0], $0xffff  }
0x485: {  	v57 =	vor.u32 $0xA, v4;
	v59 =	vld.idx.msk [tilespmem:v49+s16+$0x0], $0xffff;
	v58 =	vmul.f32 v47, v44;
	v5 =	vadd.f32 v54, v5  }
0x486: {  	v60 =	vor.u32 $0xB, v3;
	v11 =	vld.idx.msk [tilespmem:v48+s20+$0x0], $0xffff  }
0x487: {  	v61 =	vor.u32 $0xB, v4;
	v63 =	vld.idx.msk [tilespmem:v53+s16+$0x0], $0xffff;
	v62 =	vmul.f32 v51, v12;
	v5 =	vadd.f32 v58, v5  }
0x488: {  	v22 =	vor.u32 $0xC, v4;
	v13 =	vld.idx.msk [tilespmem:v52+s20+$0x0], $0xffff  }
0x489: {  	v21 =	vor.u32 $0xC, v3;
	v14 =	vld.idx.msk [tilespmem:v56+s20+$0x0], $0xffff;
	v23 =	vmul.f32 v55, v8;
	v5 =	vadd.f32 v62, v5  }
0x48a: {  	v26 =	vor.u32 $0xD, v4;
	v24 =	vld.idx.msk [tilespmem:v57+s16+$0x0], $0xffff  }
0x48b: {  	v25 =	vor.u32 $0xD, v3;
	v16 =	vld.idx.msk [tilespmem:v60+s20+$0x0], $0xffff;
	v27 =	vmul.f32 v59, v11;
	v5 =	vadd.f32 v23, v5  }
0x48c: {  	v30 =	vor.u32 $0xE, v4;
	v28 =	vld.idx.msk [tilespmem:v61+s16+$0x0], $0xffff  }
0x48d: {  	v29 =	vor.u32 $0xE, v3;
	v32 =	vld.idx.msk [tilespmem:v22+s16+$0x0], $0xffff;
	v31 =	vmul.f32 v63, v13;
	v5 =	vadd.f32 v27, v5  }
0x48e: {  	v34 =	vor.u32 $0xF, v4;
	v12 =	vld.idx.msk [tilespmem:v21+s20+$0x0], $0xffff  }
0x48f: {  	v33 =	vor.u32 $0xF, v3;
	v36 =	vld.idx.msk [tilespmem:v26+s16+$0x0], $0xffff;
	v35 =	vmul.f32 v24, v14;
	v5 =	vadd.f32 v31, v5  }
0x490: {  	v38 =	vor.u32 $0x10, v4;
	v8 =	vld.idx.msk [tilespmem:v25+s20+$0x0], $0xffff  }
0x491: {  	v39 =	vmul.f32 v28, v16;
	v40 =	vld.idx.msk [tilespmem:v30+s16+$0x0], $0xffff;
	v37 =	vor.u32 $0x10, v3;
	v5 =	vadd.f32 v35, v5  }
0x492: {  	v41 =	vor.u32 $0x11, v3;
	v11 =	vld.idx.msk [tilespmem:v29+s20+$0x0], $0xffff  }
0x493: {  	v42 =	vor.u32 $0x11, v4;
	v44 =	vld.idx.msk [tilespmem:v34+s16+$0x0], $0xffff;
	v43 =	vmul.f32 v32, v12;
	v5 =	vadd.f32 v39, v5  }
0x494: {  	v45 =	vor.u32 $0x12, v3;
	v13 =	vld.idx.msk [tilespmem:v33+s20+$0x0], $0xffff  }
0x495: {  	v46 =	vor.u32 $0x12, v4;
	v48 =	vld.idx.msk [tilespmem:v38+s16+$0x0], $0xffff;
	v47 =	vmul.f32 v36, v8;
	v5 =	vadd.f32 v43, v5  }
0x496: {  	v49 =	vor.u32 $0x13, v3;
	v14 =	vld.idx.msk [tilespmem:v37+s20+$0x0], $0xffff  }
0x497: {  	v16 =	vld.idx.msk [tilespmem:v41+s20+$0x0], $0xffff;
	v50 =	vor.u32 $0x13, v4;
	v51 =	vmul.f32 v40, v11;
	v5 =	vadd.f32 v47, v5  }
0x498: {  	v53 =	vor.u32 $0x14, v3;
	v52 =	vld.idx.msk [tilespmem:v42+s16+$0x0], $0xffff  }
0x499: {  	v12 =	vld.idx.msk [tilespmem:v45+s20+$0x0], $0xffff;
	v54 =	vor.u32 $0x14, v4;
	v55 =	vmul.f32 v44, v13;
	v5 =	vadd.f32 v51, v5  }
0x49a: {  	v57 =	vor.u32 $0x15, v3;
	v56 =	vld.idx.msk [tilespmem:v46+s16+$0x0], $0xffff  }
0x49b: {  	v8 =	vld.idx.msk [tilespmem:v49+s20+$0x0], $0xffff;
	v58 =	vor.u32 $0x15, v4;
	v59 =	vmul.f32 v48, v14;
	v5 =	vadd.f32 v55, v5  }
0x49c: {  	v61 =	vor.u32 $0x16, v3;
	v60 =	vld.idx.msk [tilespmem:v50+s16+$0x0], $0xffff  }
0x49d: {  	v11 =	vld.idx.msk [tilespmem:v53+s20+$0x0], $0xffff;
	v63 =	vmul.f32 v52, v16;
	v62 =	vor.u32 $0x16, v4;
	v5 =	vadd.f32 v59, v5  }
0x49e: {  	v22 =	vor.u32 $0x17, v3;
	v21 =	vld.idx.msk [tilespmem:v54+s16+$0x0], $0xffff  }
0x49f: {  	v13 =	vld.idx.msk [tilespmem:v57+s20+$0x0], $0xffff;
	v23 =	vor.u32 $0x17, v4;
	v24 =	vmul.f32 v56, v12;
	v5 =	vadd.f32 v63, v5  }
0x4a0: {  	v26 =	vor.u32 $0x18, v3;
	v25 =	vld.idx.msk [tilespmem:v58+s16+$0x0], $0xffff  }
0x4a1: {  	v14 =	vld.idx.msk [tilespmem:v61+s20+$0x0], $0xffff;
	v27 =	vor.u32 $0x18, v4;
	v28 =	vmul.f32 v60, v8;
	v5 =	vadd.f32 v24, v5  }
0x4a2: {  	v30 =	vor.u32 $0x19, v3;
	v29 =	vld.idx.msk [tilespmem:v62+s16+$0x0], $0xffff  }
0x4a3: {  	v16 =	vld.idx.msk [tilespmem:v22+s20+$0x0], $0xffff;
	v31 =	vor.u32 $0x19, v4;
	v32 =	vmul.f32 v21, v11;
	v5 =	vadd.f32 v28, v5  }
0x4a4: {  	v34 =	vor.u32 $0x1A, v3;
	v33 =	vld.idx.msk [tilespmem:v23+s16+$0x0], $0xffff  }
0x4a5: {  	v12 =	vld.idx.msk [tilespmem:v26+s20+$0x0], $0xffff;
	v35 =	vor.u32 $0x1A, v4;
	v36 =	vmul.f32 v25, v13;
	v5 =	vadd.f32 v32, v5  }
0x4a6: {  	v38 =	vor.u32 $0x1B, v3;
	v37 =	vld.idx.msk [tilespmem:v27+s16+$0x0], $0xffff  }
0x4a7: {  	v8 =	vld.idx.msk [tilespmem:v30+s20+$0x0], $0xffff;
	v39 =	vor.u32 $0x1B, v4;
	v40 =	vmul.f32 v29, v14;
	v5 =	vadd.f32 v36, v5  }
0x4a8: {  	v42 =	vor.u32 $0x1C, v3;
	v41 =	vld.idx.msk [tilespmem:v31+s16+$0x0], $0xffff  }
0x4a9: {  	v11 =	vld.idx.msk [tilespmem:v34+s20+$0x0], $0xffff;
	v43 =	vor.u32 $0x1C, v4;
	v44 =	vmul.f32 v33, v16;
	v5 =	vadd.f32 v40, v5  }
0x4aa: {  	v46 =	vor.u32 $0x1D, v3;
	v45 =	vld.idx.msk [tilespmem:v35+s16+$0x0], $0xffff  }
0x4ab: {  	v13 =	vld.idx.msk [tilespmem:v38+s20+$0x0], $0xffff;
	v47 =	vor.u32 $0x1D, v4;
	v48 =	vmul.f32 v37, v12;
	v5 =	vadd.f32 v44, v5  }
0x4ac: {  	v50 =	vor.u32 $0x1E, v3;
	v49 =	vld.idx.msk [tilespmem:v39+s16+$0x0], $0xffff  }
0x4ad: {  	v14 =	vld.idx.msk [tilespmem:v42+s20+$0x0], $0xffff;
	v51 =	vor.u32 $0x1E, v4;
	v52 =	vmul.f32 v41, v8;
	v5 =	vadd.f32 v48, v5  }
0x4ae: {  	v3 =	vor.u32 $0x1F, v3;
	v53 =	vld.idx.msk [tilespmem:v43+s16+$0x0], $0xffff  }
0x4af: {  	v54 =	vld.idx.msk [tilespmem:v46+s20+$0x0], $0xffff;
	v4 =	vor.u32 $0x1F, v4;
	v55 =	vmul.f32 v45, v11;
	v5 =	vadd.f32 v52, v5  }
0x4b0: {  	v56 =	vld.idx.msk [tilespmem:v47+s16+$0x0], $0xffff  }
0x4b1: {  	v57 =	vld.idx.msk [tilespmem:v50+s20+$0x0], $0xffff;
	v58 =	vmul.f32 v49, v13;
	v5 =	vadd.f32 v55, v5  }
0x4b2: {  	v59 =	vld.idx.msk [tilespmem:v51+s16+$0x0], $0xffff  }
0x4b3: {  	v3 =	vld.idx.msk [tilespmem:v3+s20+$0x0], $0xffff;
	v60 =	vmul.f32 v53, v14;
	v5 =	vadd.f32 v58, v5  }
0x4b4: {  	v4 =	vld.idx.msk [tilespmem:v4+s16+$0x0], $0xffff  }
0x4b5: {  	v61 =	vmul.f32 v56, v54;
	v5 =	vadd.f32 v60, v5;
	_ =	sdelay $0x1  }
0x4b6: {  	s11 =	sadd.s32 $0x6200, s0;
	v62 =	vmul.f32 v59, v57;
	v5 =	vadd.f32 v61, v5  }
0x4b7: {  	v63 =	vor.u32 s11, v0  }
0x4b8: {  	v3 =	vmul.f32 v4, v3;
	v5 =	vadd.f32 v62, v5;
	_ =	sdelay $0x1  }
0x4b9: {  	v3 =	vadd.f32 v3, v5;
	_ =	sdelay $0x1  }
0x4ba: {  	s12 =	rddreg [dreg:$0x9];
	[tilespmem:v63+s23+$0x0] =	vst.idx.msk $0xffff, v3  }
0x4bb: {  	[hbm4b:s12+s3] =	stream.linear.scatter [tilespmem:s23], [sflag:$0x4], $0x6400, $0x38;
	[tilespmem:$0x1D000] =	vst v63  }
0x4bc: {  	_ =	swait.ge [sflag:s15], $0x6400  }
0x4bd: {  	s30 =	sadd.s32 $0x1, s30;
	s31 =	rddreg [dreg:$0xa]  }
0x4be: {  	p0 =	sne.s32 s30, s31  }
.Ltmp6:
0x4bf: {  	_ = 	snop;
	(pc) =	sbr.rel @p0 .LBB2_1-.Ltmp6, $3  }
0x4c0: {  	_ =	sdelay $0x1  }
0x4c1: {  	[sflag:s15] =	ssyncset.done $0x0  }
0x4c2: {  	[sflag:s15] =	ssyncadd.s32 $0xFFFF9C00  }
0x4c3: {  	_ =	sfence.sel $0x180000  }
0x4c4: {  	[bflag:$0x0] =	sbarrier.arrive $0xFFFF  }
0x4c5: {  	_ =	strace $0x90000047  }
0x4c6: {  	s0 =	stileid.u32;
	[bflag:$0x2] =	sbarrier.arrive $0xFFFF  }
0x4c7: {  	p0 =	sne.s32 s0, $0x0;
	s0 =	rddreg [dreg:$0x4]  }
0x4c8: {  	s0 =	sadd.s32 @!p0 $0x100000, s0  }
0x4c9: {  	[sflag:s0] =	ssyncadd.tile.s32 @!p0 $0x1;
	_ =	shalt  }
.Lfunc_end2:
_tile_overlayer_lowered:
.L_overlay_start_2:
0x4ca: {  	(tag) =	ssettag $0x2  }
0x4cb: {  	s0 =	rddreg [dreg:$0x0];
	s2 =	stileid.u32  }
0x4cc: {  	s1 =	rddreg [dreg:$0x1];
	p0 =	sne.s32 s2, $0x0  }
0x4cd: {  	s3 =	rddreg [dreg:$0x2];
	[bflag:$0x3] =	sbarrier.arrive $0xFFFF;
	s2 =	simm.s32 @!p0 $0x1C04  }
0x4ce: {  	[timem:s3], [sflag:s2] =	dma.local @!p0 [hbm:s0], s1  }
0x4cf: {  	s0 =	simm.s32 @!p0 $0x4  }
0x4d0: {  	_ =	swait.ge @!p0 [sflag:s0], s1  }
0x4d1: {  	s1 =	ssub.s32 @!p0 $0x0, s1;
	[sflag:s0] =	ssyncset.done @!p0 $0x0  }
0x4d2: {  	[sflag:s0] =	ssyncadd.s32 @!p0 s1  }
0x4d3: {  	[bflag:$0x3] =	sbarrier.arrive $0xFFFF  }
0x4d4: {  	_ =	shalt  }

</sc_bundles>
